<compile_context>
chip_gen: v7x
topology: tpu7x:2x2x1
jax: 0.10.2.dev20260603
libtpu: 0.0.44.dev20260713+nightly
codegen_flags: <defaults>
</compile_context>

<pallas_src>
import jax
import jax.numpy as jnp
from jax import lax
from jax.experimental import pallas as pl
from jax.experimental.pallas import tpu as pltpu
from jax.experimental.pallas import tpu_sc as plsc

NUM_USERS = 1000000
NUM_FEATURE = 26
EMBED_K = 16
BATCH = 16384

NC = 2
NS = 16
L = 16
NW = NC * NS
BPW = BATCH // NW
NGRP = BPW // L


def _sc_body(u_hbm, v_hbm, ft_hbm, wt_hbm, ht_hbm, p_hbm, out1_hbm, out2_hbm,
             uidx, vidx, fbuf, pbuf, ublk, vblk,
             o1buf, o2buf, sem_f, sem_u, sem_v):
    wid = lax.axis_index("s") * NC + lax.axis_index("c")
    base = wid * BPW

    f_cps = [
        pltpu.async_copy(ft_hbm.at[k].at[pl.ds(base, BPW)],
                         fbuf.at[pl.ds(k * BPW, BPW)], sem_f)
        for k in range(NUM_FEATURE)
    ]
    pltpu.sync_copy(u_hbm.at[pl.ds(base, BPW)], uidx)
    pltpu.sync_copy(v_hbm.at[pl.ds(base, BPW)], vidx)
    pltpu.sync_copy(p_hbm, pbuf)
    for cp in f_cps:
        cp.wait()

    lanes = lax.iota(jnp.int32, L)
    dwa = plsc.load_gather(pbuf, [lanes])
    dwb = plsc.load_gather(pbuf, [lanes + L])
    dbv = plsc.load_gather(pbuf, [lanes + 2 * L])
    mask = jnp.full((L,), 127, jnp.int32)
    nmask = jnp.int32(~127)

    def chunk(g, _):
        jvec = g * L + lanes
        uvec = plsc.load_gather(uidx, [jvec])
        vvec = plsc.load_gather(vidx, [jvec])
        cu = jnp.bitwise_and(uvec, mask)
        cv = jnp.bitwise_and(vvec, mask)
        u_cps = []
        v_cps = []
        for j in range(L):
            offu = pl.multiple_of(jnp.bitwise_and(uvec[j], nmask), 128)
            offv = pl.multiple_of(jnp.bitwise_and(vvec[j], nmask), 128)
            u_cps.append(pltpu.async_copy(
                wt_hbm.at[:, :, pl.ds(offu, 128)], ublk.at[j], sem_u))
            v_cps.append(pltpu.async_copy(
                ht_hbm.at[:, :, pl.ds(offv, 128)], vblk.at[j], sem_v))
        for cp in u_cps:
            cp.wait()
        for cp in v_cps:
            cp.wait()

        acc1 = jnp.zeros((L,), jnp.float32)
        for k in range(EMBED_K):
            trs = jnp.full((L,), k // 8, jnp.int32)
            rs = jnp.full((L,), k % 8, jnp.int32)
            gu = plsc.load_gather(ublk, [lanes, trs, rs, cu])
            gv = plsc.load_gather(vblk, [lanes, trs, rs, cv])
            acc1 = acc1 + gu * gv
        acc2 = dbv
        for k in range(NUM_FEATURE):
            gf = plsc.load_gather(fbuf, [jvec + k * BPW])
            wk = dwa[k] if k < L else dwb[k - L]
            acc2 = acc2 + gf * wk
        o2 = jnp.minimum(jnp.maximum(jnp.exp(acc2), 1e-05), 3.0)
        plsc.store_scatter(o1buf, [jvec], acc1)
        plsc.store_scatter(o2buf, [jvec], o2)
        return _

    lax.fori_loop(0, NGRP, chunk, None)

    pltpu.sync_copy(o1buf, out1_hbm.at[pl.ds(base, BPW)])
    pltpu.sync_copy(o2buf, out2_hbm.at[pl.ds(base, BPW)])


@jax.jit
def kernel(x, feature, W, H, Dw, Db):
    u_idx = x[:, 0]
    v_idx = x[:, 1]
    ft = feature.T
    wt = W.T.reshape(2, 8, NUM_USERS)
    ht = H.T.reshape(2, 8, NUM_USERS)
    params = jnp.concatenate([
        Dw[:, 0],
        jnp.zeros((2 * L - NUM_FEATURE,), jnp.float32),
        jnp.broadcast_to(Db, (L,)),
    ])
    mesh = plsc.VectorSubcoreMesh(core_axis_name="c", subcore_axis_name="s",
                                  num_cores=NC, num_subcores=NS)
    out1, out2 = pl.kernel(
        _sc_body,
        out_type=[
            jax.ShapeDtypeStruct((BATCH,), jnp.float32),
            jax.ShapeDtypeStruct((BATCH,), jnp.float32),
        ],
        mesh=mesh,
        compiler_params=pltpu.CompilerParams(needs_layout_passes=False,
                                             use_tc_tiling_on_sc=True),
        scratch_types=[
            pltpu.VMEM((BPW,), jnp.int32),
            pltpu.VMEM((BPW,), jnp.int32),
            pltpu.VMEM((NUM_FEATURE * BPW,), jnp.float32),
            pltpu.VMEM((3 * L,), jnp.float32),
            pltpu.VMEM((L, 2, 8, 128), jnp.float32),
            pltpu.VMEM((L, 2, 8, 128), jnp.float32),
            pltpu.VMEM((BPW,), jnp.float32),
            pltpu.VMEM((BPW,), jnp.float32),
            pltpu.SemaphoreType.DMA,
            pltpu.SemaphoreType.DMA,
            pltpu.SemaphoreType.DMA,
        ],
    )(u_idx, v_idx, ft, wt, ht, params)
    return out1, out2

# --- scband reference (transcript-rebuilt; emitter-appended) ---
"""Pipeline reference for scband-mf-ips-df-33071248179349 (READ-ONLY COPY).

The authoritative reference and input builder live on the scoring server;
editing this copy changes nothing except your own understanding.
"""

import jax, jax.numpy as jnp
import numpy as np

NUM_USERS = 1000000
NUM_ITEMS = 1000000
NUM_FEATURE = 26
EMBED_K = 16
BATCH = 16384


def setup_inputs(seed: int = 0) -> dict:
    key = jax.random.key(seed)
    k1, k2, k3, k4, k5, k6 = jax.random.split(key, 6)
    x = jax.random.randint(k1, (BATCH, 2), 0, NUM_USERS, dtype=jnp.int64) if jax.config.jax_enable_x64 else jax.random.randint(k1, (BATCH, 2), 0, NUM_USERS, dtype=jnp.int32)
    feature = jax.random.normal(k2, (BATCH, NUM_FEATURE), dtype=jnp.float32)
    # learned parameters
    W = jax.random.normal(k3, (NUM_USERS, EMBED_K), dtype=jnp.float32)  # user embedding table
    H = jax.random.normal(k4, (NUM_ITEMS, EMBED_K), dtype=jnp.float32)  # item embedding table
    Dw = jax.random.normal(k5, (NUM_FEATURE, 1), dtype=jnp.float32) * (1.0 / np.sqrt(NUM_FEATURE))  # delaymodel weight
    Db = jax.random.normal(k6, (1,), dtype=jnp.float32) * 0.01  # delaymodel bias
    return {"x": x, "feature": feature, "W": W, "H": H, "Dw": Dw, "Db": Db}


def reference(x, feature, W, H, Dw, Db):
    user_idx = x[:, 0]
    item_idx = x[:, 1]
    U_emb = jnp.take(W, user_idx, axis=0)  # [B, K] gather
    V_emb = jnp.take(H, item_idx, axis=0)  # [B, K] gather
    out = jnp.sum(U_emb * V_emb, axis=1)   # [B]
    out2 = jnp.exp(feature @ Dw + Db)      # [B, 1]
    out2 = jnp.clip(out2, 1e-05, 3.0)
    return (jnp.squeeze(out), jnp.squeeze(out2))

if __name__ == "__main__":
    import jax
    _d = setup_inputs()
    print(jax.jit(kernel)(*tuple(_d.values())))

</pallas_src>

<mosaic_0001>
#map = affine_map<(d0, d1) -> (0)>
#map1 = affine_map<(d0, d1) -> (0, 0)>
#map2 = affine_map<(d0, d1) -> (0, 0, 0)>
module attributes {stable_mosaic.version = 14 : i64} {
  func.func @_sc_body(%arg0: i32, %arg1: i32, %arg2: memref<16384xi32, #tpu.memory_space<hbm>>, %arg3: memref<16384xi32, #tpu.memory_space<hbm>>, %arg4: memref<26x16384xf32, #tpu.memory_space<hbm>>, %arg5: memref<2x8x1000000xf32, #tpu.memory_space<hbm>>, %arg6: memref<2x8x1000000xf32, #tpu.memory_space<hbm>>, %arg7: memref<48xf32, #tpu.memory_space<hbm>>, %arg8: memref<16384xf32, #tpu.memory_space<hbm>>, %arg9: memref<16384xf32, #tpu.memory_space<hbm>>, %arg10: memref<512xi32, #tpu.memory_space<vmem>>, %arg11: memref<512xi32, #tpu.memory_space<vmem>>, %arg12: memref<13312xf32, #tpu.memory_space<vmem>>, %arg13: memref<48xf32, #tpu.memory_space<vmem>>, %arg14: memref<16x2x8x128xf32, #tpu.memory_space<vmem>>, %arg15: memref<16x2x8x128xf32, #tpu.memory_space<vmem>>, %arg16: memref<512xf32, #tpu.memory_space<vmem>>, %arg17: memref<512xf32, #tpu.memory_space<vmem>>, %arg18: memref<!tpu.dma_semaphore, #tpu.memory_space<semaphore_mem>>, %arg19: memref<!tpu.dma_semaphore, #tpu.memory_space<semaphore_mem>>, %arg20: memref<!tpu.dma_semaphore, #tpu.memory_space<semaphore_mem>>) attributes {dimension_semantics = [#tpu.dimension_semantics<core_parallel>, #tpu.dimension_semantics<subcore_parallel>], iteration_bounds = array<i64: 2, 16>, scalar_prefetch = 0 : i64, scratch_operands = 11 : i64, tpu.core_type = #tpu.core_type<sc_vector_subcore>, window_params = [{transform_indices = #map}, {transform_indices = #map}, {transform_indices = #map1}, {transform_indices = #map2}, {transform_indices = #map2}, {transform_indices = #map}, {transform_indices = #map}, {transform_indices = #map}]} {
    %mul3A = arith.constant 2 : i32
    %mul3A_0 = arith.muli %arg1, %mul3A : i32
    %add3A = arith.addi %mul3A_0, %arg0 : i32
    %mul3A_1 = arith.constant 512 : i32
    %mul3A_2 = arith.muli %add3A, %mul3A_1 : i32
    %dma_start3A = arith.constant 0 : i32
    %dma_start3A_3 = arith.constant 0 : i32
    %dma_start3A_4 = tpu.memref_slice %arg12[%dma_start3A_3] : memref<13312xf32, #tpu.memory_space<vmem>> -> memref<512xf32, #tpu.memory_space<vmem>>
    %dma_start3A_5 = arith.constant 0 : i32
    %dma_start3A_6 = tpu.memref_slice %arg4[%dma_start3A, %dma_start3A_5] : memref<26x16384xf32, #tpu.memory_space<hbm>> -> memref<1x16384xf32, #tpu.memory_space<hbm>>
    %dma_start3A_7 = tpu.memref_squeeze %dma_start3A_6 : memref<1x16384xf32, #tpu.memory_space<hbm>> -> memref<16384xf32, #tpu.memory_space<hbm>>
    %dma_start3A_8 = tpu.memref_slice %dma_start3A_7[%mul3A_2] : memref<16384xf32, #tpu.memory_space<hbm>> -> memref<512xf32, #tpu.memory_space<hbm>>
    %dma_start3A_9 = arith.constant 0 : i32
    %dma_start3A_10 = tpu.memref_slice %arg12[%dma_start3A_9] : memref<13312xf32, #tpu.memory_space<vmem>> -> memref<512xf32, #tpu.memory_space<vmem>>
    %dma_start3A_11 = arith.constant 0 : i32
    %dma_start3A_12 = tpu.memref_slice %arg4[%dma_start3A, %dma_start3A_11] : memref<26x16384xf32, #tpu.memory_space<hbm>> -> memref<1x16384xf32, #tpu.memory_space<hbm>>
    %dma_start3A_13 = tpu.memref_squeeze %dma_start3A_12 : memref<1x16384xf32, #tpu.memory_space<hbm>> -> memref<16384xf32, #tpu.memory_space<hbm>>
    %dma_start3A_14 = tpu.memref_slice %dma_start3A_13[%mul3A_2] : memref<16384xf32, #tpu.memory_space<hbm>> -> memref<512xf32, #tpu.memory_space<hbm>>
    tpu.enqueue_dma source(%dma_start3A_14 : memref<512xf32, #tpu.memory_space<hbm>>) target(%dma_start3A_10 : memref<512xf32, #tpu.memory_space<vmem>>) target_semaphore(%arg18 : memref<!tpu.dma_semaphore, #tpu.memory_space<semaphore_mem>>)
    %dma_start3A_15 = arith.constant 1 : i32
    %dma_start3A_16 = arith.constant 512 : i32
    %dma_start3A_17 = tpu.memref_slice %arg12[%dma_start3A_16] : memref<13312xf32, #tpu.memory_space<vmem>> -> memref<512xf32, #tpu.memory_space<vmem>>
    %dma_start3A_18 = arith.constant 0 : i32
    %dma_start3A_19 = tpu.memref_slice %arg4[%dma_start3A_15, %dma_start3A_18] : memref<26x16384xf32, #tpu.memory_space<hbm>> -> memref<1x16384xf32, #tpu.memory_space<hbm>>
    %dma_start3A_20 = tpu.memref_squeeze %dma_start3A_19 : memref<1x16384xf32, #tpu.memory_space<hbm>> -> memref<16384xf32, #tpu.memory_space<hbm>>
    %dma_start3A_21 = tpu.memref_slice %dma_start3A_20[%mul3A_2] : memref<16384xf32, #tpu.memory_space<hbm>> -> memref<512xf32, #tpu.memory_space<hbm>>
    %dma_start3A_22 = arith.constant 512 : i32
    %dma_start3A_23 = tpu.memref_slice %arg12[%dma_start3A_22] : memref<13312xf32, #tpu.memory_space<vmem>> -> memref<512xf32, #tpu.memory_space<vmem>>
    %dma_start3A_24 = arith.constant 0 : i32
    %dma_start3A_25 = tpu.memref_slice %arg4[%dma_start3A_15, %dma_start3A_24] : memref<26x16384xf32, #tpu.memory_space<hbm>> -> memref<1x16384xf32, #tpu.memory_space<hbm>>
    %dma_start3A_26 = tpu.memref_squeeze %dma_start3A_25 : memref<1x16384xf32, #tpu.memory_space<hbm>> -> memref<16384xf32, #tpu.memory_space<hbm>>
    %dma_start3A_27 = tpu.memref_slice %dma_start3A_26[%mul3A_2] : memref<16384xf32, #tpu.memory_space<hbm>> -> memref<512xf32, #tpu.memory_space<hbm>>
    tpu.enqueue_dma source(%dma_start3A_27 : memref<512xf32, #tpu.memory_space<hbm>>) target(%dma_start3A_23 : memref<512xf32, #tpu.memory_space<vmem>>) target_semaphore(%arg18 : memref<!tpu.dma_semaphore, #tpu.memory_space<semaphore_mem>>)
    %dma_start3A_28 = arith.constant 2 : i32
    %dma_start3A_29 = arith.constant 1024 : i32
    %dma_start3A_30 = tpu.memref_slice %arg12[%dma_start3A_29] : memref<13312xf32, #tpu.memory_space<vmem>> -> memref<512xf32, #tpu.memory_space<vmem>>
    %dma_start3A_31 = arith.constant 0 : i32
    %dma_start3A_32 = tpu.memref_slice %arg4[%dma_start3A_28, %dma_start3A_31] : memref<26x16384xf32, #tpu.memory_space<hbm>> -> memref<1x16384xf32, #tpu.memory_space<hbm>>
    %dma_start3A_33 = tpu.memref_squeeze %dma_start3A_32 : memref<1x16384xf32, #tpu.memory_space<hbm>> -> memref<16384xf32, #tpu.memory_space<hbm>>
    %dma_start3A_34 = tpu.memref_slice %dma_start3A_33[%mul3A_2] : memref<16384xf32, #tpu.memory_space<hbm>> -> memref<512xf32, #tpu.memory_space<hbm>>
    %dma_start3A_35 = arith.constant 1024 : i32
    %dma_start3A_36 = tpu.memref_slice %arg12[%dma_start3A_35] : memref<13312xf32, #tpu.memory_space<vmem>> -> memref<512xf32, #tpu.memory_space<vmem>>
    %dma_start3A_37 = arith.constant 0 : i32
    %dma_start3A_38 = tpu.memref_slice %arg4[%dma_start3A_28, %dma_start3A_37] : memref<26x16384xf32, #tpu.memory_space<hbm>> -> memref<1x16384xf32, #tpu.memory_space<hbm>>
    %dma_start3A_39 = tpu.memref_squeeze %dma_start3A_38 : memref<1x16384xf32, #tpu.memory_space<hbm>> -> memref<16384xf32, #tpu.memory_space<hbm>>
    %dma_start3A_40 = tpu.memref_slice %dma_start3A_39[%mul3A_2] : memref<16384xf32, #tpu.memory_space<hbm>> -> memref<512xf32, #tpu.memory_space<hbm>>
    tpu.enqueue_dma source(%dma_start3A_40 : memref<512xf32, #tpu.memory_space<hbm>>) target(%dma_start3A_36 : memref<512xf32, #tpu.memory_space<vmem>>) target_semaphore(%arg18 : memref<!tpu.dma_semaphore, #tpu.memory_space<semaphore_mem>>)
    %dma_start3A_41 = arith.constant 3 : i32
    %dma_start3A_42 = arith.constant 1536 : i32
    %dma_start3A_43 = tpu.memref_slice %arg12[%dma_start3A_42] : memref<13312xf32, #tpu.memory_space<vmem>> -> memref<512xf32, #tpu.memory_space<vmem>>
    %dma_start3A_44 = arith.constant 0 : i32
    %dma_start3A_45 = tpu.memref_slice %arg4[%dma_start3A_41, %dma_start3A_44] : memref<26x16384xf32, #tpu.memory_space<hbm>> -> memref<1x16384xf32, #tpu.memory_space<hbm>>
    %dma_start3A_46 = tpu.memref_squeeze %dma_start3A_45 : memref<1x16384xf32, #tpu.memory_space<hbm>> -> memref<16384xf32, #tpu.memory_space<hbm>>
    %dma_start3A_47 = tpu.memref_slice %dma_start3A_46[%mul3A_2] : memref<16384xf32, #tpu.memory_space<hbm>> -> memref<512xf32, #tpu.memory_space<hbm>>
    %dma_start3A_48 = arith.constant 1536 : i32
    %dma_start3A_49 = tpu.memref_slice %arg12[%dma_start3A_48] : memref<13312xf32, #tpu.memory_space<vmem>> -> memref<512xf32, #tpu.memory_space<vmem>>
    %dma_start3A_50 = arith.constant 0 : i32
    %dma_start3A_51 = tpu.memref_slice %arg4[%dma_start3A_41, %dma_start3A_50] : memref<26x16384xf32, #tpu.memory_space<hbm>> -> memref<1x16384xf32, #tpu.memory_space<hbm>>
    %dma_start3A_52 = tpu.memref_squeeze %dma_start3A_51 : memref<1x16384xf32, #tpu.memory_space<hbm>> -> memref<16384xf32, #tpu.memory_space<hbm>>
    %dma_start3A_53 = tpu.memref_slice %dma_start3A_52[%mul3A_2] : memref<16384xf32, #tpu.memory_space<hbm>> -> memref<512xf32, #tpu.memory_space<hbm>>
    tpu.enqueue_dma source(%dma_start3A_53 : memref<512xf32, #tpu.memory_space<hbm>>) target(%dma_start3A_49 : memref<512xf32, #tpu.memory_space<vmem>>) target_semaphore(%arg18 : memref<!tpu.dma_semaphore, #tpu.memory_space<semaphore_mem>>)
    %dma_start3A_54 = arith.constant 4 : i32
    %dma_start3A_55 = arith.constant 2048 : i32
    %dma_start3A_56 = tpu.memref_slice %arg12[%dma_start3A_55] : memref<13312xf32, #tpu.memory_space<vmem>> -> memref<512xf32, #tpu.memory_space<vmem>>
    %dma_start3A_57 = arith.constant 0 : i32
    %dma_start3A_58 = tpu.memref_slice %arg4[%dma_start3A_54, %dma_start3A_57] : memref<26x16384xf32, #tpu.memory_space<hbm>> -> memref<1x16384xf32, #tpu.memory_space<hbm>>
    %dma_start3A_59 = tpu.memref_squeeze %dma_start3A_58 : memref<1x16384xf32, #tpu.memory_space<hbm>> -> memref<16384xf32, #tpu.memory_space<hbm>>
    %dma_start3A_60 = tpu.memref_slice %dma_start3A_59[%mul3A_2] : memref<16384xf32, #tpu.memory_space<hbm>> -> memref<512xf32, #tpu.memory_space<hbm>>
    %dma_start3A_61 = arith.constant 2048 : i32
    %dma_start3A_62 = tpu.memref_slice %arg12[%dma_start3A_61] : memref<13312xf32, #tpu.memory_space<vmem>> -> memref<512xf32, #tpu.memory_space<vmem>>
    %dma_start3A_63 = arith.constant 0 : i32
    %dma_start3A_64 = tpu.memref_slice %arg4[%dma_start3A_54, %dma_start3A_63] : memref<26x16384xf32, #tpu.memory_space<hbm>> -> memref<1x16384xf32, #tpu.memory_space<hbm>>
    %dma_start3A_65 = tpu.memref_squeeze %dma_start3A_64 : memref<1x16384xf32, #tpu.memory_space<hbm>> -> memref<16384xf32, #tpu.memory_space<hbm>>
    %dma_start3A_66 = tpu.memref_slice %dma_start3A_65[%mul3A_2] : memref<16384xf32, #tpu.memory_space<hbm>> -> memref<512xf32, #tpu.memory_space<hbm>>
    tpu.enqueue_dma source(%dma_start3A_66 : memref<512xf32, #tpu.memory_space<hbm>>) target(%dma_start3A_62 : memref<512xf32, #tpu.memory_space<vmem>>) target_semaphore(%arg18 : memref<!tpu.dma_semaphore, #tpu.memory_space<semaphore_mem>>)
    %dma_start3A_67 = arith.constant 5 : i32
    %dma_start3A_68 = arith.constant 2560 : i32
    %dma_start3A_69 = tpu.memref_slice %arg12[%dma_start3A_68] : memref<13312xf32, #tpu.memory_space<vmem>> -> memref<512xf32, #tpu.memory_space<vmem>>
    %dma_start3A_70 = arith.constant 0 : i32
    %dma_start3A_71 = tpu.memref_slice %arg4[%dma_start3A_67, %dma_start3A_70] : memref<26x16384xf32, #tpu.memory_space<hbm>> -> memref<1x16384xf32, #tpu.memory_space<hbm>>
    %dma_start3A_72 = tpu.memref_squeeze %dma_start3A_71 : memref<1x16384xf32, #tpu.memory_space<hbm>> -> memref<16384xf32, #tpu.memory_space<hbm>>
    %dma_start3A_73 = tpu.memref_slice %dma_start3A_72[%mul3A_2] : memref<16384xf32, #tpu.memory_space<hbm>> -> memref<512xf32, #tpu.memory_space<hbm>>
    %dma_start3A_74 = arith.constant 2560 : i32
    %dma_start3A_75 = tpu.memref_slice %arg12[%dma_start3A_74] : memref<13312xf32, #tpu.memory_space<vmem>> -> memref<512xf32, #tpu.memory_space<vmem>>
    %dma_start3A_76 = arith.constant 0 : i32
    %dma_start3A_77 = tpu.memref_slice %arg4[%dma_start3A_67, %dma_start3A_76] : memref<26x16384xf32, #tpu.memory_space<hbm>> -> memref<1x16384xf32, #tpu.memory_space<hbm>>
    %dma_start3A_78 = tpu.memref_squeeze %dma_start3A_77 : memref<1x16384xf32, #tpu.memory_space<hbm>> -> memref<16384xf32, #tpu.memory_space<hbm>>
    %dma_start3A_79 = tpu.memref_slice %dma_start3A_78[%mul3A_2] : memref<16384xf32, #tpu.memory_space<hbm>> -> memref<512xf32, #tpu.memory_space<hbm>>
    tpu.enqueue_dma source(%dma_start3A_79 : memref<512xf32, #tpu.memory_space<hbm>>) target(%dma_start3A_75 : memref<512xf32, #tpu.memory_space<vmem>>) target_semaphore(%arg18 : memref<!tpu.dma_semaphore, #tpu.memory_space<semaphore_mem>>)
    %dma_start3A_80 = arith.constant 6 : i32
    %dma_start3A_81 = arith.constant 3072 : i32
    %dma_start3A_82 = tpu.memref_slice %arg12[%dma_start3A_81] : memref<13312xf32, #tpu.memory_space<vmem>> -> memref<512xf32, #tpu.memory_space<vmem>>
    %dma_start3A_83 = arith.constant 0 : i32
    %dma_start3A_84 = tpu.memref_slice %arg4[%dma_start3A_80, %dma_start3A_83] : memref<26x16384xf32, #tpu.memory_space<hbm>> -> memref<1x16384xf32, #tpu.memory_space<hbm>>
    %dma_start3A_85 = tpu.memref_squeeze %dma_start3A_84 : memref<1x16384xf32, #tpu.memory_space<hbm>> -> memref<16384xf32, #tpu.memory_space<hbm>>
    %dma_start3A_86 = tpu.memref_slice %dma_start3A_85[%mul3A_2] : memref<16384xf32, #tpu.memory_space<hbm>> -> memref<512xf32, #tpu.memory_space<hbm>>
    %dma_start3A_87 = arith.constant 3072 : i32
    %dma_start3A_88 = tpu.memref_slice %arg12[%dma_start3A_87] : memref<13312xf32, #tpu.memory_space<vmem>> -> memref<512xf32, #tpu.memory_space<vmem>>
    %dma_start3A_89 = arith.constant 0 : i32
    %dma_start3A_90 = tpu.memref_slice %arg4[%dma_start3A_80, %dma_start3A_89] : memref<26x16384xf32, #tpu.memory_space<hbm>> -> memref<1x16384xf32, #tpu.memory_space<hbm>>
    %dma_start3A_91 = tpu.memref_squeeze %dma_start3A_90 : memref<1x16384xf32, #tpu.memory_space<hbm>> -> memref<16384xf32, #tpu.memory_space<hbm>>
    %dma_start3A_92 = tpu.memref_slice %dma_start3A_91[%mul3A_2] : memref<16384xf32, #tpu.memory_space<hbm>> -> memref<512xf32, #tpu.memory_space<hbm>>
    tpu.enqueue_dma source(%dma_start3A_92 : memref<512xf32, #tpu.memory_space<hbm>>) target(%dma_start3A_88 : memref<512xf32, #tpu.memory_space<vmem>>) target_semaphore(%arg18 : memref<!tpu.dma_semaphore, #tpu.memory_space<semaphore_mem>>)
    %dma_start3A_93 = arith.constant 7 : i32
    %dma_start3A_94 = arith.constant 3584 : i32
    %dma_start3A_95 = tpu.memref_slice %arg12[%dma_start3A_94] : memref<13312xf32, #tpu.memory_space<vmem>> -> memref<512xf32, #tpu.memory_space<vmem>>
    %dma_start3A_96 = arith.constant 0 : i32
    %dma_start3A_97 = tpu.memref_slice %arg4[%dma_start3A_93, %dma_start3A_96] : memref<26x16384xf32, #tpu.memory_space<hbm>> -> memref<1x16384xf32, #tpu.memory_space<hbm>>
    %dma_start3A_98 = tpu.memref_squeeze %dma_start3A_97 : memref<1x16384xf32, #tpu.memory_space<hbm>> -> memref<16384xf32, #tpu.memory_space<hbm>>
    %dma_start3A_99 = tpu.memref_slice %dma_start3A_98[%mul3A_2] : memref<16384xf32, #tpu.memory_space<hbm>> -> memref<512xf32, #tpu.memory_space<hbm>>
    %dma_start3A_100 = arith.constant 3584 : i32
    %dma_start3A_101 = tpu.memref_slice %arg12[%dma_start3A_100] : memref<13312xf32, #tpu.memory_space<vmem>> -> memref<512xf32, #tpu.memory_space<vmem>>
    %dma_start3A_102 = arith.constant 0 : i32
    %dma_start3A_103 = tpu.memref_slice %arg4[%dma_start3A_93, %dma_start3A_102] : memref<26x16384xf32, #tpu.memory_space<hbm>> -> memref<1x16384xf32, #tpu.memory_space<hbm>>
    %dma_start3A_104 = tpu.memref_squeeze %dma_start3A_103 : memref<1x16384xf32, #tpu.memory_space<hbm>> -> memref<16384xf32, #tpu.memory_space<hbm>>
    %dma_start3A_105 = tpu.memref_slice %dma_start3A_104[%mul3A_2] : memref<16384xf32, #tpu.memory_space<hbm>> -> memref<512xf32, #tpu.memory_space<hbm>>
    tpu.enqueue_dma source(%dma_start3A_105 : memref<512xf32, #tpu.memory_space<hbm>>) target(%dma_start3A_101 : memref<512xf32, #tpu.memory_space<vmem>>) target_semaphore(%arg18 : memref<!tpu.dma_semaphore, #tpu.memory_space<semaphore_mem>>)
    %dma_start3A_106 = arith.constant 8 : i32
    %dma_start3A_107 = arith.constant 4096 : i32
    %dma_start3A_108 = tpu.memref_slice %arg12[%dma_start3A_107] : memref<13312xf32, #tpu.memory_space<vmem>> -> memref<512xf32, #tpu.memory_space<vmem>>
    %dma_start3A_109 = arith.constant 0 : i32
    %dma_start3A_110 = tpu.memref_slice %arg4[%dma_start3A_106, %dma_start3A_109] : memref<26x16384xf32, #tpu.memory_space<hbm>> -> memref<1x16384xf32, #tpu.memory_space<hbm>>
    %dma_start3A_111 = tpu.memref_squeeze %dma_start3A_110 : memref<1x16384xf32, #tpu.memory_space<hbm>> -> memref<16384xf32, #tpu.memory_space<hbm>>
    %dma_start3A_112 = tpu.memref_slice %dma_start3A_111[%mul3A_2] : memref<16384xf32, #tpu.memory_space<hbm>> -> memref<512xf32, #tpu.memory_space<hbm>>
    %dma_start3A_113 = arith.constant 4096 : i32
    %dma_start3A_114 = tpu.memref_slice %arg12[%dma_start3A_113] : memref<13312xf32, #tpu.memory_space<vmem>> -> memref<512xf32, #tpu.memory_space<vmem>>
    %dma_start3A_115 = arith.constant 0 : i32
    %dma_start3A_116 = tpu.memref_slice %arg4[%dma_start3A_106, %dma_start3A_115] : memref<26x16384xf32, #tpu.memory_space<hbm>> -> memref<1x16384xf32, #tpu.memory_space<hbm>>
    %dma_start3A_117 = tpu.memref_squeeze %dma_start3A_116 : memref<1x16384xf32, #tpu.memory_space<hbm>> -> memref<16384xf32, #tpu.memory_space<hbm>>
    %dma_start3A_118 = tpu.memref_slice %dma_start3A_117[%mul3A_2] : memref<16384xf32, #tpu.memory_space<hbm>> -> memref<512xf32, #tpu.memory_space<hbm>>
    tpu.enqueue_dma source(%dma_start3A_118 : memref<512xf32, #tpu.memory_space<hbm>>) target(%dma_start3A_114 : memref<512xf32, #tpu.memory_space<vmem>>) target_semaphore(%arg18 : memref<!tpu.dma_semaphore, #tpu.memory_space<semaphore_mem>>)
    %dma_start3A_119 = arith.constant 9 : i32
    %dma_start3A_120 = arith.constant 4608 : i32
    %dma_start3A_121 = tpu.memref_slice %arg12[%dma_start3A_120] : memref<13312xf32, #tpu.memory_space<vmem>> -> memref<512xf32, #tpu.memory_space<vmem>>
    %dma_start3A_122 = arith.constant 0 : i32
    %dma_start3A_123 = tpu.memref_slice %arg4[%dma_start3A_119, %dma_start3A_122] : memref<26x16384xf32, #tpu.memory_space<hbm>> -> memref<1x16384xf32, #tpu.memory_space<hbm>>
    %dma_start3A_124 = tpu.memref_squeeze %dma_start3A_123 : memref<1x16384xf32, #tpu.memory_space<hbm>> -> memref<16384xf32, #tpu.memory_space<hbm>>
    %dma_start3A_125 = tpu.memref_slice %dma_start3A_124[%mul3A_2] : memref<16384xf32, #tpu.memory_space<hbm>> -> memref<512xf32, #tpu.memory_space<hbm>>
    %dma_start3A_126 = arith.constant 4608 : i32
    %dma_start3A_127 = tpu.memref_slice %arg12[%dma_start3A_126] : memref<13312xf32, #tpu.memory_space<vmem>> -> memref<512xf32, #tpu.memory_space<vmem>>
    %dma_start3A_128 = arith.constant 0 : i32
    %dma_start3A_129 = tpu.memref_slice %arg4[%dma_start3A_119, %dma_start3A_128] : memref<26x16384xf32, #tpu.memory_space<hbm>> -> memref<1x16384xf32, #tpu.memory_space<hbm>>
    %dma_start3A_130 = tpu.memref_squeeze %dma_start3A_129 : memref<1x16384xf32, #tpu.memory_space<hbm>> -> memref<16384xf32, #tpu.memory_space<hbm>>
    %dma_start3A_131 = tpu.memref_slice %dma_start3A_130[%mul3A_2] : memref<16384xf32, #tpu.memory_space<hbm>> -> memref<512xf32, #tpu.memory_space<hbm>>
    tpu.enqueue_dma source(%dma_start3A_131 : memref<512xf32, #tpu.memory_space<hbm>>) target(%dma_start3A_127 : memref<512xf32, #tpu.memory_space<vmem>>) target_semaphore(%arg18 : memref<!tpu.dma_semaphore, #tpu.memory_space<semaphore_mem>>)
    %dma_start3A_132 = arith.constant 10 : i32
    %dma_start3A_133 = arith.constant 5120 : i32
    %dma_start3A_134 = tpu.memref_slice %arg12[%dma_start3A_133] : memref<13312xf32, #tpu.memory_space<vmem>> -> memref<512xf32, #tpu.memory_space<vmem>>
    %dma_start3A_135 = arith.constant 0 : i32
    %dma_start3A_136 = tpu.memref_slice %arg4[%dma_start3A_132, %dma_start3A_135] : memref<26x16384xf32, #tpu.memory_space<hbm>> -> memref<1x16384xf32, #tpu.memory_space<hbm>>
    %dma_start3A_137 = tpu.memref_squeeze %dma_start3A_136 : memref<1x16384xf32, #tpu.memory_space<hbm>> -> memref<16384xf32, #tpu.memory_space<hbm>>
    %dma_start3A_138 = tpu.memref_slice %dma_start3A_137[%mul3A_2] : memref<16384xf32, #tpu.memory_space<hbm>> -> memref<512xf32, #tpu.memory_space<hbm>>
    %dma_start3A_139 = arith.constant 5120 : i32
    %dma_start3A_140 = tpu.memref_slice %arg12[%dma_start3A_139] : memref<13312xf32, #tpu.memory_space<vmem>> -> memref<512xf32, #tpu.memory_space<vmem>>
    %dma_start3A_141 = arith.constant 0 : i32
    %dma_start3A_142 = tpu.memref_slice %arg4[%dma_start3A_132, %dma_start3A_141] : memref<26x16384xf32, #tpu.memory_space<hbm>> -> memref<1x16384xf32, #tpu.memory_space<hbm>>
    %dma_start3A_143 = tpu.memref_squeeze %dma_start3A_142 : memref<1x16384xf32, #tpu.memory_space<hbm>> -> memref<16384xf32, #tpu.memory_space<hbm>>
    %dma_start3A_144 = tpu.memref_slice %dma_start3A_143[%mul3A_2] : memref<16384xf32, #tpu.memory_space<hbm>> -> memref<512xf32, #tpu.memory_space<hbm>>
    tpu.enqueue_dma source(%dma_start3A_144 : memref<512xf32, #tpu.memory_space<hbm>>) target(%dma_start3A_140 : memref<512xf32, #tpu.memory_space<vmem>>) target_semaphore(%arg18 : memref<!tpu.dma_semaphore, #tpu.memory_space<semaphore_mem>>)
    %dma_start3A_145 = arith.constant 11 : i32
    %dma_start3A_146 = arith.constant 5632 : i32
    %dma_start3A_147 = tpu.memref_slice %arg12[%dma_start3A_146] : memref<13312xf32, #tpu.memory_space<vmem>> -> memref<512xf32, #tpu.memory_space<vmem>>
    %dma_start3A_148 = arith.constant 0 : i32
    %dma_start3A_149 = tpu.memref_slice %arg4[%dma_start3A_145, %dma_start3A_148] : memref<26x16384xf32, #tpu.memory_space<hbm>> -> memref<1x16384xf32, #tpu.memory_space<hbm>>
    %dma_start3A_150 = tpu.memref_squeeze %dma_start3A_149 : memref<1x16384xf32, #tpu.memory_space<hbm>> -> memref<16384xf32, #tpu.memory_space<hbm>>
    %dma_start3A_151 = tpu.memref_slice %dma_start3A_150[%mul3A_2] : memref<16384xf32, #tpu.memory_space<hbm>> -> memref<512xf32, #tpu.memory_space<hbm>>
    %dma_start3A_152 = arith.constant 5632 : i32
    %dma_start3A_153 = tpu.memref_slice %arg12[%dma_start3A_152] : memref<13312xf32, #tpu.memory_space<vmem>> -> memref<512xf32, #tpu.memory_space<vmem>>
    %dma_start3A_154 = arith.constant 0 : i32
    %dma_start3A_155 = tpu.memref_slice %arg4[%dma_start3A_145, %dma_start3A_154] : memref<26x16384xf32, #tpu.memory_space<hbm>> -> memref<1x16384xf32, #tpu.memory_space<hbm>>
    %dma_start3A_156 = tpu.memref_squeeze %dma_start3A_155 : memref<1x16384xf32, #tpu.memory_space<hbm>> -> memref<16384xf32, #tpu.memory_space<hbm>>
    %dma_start3A_157 = tpu.memref_slice %dma_start3A_156[%mul3A_2] : memref<16384xf32, #tpu.memory_space<hbm>> -> memref<512xf32, #tpu.memory_space<hbm>>
    tpu.enqueue_dma source(%dma_start3A_157 : memref<512xf32, #tpu.memory_space<hbm>>) target(%dma_start3A_153 : memref<512xf32, #tpu.memory_space<vmem>>) target_semaphore(%arg18 : memref<!tpu.dma_semaphore, #tpu.memory_space<semaphore_mem>>)
    %dma_start3A_158 = arith.constant 12 : i32
    %dma_start3A_159 = arith.constant 6144 : i32
    %dma_start3A_160 = tpu.memref_slice %arg12[%dma_start3A_159] : memref<13312xf32, #tpu.memory_space<vmem>> -> memref<512xf32, #tpu.memory_space<vmem>>
    %dma_start3A_161 = arith.constant 0 : i32
    %dma_start3A_162 = tpu.memref_slice %arg4[%dma_start3A_158, %dma_start3A_161] : memref<26x16384xf32, #tpu.memory_space<hbm>> -> memref<1x16384xf32, #tpu.memory_space<hbm>>
    %dma_start3A_163 = tpu.memref_squeeze %dma_start3A_162 : memref<1x16384xf32, #tpu.memory_space<hbm>> -> memref<16384xf32, #tpu.memory_space<hbm>>
    %dma_start3A_164 = tpu.memref_slice %dma_start3A_163[%mul3A_2] : memref<16384xf32, #tpu.memory_space<hbm>> -> memref<512xf32, #tpu.memory_space<hbm>>
    %dma_start3A_165 = arith.constant 6144 : i32
    %dma_start3A_166 = tpu.memref_slice %arg12[%dma_start3A_165] : memref<13312xf32, #tpu.memory_space<vmem>> -> memref<512xf32, #tpu.memory_space<vmem>>
    %dma_start3A_167 = arith.constant 0 : i32
    %dma_start3A_168 = tpu.memref_slice %arg4[%dma_start3A_158, %dma_start3A_167] : memref<26x16384xf32, #tpu.memory_space<hbm>> -> memref<1x16384xf32, #tpu.memory_space<hbm>>
    %dma_start3A_169 = tpu.memref_squeeze %dma_start3A_168 : memref<1x16384xf32, #tpu.memory_space<hbm>> -> memref<16384xf32, #tpu.memory_space<hbm>>
    %dma_start3A_170 = tpu.memref_slice %dma_start3A_169[%mul3A_2] : memref<16384xf32, #tpu.memory_space<hbm>> -> memref<512xf32, #tpu.memory_space<hbm>>
    tpu.enqueue_dma source(%dma_start3A_170 : memref<512xf32, #tpu.memory_space<hbm>>) target(%dma_start3A_166 : memref<512xf32, #tpu.memory_space<vmem>>) target_semaphore(%arg18 : memref<!tpu.dma_semaphore, #tpu.memory_space<semaphore_mem>>)
    %dma_start3A_171 = arith.constant 13 : i32
    %dma_start3A_172 = arith.constant 6656 : i32
    %dma_start3A_173 = tpu.memref_slice %arg12[%dma_start3A_172] : memref<13312xf32, #tpu.memory_space<vmem>> -> memref<512xf32, #tpu.memory_space<vmem>>
    %dma_start3A_174 = arith.constant 0 : i32
    %dma_start3A_175 = tpu.memref_slice %arg4[%dma_start3A_171, %dma_start3A_174] : memref<26x16384xf32, #tpu.memory_space<hbm>> -> memref<1x16384xf32, #tpu.memory_space<hbm>>
    %dma_start3A_176 = tpu.memref_squeeze %dma_start3A_175 : memref<1x16384xf32, #tpu.memory_space<hbm>> -> memref<16384xf32, #tpu.memory_space<hbm>>
    %dma_start3A_177 = tpu.memref_slice %dma_start3A_176[%mul3A_2] : memref<16384xf32, #tpu.memory_space<hbm>> -> memref<512xf32, #tpu.memory_space<hbm>>
    %dma_start3A_178 = arith.constant 6656 : i32
    %dma_start3A_179 = tpu.memref_slice %arg12[%dma_start3A_178] : memref<13312xf32, #tpu.memory_space<vmem>> -> memref<512xf32, #tpu.memory_space<vmem>>
    %dma_start3A_180 = arith.constant 0 : i32
    %dma_start3A_181 = tpu.memref_slice %arg4[%dma_start3A_171, %dma_start3A_180] : memref<26x16384xf32, #tpu.memory_space<hbm>> -> memref<1x16384xf32, #tpu.memory_space<hbm>>
    %dma_start3A_182 = tpu.memref_squeeze %dma_start3A_181 : memref<1x16384xf32, #tpu.memory_space<hbm>> -> memref<16384xf32, #tpu.memory_space<hbm>>
    %dma_start3A_183 = tpu.memref_slice %dma_start3A_182[%mul3A_2] : memref<16384xf32, #tpu.memory_space<hbm>> -> memref<512xf32, #tpu.memory_space<hbm>>
    tpu.enqueue_dma source(%dma_start3A_183 : memref<512xf32, #tpu.memory_space<hbm>>) target(%dma_start3A_179 : memref<512xf32, #tpu.memory_space<vmem>>) target_semaphore(%arg18 : memref<!tpu.dma_semaphore, #tpu.memory_space<semaphore_mem>>)
    %dma_start3A_184 = arith.constant 14 : i32
    %dma_start3A_185 = arith.constant 7168 : i32
    %dma_start3A_186 = tpu.memref_slice %arg12[%dma_start3A_185] : memref<13312xf32, #tpu.memory_space<vmem>> -> memref<512xf32, #tpu.memory_space<vmem>>
    %dma_start3A_187 = arith.constant 0 : i32
    %dma_start3A_188 = tpu.memref_slice %arg4[%dma_start3A_184, %dma_start3A_187] : memref<26x16384xf32, #tpu.memory_space<hbm>> -> memref<1x16384xf32, #tpu.memory_space<hbm>>
    %dma_start3A_189 = tpu.memref_squeeze %dma_start3A_188 : memref<1x16384xf32, #tpu.memory_space<hbm>> -> memref<16384xf32, #tpu.memory_space<hbm>>
    %dma_start3A_190 = tpu.memref_slice %dma_start3A_189[%mul3A_2] : memref<16384xf32, #tpu.memory_space<hbm>> -> memref<512xf32, #tpu.memory_space<hbm>>
    %dma_start3A_191 = arith.constant 7168 : i32
    %dma_start3A_192 = tpu.memref_slice %arg12[%dma_start3A_191] : memref<13312xf32, #tpu.memory_space<vmem>> -> memref<512xf32, #tpu.memory_space<vmem>>
    %dma_start3A_193 = arith.constant 0 : i32
    %dma_start3A_194 = tpu.memref_slice %arg4[%dma_start3A_184, %dma_start3A_193] : memref<26x16384xf32, #tpu.memory_space<hbm>> -> memref<1x16384xf32, #tpu.memory_space<hbm>>
    %dma_start3A_195 = tpu.memref_squeeze %dma_start3A_194 : memref<1x16384xf32, #tpu.memory_space<hbm>> -> memref<16384xf32, #tpu.memory_space<hbm>>
    %dma_start3A_196 = tpu.memref_slice %dma_start3A_195[%mul3A_2] : memref<16384xf32, #tpu.memory_space<hbm>> -> memref<512xf32, #tpu.memory_space<hbm>>
    tpu.enqueue_dma source(%dma_start3A_196 : memref<512xf32, #tpu.memory_space<hbm>>) target(%dma_start3A_192 : memref<512xf32, #tpu.memory_space<vmem>>) target_semaphore(%arg18 : memref<!tpu.dma_semaphore, #tpu.memory_space<semaphore_mem>>)
    %dma_start3A_197 = arith.constant 15 : i32
    %dma_start3A_198 = arith.constant 7680 : i32
    %dma_start3A_199 = tpu.memref_slice %arg12[%dma_start3A_198] : memref<13312xf32, #tpu.memory_space<vmem>> -> memref<512xf32, #tpu.memory_space<vmem>>
    %dma_start3A_200 = arith.constant 0 : i32
    %dma_start3A_201 = tpu.memref_slice %arg4[%dma_start3A_197, %dma_start3A_200] : memref<26x16384xf32, #tpu.memory_space<hbm>> -> memref<1x16384xf32, #tpu.memory_space<hbm>>
    %dma_start3A_202 = tpu.memref_squeeze %dma_start3A_201 : memref<1x16384xf32, #tpu.memory_space<hbm>> -> memref<16384xf32, #tpu.memory_space<hbm>>
    %dma_start3A_203 = tpu.memref_slice %dma_start3A_202[%mul3A_2] : memref<16384xf32, #tpu.memory_space<hbm>> -> memref<512xf32, #tpu.memory_space<hbm>>
    %dma_start3A_204 = arith.constant 7680 : i32
    %dma_start3A_205 = tpu.memref_slice %arg12[%dma_start3A_204] : memref<13312xf32, #tpu.memory_space<vmem>> -> memref<512xf32, #tpu.memory_space<vmem>>
    %dma_start3A_206 = arith.constant 0 : i32
    %dma_start3A_207 = tpu.memref_slice %arg4[%dma_start3A_197, %dma_start3A_206] : memref<26x16384xf32, #tpu.memory_space<hbm>> -> memref<1x16384xf32, #tpu.memory_space<hbm>>
    %dma_start3A_208 = tpu.memref_squeeze %dma_start3A_207 : memref<1x16384xf32, #tpu.memory_space<hbm>> -> memref<16384xf32, #tpu.memory_space<hbm>>
    %dma_start3A_209 = tpu.memref_slice %dma_start3A_208[%mul3A_2] : memref<16384xf32, #tpu.memory_space<hbm>> -> memref<512xf32, #tpu.memory_space<hbm>>
    tpu.enqueue_dma source(%dma_start3A_209 : memref<512xf32, #tpu.memory_space<hbm>>) target(%dma_start3A_205 : memref<512xf32, #tpu.memory_space<vmem>>) target_semaphore(%arg18 : memref<!tpu.dma_semaphore, #tpu.memory_space<semaphore_mem>>)
    %dma_start3A_210 = arith.constant 16 : i32
    %dma_start3A_211 = arith.constant 8192 : i32
    %dma_start3A_212 = tpu.memref_slice %arg12[%dma_start3A_211] : memref<13312xf32, #tpu.memory_space<vmem>> -> memref<512xf32, #tpu.memory_space<vmem>>
    %dma_start3A_213 = arith.constant 0 : i32
    %dma_start3A_214 = tpu.memref_slice %arg4[%dma_start3A_210, %dma_start3A_213] : memref<26x16384xf32, #tpu.memory_space<hbm>> -> memref<1x16384xf32, #tpu.memory_space<hbm>>
    %dma_start3A_215 = tpu.memref_squeeze %dma_start3A_214 : memref<1x16384xf32, #tpu.memory_space<hbm>> -> memref<16384xf32, #tpu.memory_space<hbm>>
    %dma_start3A_216 = tpu.memref_slice %dma_start3A_215[%mul3A_2] : memref<16384xf32, #tpu.memory_space<hbm>> -> memref<512xf32, #tpu.memory_space<hbm>>
    %dma_start3A_217 = arith.constant 8192 : i32
    %dma_start3A_218 = tpu.memref_slice %arg12[%dma_start3A_217] : memref<13312xf32, #tpu.memory_space<vmem>> -> memref<512xf32, #tpu.memory_space<vmem>>
    %dma_start3A_219 = arith.constant 0 : i32
    %dma_start3A_220 = tpu.memref_slice %arg4[%dma_start3A_210, %dma_start3A_219] : memref<26x16384xf32, #tpu.memory_space<hbm>> -> memref<1x16384xf32, #tpu.memory_space<hbm>>
    %dma_start3A_221 = tpu.memref_squeeze %dma_start3A_220 : memref<1x16384xf32, #tpu.memory_space<hbm>> -> memref<16384xf32, #tpu.memory_space<hbm>>
    %dma_start3A_222 = tpu.memref_slice %dma_start3A_221[%mul3A_2] : memref<16384xf32, #tpu.memory_space<hbm>> -> memref<512xf32, #tpu.memory_space<hbm>>
    tpu.enqueue_dma source(%dma_start3A_222 : memref<512xf32, #tpu.memory_space<hbm>>) target(%dma_start3A_218 : memref<512xf32, #tpu.memory_space<vmem>>) target_semaphore(%arg18 : memref<!tpu.dma_semaphore, #tpu.memory_space<semaphore_mem>>)
    %dma_start3A_223 = arith.constant 17 : i32
    %dma_start3A_224 = arith.constant 8704 : i32
    %dma_start3A_225 = tpu.memref_slice %arg12[%dma_start3A_224] : memref<13312xf32, #tpu.memory_space<vmem>> -> memref<512xf32, #tpu.memory_space<vmem>>
    %dma_start3A_226 = arith.constant 0 : i32
    %dma_start3A_227 = tpu.memref_slice %arg4[%dma_start3A_223, %dma_start3A_226] : memref<26x16384xf32, #tpu.memory_space<hbm>> -> memref<1x16384xf32, #tpu.memory_space<hbm>>
    %dma_start3A_228 = tpu.memref_squeeze %dma_start3A_227 : memref<1x16384xf32, #tpu.memory_space<hbm>> -> memref<16384xf32, #tpu.memory_space<hbm>>
    %dma_start3A_229 = tpu.memref_slice %dma_start3A_228[%mul3A_2] : memref<16384xf32, #tpu.memory_space<hbm>> -> memref<512xf32, #tpu.memory_space<hbm>>
    %dma_start3A_230 = arith.constant 8704 : i32
    %dma_start3A_231 = tpu.memref_slice %arg12[%dma_start3A_230] : memref<13312xf32, #tpu.memory_space<vmem>> -> memref<512xf32, #tpu.memory_space<vmem>>
    %dma_start3A_232 = arith.constant 0 : i32
    %dma_start3A_233 = tpu.memref_slice %arg4[%dma_start3A_223, %dma_start3A_232] : memref<26x16384xf32, #tpu.memory_space<hbm>> -> memref<1x16384xf32, #tpu.memory_space<hbm>>
    %dma_start3A_234 = tpu.memref_squeeze %dma_start3A_233 : memref<1x16384xf32, #tpu.memory_space<hbm>> -> memref<16384xf32, #tpu.memory_space<hbm>>
    %dma_start3A_235 = tpu.memref_slice %dma_start3A_234[%mul3A_2] : memref<16384xf32, #tpu.memory_space<hbm>> -> memref<512xf32, #tpu.memory_space<hbm>>
    tpu.enqueue_dma source(%dma_start3A_235 : memref<512xf32, #tpu.memory_space<hbm>>) target(%dma_start3A_231 : memref<512xf32, #tpu.memory_space<vmem>>) target_semaphore(%arg18 : memref<!tpu.dma_semaphore, #tpu.memory_space<semaphore_mem>>)
    %dma_start3A_236 = arith.constant 18 : i32
    %dma_start3A_237 = arith.constant 9216 : i32
    %dma_start3A_238 = tpu.memref_slice %arg12[%dma_start3A_237] : memref<13312xf32, #tpu.memory_space<vmem>> -> memref<512xf32, #tpu.memory_space<vmem>>
    %dma_start3A_239 = arith.constant 0 : i32
    %dma_start3A_240 = tpu.memref_slice %arg4[%dma_start3A_236, %dma_start3A_239] : memref<26x16384xf32, #tpu.memory_space<hbm>> -> memref<1x16384xf32, #tpu.memory_space<hbm>>
    %dma_start3A_241 = tpu.memref_squeeze %dma_start3A_240 : memref<1x16384xf32, #tpu.memory_space<hbm>> -> memref<16384xf32, #tpu.memory_space<hbm>>
    %dma_start3A_242 = tpu.memref_slice %dma_start3A_241[%mul3A_2] : memref<16384xf32, #tpu.memory_space<hbm>> -> memref<512xf32, #tpu.memory_space<hbm>>
    %dma_start3A_243 = arith.constant 9216 : i32
    %dma_start3A_244 = tpu.memref_slice %arg12[%dma_start3A_243] : memref<13312xf32, #tpu.memory_space<vmem>> -> memref<512xf32, #tpu.memory_space<vmem>>
    %dma_start3A_245 = arith.constant 0 : i32
    %dma_start3A_246 = tpu.memref_slice %arg4[%dma_start3A_236, %dma_start3A_245] : memref<26x16384xf32, #tpu.memory_space<hbm>> -> memref<1x16384xf32, #tpu.memory_space<hbm>>
    %dma_start3A_247 = tpu.memref_squeeze %dma_start3A_246 : memref<1x16384xf32, #tpu.memory_space<hbm>> -> memref<16384xf32, #tpu.memory_space<hbm>>
    %dma_start3A_248 = tpu.memref_slice %dma_start3A_247[%mul3A_2] : memref<16384xf32, #tpu.memory_space<hbm>> -> memref<512xf32, #tpu.memory_space<hbm>>
    tpu.enqueue_dma source(%dma_start3A_248 : memref<512xf32, #tpu.memory_space<hbm>>) target(%dma_start3A_244 : memref<512xf32, #tpu.memory_space<vmem>>) target_semaphore(%arg18 : memref<!tpu.dma_semaphore, #tpu.memory_space<semaphore_mem>>)
    %dma_start3A_249 = arith.constant 19 : i32
    %dma_start3A_250 = arith.constant 9728 : i32
    %dma_start3A_251 = tpu.memref_slice %arg12[%dma_start3A_250] : memref<13312xf32, #tpu.memory_space<vmem>> -> memref<512xf32, #tpu.memory_space<vmem>>
    %dma_start3A_252 = arith.constant 0 : i32
    %dma_start3A_253 = tpu.memref_slice %arg4[%dma_start3A_249, %dma_start3A_252] : memref<26x16384xf32, #tpu.memory_space<hbm>> -> memref<1x16384xf32, #tpu.memory_space<hbm>>
    %dma_start3A_254 = tpu.memref_squeeze %dma_start3A_253 : memref<1x16384xf32, #tpu.memory_space<hbm>> -> memref<16384xf32, #tpu.memory_space<hbm>>
    %dma_start3A_255 = tpu.memref_slice %dma_start3A_254[%mul3A_2] : memref<16384xf32, #tpu.memory_space<hbm>> -> memref<512xf32, #tpu.memory_space<hbm>>
    %dma_start3A_256 = arith.constant 9728 : i32
    %dma_start3A_257 = tpu.memref_slice %arg12[%dma_start3A_256] : memref<13312xf32, #tpu.memory_space<vmem>> -> memref<512xf32, #tpu.memory_space<vmem>>
    %dma_start3A_258 = arith.constant 0 : i32
    %dma_start3A_259 = tpu.memref_slice %arg4[%dma_start3A_249, %dma_start3A_258] : memref<26x16384xf32, #tpu.memory_space<hbm>> -> memref<1x16384xf32, #tpu.memory_space<hbm>>
    %dma_start3A_260 = tpu.memref_squeeze %dma_start3A_259 : memref<1x16384xf32, #tpu.memory_space<hbm>> -> memref<16384xf32, #tpu.memory_space<hbm>>
    %dma_start3A_261 = tpu.memref_slice %dma_start3A_260[%mul3A_2] : memref<16384xf32, #tpu.memory_space<hbm>> -> memref<512xf32, #tpu.memory_space<hbm>>
    tpu.enqueue_dma source(%dma_start3A_261 : memref<512xf32, #tpu.memory_space<hbm>>) target(%dma_start3A_257 : memref<512xf32, #tpu.memory_space<vmem>>) target_semaphore(%arg18 : memref<!tpu.dma_semaphore, #tpu.memory_space<semaphore_mem>>)
    %dma_start3A_262 = arith.constant 20 : i32
    %dma_start3A_263 = arith.constant 10240 : i32
    %dma_start3A_264 = tpu.memref_slice %arg12[%dma_start3A_263] : memref<13312xf32, #tpu.memory_space<vmem>> -> memref<512xf32, #tpu.memory_space<vmem>>
    %dma_start3A_265 = arith.constant 0 : i32
    %dma_start3A_266 = tpu.memref_slice %arg4[%dma_start3A_262, %dma_start3A_265] : memref<26x16384xf32, #tpu.memory_space<hbm>> -> memref<1x16384xf32, #tpu.memory_space<hbm>>
    %dma_start3A_267 = tpu.memref_squeeze %dma_start3A_266 : memref<1x16384xf32, #tpu.memory_space<hbm>> -> memref<16384xf32, #tpu.memory_space<hbm>>
    %dma_start3A_268 = tpu.memref_slice %dma_start3A_267[%mul3A_2] : memref<16384xf32, #tpu.memory_space<hbm>> -> memref<512xf32, #tpu.memory_space<hbm>>
    %dma_start3A_269 = arith.constant 10240 : i32
    %dma_start3A_270 = tpu.memref_slice %arg12[%dma_start3A_269] : memref<13312xf32, #tpu.memory_space<vmem>> -> memref<512xf32, #tpu.memory_space<vmem>>
    %dma_start3A_271 = arith.constant 0 : i32
    %dma_start3A_272 = tpu.memref_slice %arg4[%dma_start3A_262, %dma_start3A_271] : memref<26x16384xf32, #tpu.memory_space<hbm>> -> memref<1x16384xf32, #tpu.memory_space<hbm>>
    %dma_start3A_273 = tpu.memref_squeeze %dma_start3A_272 : memref<1x16384xf32, #tpu.memory_space<hbm>> -> memref<16384xf32, #tpu.memory_space<hbm>>
    %dma_start3A_274 = tpu.memref_slice %dma_start3A_273[%mul3A_2] : memref<16384xf32, #tpu.memory_space<hbm>> -> memref<512xf32, #tpu.memory_space<hbm>>
    tpu.enqueue_dma source(%dma_start3A_274 : memref<512xf32, #tpu.memory_space<hbm>>) target(%dma_start3A_270 : memref<512xf32, #tpu.memory_space<vmem>>) target_semaphore(%arg18 : memref<!tpu.dma_semaphore, #tpu.memory_space<semaphore_mem>>)
    %dma_start3A_275 = arith.constant 21 : i32
    %dma_start3A_276 = arith.constant 10752 : i32
    %dma_start3A_277 = tpu.memref_slice %arg12[%dma_start3A_276] : memref<13312xf32, #tpu.memory_space<vmem>> -> memref<512xf32, #tpu.memory_space<vmem>>
    %dma_start3A_278 = arith.constant 0 : i32
    %dma_start3A_279 = tpu.memref_slice %arg4[%dma_start3A_275, %dma_start3A_278] : memref<26x16384xf32, #tpu.memory_space<hbm>> -> memref<1x16384xf32, #tpu.memory_space<hbm>>
    %dma_start3A_280 = tpu.memref_squeeze %dma_start3A_279 : memref<1x16384xf32, #tpu.memory_space<hbm>> -> memref<16384xf32, #tpu.memory_space<hbm>>
    %dma_start3A_281 = tpu.memref_slice %dma_start3A_280[%mul3A_2] : memref<16384xf32, #tpu.memory_space<hbm>> -> memref<512xf32, #tpu.memory_space<hbm>>
    %dma_start3A_282 = arith.constant 10752 : i32
    %dma_start3A_283 = tpu.memref_slice %arg12[%dma_start3A_282] : memref<13312xf32, #tpu.memory_space<vmem>> -> memref<512xf32, #tpu.memory_space<vmem>>
    %dma_start3A_284 = arith.constant 0 : i32
    %dma_start3A_285 = tpu.memref_slice %arg4[%dma_start3A_275, %dma_start3A_284] : memref<26x16384xf32, #tpu.memory_space<hbm>> -> memref<1x16384xf32, #tpu.memory_space<hbm>>
    %dma_start3A_286 = tpu.memref_squeeze %dma_start3A_285 : memref<1x16384xf32, #tpu.memory_space<hbm>> -> memref<16384xf32, #tpu.memory_space<hbm>>
    %dma_start3A_287 = tpu.memref_slice %dma_start3A_286[%mul3A_2] : memref<16384xf32, #tpu.memory_space<hbm>> -> memref<512xf32, #tpu.memory_space<hbm>>
    tpu.enqueue_dma source(%dma_start3A_287 : memref<512xf32, #tpu.memory_space<hbm>>) target(%dma_start3A_283 : memref<512xf32, #tpu.memory_space<vmem>>) target_semaphore(%arg18 : memref<!tpu.dma_semaphore, #tpu.memory_space<semaphore_mem>>)
    %dma_start3A_288 = arith.constant 22 : i32
    %dma_start3A_289 = arith.constant 11264 : i32
    %dma_start3A_290 = tpu.memref_slice %arg12[%dma_start3A_289] : memref<13312xf32, #tpu.memory_space<vmem>> -> memref<512xf32, #tpu.memory_space<vmem>>
    %dma_start3A_291 = arith.constant 0 : i32
    %dma_start3A_292 = tpu.memref_slice %arg4[%dma_start3A_288, %dma_start3A_291] : memref<26x16384xf32, #tpu.memory_space<hbm>> -> memref<1x16384xf32, #tpu.memory_space<hbm>>
    %dma_start3A_293 = tpu.memref_squeeze %dma_start3A_292 : memref<1x16384xf32, #tpu.memory_space<hbm>> -> memref<16384xf32, #tpu.memory_space<hbm>>
    %dma_start3A_294 = tpu.memref_slice %dma_start3A_293[%mul3A_2] : memref<16384xf32, #tpu.memory_space<hbm>> -> memref<512xf32, #tpu.memory_space<hbm>>
    %dma_start3A_295 = arith.constant 11264 : i32
    %dma_start3A_296 = tpu.memref_slice %arg12[%dma_start3A_295] : memref<13312xf32, #tpu.memory_space<vmem>> -> memref<512xf32, #tpu.memory_space<vmem>>
    %dma_start3A_297 = arith.constant 0 : i32
    %dma_start3A_298 = tpu.memref_slice %arg4[%dma_start3A_288, %dma_start3A_297] : memref<26x16384xf32, #tpu.memory_space<hbm>> -> memref<1x16384xf32, #tpu.memory_space<hbm>>
    %dma_start3A_299 = tpu.memref_squeeze %dma_start3A_298 : memref<1x16384xf32, #tpu.memory_space<hbm>> -> memref<16384xf32, #tpu.memory_space<hbm>>
    %dma_start3A_300 = tpu.memref_slice %dma_start3A_299[%mul3A_2] : memref<16384xf32, #tpu.memory_space<hbm>> -> memref<512xf32, #tpu.memory_space<hbm>>
    tpu.enqueue_dma source(%dma_start3A_300 : memref<512xf32, #tpu.memory_space<hbm>>) target(%dma_start3A_296 : memref<512xf32, #tpu.memory_space<vmem>>) target_semaphore(%arg18 : memref<!tpu.dma_semaphore, #tpu.memory_space<semaphore_mem>>)
    %dma_start3A_301 = arith.constant 23 : i32
    %dma_start3A_302 = arith.constant 11776 : i32
    %dma_start3A_303 = tpu.memref_slice %arg12[%dma_start3A_302] : memref<13312xf32, #tpu.memory_space<vmem>> -> memref<512xf32, #tpu.memory_space<vmem>>
    %dma_start3A_304 = arith.constant 0 : i32
    %dma_start3A_305 = tpu.memref_slice %arg4[%dma_start3A_301, %dma_start3A_304] : memref<26x16384xf32, #tpu.memory_space<hbm>> -> memref<1x16384xf32, #tpu.memory_space<hbm>>
    %dma_start3A_306 = tpu.memref_squeeze %dma_start3A_305 : memref<1x16384xf32, #tpu.memory_space<hbm>> -> memref<16384xf32, #tpu.memory_space<hbm>>
    %dma_start3A_307 = tpu.memref_slice %dma_start3A_306[%mul3A_2] : memref<16384xf32, #tpu.memory_space<hbm>> -> memref<512xf32, #tpu.memory_space<hbm>>
    %dma_start3A_308 = arith.constant 11776 : i32
    %dma_start3A_309 = tpu.memref_slice %arg12[%dma_start3A_308] : memref<13312xf32, #tpu.memory_space<vmem>> -> memref<512xf32, #tpu.memory_space<vmem>>
    %dma_start3A_310 = arith.constant 0 : i32
    %dma_start3A_311 = tpu.memref_slice %arg4[%dma_start3A_301, %dma_start3A_310] : memref<26x16384xf32, #tpu.memory_space<hbm>> -> memref<1x16384xf32, #tpu.memory_space<hbm>>
    %dma_start3A_312 = tpu.memref_squeeze %dma_start3A_311 : memref<1x16384xf32, #tpu.memory_space<hbm>> -> memref<16384xf32, #tpu.memory_space<hbm>>
    %dma_start3A_313 = tpu.memref_slice %dma_start3A_312[%mul3A_2] : memref<16384xf32, #tpu.memory_space<hbm>> -> memref<512xf32, #tpu.memory_space<hbm>>
    tpu.enqueue_dma source(%dma_start3A_313 : memref<512xf32, #tpu.memory_space<hbm>>) target(%dma_start3A_309 : memref<512xf32, #tpu.memory_space<vmem>>) target_semaphore(%arg18 : memref<!tpu.dma_semaphore, #tpu.memory_space<semaphore_mem>>)
    %dma_start3A_314 = arith.constant 24 : i32
    %dma_start3A_315 = arith.constant 12288 : i32
    %dma_start3A_316 = tpu.memref_slice %arg12[%dma_start3A_315] : memref<13312xf32, #tpu.memory_space<vmem>> -> memref<512xf32, #tpu.memory_space<vmem>>
    %dma_start3A_317 = arith.constant 0 : i32
    %dma_start3A_318 = tpu.memref_slice %arg4[%dma_start3A_314, %dma_start3A_317] : memref<26x16384xf32, #tpu.memory_space<hbm>> -> memref<1x16384xf32, #tpu.memory_space<hbm>>
    %dma_start3A_319 = tpu.memref_squeeze %dma_start3A_318 : memref<1x16384xf32, #tpu.memory_space<hbm>> -> memref<16384xf32, #tpu.memory_space<hbm>>
    %dma_start3A_320 = tpu.memref_slice %dma_start3A_319[%mul3A_2] : memref<16384xf32, #tpu.memory_space<hbm>> -> memref<512xf32, #tpu.memory_space<hbm>>
    %dma_start3A_321 = arith.constant 12288 : i32
    %dma_start3A_322 = tpu.memref_slice %arg12[%dma_start3A_321] : memref<13312xf32, #tpu.memory_space<vmem>> -> memref<512xf32, #tpu.memory_space<vmem>>
    %dma_start3A_323 = arith.constant 0 : i32
    %dma_start3A_324 = tpu.memref_slice %arg4[%dma_start3A_314, %dma_start3A_323] : memref<26x16384xf32, #tpu.memory_space<hbm>> -> memref<1x16384xf32, #tpu.memory_space<hbm>>
    %dma_start3A_325 = tpu.memref_squeeze %dma_start3A_324 : memref<1x16384xf32, #tpu.memory_space<hbm>> -> memref<16384xf32, #tpu.memory_space<hbm>>
    %dma_start3A_326 = tpu.memref_slice %dma_start3A_325[%mul3A_2] : memref<16384xf32, #tpu.memory_space<hbm>> -> memref<512xf32, #tpu.memory_space<hbm>>
    tpu.enqueue_dma source(%dma_start3A_326 : memref<512xf32, #tpu.memory_space<hbm>>) target(%dma_start3A_322 : memref<512xf32, #tpu.memory_space<vmem>>) target_semaphore(%arg18 : memref<!tpu.dma_semaphore, #tpu.memory_space<semaphore_mem>>)
    %dma_start3A_327 = arith.constant 25 : i32
    %dma_start3A_328 = arith.constant 12800 : i32
    %dma_start3A_329 = tpu.memref_slice %arg12[%dma_start3A_328] : memref<13312xf32, #tpu.memory_space<vmem>> -> memref<512xf32, #tpu.memory_space<vmem>>
    %dma_start3A_330 = arith.constant 0 : i32
    %dma_start3A_331 = tpu.memref_slice %arg4[%dma_start3A_327, %dma_start3A_330] : memref<26x16384xf32, #tpu.memory_space<hbm>> -> memref<1x16384xf32, #tpu.memory_space<hbm>>
    %dma_start3A_332 = tpu.memref_squeeze %dma_start3A_331 : memref<1x16384xf32, #tpu.memory_space<hbm>> -> memref<16384xf32, #tpu.memory_space<hbm>>
    %dma_start3A_333 = tpu.memref_slice %dma_start3A_332[%mul3A_2] : memref<16384xf32, #tpu.memory_space<hbm>> -> memref<512xf32, #tpu.memory_space<hbm>>
    %dma_start3A_334 = arith.constant 12800 : i32
    %dma_start3A_335 = tpu.memref_slice %arg12[%dma_start3A_334] : memref<13312xf32, #tpu.memory_space<vmem>> -> memref<512xf32, #tpu.memory_space<vmem>>
    %dma_start3A_336 = arith.constant 0 : i32
    %dma_start3A_337 = tpu.memref_slice %arg4[%dma_start3A_327, %dma_start3A_336] : memref<26x16384xf32, #tpu.memory_space<hbm>> -> memref<1x16384xf32, #tpu.memory_space<hbm>>
    %dma_start3A_338 = tpu.memref_squeeze %dma_start3A_337 : memref<1x16384xf32, #tpu.memory_space<hbm>> -> memref<16384xf32, #tpu.memory_space<hbm>>
    %dma_start3A_339 = tpu.memref_slice %dma_start3A_338[%mul3A_2] : memref<16384xf32, #tpu.memory_space<hbm>> -> memref<512xf32, #tpu.memory_space<hbm>>
    tpu.enqueue_dma source(%dma_start3A_339 : memref<512xf32, #tpu.memory_space<hbm>>) target(%dma_start3A_335 : memref<512xf32, #tpu.memory_space<vmem>>) target_semaphore(%arg18 : memref<!tpu.dma_semaphore, #tpu.memory_space<semaphore_mem>>)
    "tpu.region"() ({
      %run_scoped3A = tpu.sem_alloc : memref<!tpu.dma_semaphore, #tpu.memory_space<semaphore_mem>>
      %dma_start3A_691 = tpu.memref_slice %arg2[%mul3A_2] : memref<16384xi32, #tpu.memory_space<hbm>> -> memref<512xi32, #tpu.memory_space<hbm>>
      %dma_start3A_692 = tpu.memref_slice %arg2[%mul3A_2] : memref<16384xi32, #tpu.memory_space<hbm>> -> memref<512xi32, #tpu.memory_space<hbm>>
      tpu.enqueue_dma source(%dma_start3A_692 : memref<512xi32, #tpu.memory_space<hbm>>) target(%arg10 : memref<512xi32, #tpu.memory_space<vmem>>) target_semaphore(%run_scoped3A : memref<!tpu.dma_semaphore, #tpu.memory_space<semaphore_mem>>)
      %dma_wait3A_693 = tpu.memref_slice %arg2[%mul3A_2] : memref<16384xi32, #tpu.memory_space<hbm>> -> memref<512xi32, #tpu.memory_space<hbm>>
      %dma_wait3A_694 = tpu.memref_slice %arg2[%mul3A_2] : memref<16384xi32, #tpu.memory_space<hbm>> -> memref<512xi32, #tpu.memory_space<hbm>>
      tpu.wait_dma2 semaphore(%run_scoped3A : memref<!tpu.dma_semaphore, #tpu.memory_space<semaphore_mem>>) src(%dma_wait3A_694 : memref<512xi32, #tpu.memory_space<hbm>>) dst(%arg10 : memref<512xi32, #tpu.memory_space<vmem>>)
      tpu.yield
    }) : () -> ()
    "tpu.region"() ({
      %run_scoped3A = tpu.sem_alloc : memref<!tpu.dma_semaphore, #tpu.memory_space<semaphore_mem>>
      %dma_start3A_691 = tpu.memref_slice %arg3[%mul3A_2] : memref<16384xi32, #tpu.memory_space<hbm>> -> memref<512xi32, #tpu.memory_space<hbm>>
      %dma_start3A_692 = tpu.memref_slice %arg3[%mul3A_2] : memref<16384xi32, #tpu.memory_space<hbm>> -> memref<512xi32, #tpu.memory_space<hbm>>
      tpu.enqueue_dma source(%dma_start3A_692 : memref<512xi32, #tpu.memory_space<hbm>>) target(%arg11 : memref<512xi32, #tpu.memory_space<vmem>>) target_semaphore(%run_scoped3A : memref<!tpu.dma_semaphore, #tpu.memory_space<semaphore_mem>>)
      %dma_wait3A_693 = tpu.memref_slice %arg3[%mul3A_2] : memref<16384xi32, #tpu.memory_space<hbm>> -> memref<512xi32, #tpu.memory_space<hbm>>
      %dma_wait3A_694 = tpu.memref_slice %arg3[%mul3A_2] : memref<16384xi32, #tpu.memory_space<hbm>> -> memref<512xi32, #tpu.memory_space<hbm>>
      tpu.wait_dma2 semaphore(%run_scoped3A : memref<!tpu.dma_semaphore, #tpu.memory_space<semaphore_mem>>) src(%dma_wait3A_694 : memref<512xi32, #tpu.memory_space<hbm>>) dst(%arg11 : memref<512xi32, #tpu.memory_space<vmem>>)
      tpu.yield
    }) : () -> ()
    "tpu.region"() ({
      %run_scoped3A = tpu.sem_alloc : memref<!tpu.dma_semaphore, #tpu.memory_space<semaphore_mem>>
      tpu.enqueue_dma source(%arg7 : memref<48xf32, #tpu.memory_space<hbm>>) target(%arg13 : memref<48xf32, #tpu.memory_space<vmem>>) target_semaphore(%run_scoped3A : memref<!tpu.dma_semaphore, #tpu.memory_space<semaphore_mem>>)
      tpu.wait_dma2 semaphore(%run_scoped3A : memref<!tpu.dma_semaphore, #tpu.memory_space<semaphore_mem>>) src(%arg7 : memref<48xf32, #tpu.memory_space<hbm>>) dst(%arg13 : memref<48xf32, #tpu.memory_space<vmem>>)
      tpu.yield
    }) : () -> ()
    %dma_wait3A = arith.constant 0 : i32
    %dma_wait3A_340 = arith.constant 0 : i32
    %dma_wait3A_341 = tpu.memref_slice %arg12[%dma_wait3A_340] : memref<13312xf32, #tpu.memory_space<vmem>> -> memref<512xf32, #tpu.memory_space<vmem>>
    %dma_wait3A_342 = arith.constant 0 : i32
    %dma_wait3A_343 = tpu.memref_slice %arg4[%dma_wait3A, %dma_wait3A_342] : memref<26x16384xf32, #tpu.memory_space<hbm>> -> memref<1x16384xf32, #tpu.memory_space<hbm>>
    %dma_wait3A_344 = tpu.memref_squeeze %dma_wait3A_343 : memref<1x16384xf32, #tpu.memory_space<hbm>> -> memref<16384xf32, #tpu.memory_space<hbm>>
    %dma_wait3A_345 = tpu.memref_slice %dma_wait3A_344[%mul3A_2] : memref<16384xf32, #tpu.memory_space<hbm>> -> memref<512xf32, #tpu.memory_space<hbm>>
    %dma_wait3A_346 = arith.constant 0 : i32
    %dma_wait3A_347 = tpu.memref_slice %arg12[%dma_wait3A_346] : memref<13312xf32, #tpu.memory_space<vmem>> -> memref<512xf32, #tpu.memory_space<vmem>>
    %dma_wait3A_348 = arith.constant 0 : i32
    %dma_wait3A_349 = tpu.memref_slice %arg4[%dma_wait3A, %dma_wait3A_348] : memref<26x16384xf32, #tpu.memory_space<hbm>> -> memref<1x16384xf32, #tpu.memory_space<hbm>>
    %dma_wait3A_350 = tpu.memref_squeeze %dma_wait3A_349 : memref<1x16384xf32, #tpu.memory_space<hbm>> -> memref<16384xf32, #tpu.memory_space<hbm>>
    %dma_wait3A_351 = tpu.memref_slice %dma_wait3A_350[%mul3A_2] : memref<16384xf32, #tpu.memory_space<hbm>> -> memref<512xf32, #tpu.memory_space<hbm>>
    tpu.wait_dma2 semaphore(%arg18 : memref<!tpu.dma_semaphore, #tpu.memory_space<semaphore_mem>>) src(%dma_wait3A_351 : memref<512xf32, #tpu.memory_space<hbm>>) dst(%dma_wait3A_347 : memref<512xf32, #tpu.memory_space<vmem>>)
    %dma_wait3A_352 = arith.constant 1 : i32
    %dma_wait3A_353 = arith.constant 512 : i32
    %dma_wait3A_354 = tpu.memref_slice %arg12[%dma_wait3A_353] : memref<13312xf32, #tpu.memory_space<vmem>> -> memref<512xf32, #tpu.memory_space<vmem>>
    %dma_wait3A_355 = arith.constant 0 : i32
    %dma_wait3A_356 = tpu.memref_slice %arg4[%dma_wait3A_352, %dma_wait3A_355] : memref<26x16384xf32, #tpu.memory_space<hbm>> -> memref<1x16384xf32, #tpu.memory_space<hbm>>
    %dma_wait3A_357 = tpu.memref_squeeze %dma_wait3A_356 : memref<1x16384xf32, #tpu.memory_space<hbm>> -> memref<16384xf32, #tpu.memory_space<hbm>>
    %dma_wait3A_358 = tpu.memref_slice %dma_wait3A_357[%mul3A_2] : memref<16384xf32, #tpu.memory_space<hbm>> -> memref<512xf32, #tpu.memory_space<hbm>>
    %dma_wait3A_359 = arith.constant 512 : i32
    %dma_wait3A_360 = tpu.memref_slice %arg12[%dma_wait3A_359] : memref<13312xf32, #tpu.memory_space<vmem>> -> memref<512xf32, #tpu.memory_space<vmem>>
    %dma_wait3A_361 = arith.constant 0 : i32
    %dma_wait3A_362 = tpu.memref_slice %arg4[%dma_wait3A_352, %dma_wait3A_361] : memref<26x16384xf32, #tpu.memory_space<hbm>> -> memref<1x16384xf32, #tpu.memory_space<hbm>>
    %dma_wait3A_363 = tpu.memref_squeeze %dma_wait3A_362 : memref<1x16384xf32, #tpu.memory_space<hbm>> -> memref<16384xf32, #tpu.memory_space<hbm>>
    %dma_wait3A_364 = tpu.memref_slice %dma_wait3A_363[%mul3A_2] : memref<16384xf32, #tpu.memory_space<hbm>> -> memref<512xf32, #tpu.memory_space<hbm>>
    tpu.wait_dma2 semaphore(%arg18 : memref<!tpu.dma_semaphore, #tpu.memory_space<semaphore_mem>>) src(%dma_wait3A_364 : memref<512xf32, #tpu.memory_space<hbm>>) dst(%dma_wait3A_360 : memref<512xf32, #tpu.memory_space<vmem>>)
    %dma_wait3A_365 = arith.constant 2 : i32
    %dma_wait3A_366 = arith.constant 1024 : i32
    %dma_wait3A_367 = tpu.memref_slice %arg12[%dma_wait3A_366] : memref<13312xf32, #tpu.memory_space<vmem>> -> memref<512xf32, #tpu.memory_space<vmem>>
    %dma_wait3A_368 = arith.constant 0 : i32
    %dma_wait3A_369 = tpu.memref_slice %arg4[%dma_wait3A_365, %dma_wait3A_368] : memref<26x16384xf32, #tpu.memory_space<hbm>> -> memref<1x16384xf32, #tpu.memory_space<hbm>>
    %dma_wait3A_370 = tpu.memref_squeeze %dma_wait3A_369 : memref<1x16384xf32, #tpu.memory_space<hbm>> -> memref<16384xf32, #tpu.memory_space<hbm>>
    %dma_wait3A_371 = tpu.memref_slice %dma_wait3A_370[%mul3A_2] : memref<16384xf32, #tpu.memory_space<hbm>> -> memref<512xf32, #tpu.memory_space<hbm>>
    %dma_wait3A_372 = arith.constant 1024 : i32
    %dma_wait3A_373 = tpu.memref_slice %arg12[%dma_wait3A_372] : memref<13312xf32, #tpu.memory_space<vmem>> -> memref<512xf32, #tpu.memory_space<vmem>>
    %dma_wait3A_374 = arith.constant 0 : i32
    %dma_wait3A_375 = tpu.memref_slice %arg4[%dma_wait3A_365, %dma_wait3A_374] : memref<26x16384xf32, #tpu.memory_space<hbm>> -> memref<1x16384xf32, #tpu.memory_space<hbm>>
    %dma_wait3A_376 = tpu.memref_squeeze %dma_wait3A_375 : memref<1x16384xf32, #tpu.memory_space<hbm>> -> memref<16384xf32, #tpu.memory_space<hbm>>
    %dma_wait3A_377 = tpu.memref_slice %dma_wait3A_376[%mul3A_2] : memref<16384xf32, #tpu.memory_space<hbm>> -> memref<512xf32, #tpu.memory_space<hbm>>
    tpu.wait_dma2 semaphore(%arg18 : memref<!tpu.dma_semaphore, #tpu.memory_space<semaphore_mem>>) src(%dma_wait3A_377 : memref<512xf32, #tpu.memory_space<hbm>>) dst(%dma_wait3A_373 : memref<512xf32, #tpu.memory_space<vmem>>)
    %dma_wait3A_378 = arith.constant 3 : i32
    %dma_wait3A_379 = arith.constant 1536 : i32
    %dma_wait3A_380 = tpu.memref_slice %arg12[%dma_wait3A_379] : memref<13312xf32, #tpu.memory_space<vmem>> -> memref<512xf32, #tpu.memory_space<vmem>>
    %dma_wait3A_381 = arith.constant 0 : i32
    %dma_wait3A_382 = tpu.memref_slice %arg4[%dma_wait3A_378, %dma_wait3A_381] : memref<26x16384xf32, #tpu.memory_space<hbm>> -> memref<1x16384xf32, #tpu.memory_space<hbm>>
    %dma_wait3A_383 = tpu.memref_squeeze %dma_wait3A_382 : memref<1x16384xf32, #tpu.memory_space<hbm>> -> memref<16384xf32, #tpu.memory_space<hbm>>
    %dma_wait3A_384 = tpu.memref_slice %dma_wait3A_383[%mul3A_2] : memref<16384xf32, #tpu.memory_space<hbm>> -> memref<512xf32, #tpu.memory_space<hbm>>
    %dma_wait3A_385 = arith.constant 1536 : i32
    %dma_wait3A_386 = tpu.memref_slice %arg12[%dma_wait3A_385] : memref<13312xf32, #tpu.memory_space<vmem>> -> memref<512xf32, #tpu.memory_space<vmem>>
    %dma_wait3A_387 = arith.constant 0 : i32
    %dma_wait3A_388 = tpu.memref_slice %arg4[%dma_wait3A_378, %dma_wait3A_387] : memref<26x16384xf32, #tpu.memory_space<hbm>> -> memref<1x16384xf32, #tpu.memory_space<hbm>>
    %dma_wait3A_389 = tpu.memref_squeeze %dma_wait3A_388 : memref<1x16384xf32, #tpu.memory_space<hbm>> -> memref<16384xf32, #tpu.memory_space<hbm>>
    %dma_wait3A_390 = tpu.memref_slice %dma_wait3A_389[%mul3A_2] : memref<16384xf32, #tpu.memory_space<hbm>> -> memref<512xf32, #tpu.memory_space<hbm>>
    tpu.wait_dma2 semaphore(%arg18 : memref<!tpu.dma_semaphore, #tpu.memory_space<semaphore_mem>>) src(%dma_wait3A_390 : memref<512xf32, #tpu.memory_space<hbm>>) dst(%dma_wait3A_386 : memref<512xf32, #tpu.memory_space<vmem>>)
    %dma_wait3A_391 = arith.constant 4 : i32
    %dma_wait3A_392 = arith.constant 2048 : i32
    %dma_wait3A_393 = tpu.memref_slice %arg12[%dma_wait3A_392] : memref<13312xf32, #tpu.memory_space<vmem>> -> memref<512xf32, #tpu.memory_space<vmem>>
    %dma_wait3A_394 = arith.constant 0 : i32
    %dma_wait3A_395 = tpu.memref_slice %arg4[%dma_wait3A_391, %dma_wait3A_394] : memref<26x16384xf32, #tpu.memory_space<hbm>> -> memref<1x16384xf32, #tpu.memory_space<hbm>>
    %dma_wait3A_396 = tpu.memref_squeeze %dma_wait3A_395 : memref<1x16384xf32, #tpu.memory_space<hbm>> -> memref<16384xf32, #tpu.memory_space<hbm>>
    %dma_wait3A_397 = tpu.memref_slice %dma_wait3A_396[%mul3A_2] : memref<16384xf32, #tpu.memory_space<hbm>> -> memref<512xf32, #tpu.memory_space<hbm>>
    %dma_wait3A_398 = arith.constant 2048 : i32
    %dma_wait3A_399 = tpu.memref_slice %arg12[%dma_wait3A_398] : memref<13312xf32, #tpu.memory_space<vmem>> -> memref<512xf32, #tpu.memory_space<vmem>>
    %dma_wait3A_400 = arith.constant 0 : i32
    %dma_wait3A_401 = tpu.memref_slice %arg4[%dma_wait3A_391, %dma_wait3A_400] : memref<26x16384xf32, #tpu.memory_space<hbm>> -> memref<1x16384xf32, #tpu.memory_space<hbm>>
    %dma_wait3A_402 = tpu.memref_squeeze %dma_wait3A_401 : memref<1x16384xf32, #tpu.memory_space<hbm>> -> memref<16384xf32, #tpu.memory_space<hbm>>
    %dma_wait3A_403 = tpu.memref_slice %dma_wait3A_402[%mul3A_2] : memref<16384xf32, #tpu.memory_space<hbm>> -> memref<512xf32, #tpu.memory_space<hbm>>
    tpu.wait_dma2 semaphore(%arg18 : memref<!tpu.dma_semaphore, #tpu.memory_space<semaphore_mem>>) src(%dma_wait3A_403 : memref<512xf32, #tpu.memory_space<hbm>>) dst(%dma_wait3A_399 : memref<512xf32, #tpu.memory_space<vmem>>)
    %dma_wait3A_404 = arith.constant 5 : i32
    %dma_wait3A_405 = arith.constant 2560 : i32
    %dma_wait3A_406 = tpu.memref_slice %arg12[%dma_wait3A_405] : memref<13312xf32, #tpu.memory_space<vmem>> -> memref<512xf32, #tpu.memory_space<vmem>>
    %dma_wait3A_407 = arith.constant 0 : i32
    %dma_wait3A_408 = tpu.memref_slice %arg4[%dma_wait3A_404, %dma_wait3A_407] : memref<26x16384xf32, #tpu.memory_space<hbm>> -> memref<1x16384xf32, #tpu.memory_space<hbm>>
    %dma_wait3A_409 = tpu.memref_squeeze %dma_wait3A_408 : memref<1x16384xf32, #tpu.memory_space<hbm>> -> memref<16384xf32, #tpu.memory_space<hbm>>
    %dma_wait3A_410 = tpu.memref_slice %dma_wait3A_409[%mul3A_2] : memref<16384xf32, #tpu.memory_space<hbm>> -> memref<512xf32, #tpu.memory_space<hbm>>
    %dma_wait3A_411 = arith.constant 2560 : i32
    %dma_wait3A_412 = tpu.memref_slice %arg12[%dma_wait3A_411] : memref<13312xf32, #tpu.memory_space<vmem>> -> memref<512xf32, #tpu.memory_space<vmem>>
    %dma_wait3A_413 = arith.constant 0 : i32
    %dma_wait3A_414 = tpu.memref_slice %arg4[%dma_wait3A_404, %dma_wait3A_413] : memref<26x16384xf32, #tpu.memory_space<hbm>> -> memref<1x16384xf32, #tpu.memory_space<hbm>>
    %dma_wait3A_415 = tpu.memref_squeeze %dma_wait3A_414 : memref<1x16384xf32, #tpu.memory_space<hbm>> -> memref<16384xf32, #tpu.memory_space<hbm>>
    %dma_wait3A_416 = tpu.memref_slice %dma_wait3A_415[%mul3A_2] : memref<16384xf32, #tpu.memory_space<hbm>> -> memref<512xf32, #tpu.memory_space<hbm>>
    tpu.wait_dma2 semaphore(%arg18 : memref<!tpu.dma_semaphore, #tpu.memory_space<semaphore_mem>>) src(%dma_wait3A_416 : memref<512xf32, #tpu.memory_space<hbm>>) dst(%dma_wait3A_412 : memref<512xf32, #tpu.memory_space<vmem>>)
    %dma_wait3A_417 = arith.constant 6 : i32
    %dma_wait3A_418 = arith.constant 3072 : i32
    %dma_wait3A_419 = tpu.memref_slice %arg12[%dma_wait3A_418] : memref<13312xf32, #tpu.memory_space<vmem>> -> memref<512xf32, #tpu.memory_space<vmem>>
    %dma_wait3A_420 = arith.constant 0 : i32
    %dma_wait3A_421 = tpu.memref_slice %arg4[%dma_wait3A_417, %dma_wait3A_420] : memref<26x16384xf32, #tpu.memory_space<hbm>> -> memref<1x16384xf32, #tpu.memory_space<hbm>>
    %dma_wait3A_422 = tpu.memref_squeeze %dma_wait3A_421 : memref<1x16384xf32, #tpu.memory_space<hbm>> -> memref<16384xf32, #tpu.memory_space<hbm>>
    %dma_wait3A_423 = tpu.memref_slice %dma_wait3A_422[%mul3A_2] : memref<16384xf32, #tpu.memory_space<hbm>> -> memref<512xf32, #tpu.memory_space<hbm>>
    %dma_wait3A_424 = arith.constant 3072 : i32
    %dma_wait3A_425 = tpu.memref_slice %arg12[%dma_wait3A_424] : memref<13312xf32, #tpu.memory_space<vmem>> -> memref<512xf32, #tpu.memory_space<vmem>>
    %dma_wait3A_426 = arith.constant 0 : i32
    %dma_wait3A_427 = tpu.memref_slice %arg4[%dma_wait3A_417, %dma_wait3A_426] : memref<26x16384xf32, #tpu.memory_space<hbm>> -> memref<1x16384xf32, #tpu.memory_space<hbm>>
    %dma_wait3A_428 = tpu.memref_squeeze %dma_wait3A_427 : memref<1x16384xf32, #tpu.memory_space<hbm>> -> memref<16384xf32, #tpu.memory_space<hbm>>
    %dma_wait3A_429 = tpu.memref_slice %dma_wait3A_428[%mul3A_2] : memref<16384xf32, #tpu.memory_space<hbm>> -> memref<512xf32, #tpu.memory_space<hbm>>
    tpu.wait_dma2 semaphore(%arg18 : memref<!tpu.dma_semaphore, #tpu.memory_space<semaphore_mem>>) src(%dma_wait3A_429 : memref<512xf32, #tpu.memory_space<hbm>>) dst(%dma_wait3A_425 : memref<512xf32, #tpu.memory_space<vmem>>)
    %dma_wait3A_430 = arith.constant 7 : i32
    %dma_wait3A_431 = arith.constant 3584 : i32
    %dma_wait3A_432 = tpu.memref_slice %arg12[%dma_wait3A_431] : memref<13312xf32, #tpu.memory_space<vmem>> -> memref<512xf32, #tpu.memory_space<vmem>>
    %dma_wait3A_433 = arith.constant 0 : i32
    %dma_wait3A_434 = tpu.memref_slice %arg4[%dma_wait3A_430, %dma_wait3A_433] : memref<26x16384xf32, #tpu.memory_space<hbm>> -> memref<1x16384xf32, #tpu.memory_space<hbm>>
    %dma_wait3A_435 = tpu.memref_squeeze %dma_wait3A_434 : memref<1x16384xf32, #tpu.memory_space<hbm>> -> memref<16384xf32, #tpu.memory_space<hbm>>
    %dma_wait3A_436 = tpu.memref_slice %dma_wait3A_435[%mul3A_2] : memref<16384xf32, #tpu.memory_space<hbm>> -> memref<512xf32, #tpu.memory_space<hbm>>
    %dma_wait3A_437 = arith.constant 3584 : i32
    %dma_wait3A_438 = tpu.memref_slice %arg12[%dma_wait3A_437] : memref<13312xf32, #tpu.memory_space<vmem>> -> memref<512xf32, #tpu.memory_space<vmem>>
    %dma_wait3A_439 = arith.constant 0 : i32
    %dma_wait3A_440 = tpu.memref_slice %arg4[%dma_wait3A_430, %dma_wait3A_439] : memref<26x16384xf32, #tpu.memory_space<hbm>> -> memref<1x16384xf32, #tpu.memory_space<hbm>>
    %dma_wait3A_441 = tpu.memref_squeeze %dma_wait3A_440 : memref<1x16384xf32, #tpu.memory_space<hbm>> -> memref<16384xf32, #tpu.memory_space<hbm>>
    %dma_wait3A_442 = tpu.memref_slice %dma_wait3A_441[%mul3A_2] : memref<16384xf32, #tpu.memory_space<hbm>> -> memref<512xf32, #tpu.memory_space<hbm>>
    tpu.wait_dma2 semaphore(%arg18 : memref<!tpu.dma_semaphore, #tpu.memory_space<semaphore_mem>>) src(%dma_wait3A_442 : memref<512xf32, #tpu.memory_space<hbm>>) dst(%dma_wait3A_438 : memref<512xf32, #tpu.memory_space<vmem>>)
    %dma_wait3A_443 = arith.constant 8 : i32
    %dma_wait3A_444 = arith.constant 4096 : i32
    %dma_wait3A_445 = tpu.memref_slice %arg12[%dma_wait3A_444] : memref<13312xf32, #tpu.memory_space<vmem>> -> memref<512xf32, #tpu.memory_space<vmem>>
    %dma_wait3A_446 = arith.constant 0 : i32
    %dma_wait3A_447 = tpu.memref_slice %arg4[%dma_wait3A_443, %dma_wait3A_446] : memref<26x16384xf32, #tpu.memory_space<hbm>> -> memref<1x16384xf32, #tpu.memory_space<hbm>>
    %dma_wait3A_448 = tpu.memref_squeeze %dma_wait3A_447 : memref<1x16384xf32, #tpu.memory_space<hbm>> -> memref<16384xf32, #tpu.memory_space<hbm>>
    %dma_wait3A_449 = tpu.memref_slice %dma_wait3A_448[%mul3A_2] : memref<16384xf32, #tpu.memory_space<hbm>> -> memref<512xf32, #tpu.memory_space<hbm>>
    %dma_wait3A_450 = arith.constant 4096 : i32
    %dma_wait3A_451 = tpu.memref_slice %arg12[%dma_wait3A_450] : memref<13312xf32, #tpu.memory_space<vmem>> -> memref<512xf32, #tpu.memory_space<vmem>>
    %dma_wait3A_452 = arith.constant 0 : i32
    %dma_wait3A_453 = tpu.memref_slice %arg4[%dma_wait3A_443, %dma_wait3A_452] : memref<26x16384xf32, #tpu.memory_space<hbm>> -> memref<1x16384xf32, #tpu.memory_space<hbm>>
    %dma_wait3A_454 = tpu.memref_squeeze %dma_wait3A_453 : memref<1x16384xf32, #tpu.memory_space<hbm>> -> memref<16384xf32, #tpu.memory_space<hbm>>
    %dma_wait3A_455 = tpu.memref_slice %dma_wait3A_454[%mul3A_2] : memref<16384xf32, #tpu.memory_space<hbm>> -> memref<512xf32, #tpu.memory_space<hbm>>
    tpu.wait_dma2 semaphore(%arg18 : memref<!tpu.dma_semaphore, #tpu.memory_space<semaphore_mem>>) src(%dma_wait3A_455 : memref<512xf32, #tpu.memory_space<hbm>>) dst(%dma_wait3A_451 : memref<512xf32, #tpu.memory_space<vmem>>)
    %dma_wait3A_456 = arith.constant 9 : i32
    %dma_wait3A_457 = arith.constant 4608 : i32
    %dma_wait3A_458 = tpu.memref_slice %arg12[%dma_wait3A_457] : memref<13312xf32, #tpu.memory_space<vmem>> -> memref<512xf32, #tpu.memory_space<vmem>>
    %dma_wait3A_459 = arith.constant 0 : i32
    %dma_wait3A_460 = tpu.memref_slice %arg4[%dma_wait3A_456, %dma_wait3A_459] : memref<26x16384xf32, #tpu.memory_space<hbm>> -> memref<1x16384xf32, #tpu.memory_space<hbm>>
    %dma_wait3A_461 = tpu.memref_squeeze %dma_wait3A_460 : memref<1x16384xf32, #tpu.memory_space<hbm>> -> memref<16384xf32, #tpu.memory_space<hbm>>
    %dma_wait3A_462 = tpu.memref_slice %dma_wait3A_461[%mul3A_2] : memref<16384xf32, #tpu.memory_space<hbm>> -> memref<512xf32, #tpu.memory_space<hbm>>
    %dma_wait3A_463 = arith.constant 4608 : i32
    %dma_wait3A_464 = tpu.memref_slice %arg12[%dma_wait3A_463] : memref<13312xf32, #tpu.memory_space<vmem>> -> memref<512xf32, #tpu.memory_space<vmem>>
    %dma_wait3A_465 = arith.constant 0 : i32
    %dma_wait3A_466 = tpu.memref_slice %arg4[%dma_wait3A_456, %dma_wait3A_465] : memref<26x16384xf32, #tpu.memory_space<hbm>> -> memref<1x16384xf32, #tpu.memory_space<hbm>>
    %dma_wait3A_467 = tpu.memref_squeeze %dma_wait3A_466 : memref<1x16384xf32, #tpu.memory_space<hbm>> -> memref<16384xf32, #tpu.memory_space<hbm>>
    %dma_wait3A_468 = tpu.memref_slice %dma_wait3A_467[%mul3A_2] : memref<16384xf32, #tpu.memory_space<hbm>> -> memref<512xf32, #tpu.memory_space<hbm>>
    tpu.wait_dma2 semaphore(%arg18 : memref<!tpu.dma_semaphore, #tpu.memory_space<semaphore_mem>>) src(%dma_wait3A_468 : memref<512xf32, #tpu.memory_space<hbm>>) dst(%dma_wait3A_464 : memref<512xf32, #tpu.memory_space<vmem>>)
    %dma_wait3A_469 = arith.constant 10 : i32
    %dma_wait3A_470 = arith.constant 5120 : i32
    %dma_wait3A_471 = tpu.memref_slice %arg12[%dma_wait3A_470] : memref<13312xf32, #tpu.memory_space<vmem>> -> memref<512xf32, #tpu.memory_space<vmem>>
    %dma_wait3A_472 = arith.constant 0 : i32
    %dma_wait3A_473 = tpu.memref_slice %arg4[%dma_wait3A_469, %dma_wait3A_472] : memref<26x16384xf32, #tpu.memory_space<hbm>> -> memref<1x16384xf32, #tpu.memory_space<hbm>>
    %dma_wait3A_474 = tpu.memref_squeeze %dma_wait3A_473 : memref<1x16384xf32, #tpu.memory_space<hbm>> -> memref<16384xf32, #tpu.memory_space<hbm>>
    %dma_wait3A_475 = tpu.memref_slice %dma_wait3A_474[%mul3A_2] : memref<16384xf32, #tpu.memory_space<hbm>> -> memref<512xf32, #tpu.memory_space<hbm>>
    %dma_wait3A_476 = arith.constant 5120 : i32
    %dma_wait3A_477 = tpu.memref_slice %arg12[%dma_wait3A_476] : memref<13312xf32, #tpu.memory_space<vmem>> -> memref<512xf32, #tpu.memory_space<vmem>>
    %dma_wait3A_478 = arith.constant 0 : i32
    %dma_wait3A_479 = tpu.memref_slice %arg4[%dma_wait3A_469, %dma_wait3A_478] : memref<26x16384xf32, #tpu.memory_space<hbm>> -> memref<1x16384xf32, #tpu.memory_space<hbm>>
    %dma_wait3A_480 = tpu.memref_squeeze %dma_wait3A_479 : memref<1x16384xf32, #tpu.memory_space<hbm>> -> memref<16384xf32, #tpu.memory_space<hbm>>
    %dma_wait3A_481 = tpu.memref_slice %dma_wait3A_480[%mul3A_2] : memref<16384xf32, #tpu.memory_space<hbm>> -> memref<512xf32, #tpu.memory_space<hbm>>
    tpu.wait_dma2 semaphore(%arg18 : memref<!tpu.dma_semaphore, #tpu.memory_space<semaphore_mem>>) src(%dma_wait3A_481 : memref<512xf32, #tpu.memory_space<hbm>>) dst(%dma_wait3A_477 : memref<512xf32, #tpu.memory_space<vmem>>)
    %dma_wait3A_482 = arith.constant 11 : i32
    %dma_wait3A_483 = arith.constant 5632 : i32
    %dma_wait3A_484 = tpu.memref_slice %arg12[%dma_wait3A_483] : memref<13312xf32, #tpu.memory_space<vmem>> -> memref<512xf32, #tpu.memory_space<vmem>>
    %dma_wait3A_485 = arith.constant 0 : i32
    %dma_wait3A_486 = tpu.memref_slice %arg4[%dma_wait3A_482, %dma_wait3A_485] : memref<26x16384xf32, #tpu.memory_space<hbm>> -> memref<1x16384xf32, #tpu.memory_space<hbm>>
    %dma_wait3A_487 = tpu.memref_squeeze %dma_wait3A_486 : memref<1x16384xf32, #tpu.memory_space<hbm>> -> memref<16384xf32, #tpu.memory_space<hbm>>
    %dma_wait3A_488 = tpu.memref_slice %dma_wait3A_487[%mul3A_2] : memref<16384xf32, #tpu.memory_space<hbm>> -> memref<512xf32, #tpu.memory_space<hbm>>
    %dma_wait3A_489 = arith.constant 5632 : i32
    %dma_wait3A_490 = tpu.memref_slice %arg12[%dma_wait3A_489] : memref<13312xf32, #tpu.memory_space<vmem>> -> memref<512xf32, #tpu.memory_space<vmem>>
    %dma_wait3A_491 = arith.constant 0 : i32
    %dma_wait3A_492 = tpu.memref_slice %arg4[%dma_wait3A_482, %dma_wait3A_491] : memref<26x16384xf32, #tpu.memory_space<hbm>> -> memref<1x16384xf32, #tpu.memory_space<hbm>>
    %dma_wait3A_493 = tpu.memref_squeeze %dma_wait3A_492 : memref<1x16384xf32, #tpu.memory_space<hbm>> -> memref<16384xf32, #tpu.memory_space<hbm>>
    %dma_wait3A_494 = tpu.memref_slice %dma_wait3A_493[%mul3A_2] : memref<16384xf32, #tpu.memory_space<hbm>> -> memref<512xf32, #tpu.memory_space<hbm>>
    tpu.wait_dma2 semaphore(%arg18 : memref<!tpu.dma_semaphore, #tpu.memory_space<semaphore_mem>>) src(%dma_wait3A_494 : memref<512xf32, #tpu.memory_space<hbm>>) dst(%dma_wait3A_490 : memref<512xf32, #tpu.memory_space<vmem>>)
    %dma_wait3A_495 = arith.constant 12 : i32
    %dma_wait3A_496 = arith.constant 6144 : i32
    %dma_wait3A_497 = tpu.memref_slice %arg12[%dma_wait3A_496] : memref<13312xf32, #tpu.memory_space<vmem>> -> memref<512xf32, #tpu.memory_space<vmem>>
    %dma_wait3A_498 = arith.constant 0 : i32
    %dma_wait3A_499 = tpu.memref_slice %arg4[%dma_wait3A_495, %dma_wait3A_498] : memref<26x16384xf32, #tpu.memory_space<hbm>> -> memref<1x16384xf32, #tpu.memory_space<hbm>>
    %dma_wait3A_500 = tpu.memref_squeeze %dma_wait3A_499 : memref<1x16384xf32, #tpu.memory_space<hbm>> -> memref<16384xf32, #tpu.memory_space<hbm>>
    %dma_wait3A_501 = tpu.memref_slice %dma_wait3A_500[%mul3A_2] : memref<16384xf32, #tpu.memory_space<hbm>> -> memref<512xf32, #tpu.memory_space<hbm>>
    %dma_wait3A_502 = arith.constant 6144 : i32
    %dma_wait3A_503 = tpu.memref_slice %arg12[%dma_wait3A_502] : memref<13312xf32, #tpu.memory_space<vmem>> -> memref<512xf32, #tpu.memory_space<vmem>>
    %dma_wait3A_504 = arith.constant 0 : i32
    %dma_wait3A_505 = tpu.memref_slice %arg4[%dma_wait3A_495, %dma_wait3A_504] : memref<26x16384xf32, #tpu.memory_space<hbm>> -> memref<1x16384xf32, #tpu.memory_space<hbm>>
    %dma_wait3A_506 = tpu.memref_squeeze %dma_wait3A_505 : memref<1x16384xf32, #tpu.memory_space<hbm>> -> memref<16384xf32, #tpu.memory_space<hbm>>
    %dma_wait3A_507 = tpu.memref_slice %dma_wait3A_506[%mul3A_2] : memref<16384xf32, #tpu.memory_space<hbm>> -> memref<512xf32, #tpu.memory_space<hbm>>
    tpu.wait_dma2 semaphore(%arg18 : memref<!tpu.dma_semaphore, #tpu.memory_space<semaphore_mem>>) src(%dma_wait3A_507 : memref<512xf32, #tpu.memory_space<hbm>>) dst(%dma_wait3A_503 : memref<512xf32, #tpu.memory_space<vmem>>)
    %dma_wait3A_508 = arith.constant 13 : i32
    %dma_wait3A_509 = arith.constant 6656 : i32
    %dma_wait3A_510 = tpu.memref_slice %arg12[%dma_wait3A_509] : memref<13312xf32, #tpu.memory_space<vmem>> -> memref<512xf32, #tpu.memory_space<vmem>>
    %dma_wait3A_511 = arith.constant 0 : i32
    %dma_wait3A_512 = tpu.memref_slice %arg4[%dma_wait3A_508, %dma_wait3A_511] : memref<26x16384xf32, #tpu.memory_space<hbm>> -> memref<1x16384xf32, #tpu.memory_space<hbm>>
    %dma_wait3A_513 = tpu.memref_squeeze %dma_wait3A_512 : memref<1x16384xf32, #tpu.memory_space<hbm>> -> memref<16384xf32, #tpu.memory_space<hbm>>
    %dma_wait3A_514 = tpu.memref_slice %dma_wait3A_513[%mul3A_2] : memref<16384xf32, #tpu.memory_space<hbm>> -> memref<512xf32, #tpu.memory_space<hbm>>
    %dma_wait3A_515 = arith.constant 6656 : i32
    %dma_wait3A_516 = tpu.memref_slice %arg12[%dma_wait3A_515] : memref<13312xf32, #tpu.memory_space<vmem>> -> memref<512xf32, #tpu.memory_space<vmem>>
    %dma_wait3A_517 = arith.constant 0 : i32
    %dma_wait3A_518 = tpu.memref_slice %arg4[%dma_wait3A_508, %dma_wait3A_517] : memref<26x16384xf32, #tpu.memory_space<hbm>> -> memref<1x16384xf32, #tpu.memory_space<hbm>>
    %dma_wait3A_519 = tpu.memref_squeeze %dma_wait3A_518 : memref<1x16384xf32, #tpu.memory_space<hbm>> -> memref<16384xf32, #tpu.memory_space<hbm>>
    %dma_wait3A_520 = tpu.memref_slice %dma_wait3A_519[%mul3A_2] : memref<16384xf32, #tpu.memory_space<hbm>> -> memref<512xf32, #tpu.memory_space<hbm>>
    tpu.wait_dma2 semaphore(%arg18 : memref<!tpu.dma_semaphore, #tpu.memory_space<semaphore_mem>>) src(%dma_wait3A_520 : memref<512xf32, #tpu.memory_space<hbm>>) dst(%dma_wait3A_516 : memref<512xf32, #tpu.memory_space<vmem>>)
    %dma_wait3A_521 = arith.constant 14 : i32
    %dma_wait3A_522 = arith.constant 7168 : i32
    %dma_wait3A_523 = tpu.memref_slice %arg12[%dma_wait3A_522] : memref<13312xf32, #tpu.memory_space<vmem>> -> memref<512xf32, #tpu.memory_space<vmem>>
    %dma_wait3A_524 = arith.constant 0 : i32
    %dma_wait3A_525 = tpu.memref_slice %arg4[%dma_wait3A_521, %dma_wait3A_524] : memref<26x16384xf32, #tpu.memory_space<hbm>> -> memref<1x16384xf32, #tpu.memory_space<hbm>>
    %dma_wait3A_526 = tpu.memref_squeeze %dma_wait3A_525 : memref<1x16384xf32, #tpu.memory_space<hbm>> -> memref<16384xf32, #tpu.memory_space<hbm>>
    %dma_wait3A_527 = tpu.memref_slice %dma_wait3A_526[%mul3A_2] : memref<16384xf32, #tpu.memory_space<hbm>> -> memref<512xf32, #tpu.memory_space<hbm>>
    %dma_wait3A_528 = arith.constant 7168 : i32
    %dma_wait3A_529 = tpu.memref_slice %arg12[%dma_wait3A_528] : memref<13312xf32, #tpu.memory_space<vmem>> -> memref<512xf32, #tpu.memory_space<vmem>>
    %dma_wait3A_530 = arith.constant 0 : i32
    %dma_wait3A_531 = tpu.memref_slice %arg4[%dma_wait3A_521, %dma_wait3A_530] : memref<26x16384xf32, #tpu.memory_space<hbm>> -> memref<1x16384xf32, #tpu.memory_space<hbm>>
    %dma_wait3A_532 = tpu.memref_squeeze %dma_wait3A_531 : memref<1x16384xf32, #tpu.memory_space<hbm>> -> memref<16384xf32, #tpu.memory_space<hbm>>
    %dma_wait3A_533 = tpu.memref_slice %dma_wait3A_532[%mul3A_2] : memref<16384xf32, #tpu.memory_space<hbm>> -> memref<512xf32, #tpu.memory_space<hbm>>
    tpu.wait_dma2 semaphore(%arg18 : memref<!tpu.dma_semaphore, #tpu.memory_space<semaphore_mem>>) src(%dma_wait3A_533 : memref<512xf32, #tpu.memory_space<hbm>>) dst(%dma_wait3A_529 : memref<512xf32, #tpu.memory_space<vmem>>)
    %dma_wait3A_534 = arith.constant 15 : i32
    %dma_wait3A_535 = arith.constant 7680 : i32
    %dma_wait3A_536 = tpu.memref_slice %arg12[%dma_wait3A_535] : memref<13312xf32, #tpu.memory_space<vmem>> -> memref<512xf32, #tpu.memory_space<vmem>>
    %dma_wait3A_537 = arith.constant 0 : i32
    %dma_wait3A_538 = tpu.memref_slice %arg4[%dma_wait3A_534, %dma_wait3A_537] : memref<26x16384xf32, #tpu.memory_space<hbm>> -> memref<1x16384xf32, #tpu.memory_space<hbm>>
    %dma_wait3A_539 = tpu.memref_squeeze %dma_wait3A_538 : memref<1x16384xf32, #tpu.memory_space<hbm>> -> memref<16384xf32, #tpu.memory_space<hbm>>
    %dma_wait3A_540 = tpu.memref_slice %dma_wait3A_539[%mul3A_2] : memref<16384xf32, #tpu.memory_space<hbm>> -> memref<512xf32, #tpu.memory_space<hbm>>
    %dma_wait3A_541 = arith.constant 7680 : i32
    %dma_wait3A_542 = tpu.memref_slice %arg12[%dma_wait3A_541] : memref<13312xf32, #tpu.memory_space<vmem>> -> memref<512xf32, #tpu.memory_space<vmem>>
    %dma_wait3A_543 = arith.constant 0 : i32
    %dma_wait3A_544 = tpu.memref_slice %arg4[%dma_wait3A_534, %dma_wait3A_543] : memref<26x16384xf32, #tpu.memory_space<hbm>> -> memref<1x16384xf32, #tpu.memory_space<hbm>>
    %dma_wait3A_545 = tpu.memref_squeeze %dma_wait3A_544 : memref<1x16384xf32, #tpu.memory_space<hbm>> -> memref<16384xf32, #tpu.memory_space<hbm>>
    %dma_wait3A_546 = tpu.memref_slice %dma_wait3A_545[%mul3A_2] : memref<16384xf32, #tpu.memory_space<hbm>> -> memref<512xf32, #tpu.memory_space<hbm>>
    tpu.wait_dma2 semaphore(%arg18 : memref<!tpu.dma_semaphore, #tpu.memory_space<semaphore_mem>>) src(%dma_wait3A_546 : memref<512xf32, #tpu.memory_space<hbm>>) dst(%dma_wait3A_542 : memref<512xf32, #tpu.memory_space<vmem>>)
    %dma_wait3A_547 = arith.constant 16 : i32
    %dma_wait3A_548 = arith.constant 8192 : i32
    %dma_wait3A_549 = tpu.memref_slice %arg12[%dma_wait3A_548] : memref<13312xf32, #tpu.memory_space<vmem>> -> memref<512xf32, #tpu.memory_space<vmem>>
    %dma_wait3A_550 = arith.constant 0 : i32
    %dma_wait3A_551 = tpu.memref_slice %arg4[%dma_wait3A_547, %dma_wait3A_550] : memref<26x16384xf32, #tpu.memory_space<hbm>> -> memref<1x16384xf32, #tpu.memory_space<hbm>>
    %dma_wait3A_552 = tpu.memref_squeeze %dma_wait3A_551 : memref<1x16384xf32, #tpu.memory_space<hbm>> -> memref<16384xf32, #tpu.memory_space<hbm>>
    %dma_wait3A_553 = tpu.memref_slice %dma_wait3A_552[%mul3A_2] : memref<16384xf32, #tpu.memory_space<hbm>> -> memref<512xf32, #tpu.memory_space<hbm>>
    %dma_wait3A_554 = arith.constant 8192 : i32
    %dma_wait3A_555 = tpu.memref_slice %arg12[%dma_wait3A_554] : memref<13312xf32, #tpu.memory_space<vmem>> -> memref<512xf32, #tpu.memory_space<vmem>>
    %dma_wait3A_556 = arith.constant 0 : i32
    %dma_wait3A_557 = tpu.memref_slice %arg4[%dma_wait3A_547, %dma_wait3A_556] : memref<26x16384xf32, #tpu.memory_space<hbm>> -> memref<1x16384xf32, #tpu.memory_space<hbm>>
    %dma_wait3A_558 = tpu.memref_squeeze %dma_wait3A_557 : memref<1x16384xf32, #tpu.memory_space<hbm>> -> memref<16384xf32, #tpu.memory_space<hbm>>
    %dma_wait3A_559 = tpu.memref_slice %dma_wait3A_558[%mul3A_2] : memref<16384xf32, #tpu.memory_space<hbm>> -> memref<512xf32, #tpu.memory_space<hbm>>
    tpu.wait_dma2 semaphore(%arg18 : memref<!tpu.dma_semaphore, #tpu.memory_space<semaphore_mem>>) src(%dma_wait3A_559 : memref<512xf32, #tpu.memory_space<hbm>>) dst(%dma_wait3A_555 : memref<512xf32, #tpu.memory_space<vmem>>)
    %dma_wait3A_560 = arith.constant 17 : i32
    %dma_wait3A_561 = arith.constant 8704 : i32
    %dma_wait3A_562 = tpu.memref_slice %arg12[%dma_wait3A_561] : memref<13312xf32, #tpu.memory_space<vmem>> -> memref<512xf32, #tpu.memory_space<vmem>>
    %dma_wait3A_563 = arith.constant 0 : i32
    %dma_wait3A_564 = tpu.memref_slice %arg4[%dma_wait3A_560, %dma_wait3A_563] : memref<26x16384xf32, #tpu.memory_space<hbm>> -> memref<1x16384xf32, #tpu.memory_space<hbm>>
    %dma_wait3A_565 = tpu.memref_squeeze %dma_wait3A_564 : memref<1x16384xf32, #tpu.memory_space<hbm>> -> memref<16384xf32, #tpu.memory_space<hbm>>
    %dma_wait3A_566 = tpu.memref_slice %dma_wait3A_565[%mul3A_2] : memref<16384xf32, #tpu.memory_space<hbm>> -> memref<512xf32, #tpu.memory_space<hbm>>
    %dma_wait3A_567 = arith.constant 8704 : i32
    %dma_wait3A_568 = tpu.memref_slice %arg12[%dma_wait3A_567] : memref<13312xf32, #tpu.memory_space<vmem>> -> memref<512xf32, #tpu.memory_space<vmem>>
    %dma_wait3A_569 = arith.constant 0 : i32
    %dma_wait3A_570 = tpu.memref_slice %arg4[%dma_wait3A_560, %dma_wait3A_569] : memref<26x16384xf32, #tpu.memory_space<hbm>> -> memref<1x16384xf32, #tpu.memory_space<hbm>>
    %dma_wait3A_571 = tpu.memref_squeeze %dma_wait3A_570 : memref<1x16384xf32, #tpu.memory_space<hbm>> -> memref<16384xf32, #tpu.memory_space<hbm>>
    %dma_wait3A_572 = tpu.memref_slice %dma_wait3A_571[%mul3A_2] : memref<16384xf32, #tpu.memory_space<hbm>> -> memref<512xf32, #tpu.memory_space<hbm>>
    tpu.wait_dma2 semaphore(%arg18 : memref<!tpu.dma_semaphore, #tpu.memory_space<semaphore_mem>>) src(%dma_wait3A_572 : memref<512xf32, #tpu.memory_space<hbm>>) dst(%dma_wait3A_568 : memref<512xf32, #tpu.memory_space<vmem>>)
    %dma_wait3A_573 = arith.constant 18 : i32
    %dma_wait3A_574 = arith.constant 9216 : i32
    %dma_wait3A_575 = tpu.memref_slice %arg12[%dma_wait3A_574] : memref<13312xf32, #tpu.memory_space<vmem>> -> memref<512xf32, #tpu.memory_space<vmem>>
    %dma_wait3A_576 = arith.constant 0 : i32
    %dma_wait3A_577 = tpu.memref_slice %arg4[%dma_wait3A_573, %dma_wait3A_576] : memref<26x16384xf32, #tpu.memory_space<hbm>> -> memref<1x16384xf32, #tpu.memory_space<hbm>>
    %dma_wait3A_578 = tpu.memref_squeeze %dma_wait3A_577 : memref<1x16384xf32, #tpu.memory_space<hbm>> -> memref<16384xf32, #tpu.memory_space<hbm>>
    %dma_wait3A_579 = tpu.memref_slice %dma_wait3A_578[%mul3A_2] : memref<16384xf32, #tpu.memory_space<hbm>> -> memref<512xf32, #tpu.memory_space<hbm>>
    %dma_wait3A_580 = arith.constant 9216 : i32
    %dma_wait3A_581 = tpu.memref_slice %arg12[%dma_wait3A_580] : memref<13312xf32, #tpu.memory_space<vmem>> -> memref<512xf32, #tpu.memory_space<vmem>>
    %dma_wait3A_582 = arith.constant 0 : i32
    %dma_wait3A_583 = tpu.memref_slice %arg4[%dma_wait3A_573, %dma_wait3A_582] : memref<26x16384xf32, #tpu.memory_space<hbm>> -> memref<1x16384xf32, #tpu.memory_space<hbm>>
    %dma_wait3A_584 = tpu.memref_squeeze %dma_wait3A_583 : memref<1x16384xf32, #tpu.memory_space<hbm>> -> memref<16384xf32, #tpu.memory_space<hbm>>
    %dma_wait3A_585 = tpu.memref_slice %dma_wait3A_584[%mul3A_2] : memref<16384xf32, #tpu.memory_space<hbm>> -> memref<512xf32, #tpu.memory_space<hbm>>
    tpu.wait_dma2 semaphore(%arg18 : memref<!tpu.dma_semaphore, #tpu.memory_space<semaphore_mem>>) src(%dma_wait3A_585 : memref<512xf32, #tpu.memory_space<hbm>>) dst(%dma_wait3A_581 : memref<512xf32, #tpu.memory_space<vmem>>)
    %dma_wait3A_586 = arith.constant 19 : i32
    %dma_wait3A_587 = arith.constant 9728 : i32
    %dma_wait3A_588 = tpu.memref_slice %arg12[%dma_wait3A_587] : memref<13312xf32, #tpu.memory_space<vmem>> -> memref<512xf32, #tpu.memory_space<vmem>>
    %dma_wait3A_589 = arith.constant 0 : i32
    %dma_wait3A_590 = tpu.memref_slice %arg4[%dma_wait3A_586, %dma_wait3A_589] : memref<26x16384xf32, #tpu.memory_space<hbm>> -> memref<1x16384xf32, #tpu.memory_space<hbm>>
    %dma_wait3A_591 = tpu.memref_squeeze %dma_wait3A_590 : memref<1x16384xf32, #tpu.memory_space<hbm>> -> memref<16384xf32, #tpu.memory_space<hbm>>
    %dma_wait3A_592 = tpu.memref_slice %dma_wait3A_591[%mul3A_2] : memref<16384xf32, #tpu.memory_space<hbm>> -> memref<512xf32, #tpu.memory_space<hbm>>
    %dma_wait3A_593 = arith.constant 9728 : i32
    %dma_wait3A_594 = tpu.memref_slice %arg12[%dma_wait3A_593] : memref<13312xf32, #tpu.memory_space<vmem>> -> memref<512xf32, #tpu.memory_space<vmem>>
    %dma_wait3A_595 = arith.constant 0 : i32
    %dma_wait3A_596 = tpu.memref_slice %arg4[%dma_wait3A_586, %dma_wait3A_595] : memref<26x16384xf32, #tpu.memory_space<hbm>> -> memref<1x16384xf32, #tpu.memory_space<hbm>>
    %dma_wait3A_597 = tpu.memref_squeeze %dma_wait3A_596 : memref<1x16384xf32, #tpu.memory_space<hbm>> -> memref<16384xf32, #tpu.memory_space<hbm>>
    %dma_wait3A_598 = tpu.memref_slice %dma_wait3A_597[%mul3A_2] : memref<16384xf32, #tpu.memory_space<hbm>> -> memref<512xf32, #tpu.memory_space<hbm>>
    tpu.wait_dma2 semaphore(%arg18 : memref<!tpu.dma_semaphore, #tpu.memory_space<semaphore_mem>>) src(%dma_wait3A_598 : memref<512xf32, #tpu.memory_space<hbm>>) dst(%dma_wait3A_594 : memref<512xf32, #tpu.memory_space<vmem>>)
    %dma_wait3A_599 = arith.constant 20 : i32
    %dma_wait3A_600 = arith.constant 10240 : i32
    %dma_wait3A_601 = tpu.memref_slice %arg12[%dma_wait3A_600] : memref<13312xf32, #tpu.memory_space<vmem>> -> memref<512xf32, #tpu.memory_space<vmem>>
    %dma_wait3A_602 = arith.constant 0 : i32
    %dma_wait3A_603 = tpu.memref_slice %arg4[%dma_wait3A_599, %dma_wait3A_602] : memref<26x16384xf32, #tpu.memory_space<hbm>> -> memref<1x16384xf32, #tpu.memory_space<hbm>>
    %dma_wait3A_604 = tpu.memref_squeeze %dma_wait3A_603 : memref<1x16384xf32, #tpu.memory_space<hbm>> -> memref<16384xf32, #tpu.memory_space<hbm>>
    %dma_wait3A_605 = tpu.memref_slice %dma_wait3A_604[%mul3A_2] : memref<16384xf32, #tpu.memory_space<hbm>> -> memref<512xf32, #tpu.memory_space<hbm>>
    %dma_wait3A_606 = arith.constant 10240 : i32
    %dma_wait3A_607 = tpu.memref_slice %arg12[%dma_wait3A_606] : memref<13312xf32, #tpu.memory_space<vmem>> -> memref<512xf32, #tpu.memory_space<vmem>>
    %dma_wait3A_608 = arith.constant 0 : i32
    %dma_wait3A_609 = tpu.memref_slice %arg4[%dma_wait3A_599, %dma_wait3A_608] : memref<26x16384xf32, #tpu.memory_space<hbm>> -> memref<1x16384xf32, #tpu.memory_space<hbm>>
    %dma_wait3A_610 = tpu.memref_squeeze %dma_wait3A_609 : memref<1x16384xf32, #tpu.memory_space<hbm>> -> memref<16384xf32, #tpu.memory_space<hbm>>
    %dma_wait3A_611 = tpu.memref_slice %dma_wait3A_610[%mul3A_2] : memref<16384xf32, #tpu.memory_space<hbm>> -> memref<512xf32, #tpu.memory_space<hbm>>
    tpu.wait_dma2 semaphore(%arg18 : memref<!tpu.dma_semaphore, #tpu.memory_space<semaphore_mem>>) src(%dma_wait3A_611 : memref<512xf32, #tpu.memory_space<hbm>>) dst(%dma_wait3A_607 : memref<512xf32, #tpu.memory_space<vmem>>)
    %dma_wait3A_612 = arith.constant 21 : i32
    %dma_wait3A_613 = arith.constant 10752 : i32
    %dma_wait3A_614 = tpu.memref_slice %arg12[%dma_wait3A_613] : memref<13312xf32, #tpu.memory_space<vmem>> -> memref<512xf32, #tpu.memory_space<vmem>>
    %dma_wait3A_615 = arith.constant 0 : i32
    %dma_wait3A_616 = tpu.memref_slice %arg4[%dma_wait3A_612, %dma_wait3A_615] : memref<26x16384xf32, #tpu.memory_space<hbm>> -> memref<1x16384xf32, #tpu.memory_space<hbm>>
    %dma_wait3A_617 = tpu.memref_squeeze %dma_wait3A_616 : memref<1x16384xf32, #tpu.memory_space<hbm>> -> memref<16384xf32, #tpu.memory_space<hbm>>
    %dma_wait3A_618 = tpu.memref_slice %dma_wait3A_617[%mul3A_2] : memref<16384xf32, #tpu.memory_space<hbm>> -> memref<512xf32, #tpu.memory_space<hbm>>
    %dma_wait3A_619 = arith.constant 10752 : i32
    %dma_wait3A_620 = tpu.memref_slice %arg12[%dma_wait3A_619] : memref<13312xf32, #tpu.memory_space<vmem>> -> memref<512xf32, #tpu.memory_space<vmem>>
    %dma_wait3A_621 = arith.constant 0 : i32
    %dma_wait3A_622 = tpu.memref_slice %arg4[%dma_wait3A_612, %dma_wait3A_621] : memref<26x16384xf32, #tpu.memory_space<hbm>> -> memref<1x16384xf32, #tpu.memory_space<hbm>>
    %dma_wait3A_623 = tpu.memref_squeeze %dma_wait3A_622 : memref<1x16384xf32, #tpu.memory_space<hbm>> -> memref<16384xf32, #tpu.memory_space<hbm>>
    %dma_wait3A_624 = tpu.memref_slice %dma_wait3A_623[%mul3A_2] : memref<16384xf32, #tpu.memory_space<hbm>> -> memref<512xf32, #tpu.memory_space<hbm>>
    tpu.wait_dma2 semaphore(%arg18 : memref<!tpu.dma_semaphore, #tpu.memory_space<semaphore_mem>>) src(%dma_wait3A_624 : memref<512xf32, #tpu.memory_space<hbm>>) dst(%dma_wait3A_620 : memref<512xf32, #tpu.memory_space<vmem>>)
    %dma_wait3A_625 = arith.constant 22 : i32
    %dma_wait3A_626 = arith.constant 11264 : i32
    %dma_wait3A_627 = tpu.memref_slice %arg12[%dma_wait3A_626] : memref<13312xf32, #tpu.memory_space<vmem>> -> memref<512xf32, #tpu.memory_space<vmem>>
    %dma_wait3A_628 = arith.constant 0 : i32
    %dma_wait3A_629 = tpu.memref_slice %arg4[%dma_wait3A_625, %dma_wait3A_628] : memref<26x16384xf32, #tpu.memory_space<hbm>> -> memref<1x16384xf32, #tpu.memory_space<hbm>>
    %dma_wait3A_630 = tpu.memref_squeeze %dma_wait3A_629 : memref<1x16384xf32, #tpu.memory_space<hbm>> -> memref<16384xf32, #tpu.memory_space<hbm>>
    %dma_wait3A_631 = tpu.memref_slice %dma_wait3A_630[%mul3A_2] : memref<16384xf32, #tpu.memory_space<hbm>> -> memref<512xf32, #tpu.memory_space<hbm>>
    %dma_wait3A_632 = arith.constant 11264 : i32
    %dma_wait3A_633 = tpu.memref_slice %arg12[%dma_wait3A_632] : memref<13312xf32, #tpu.memory_space<vmem>> -> memref<512xf32, #tpu.memory_space<vmem>>
    %dma_wait3A_634 = arith.constant 0 : i32
    %dma_wait3A_635 = tpu.memref_slice %arg4[%dma_wait3A_625, %dma_wait3A_634] : memref<26x16384xf32, #tpu.memory_space<hbm>> -> memref<1x16384xf32, #tpu.memory_space<hbm>>
    %dma_wait3A_636 = tpu.memref_squeeze %dma_wait3A_635 : memref<1x16384xf32, #tpu.memory_space<hbm>> -> memref<16384xf32, #tpu.memory_space<hbm>>
    %dma_wait3A_637 = tpu.memref_slice %dma_wait3A_636[%mul3A_2] : memref<16384xf32, #tpu.memory_space<hbm>> -> memref<512xf32, #tpu.memory_space<hbm>>
    tpu.wait_dma2 semaphore(%arg18 : memref<!tpu.dma_semaphore, #tpu.memory_space<semaphore_mem>>) src(%dma_wait3A_637 : memref<512xf32, #tpu.memory_space<hbm>>) dst(%dma_wait3A_633 : memref<512xf32, #tpu.memory_space<vmem>>)
    %dma_wait3A_638 = arith.constant 23 : i32
    %dma_wait3A_639 = arith.constant 11776 : i32
    %dma_wait3A_640 = tpu.memref_slice %arg12[%dma_wait3A_639] : memref<13312xf32, #tpu.memory_space<vmem>> -> memref<512xf32, #tpu.memory_space<vmem>>
    %dma_wait3A_641 = arith.constant 0 : i32
    %dma_wait3A_642 = tpu.memref_slice %arg4[%dma_wait3A_638, %dma_wait3A_641] : memref<26x16384xf32, #tpu.memory_space<hbm>> -> memref<1x16384xf32, #tpu.memory_space<hbm>>
    %dma_wait3A_643 = tpu.memref_squeeze %dma_wait3A_642 : memref<1x16384xf32, #tpu.memory_space<hbm>> -> memref<16384xf32, #tpu.memory_space<hbm>>
    %dma_wait3A_644 = tpu.memref_slice %dma_wait3A_643[%mul3A_2] : memref<16384xf32, #tpu.memory_space<hbm>> -> memref<512xf32, #tpu.memory_space<hbm>>
    %dma_wait3A_645 = arith.constant 11776 : i32
    %dma_wait3A_646 = tpu.memref_slice %arg12[%dma_wait3A_645] : memref<13312xf32, #tpu.memory_space<vmem>> -> memref<512xf32, #tpu.memory_space<vmem>>
    %dma_wait3A_647 = arith.constant 0 : i32
    %dma_wait3A_648 = tpu.memref_slice %arg4[%dma_wait3A_638, %dma_wait3A_647] : memref<26x16384xf32, #tpu.memory_space<hbm>> -> memref<1x16384xf32, #tpu.memory_space<hbm>>
    %dma_wait3A_649 = tpu.memref_squeeze %dma_wait3A_648 : memref<1x16384xf32, #tpu.memory_space<hbm>> -> memref<16384xf32, #tpu.memory_space<hbm>>
    %dma_wait3A_650 = tpu.memref_slice %dma_wait3A_649[%mul3A_2] : memref<16384xf32, #tpu.memory_space<hbm>> -> memref<512xf32, #tpu.memory_space<hbm>>
    tpu.wait_dma2 semaphore(%arg18 : memref<!tpu.dma_semaphore, #tpu.memory_space<semaphore_mem>>) src(%dma_wait3A_650 : memref<512xf32, #tpu.memory_space<hbm>>) dst(%dma_wait3A_646 : memref<512xf32, #tpu.memory_space<vmem>>)
    %dma_wait3A_651 = arith.constant 24 : i32
    %dma_wait3A_652 = arith.constant 12288 : i32
    %dma_wait3A_653 = tpu.memref_slice %arg12[%dma_wait3A_652] : memref<13312xf32, #tpu.memory_space<vmem>> -> memref<512xf32, #tpu.memory_space<vmem>>
    %dma_wait3A_654 = arith.constant 0 : i32
    %dma_wait3A_655 = tpu.memref_slice %arg4[%dma_wait3A_651, %dma_wait3A_654] : memref<26x16384xf32, #tpu.memory_space<hbm>> -> memref<1x16384xf32, #tpu.memory_space<hbm>>
    %dma_wait3A_656 = tpu.memref_squeeze %dma_wait3A_655 : memref<1x16384xf32, #tpu.memory_space<hbm>> -> memref<16384xf32, #tpu.memory_space<hbm>>
    %dma_wait3A_657 = tpu.memref_slice %dma_wait3A_656[%mul3A_2] : memref<16384xf32, #tpu.memory_space<hbm>> -> memref<512xf32, #tpu.memory_space<hbm>>
    %dma_wait3A_658 = arith.constant 12288 : i32
    %dma_wait3A_659 = tpu.memref_slice %arg12[%dma_wait3A_658] : memref<13312xf32, #tpu.memory_space<vmem>> -> memref<512xf32, #tpu.memory_space<vmem>>
    %dma_wait3A_660 = arith.constant 0 : i32
    %dma_wait3A_661 = tpu.memref_slice %arg4[%dma_wait3A_651, %dma_wait3A_660] : memref<26x16384xf32, #tpu.memory_space<hbm>> -> memref<1x16384xf32, #tpu.memory_space<hbm>>
    %dma_wait3A_662 = tpu.memref_squeeze %dma_wait3A_661 : memref<1x16384xf32, #tpu.memory_space<hbm>> -> memref<16384xf32, #tpu.memory_space<hbm>>
    %dma_wait3A_663 = tpu.memref_slice %dma_wait3A_662[%mul3A_2] : memref<16384xf32, #tpu.memory_space<hbm>> -> memref<512xf32, #tpu.memory_space<hbm>>
    tpu.wait_dma2 semaphore(%arg18 : memref<!tpu.dma_semaphore, #tpu.memory_space<semaphore_mem>>) src(%dma_wait3A_663 : memref<512xf32, #tpu.memory_space<hbm>>) dst(%dma_wait3A_659 : memref<512xf32, #tpu.memory_space<vmem>>)
    %dma_wait3A_664 = arith.constant 25 : i32
    %dma_wait3A_665 = arith.constant 12800 : i32
    %dma_wait3A_666 = tpu.memref_slice %arg12[%dma_wait3A_665] : memref<13312xf32, #tpu.memory_space<vmem>> -> memref<512xf32, #tpu.memory_space<vmem>>
    %dma_wait3A_667 = arith.constant 0 : i32
    %dma_wait3A_668 = tpu.memref_slice %arg4[%dma_wait3A_664, %dma_wait3A_667] : memref<26x16384xf32, #tpu.memory_space<hbm>> -> memref<1x16384xf32, #tpu.memory_space<hbm>>
    %dma_wait3A_669 = tpu.memref_squeeze %dma_wait3A_668 : memref<1x16384xf32, #tpu.memory_space<hbm>> -> memref<16384xf32, #tpu.memory_space<hbm>>
    %dma_wait3A_670 = tpu.memref_slice %dma_wait3A_669[%mul3A_2] : memref<16384xf32, #tpu.memory_space<hbm>> -> memref<512xf32, #tpu.memory_space<hbm>>
    %dma_wait3A_671 = arith.constant 12800 : i32
    %dma_wait3A_672 = tpu.memref_slice %arg12[%dma_wait3A_671] : memref<13312xf32, #tpu.memory_space<vmem>> -> memref<512xf32, #tpu.memory_space<vmem>>
    %dma_wait3A_673 = arith.constant 0 : i32
    %dma_wait3A_674 = tpu.memref_slice %arg4[%dma_wait3A_664, %dma_wait3A_673] : memref<26x16384xf32, #tpu.memory_space<hbm>> -> memref<1x16384xf32, #tpu.memory_space<hbm>>
    %dma_wait3A_675 = tpu.memref_squeeze %dma_wait3A_674 : memref<1x16384xf32, #tpu.memory_space<hbm>> -> memref<16384xf32, #tpu.memory_space<hbm>>
    %dma_wait3A_676 = tpu.memref_slice %dma_wait3A_675[%mul3A_2] : memref<16384xf32, #tpu.memory_space<hbm>> -> memref<512xf32, #tpu.memory_space<hbm>>
    tpu.wait_dma2 semaphore(%arg18 : memref<!tpu.dma_semaphore, #tpu.memory_space<semaphore_mem>>) src(%dma_wait3A_676 : memref<512xf32, #tpu.memory_space<hbm>>) dst(%dma_wait3A_672 : memref<512xf32, #tpu.memory_space<vmem>>)
    %iota3A = tpu.iota {dimensions = array<i32: 0>} : vector<16xi32>
    %gather3A = tpu.vector_load_idx %arg13[%iota3A] : memref<48xf32, #tpu.memory_space<vmem>>[vector<16xi32>], vector<16xf32>,
    %add3A_677 = arith.constant 16 : i32
    %add3A_678 = vector.broadcast %add3A_677 : i32 to vector<16xi32>
    %add3A_679 = arith.addi %iota3A, %add3A_678 : vector<16xi32>
    %gather3A_680 = tpu.vector_load_idx %arg13[%add3A_679] : memref<48xf32, #tpu.memory_space<vmem>>[vector<16xi32>], vector<16xf32>,
    %add3A_681 = arith.constant 32 : i32
    %add3A_682 = vector.broadcast %add3A_681 : i32 to vector<16xi32>
    %add3A_683 = arith.addi %iota3A, %add3A_682 : vector<16xi32>
    %gather3A_684 = tpu.vector_load_idx %arg13[%add3A_683] : memref<48xf32, #tpu.memory_space<vmem>>[vector<16xi32>], vector<16xf32>,
    %broadcast_in_dim3A = arith.constant 127 : i32
    %broadcast_in_dim3A_685 = vector.broadcast %broadcast_in_dim3A : i32 to vector<16xi32>
    %scan3A = arith.constant -128 : i32
    %scan3A_686 = arith.constant 0 : i32
    %scan3A_687 = arith.constant 32 : i32
    %scan3A_688 = arith.addi %scan3A_686, %scan3A_687 : i32
    %scan3A_689 = arith.constant 1 : i32
    scf.for %scan3A_691 = %scan3A_686 to %scan3A_688 step %scan3A_689  : i32 {
      %mul3A_692 = arith.constant 16 : i32
      %mul3A_693 = arith.muli %scan3A_691, %mul3A_692 : i32
      %add3A_694 = vector.broadcast %mul3A_693 : i32 to vector<16xi32>
      %add3A_695 = arith.addi %add3A_694, %iota3A : vector<16xi32>
      %gather3A_696 = tpu.vector_load_idx %arg10[%add3A_695] : memref<512xi32, #tpu.memory_space<vmem>>[vector<16xi32>], vector<16xi32>,
      %gather3A_697 = tpu.vector_load_idx %arg11[%add3A_695] : memref<512xi32, #tpu.memory_space<vmem>>[vector<16xi32>], vector<16xi32>,
      %and3A = arith.andi %gather3A_696, %broadcast_in_dim3A_685 : vector<16xi32>
      %and3A_698 = arith.andi %gather3A_697, %broadcast_in_dim3A_685 : vector<16xi32>
      %slice3A = vector.extract_strided_slice %gather3A_696 {offsets = [0], sizes = [1], strides = [1]} : vector<16xi32> to vector<1xi32>
      %squeeze3A = vector.extract %slice3A[0] : i32 from vector<1xi32>
      %and3A_699 = arith.andi %squeeze3A, %scan3A : i32
      %multiple_of3A = tpu.assume_multiple %and3A_699, 128 : i32
      %slice3A_700 = vector.extract_strided_slice %gather3A_697 {offsets = [0], sizes = [1], strides = [1]} : vector<16xi32> to vector<1xi32>
      %squeeze3A_701 = vector.extract %slice3A_700[0] : i32 from vector<1xi32>
      %and3A_702 = arith.andi %squeeze3A_701, %scan3A : i32
      %multiple_of3A_703 = tpu.assume_multiple %and3A_702, 128 : i32
      %dma_start3A_704 = arith.constant 0 : i32
      %dma_start3A_705 = arith.constant 0 : i32
      %dma_start3A_706 = arith.constant 0 : i32
      %dma_start3A_707 = arith.constant 0 : i32
      %dma_start3A_708 = tpu.memref_slice %arg14[%dma_start3A_704, %dma_start3A_705, %dma_start3A_706, %dma_start3A_707] : memref<16x2x8x128xf32, #tpu.memory_space<vmem>> -> memref<1x2x8x128xf32, #tpu.memory_space<vmem>>
      %dma_start3A_709 = tpu.memref_squeeze %dma_start3A_708 : memref<1x2x8x128xf32, #tpu.memory_space<vmem>> -> memref<2x8x128xf32, #tpu.memory_space<vmem>>
      %dma_start3A_710 = arith.constant 0 : i32
      %dma_start3A_711 = arith.constant 0 : i32
      %dma_start3A_712 = tpu.memref_slice %arg5[%dma_start3A_710, %dma_start3A_711, %multiple_of3A] : memref<2x8x1000000xf32, #tpu.memory_space<hbm>> -> memref<2x8x128xf32, #tpu.memory_space<hbm>>
      %dma_start3A_713 = arith.constant 0 : i32
      %dma_start3A_714 = arith.constant 0 : i32
      %dma_start3A_715 = arith.constant 0 : i32
      %dma_start3A_716 = tpu.memref_slice %arg14[%dma_start3A_704, %dma_start3A_713, %dma_start3A_714, %dma_start3A_715] : memref<16x2x8x128xf32, #tpu.memory_space<vmem>> -> memref<1x2x8x128xf32, #tpu.memory_space<vmem>>
      %dma_start3A_717 = tpu.memref_squeeze %dma_start3A_716 : memref<1x2x8x128xf32, #tpu.memory_space<vmem>> -> memref<2x8x128xf32, #tpu.memory_space<vmem>>
      %dma_start3A_718 = arith.constant 0 : i32
      %dma_start3A_719 = arith.constant 0 : i32
      %dma_start3A_720 = tpu.memref_slice %arg5[%dma_start3A_718, %dma_start3A_719, %multiple_of3A] : memref<2x8x1000000xf32, #tpu.memory_space<hbm>> -> memref<2x8x128xf32, #tpu.memory_space<hbm>>
      tpu.enqueue_dma source(%dma_start3A_720 : memref<2x8x128xf32, #tpu.memory_space<hbm>>) target(%dma_start3A_717 : memref<2x8x128xf32, #tpu.memory_space<vmem>>) target_semaphore(%arg19 : memref<!tpu.dma_semaphore, #tpu.memory_space<semaphore_mem>>)
      %dma_start3A_721 = arith.constant 0 : i32
      %dma_start3A_722 = arith.constant 0 : i32
      %dma_start3A_723 = arith.constant 0 : i32
      %dma_start3A_724 = arith.constant 0 : i32
      %dma_start3A_725 = tpu.memref_slice %arg15[%dma_start3A_721, %dma_start3A_722, %dma_start3A_723, %dma_start3A_724] : memref<16x2x8x128xf32, #tpu.memory_space<vmem>> -> memref<1x2x8x128xf32, #tpu.memory_space<vmem>>
      %dma_start3A_726 = tpu.memref_squeeze %dma_start3A_725 : memref<1x2x8x128xf32, #tpu.memory_space<vmem>> -> memref<2x8x128xf32, #tpu.memory_space<vmem>>
      %dma_start3A_727 = arith.constant 0 : i32
      %dma_start3A_728 = arith.constant 0 : i32
      %dma_start3A_729 = tpu.memref_slice %arg6[%dma_start3A_727, %dma_start3A_728, %multiple_of3A_703] : memref<2x8x1000000xf32, #tpu.memory_space<hbm>> -> memref<2x8x128xf32, #tpu.memory_space<hbm>>
      %dma_start3A_730 = arith.constant 0 : i32
      %dma_start3A_731 = arith.constant 0 : i32
      %dma_start3A_732 = arith.constant 0 : i32
      %dma_start3A_733 = tpu.memref_slice %arg15[%dma_start3A_721, %dma_start3A_730, %dma_start3A_731, %dma_start3A_732] : memref<16x2x8x128xf32, #tpu.memory_space<vmem>> -> memref<1x2x8x128xf32, #tpu.memory_space<vmem>>
      %dma_start3A_734 = tpu.memref_squeeze %dma_start3A_733 : memref<1x2x8x128xf32, #tpu.memory_space<vmem>> -> memref<2x8x128xf32, #tpu.memory_space<vmem>>
      %dma_start3A_735 = arith.constant 0 : i32
      %dma_start3A_736 = arith.constant 0 : i32
      %dma_start3A_737 = tpu.memref_slice %arg6[%dma_start3A_735, %dma_start3A_736, %multiple_of3A_703] : memref<2x8x1000000xf32, #tpu.memory_space<hbm>> -> memref<2x8x128xf32, #tpu.memory_space<hbm>>
      tpu.enqueue_dma source(%dma_start3A_737 : memref<2x8x128xf32, #tpu.memory_space<hbm>>) target(%dma_start3A_734 : memref<2x8x128xf32, #tpu.memory_space<vmem>>) target_semaphore(%arg20 : memref<!tpu.dma_semaphore, #tpu.memory_space<semaphore_mem>>)
      %slice3A_738 = vector.extract_strided_slice %gather3A_696 {offsets = [1], sizes = [1], strides = [1]} : vector<16xi32> to vector<1xi32>
      %squeeze3A_739 = vector.extract %slice3A_738[0] : i32 from vector<1xi32>
      %and3A_740 = arith.andi %squeeze3A_739, %scan3A : i32
      %multiple_of3A_741 = tpu.assume_multiple %and3A_740, 128 : i32
      %slice3A_742 = vector.extract_strided_slice %gather3A_697 {offsets = [1], sizes = [1], strides = [1]} : vector<16xi32> to vector<1xi32>
      %squeeze3A_743 = vector.extract %slice3A_742[0] : i32 from vector<1xi32>
      %and3A_744 = arith.andi %squeeze3A_743, %scan3A : i32
      %multiple_of3A_745 = tpu.assume_multiple %and3A_744, 128 : i32
      %dma_start3A_746 = arith.constant 1 : i32
      %dma_start3A_747 = arith.constant 0 : i32
      %dma_start3A_748 = arith.constant 0 : i32
      %dma_start3A_749 = arith.constant 0 : i32
      %dma_start3A_750 = tpu.memref_slice %arg14[%dma_start3A_746, %dma_start3A_747, %dma_start3A_748, %dma_start3A_749] : memref<16x2x8x128xf32, #tpu.memory_space<vmem>> -> memref<1x2x8x128xf32, #tpu.memory_space<vmem>>
      %dma_start3A_751 = tpu.memref_squeeze %dma_start3A_750 : memref<1x2x8x128xf32, #tpu.memory_space<vmem>> -> memref<2x8x128xf32, #tpu.memory_space<vmem>>
      %dma_start3A_752 = arith.constant 0 : i32
      %dma_start3A_753 = arith.constant 0 : i32
      %dma_start3A_754 = tpu.memref_slice %arg5[%dma_start3A_752, %dma_start3A_753, %multiple_of3A_741] : memref<2x8x1000000xf32, #tpu.memory_space<hbm>> -> memref<2x8x128xf32, #tpu.memory_space<hbm>>
      %dma_start3A_755 = arith.constant 0 : i32
      %dma_start3A_756 = arith.constant 0 : i32
      %dma_start3A_757 = arith.constant 0 : i32
      %dma_start3A_758 = tpu.memref_slice %arg14[%dma_start3A_746, %dma_start3A_755, %dma_start3A_756, %dma_start3A_757] : memref<16x2x8x128xf32, #tpu.memory_space<vmem>> -> memref<1x2x8x128xf32, #tpu.memory_space<vmem>>
      %dma_start3A_759 = tpu.memref_squeeze %dma_start3A_758 : memref<1x2x8x128xf32, #tpu.memory_space<vmem>> -> memref<2x8x128xf32, #tpu.memory_space<vmem>>
      %dma_start3A_760 = arith.constant 0 : i32
      %dma_start3A_761 = arith.constant 0 : i32
      %dma_start3A_762 = tpu.memref_slice %arg5[%dma_start3A_760, %dma_start3A_761, %multiple_of3A_741] : memref<2x8x1000000xf32, #tpu.memory_space<hbm>> -> memref<2x8x128xf32, #tpu.memory_space<hbm>>
      tpu.enqueue_dma source(%dma_start3A_762 : memref<2x8x128xf32, #tpu.memory_space<hbm>>) target(%dma_start3A_759 : memref<2x8x128xf32, #tpu.memory_space<vmem>>) target_semaphore(%arg19 : memref<!tpu.dma_semaphore, #tpu.memory_space<semaphore_mem>>)
      %dma_start3A_763 = arith.constant 1 : i32
      %dma_start3A_764 = arith.constant 0 : i32
      %dma_start3A_765 = arith.constant 0 : i32
      %dma_start3A_766 = arith.constant 0 : i32
      %dma_start3A_767 = tpu.memref_slice %arg15[%dma_start3A_763, %dma_start3A_764, %dma_start3A_765, %dma_start3A_766] : memref<16x2x8x128xf32, #tpu.memory_space<vmem>> -> memref<1x2x8x128xf32, #tpu.memory_space<vmem>>
      %dma_start3A_768 = tpu.memref_squeeze %dma_start3A_767 : memref<1x2x8x128xf32, #tpu.memory_space<vmem>> -> memref<2x8x128xf32, #tpu.memory_space<vmem>>
      %dma_start3A_769 = arith.constant 0 : i32
      %dma_start3A_770 = arith.constant 0 : i32
      %dma_start3A_771 = tpu.memref_slice %arg6[%dma_start3A_769, %dma_start3A_770, %multiple_of3A_745] : memref<2x8x1000000xf32, #tpu.memory_space<hbm>> -> memref<2x8x128xf32, #tpu.memory_space<hbm>>
      %dma_start3A_772 = arith.constant 0 : i32
      %dma_start3A_773 = arith.constant 0 : i32
      %dma_start3A_774 = arith.constant 0 : i32
      %dma_start3A_775 = tpu.memref_slice %arg15[%dma_start3A_763, %dma_start3A_772, %dma_start3A_773, %dma_start3A_774] : memref<16x2x8x128xf32, #tpu.memory_space<vmem>> -> memref<1x2x8x128xf32, #tpu.memory_space<vmem>>
      %dma_start3A_776 = tpu.memref_squeeze %dma_start3A_775 : memref<1x2x8x128xf32, #tpu.memory_space<vmem>> -> memref<2x8x128xf32, #tpu.memory_space<vmem>>
      %dma_start3A_777 = arith.constant 0 : i32
      %dma_start3A_778 = arith.constant 0 : i32
      %dma_start3A_779 = tpu.memref_slice %arg6[%dma_start3A_777, %dma_start3A_778, %multiple_of3A_745] : memref<2x8x1000000xf32, #tpu.memory_space<hbm>> -> memref<2x8x128xf32, #tpu.memory_space<hbm>>
      tpu.enqueue_dma source(%dma_start3A_779 : memref<2x8x128xf32, #tpu.memory_space<hbm>>) target(%dma_start3A_776 : memref<2x8x128xf32, #tpu.memory_space<vmem>>) target_semaphore(%arg20 : memref<!tpu.dma_semaphore, #tpu.memory_space<semaphore_mem>>)
      %slice3A_780 = vector.extract_strided_slice %gather3A_696 {offsets = [2], sizes = [1], strides = [1]} : vector<16xi32> to vector<1xi32>
      %squeeze3A_781 = vector.extract %slice3A_780[0] : i32 from vector<1xi32>
      %and3A_782 = arith.andi %squeeze3A_781, %scan3A : i32
      %multiple_of3A_783 = tpu.assume_multiple %and3A_782, 128 : i32
      %slice3A_784 = vector.extract_strided_slice %gather3A_697 {offsets = [2], sizes = [1], strides = [1]} : vector<16xi32> to vector<1xi32>
      %squeeze3A_785 = vector.extract %slice3A_784[0] : i32 from vector<1xi32>
      %and3A_786 = arith.andi %squeeze3A_785, %scan3A : i32
      %multiple_of3A_787 = tpu.assume_multiple %and3A_786, 128 : i32
      %dma_start3A_788 = arith.constant 2 : i32
      %dma_start3A_789 = arith.constant 0 : i32
      %dma_start3A_790 = arith.constant 0 : i32
      %dma_start3A_791 = arith.constant 0 : i32
      %dma_start3A_792 = tpu.memref_slice %arg14[%dma_start3A_788, %dma_start3A_789, %dma_start3A_790, %dma_start3A_791] : memref<16x2x8x128xf32, #tpu.memory_space<vmem>> -> memref<1x2x8x128xf32, #tpu.memory_space<vmem>>
      %dma_start3A_793 = tpu.memref_squeeze %dma_start3A_792 : memref<1x2x8x128xf32, #tpu.memory_space<vmem>> -> memref<2x8x128xf32, #tpu.memory_space<vmem>>
      %dma_start3A_794 = arith.constant 0 : i32
      %dma_start3A_795 = arith.constant 0 : i32
      %dma_start3A_796 = tpu.memref_slice %arg5[%dma_start3A_794, %dma_start3A_795, %multiple_of3A_783] : memref<2x8x1000000xf32, #tpu.memory_space<hbm>> -> memref<2x8x128xf32, #tpu.memory_space<hbm>>
      %dma_start3A_797 = arith.constant 0 : i32
      %dma_start3A_798 = arith.constant 0 : i32
      %dma_start3A_799 = arith.constant 0 : i32
      %dma_start3A_800 = tpu.memref_slice %arg14[%dma_start3A_788, %dma_start3A_797, %dma_start3A_798, %dma_start3A_799] : memref<16x2x8x128xf32, #tpu.memory_space<vmem>> -> memref<1x2x8x128xf32, #tpu.memory_space<vmem>>
      %dma_start3A_801 = tpu.memref_squeeze %dma_start3A_800 : memref<1x2x8x128xf32, #tpu.memory_space<vmem>> -> memref<2x8x128xf32, #tpu.memory_space<vmem>>
      %dma_start3A_802 = arith.constant 0 : i32
      %dma_start3A_803 = arith.constant 0 : i32
      %dma_start3A_804 = tpu.memref_slice %arg5[%dma_start3A_802, %dma_start3A_803, %multiple_of3A_783] : memref<2x8x1000000xf32, #tpu.memory_space<hbm>> -> memref<2x8x128xf32, #tpu.memory_space<hbm>>
      tpu.enqueue_dma source(%dma_start3A_804 : memref<2x8x128xf32, #tpu.memory_space<hbm>>) target(%dma_start3A_801 : memref<2x8x128xf32, #tpu.memory_space<vmem>>) target_semaphore(%arg19 : memref<!tpu.dma_semaphore, #tpu.memory_space<semaphore_mem>>)
      %dma_start3A_805 = arith.constant 2 : i32
      %dma_start3A_806 = arith.constant 0 : i32
      %dma_start3A_807 = arith.constant 0 : i32
      %dma_start3A_808 = arith.constant 0 : i32
      %dma_start3A_809 = tpu.memref_slice %arg15[%dma_start3A_805, %dma_start3A_806, %dma_start3A_807, %dma_start3A_808] : memref<16x2x8x128xf32, #tpu.memory_space<vmem>> -> memref<1x2x8x128xf32, #tpu.memory_space<vmem>>
      %dma_start3A_810 = tpu.memref_squeeze %dma_start3A_809 : memref<1x2x8x128xf32, #tpu.memory_space<vmem>> -> memref<2x8x128xf32, #tpu.memory_space<vmem>>
      %dma_start3A_811 = arith.constant 0 : i32
      %dma_start3A_812 = arith.constant 0 : i32
      %dma_start3A_813 = tpu.memref_slice %arg6[%dma_start3A_811, %dma_start3A_812, %multiple_of3A_787] : memref<2x8x1000000xf32, #tpu.memory_space<hbm>> -> memref<2x8x128xf32, #tpu.memory_space<hbm>>
      %dma_start3A_814 = arith.constant 0 : i32
      %dma_start3A_815 = arith.constant 0 : i32
      %dma_start3A_816 = arith.constant 0 : i32
      %dma_start3A_817 = tpu.memref_slice %arg15[%dma_start3A_805, %dma_start3A_814, %dma_start3A_815, %dma_start3A_816] : memref<16x2x8x128xf32, #tpu.memory_space<vmem>> -> memref<1x2x8x128xf32, #tpu.memory_space<vmem>>
      %dma_start3A_818 = tpu.memref_squeeze %dma_start3A_817 : memref<1x2x8x128xf32, #tpu.memory_space<vmem>> -> memref<2x8x128xf32, #tpu.memory_space<vmem>>
      %dma_start3A_819 = arith.constant 0 : i32
      %dma_start3A_820 = arith.constant 0 : i32
      %dma_start3A_821 = tpu.memref_slice %arg6[%dma_start3A_819, %dma_start3A_820, %multiple_of3A_787] : memref<2x8x1000000xf32, #tpu.memory_space<hbm>> -> memref<2x8x128xf32, #tpu.memory_space<hbm>>
      tpu.enqueue_dma source(%dma_start3A_821 : memref<2x8x128xf32, #tpu.memory_space<hbm>>) target(%dma_start3A_818 : memref<2x8x128xf32, #tpu.memory_space<vmem>>) target_semaphore(%arg20 : memref<!tpu.dma_semaphore, #tpu.memory_space<semaphore_mem>>)
      %slice3A_822 = vector.extract_strided_slice %gather3A_696 {offsets = [3], sizes = [1], strides = [1]} : vector<16xi32> to vector<1xi32>
      %squeeze3A_823 = vector.extract %slice3A_822[0] : i32 from vector<1xi32>
      %and3A_824 = arith.andi %squeeze3A_823, %scan3A : i32
      %multiple_of3A_825 = tpu.assume_multiple %and3A_824, 128 : i32
      %slice3A_826 = vector.extract_strided_slice %gather3A_697 {offsets = [3], sizes = [1], strides = [1]} : vector<16xi32> to vector<1xi32>
      %squeeze3A_827 = vector.extract %slice3A_826[0] : i32 from vector<1xi32>
      %and3A_828 = arith.andi %squeeze3A_827, %scan3A : i32
      %multiple_of3A_829 = tpu.assume_multiple %and3A_828, 128 : i32
      %dma_start3A_830 = arith.constant 3 : i32
      %dma_start3A_831 = arith.constant 0 : i32
      %dma_start3A_832 = arith.constant 0 : i32
      %dma_start3A_833 = arith.constant 0 : i32
      %dma_start3A_834 = tpu.memref_slice %arg14[%dma_start3A_830, %dma_start3A_831, %dma_start3A_832, %dma_start3A_833] : memref<16x2x8x128xf32, #tpu.memory_space<vmem>> -> memref<1x2x8x128xf32, #tpu.memory_space<vmem>>
      %dma_start3A_835 = tpu.memref_squeeze %dma_start3A_834 : memref<1x2x8x128xf32, #tpu.memory_space<vmem>> -> memref<2x8x128xf32, #tpu.memory_space<vmem>>
      %dma_start3A_836 = arith.constant 0 : i32
      %dma_start3A_837 = arith.constant 0 : i32
      %dma_start3A_838 = tpu.memref_slice %arg5[%dma_start3A_836, %dma_start3A_837, %multiple_of3A_825] : memref<2x8x1000000xf32, #tpu.memory_space<hbm>> -> memref<2x8x128xf32, #tpu.memory_space<hbm>>
      %dma_start3A_839 = arith.constant 0 : i32
      %dma_start3A_840 = arith.constant 0 : i32
      %dma_start3A_841 = arith.constant 0 : i32
      %dma_start3A_842 = tpu.memref_slice %arg14[%dma_start3A_830, %dma_start3A_839, %dma_start3A_840, %dma_start3A_841] : memref<16x2x8x128xf32, #tpu.memory_space<vmem>> -> memref<1x2x8x128xf32, #tpu.memory_space<vmem>>
      %dma_start3A_843 = tpu.memref_squeeze %dma_start3A_842 : memref<1x2x8x128xf32, #tpu.memory_space<vmem>> -> memref<2x8x128xf32, #tpu.memory_space<vmem>>
      %dma_start3A_844 = arith.constant 0 : i32
      %dma_start3A_845 = arith.constant 0 : i32
      %dma_start3A_846 = tpu.memref_slice %arg5[%dma_start3A_844, %dma_start3A_845, %multiple_of3A_825] : memref<2x8x1000000xf32, #tpu.memory_space<hbm>> -> memref<2x8x128xf32, #tpu.memory_space<hbm>>
      tpu.enqueue_dma source(%dma_start3A_846 : memref<2x8x128xf32, #tpu.memory_space<hbm>>) target(%dma_start3A_843 : memref<2x8x128xf32, #tpu.memory_space<vmem>>) target_semaphore(%arg19 : memref<!tpu.dma_semaphore, #tpu.memory_space<semaphore_mem>>)
      %dma_start3A_847 = arith.constant 3 : i32
      %dma_start3A_848 = arith.constant 0 : i32
      %dma_start3A_849 = arith.constant 0 : i32
      %dma_start3A_850 = arith.constant 0 : i32
      %dma_start3A_851 = tpu.memref_slice %arg15[%dma_start3A_847, %dma_start3A_848, %dma_start3A_849, %dma_start3A_850] : memref<16x2x8x128xf32, #tpu.memory_space<vmem>> -> memref<1x2x8x128xf32, #tpu.memory_space<vmem>>
      %dma_start3A_852 = tpu.memref_squeeze %dma_start3A_851 : memref<1x2x8x128xf32, #tpu.memory_space<vmem>> -> memref<2x8x128xf32, #tpu.memory_space<vmem>>
      %dma_start3A_853 = arith.constant 0 : i32
      %dma_start3A_854 = arith.constant 0 : i32
      %dma_start3A_855 = tpu.memref_slice %arg6[%dma_start3A_853, %dma_start3A_854, %multiple_of3A_829] : memref<2x8x1000000xf32, #tpu.memory_space<hbm>> -> memref<2x8x128xf32, #tpu.memory_space<hbm>>
      %dma_start3A_856 = arith.constant 0 : i32
      %dma_start3A_857 = arith.constant 0 : i32
      %dma_start3A_858 = arith.constant 0 : i32
      %dma_start3A_859 = tpu.memref_slice %arg15[%dma_start3A_847, %dma_start3A_856, %dma_start3A_857, %dma_start3A_858] : memref<16x2x8x128xf32, #tpu.memory_space<vmem>> -> memref<1x2x8x128xf32, #tpu.memory_space<vmem>>
      %dma_start3A_860 = tpu.memref_squeeze %dma_start3A_859 : memref<1x2x8x128xf32, #tpu.memory_space<vmem>> -> memref<2x8x128xf32, #tpu.memory_space<vmem>>
      %dma_start3A_861 = arith.constant 0 : i32
      %dma_start3A_862 = arith.constant 0 : i32
      %dma_start3A_863 = tpu.memref_slice %arg6[%dma_start3A_861, %dma_start3A_862, %multiple_of3A_829] : memref<2x8x1000000xf32, #tpu.memory_space<hbm>> -> memref<2x8x128xf32, #tpu.memory_space<hbm>>
      tpu.enqueue_dma source(%dma_start3A_863 : memref<2x8x128xf32, #tpu.memory_space<hbm>>) target(%dma_start3A_860 : memref<2x8x128xf32, #tpu.memory_space<vmem>>) target_semaphore(%arg20 : memref<!tpu.dma_semaphore, #tpu.memory_space<semaphore_mem>>)
      %slice3A_864 = vector.extract_strided_slice %gather3A_696 {offsets = [4], sizes = [1], strides = [1]} : vector<16xi32> to vector<1xi32>
      %squeeze3A_865 = vector.extract %slice3A_864[0] : i32 from vector<1xi32>
      %and3A_866 = arith.andi %squeeze3A_865, %scan3A : i32
      %multiple_of3A_867 = tpu.assume_multiple %and3A_866, 128 : i32
      %slice3A_868 = vector.extract_strided_slice %gather3A_697 {offsets = [4], sizes = [1], strides = [1]} : vector<16xi32> to vector<1xi32>
      %squeeze3A_869 = vector.extract %slice3A_868[0] : i32 from vector<1xi32>
      %and3A_870 = arith.andi %squeeze3A_869, %scan3A : i32
      %multiple_of3A_871 = tpu.assume_multiple %and3A_870, 128 : i32
      %dma_start3A_872 = arith.constant 4 : i32
      %dma_start3A_873 = arith.constant 0 : i32
      %dma_start3A_874 = arith.constant 0 : i32
      %dma_start3A_875 = arith.constant 0 : i32
      %dma_start3A_876 = tpu.memref_slice %arg14[%dma_start3A_872, %dma_start3A_873, %dma_start3A_874, %dma_start3A_875] : memref<16x2x8x128xf32, #tpu.memory_space<vmem>> -> memref<1x2x8x128xf32, #tpu.memory_space<vmem>>
      %dma_start3A_877 = tpu.memref_squeeze %dma_start3A_876 : memref<1x2x8x128xf32, #tpu.memory_space<vmem>> -> memref<2x8x128xf32, #tpu.memory_space<vmem>>
      %dma_start3A_878 = arith.constant 0 : i32
      %dma_start3A_879 = arith.constant 0 : i32
      %dma_start3A_880 = tpu.memref_slice %arg5[%dma_start3A_878, %dma_start3A_879, %multiple_of3A_867] : memref<2x8x1000000xf32, #tpu.memory_space<hbm>> -> memref<2x8x128xf32, #tpu.memory_space<hbm>>
      %dma_start3A_881 = arith.constant 0 : i32
      %dma_start3A_882 = arith.constant 0 : i32
      %dma_start3A_883 = arith.constant 0 : i32
      %dma_start3A_884 = tpu.memref_slice %arg14[%dma_start3A_872, %dma_start3A_881, %dma_start3A_882, %dma_start3A_883] : memref<16x2x8x128xf32, #tpu.memory_space<vmem>> -> memref<1x2x8x128xf32, #tpu.memory_space<vmem>>
      %dma_start3A_885 = tpu.memref_squeeze %dma_start3A_884 : memref<1x2x8x128xf32, #tpu.memory_space<vmem>> -> memref<2x8x128xf32, #tpu.memory_space<vmem>>
      %dma_start3A_886 = arith.constant 0 : i32
      %dma_start3A_887 = arith.constant 0 : i32
      %dma_start3A_888 = tpu.memref_slice %arg5[%dma_start3A_886, %dma_start3A_887, %multiple_of3A_867] : memref<2x8x1000000xf32, #tpu.memory_space<hbm>> -> memref<2x8x128xf32, #tpu.memory_space<hbm>>
      tpu.enqueue_dma source(%dma_start3A_888 : memref<2x8x128xf32, #tpu.memory_space<hbm>>) target(%dma_start3A_885 : memref<2x8x128xf32, #tpu.memory_space<vmem>>) target_semaphore(%arg19 : memref<!tpu.dma_semaphore, #tpu.memory_space<semaphore_mem>>)
      %dma_start3A_889 = arith.constant 4 : i32
      %dma_start3A_890 = arith.constant 0 : i32
      %dma_start3A_891 = arith.constant 0 : i32
      %dma_start3A_892 = arith.constant 0 : i32
      %dma_start3A_893 = tpu.memref_slice %arg15[%dma_start3A_889, %dma_start3A_890, %dma_start3A_891, %dma_start3A_892] : memref<16x2x8x128xf32, #tpu.memory_space<vmem>> -> memref<1x2x8x128xf32, #tpu.memory_space<vmem>>
      %dma_start3A_894 = tpu.memref_squeeze %dma_start3A_893 : memref<1x2x8x128xf32, #tpu.memory_space<vmem>> -> memref<2x8x128xf32, #tpu.memory_space<vmem>>
      %dma_start3A_895 = arith.constant 0 : i32
      %dma_start3A_896 = arith.constant 0 : i32
      %dma_start3A_897 = tpu.memref_slice %arg6[%dma_start3A_895, %dma_start3A_896, %multiple_of3A_871] : memref<2x8x1000000xf32, #tpu.memory_space<hbm>> -> memref<2x8x128xf32, #tpu.memory_space<hbm>>
      %dma_start3A_898 = arith.constant 0 : i32
      %dma_start3A_899 = arith.constant 0 : i32
      %dma_start3A_900 = arith.constant 0 : i32
      %dma_start3A_901 = tpu.memref_slice %arg15[%dma_start3A_889, %dma_start3A_898, %dma_start3A_899, %dma_start3A_900] : memref<16x2x8x128xf32, #tpu.memory_space<vmem>> -> memref<1x2x8x128xf32, #tpu.memory_space<vmem>>
      %dma_start3A_902 = tpu.memref_squeeze %dma_start3A_901 : memref<1x2x8x128xf32, #tpu.memory_space<vmem>> -> memref<2x8x128xf32, #tpu.memory_space<vmem>>
      %dma_start3A_903 = arith.constant 0 : i32
      %dma_start3A_904 = arith.constant 0 : i32
      %dma_start3A_905 = tpu.memref_slice %arg6[%dma_start3A_903, %dma_start3A_904, %multiple_of3A_871] : memref<2x8x1000000xf32, #tpu.memory_space<hbm>> -> memref<2x8x128xf32, #tpu.memory_space<hbm>>
      tpu.enqueue_dma source(%dma_start3A_905 : memref<2x8x128xf32, #tpu.memory_space<hbm>>) target(%dma_start3A_902 : memref<2x8x128xf32, #tpu.memory_space<vmem>>) target_semaphore(%arg20 : memref<!tpu.dma_semaphore, #tpu.memory_space<semaphore_mem>>)
      %slice3A_906 = vector.extract_strided_slice %gather3A_696 {offsets = [5], sizes = [1], strides = [1]} : vector<16xi32> to vector<1xi32>
      %squeeze3A_907 = vector.extract %slice3A_906[0] : i32 from vector<1xi32>
      %and3A_908 = arith.andi %squeeze3A_907, %scan3A : i32
      %multiple_of3A_909 = tpu.assume_multiple %and3A_908, 128 : i32
      %slice3A_910 = vector.extract_strided_slice %gather3A_697 {offsets = [5], sizes = [1], strides = [1]} : vector<16xi32> to vector<1xi32>
      %squeeze3A_911 = vector.extract %slice3A_910[0] : i32 from vector<1xi32>
      %and3A_912 = arith.andi %squeeze3A_911, %scan3A : i32
      %multiple_of3A_913 = tpu.assume_multiple %and3A_912, 128 : i32
      %dma_start3A_914 = arith.constant 5 : i32
      %dma_start3A_915 = arith.constant 0 : i32
      %dma_start3A_916 = arith.constant 0 : i32
      %dma_start3A_917 = arith.constant 0 : i32
      %dma_start3A_918 = tpu.memref_slice %arg14[%dma_start3A_914, %dma_start3A_915, %dma_start3A_916, %dma_start3A_917] : memref<16x2x8x128xf32, #tpu.memory_space<vmem>> -> memref<1x2x8x128xf32, #tpu.memory_space<vmem>>
      %dma_start3A_919 = tpu.memref_squeeze %dma_start3A_918 : memref<1x2x8x128xf32, #tpu.memory_space<vmem>> -> memref<2x8x128xf32, #tpu.memory_space<vmem>>
      %dma_start3A_920 = arith.constant 0 : i32
      %dma_start3A_921 = arith.constant 0 : i32
      %dma_start3A_922 = tpu.memref_slice %arg5[%dma_start3A_920, %dma_start3A_921, %multiple_of3A_909] : memref<2x8x1000000xf32, #tpu.memory_space<hbm>> -> memref<2x8x128xf32, #tpu.memory_space<hbm>>
      %dma_start3A_923 = arith.constant 0 : i32
      %dma_start3A_924 = arith.constant 0 : i32
      %dma_start3A_925 = arith.constant 0 : i32
      %dma_start3A_926 = tpu.memref_slice %arg14[%dma_start3A_914, %dma_start3A_923, %dma_start3A_924, %dma_start3A_925] : memref<16x2x8x128xf32, #tpu.memory_space<vmem>> -> memref<1x2x8x128xf32, #tpu.memory_space<vmem>>
      %dma_start3A_927 = tpu.memref_squeeze %dma_start3A_926 : memref<1x2x8x128xf32, #tpu.memory_space<vmem>> -> memref<2x8x128xf32, #tpu.memory_space<vmem>>
      %dma_start3A_928 = arith.constant 0 : i32
      %dma_start3A_929 = arith.constant 0 : i32
      %dma_start3A_930 = tpu.memref_slice %arg5[%dma_start3A_928, %dma_start3A_929, %multiple_of3A_909] : memref<2x8x1000000xf32, #tpu.memory_space<hbm>> -> memref<2x8x128xf32, #tpu.memory_space<hbm>>
      tpu.enqueue_dma source(%dma_start3A_930 : memref<2x8x128xf32, #tpu.memory_space<hbm>>) target(%dma_start3A_927 : memref<2x8x128xf32, #tpu.memory_space<vmem>>) target_semaphore(%arg19 : memref<!tpu.dma_semaphore, #tpu.memory_space<semaphore_mem>>)
      %dma_start3A_931 = arith.constant 5 : i32
      %dma_start3A_932 = arith.constant 0 : i32
      %dma_start3A_933 = arith.constant 0 : i32
      %dma_start3A_934 = arith.constant 0 : i32
      %dma_start3A_935 = tpu.memref_slice %arg15[%dma_start3A_931, %dma_start3A_932, %dma_start3A_933, %dma_start3A_934] : memref<16x2x8x128xf32, #tpu.memory_space<vmem>> -> memref<1x2x8x128xf32, #tpu.memory_space<vmem>>
      %dma_start3A_936 = tpu.memref_squeeze %dma_start3A_935 : memref<1x2x8x128xf32, #tpu.memory_space<vmem>> -> memref<2x8x128xf32, #tpu.memory_space<vmem>>
      %dma_start3A_937 = arith.constant 0 : i32
      %dma_start3A_938 = arith.constant 0 : i32
      %dma_start3A_939 = tpu.memref_slice %arg6[%dma_start3A_937, %dma_start3A_938, %multiple_of3A_913] : memref<2x8x1000000xf32, #tpu.memory_space<hbm>> -> memref<2x8x128xf32, #tpu.memory_space<hbm>>
      %dma_start3A_940 = arith.constant 0 : i32
      %dma_start3A_941 = arith.constant 0 : i32
      %dma_start3A_942 = arith.constant 0 : i32
      %dma_start3A_943 = tpu.memref_slice %arg15[%dma_start3A_931, %dma_start3A_940, %dma_start3A_941, %dma_start3A_942] : memref<16x2x8x128xf32, #tpu.memory_space<vmem>> -> memref<1x2x8x128xf32, #tpu.memory_space<vmem>>
      %dma_start3A_944 = tpu.memref_squeeze %dma_start3A_943 : memref<1x2x8x128xf32, #tpu.memory_space<vmem>> -> memref<2x8x128xf32, #tpu.memory_space<vmem>>
      %dma_start3A_945 = arith.constant 0 : i32
      %dma_start3A_946 = arith.constant 0 : i32
      %dma_start3A_947 = tpu.memref_slice %arg6[%dma_start3A_945, %dma_start3A_946, %multiple_of3A_913] : memref<2x8x1000000xf32, #tpu.memory_space<hbm>> -> memref<2x8x128xf32, #tpu.memory_space<hbm>>
      tpu.enqueue_dma source(%dma_start3A_947 : memref<2x8x128xf32, #tpu.memory_space<hbm>>) target(%dma_start3A_944 : memref<2x8x128xf32, #tpu.memory_space<vmem>>) target_semaphore(%arg20 : memref<!tpu.dma_semaphore, #tpu.memory_space<semaphore_mem>>)
      %slice3A_948 = vector.extract_strided_slice %gather3A_696 {offsets = [6], sizes = [1], strides = [1]} : vector<16xi32> to vector<1xi32>
      %squeeze3A_949 = vector.extract %slice3A_948[0] : i32 from vector<1xi32>
      %and3A_950 = arith.andi %squeeze3A_949, %scan3A : i32
      %multiple_of3A_951 = tpu.assume_multiple %and3A_950, 128 : i32
      %slice3A_952 = vector.extract_strided_slice %gather3A_697 {offsets = [6], sizes = [1], strides = [1]} : vector<16xi32> to vector<1xi32>
      %squeeze3A_953 = vector.extract %slice3A_952[0] : i32 from vector<1xi32>
      %and3A_954 = arith.andi %squeeze3A_953, %scan3A : i32
      %multiple_of3A_955 = tpu.assume_multiple %and3A_954, 128 : i32
      %dma_start3A_956 = arith.constant 6 : i32
      %dma_start3A_957 = arith.constant 0 : i32
      %dma_start3A_958 = arith.constant 0 : i32
      %dma_start3A_959 = arith.constant 0 : i32
      %dma_start3A_960 = tpu.memref_slice %arg14[%dma_start3A_956, %dma_start3A_957, %dma_start3A_958, %dma_start3A_959] : memref<16x2x8x128xf32, #tpu.memory_space<vmem>> -> memref<1x2x8x128xf32, #tpu.memory_space<vmem>>
      %dma_start3A_961 = tpu.memref_squeeze %dma_start3A_960 : memref<1x2x8x128xf32, #tpu.memory_space<vmem>> -> memref<2x8x128xf32, #tpu.memory_space<vmem>>
      %dma_start3A_962 = arith.constant 0 : i32
      %dma_start3A_963 = arith.constant 0 : i32
      %dma_start3A_964 = tpu.memref_slice %arg5[%dma_start3A_962, %dma_start3A_963, %multiple_of3A_951] : memref<2x8x1000000xf32, #tpu.memory_space<hbm>> -> memref<2x8x128xf32, #tpu.memory_space<hbm>>
      %dma_start3A_965 = arith.constant 0 : i32
      %dma_start3A_966 = arith.constant 0 : i32
      %dma_start3A_967 = arith.constant 0 : i32
      %dma_start3A_968 = tpu.memref_slice %arg14[%dma_start3A_956, %dma_start3A_965, %dma_start3A_966, %dma_start3A_967] : memref<16x2x8x128xf32, #tpu.memory_space<vmem>> -> memref<1x2x8x128xf32, #tpu.memory_space<vmem>>
      %dma_start3A_969 = tpu.memref_squeeze %dma_start3A_968 : memref<1x2x8x128xf32, #tpu.memory_space<vmem>> -> memref<2x8x128xf32, #tpu.memory_space<vmem>>
      %dma_start3A_970 = arith.constant 0 : i32
      %dma_start3A_971 = arith.constant 0 : i32
      %dma_start3A_972 = tpu.memref_slice %arg5[%dma_start3A_970, %dma_start3A_971, %multiple_of3A_951] : memref<2x8x1000000xf32, #tpu.memory_space<hbm>> -> memref<2x8x128xf32, #tpu.memory_space<hbm>>
      tpu.enqueue_dma source(%dma_start3A_972 : memref<2x8x128xf32, #tpu.memory_space<hbm>>) target(%dma_start3A_969 : memref<2x8x128xf32, #tpu.memory_space<vmem>>) target_semaphore(%arg19 : memref<!tpu.dma_semaphore, #tpu.memory_space<semaphore_mem>>)
      %dma_start3A_973 = arith.constant 6 : i32
      %dma_start3A_974 = arith.constant 0 : i32
      %dma_start3A_975 = arith.constant 0 : i32
      %dma_start3A_976 = arith.constant 0 : i32
      %dma_start3A_977 = tpu.memref_slice %arg15[%dma_start3A_973, %dma_start3A_974, %dma_start3A_975, %dma_start3A_976] : memref<16x2x8x128xf32, #tpu.memory_space<vmem>> -> memref<1x2x8x128xf32, #tpu.memory_space<vmem>>
      %dma_start3A_978 = tpu.memref_squeeze %dma_start3A_977 : memref<1x2x8x128xf32, #tpu.memory_space<vmem>> -> memref<2x8x128xf32, #tpu.memory_space<vmem>>
      %dma_start3A_979 = arith.constant 0 : i32
      %dma_start3A_980 = arith.constant 0 : i32
      %dma_start3A_981 = tpu.memref_slice %arg6[%dma_start3A_979, %dma_start3A_980, %multiple_of3A_955] : memref<2x8x1000000xf32, #tpu.memory_space<hbm>> -> memref<2x8x128xf32, #tpu.memory_space<hbm>>
      %dma_start3A_982 = arith.constant 0 : i32
      %dma_start3A_983 = arith.constant 0 : i32
      %dma_start3A_984 = arith.constant 0 : i32
      %dma_start3A_985 = tpu.memref_slice %arg15[%dma_start3A_973, %dma_start3A_982, %dma_start3A_983, %dma_start3A_984] : memref<16x2x8x128xf32, #tpu.memory_space<vmem>> -> memref<1x2x8x128xf32, #tpu.memory_space<vmem>>
      %dma_start3A_986 = tpu.memref_squeeze %dma_start3A_985 : memref<1x2x8x128xf32, #tpu.memory_space<vmem>> -> memref<2x8x128xf32, #tpu.memory_space<vmem>>
      %dma_start3A_987 = arith.constant 0 : i32
      %dma_start3A_988 = arith.constant 0 : i32
      %dma_start3A_989 = tpu.memref_slice %arg6[%dma_start3A_987, %dma_start3A_988, %multiple_of3A_955] : memref<2x8x1000000xf32, #tpu.memory_space<hbm>> -> memref<2x8x128xf32, #tpu.memory_space<hbm>>
      tpu.enqueue_dma source(%dma_start3A_989 : memref<2x8x128xf32, #tpu.memory_space<hbm>>) target(%dma_start3A_986 : memref<2x8x128xf32, #tpu.memory_space<vmem>>) target_semaphore(%arg20 : memref<!tpu.dma_semaphore, #tpu.memory_space<semaphore_mem>>)
      %slice3A_990 = vector.extract_strided_slice %gather3A_696 {offsets = [7], sizes = [1], strides = [1]} : vector<16xi32> to vector<1xi32>
      %squeeze3A_991 = vector.extract %slice3A_990[0] : i32 from vector<1xi32>
      %and3A_992 = arith.andi %squeeze3A_991, %scan3A : i32
      %multiple_of3A_993 = tpu.assume_multiple %and3A_992, 128 : i32
      %slice3A_994 = vector.extract_strided_slice %gather3A_697 {offsets = [7], sizes = [1], strides = [1]} : vector<16xi32> to vector<1xi32>
      %squeeze3A_995 = vector.extract %slice3A_994[0] : i32 from vector<1xi32>
      %and3A_996 = arith.andi %squeeze3A_995, %scan3A : i32
      %multiple_of3A_997 = tpu.assume_multiple %and3A_996, 128 : i32
      %dma_start3A_998 = arith.constant 7 : i32
      %dma_start3A_999 = arith.constant 0 : i32
      %dma_start3A_1000 = arith.constant 0 : i32
      %dma_start3A_1001 = arith.constant 0 : i32
      %dma_start3A_1002 = tpu.memref_slice %arg14[%dma_start3A_998, %dma_start3A_999, %dma_start3A_1000, %dma_start3A_1001] : memref<16x2x8x128xf32, #tpu.memory_space<vmem>> -> memref<1x2x8x128xf32, #tpu.memory_space<vmem>>
      %dma_start3A_1003 = tpu.memref_squeeze %dma_start3A_1002 : memref<1x2x8x128xf32, #tpu.memory_space<vmem>> -> memref<2x8x128xf32, #tpu.memory_space<vmem>>
      %dma_start3A_1004 = arith.constant 0 : i32
      %dma_start3A_1005 = arith.constant 0 : i32
      %dma_start3A_1006 = tpu.memref_slice %arg5[%dma_start3A_1004, %dma_start3A_1005, %multiple_of3A_993] : memref<2x8x1000000xf32, #tpu.memory_space<hbm>> -> memref<2x8x128xf32, #tpu.memory_space<hbm>>
      %dma_start3A_1007 = arith.constant 0 : i32
      %dma_start3A_1008 = arith.constant 0 : i32
      %dma_start3A_1009 = arith.constant 0 : i32
      %dma_start3A_1010 = tpu.memref_slice %arg14[%dma_start3A_998, %dma_start3A_1007, %dma_start3A_1008, %dma_start3A_1009] : memref<16x2x8x128xf32, #tpu.memory_space<vmem>> -> memref<1x2x8x128xf32, #tpu.memory_space<vmem>>
      %dma_start3A_1011 = tpu.memref_squeeze %dma_start3A_1010 : memref<1x2x8x128xf32, #tpu.memory_space<vmem>> -> memref<2x8x128xf32, #tpu.memory_space<vmem>>
      %dma_start3A_1012 = arith.constant 0 : i32
      %dma_start3A_1013 = arith.constant 0 : i32
      %dma_start3A_1014 = tpu.memref_slice %arg5[%dma_start3A_1012, %dma_start3A_1013, %multiple_of3A_993] : memref<2x8x1000000xf32, #tpu.memory_space<hbm>> -> memref<2x8x128xf32, #tpu.memory_space<hbm>>
      tpu.enqueue_dma source(%dma_start3A_1014 : memref<2x8x128xf32, #tpu.memory_space<hbm>>) target(%dma_start3A_1011 : memref<2x8x128xf32, #tpu.memory_space<vmem>>) target_semaphore(%arg19 : memref<!tpu.dma_semaphore, #tpu.memory_space<semaphore_mem>>)
      %dma_start3A_1015 = arith.constant 7 : i32
      %dma_start3A_1016 = arith.constant 0 : i32
      %dma_start3A_1017 = arith.constant 0 : i32
      %dma_start3A_1018 = arith.constant 0 : i32
      %dma_start3A_1019 = tpu.memref_slice %arg15[%dma_start3A_1015, %dma_start3A_1016, %dma_start3A_1017, %dma_start3A_1018] : memref<16x2x8x128xf32, #tpu.memory_space<vmem>> -> memref<1x2x8x128xf32, #tpu.memory_space<vmem>>
      %dma_start3A_1020 = tpu.memref_squeeze %dma_start3A_1019 : memref<1x2x8x128xf32, #tpu.memory_space<vmem>> -> memref<2x8x128xf32, #tpu.memory_space<vmem>>
      %dma_start3A_1021 = arith.constant 0 : i32
      %dma_start3A_1022 = arith.constant 0 : i32
      %dma_start3A_1023 = tpu.memref_slice %arg6[%dma_start3A_1021, %dma_start3A_1022, %multiple_of3A_997] : memref<2x8x1000000xf32, #tpu.memory_space<hbm>> -> memref<2x8x128xf32, #tpu.memory_space<hbm>>
      %dma_start3A_1024 = arith.constant 0 : i32
      %dma_start3A_1025 = arith.constant 0 : i32
      %dma_start3A_1026 = arith.constant 0 : i32
      %dma_start3A_1027 = tpu.memref_slice %arg15[%dma_start3A_1015, %dma_start3A_1024, %dma_start3A_1025, %dma_start3A_1026] : memref<16x2x8x128xf32, #tpu.memory_space<vmem>> -> memref<1x2x8x128xf32, #tpu.memory_space<vmem>>
      %dma_start3A_1028 = tpu.memref_squeeze %dma_start3A_1027 : memref<1x2x8x128xf32, #tpu.memory_space<vmem>> -> memref<2x8x128xf32, #tpu.memory_space<vmem>>
      %dma_start3A_1029 = arith.constant 0 : i32
      %dma_start3A_1030 = arith.constant 0 : i32
      %dma_start3A_1031 = tpu.memref_slice %arg6[%dma_start3A_1029, %dma_start3A_1030, %multiple_of3A_997] : memref<2x8x1000000xf32, #tpu.memory_space<hbm>> -> memref<2x8x128xf32, #tpu.memory_space<hbm>>
      tpu.enqueue_dma source(%dma_start3A_1031 : memref<2x8x128xf32, #tpu.memory_space<hbm>>) target(%dma_start3A_1028 : memref<2x8x128xf32, #tpu.memory_space<vmem>>) target_semaphore(%arg20 : memref<!tpu.dma_semaphore, #tpu.memory_space<semaphore_mem>>)
      %slice3A_1032 = vector.extract_strided_slice %gather3A_696 {offsets = [8], sizes = [1], strides = [1]} : vector<16xi32> to vector<1xi32>
      %squeeze3A_1033 = vector.extract %slice3A_1032[0] : i32 from vector<1xi32>
      %and3A_1034 = arith.andi %squeeze3A_1033, %scan3A : i32
      %multiple_of3A_1035 = tpu.assume_multiple %and3A_1034, 128 : i32
      %slice3A_1036 = vector.extract_strided_slice %gather3A_697 {offsets = [8], sizes = [1], strides = [1]} : vector<16xi32> to vector<1xi32>
      %squeeze3A_1037 = vector.extract %slice3A_1036[0] : i32 from vector<1xi32>
      %and3A_1038 = arith.andi %squeeze3A_1037, %scan3A : i32
      %multiple_of3A_1039 = tpu.assume_multiple %and3A_1038, 128 : i32
      %dma_start3A_1040 = arith.constant 8 : i32
      %dma_start3A_1041 = arith.constant 0 : i32
      %dma_start3A_1042 = arith.constant 0 : i32
      %dma_start3A_1043 = arith.constant 0 : i32
      %dma_start3A_1044 = tpu.memref_slice %arg14[%dma_start3A_1040, %dma_start3A_1041, %dma_start3A_1042, %dma_start3A_1043] : memref<16x2x8x128xf32, #tpu.memory_space<vmem>> -> memref<1x2x8x128xf32, #tpu.memory_space<vmem>>
      %dma_start3A_1045 = tpu.memref_squeeze %dma_start3A_1044 : memref<1x2x8x128xf32, #tpu.memory_space<vmem>> -> memref<2x8x128xf32, #tpu.memory_space<vmem>>
      %dma_start3A_1046 = arith.constant 0 : i32
      %dma_start3A_1047 = arith.constant 0 : i32
      %dma_start3A_1048 = tpu.memref_slice %arg5[%dma_start3A_1046, %dma_start3A_1047, %multiple_of3A_1035] : memref<2x8x1000000xf32, #tpu.memory_space<hbm>> -> memref<2x8x128xf32, #tpu.memory_space<hbm>>
      %dma_start3A_1049 = arith.constant 0 : i32
      %dma_start3A_1050 = arith.constant 0 : i32
      %dma_start3A_1051 = arith.constant 0 : i32
      %dma_start3A_1052 = tpu.memref_slice %arg14[%dma_start3A_1040, %dma_start3A_1049, %dma_start3A_1050, %dma_start3A_1051] : memref<16x2x8x128xf32, #tpu.memory_space<vmem>> -> memref<1x2x8x128xf32, #tpu.memory_space<vmem>>
      %dma_start3A_1053 = tpu.memref_squeeze %dma_start3A_1052 : memref<1x2x8x128xf32, #tpu.memory_space<vmem>> -> memref<2x8x128xf32, #tpu.memory_space<vmem>>
      %dma_start3A_1054 = arith.constant 0 : i32
      %dma_start3A_1055 = arith.constant 0 : i32
      %dma_start3A_1056 = tpu.memref_slice %arg5[%dma_start3A_1054, %dma_start3A_1055, %multiple_of3A_1035] : memref<2x8x1000000xf32, #tpu.memory_space<hbm>> -> memref<2x8x128xf32, #tpu.memory_space<hbm>>
      tpu.enqueue_dma source(%dma_start3A_1056 : memref<2x8x128xf32, #tpu.memory_space<hbm>>) target(%dma_start3A_1053 : memref<2x8x128xf32, #tpu.memory_space<vmem>>) target_semaphore(%arg19 : memref<!tpu.dma_semaphore, #tpu.memory_space<semaphore_mem>>)
      %dma_start3A_1057 = arith.constant 8 : i32
      %dma_start3A_1058 = arith.constant 0 : i32
      %dma_start3A_1059 = arith.constant 0 : i32
      %dma_start3A_1060 = arith.constant 0 : i32
      %dma_start3A_1061 = tpu.memref_slice %arg15[%dma_start3A_1057, %dma_start3A_1058, %dma_start3A_1059, %dma_start3A_1060] : memref<16x2x8x128xf32, #tpu.memory_space<vmem>> -> memref<1x2x8x128xf32, #tpu.memory_space<vmem>>
      %dma_start3A_1062 = tpu.memref_squeeze %dma_start3A_1061 : memref<1x2x8x128xf32, #tpu.memory_space<vmem>> -> memref<2x8x128xf32, #tpu.memory_space<vmem>>
      %dma_start3A_1063 = arith.constant 0 : i32
      %dma_start3A_1064 = arith.constant 0 : i32
      %dma_start3A_1065 = tpu.memref_slice %arg6[%dma_start3A_1063, %dma_start3A_1064, %multiple_of3A_1039] : memref<2x8x1000000xf32, #tpu.memory_space<hbm>> -> memref<2x8x128xf32, #tpu.memory_space<hbm>>
      %dma_start3A_1066 = arith.constant 0 : i32
      %dma_start3A_1067 = arith.constant 0 : i32
      %dma_start3A_1068 = arith.constant 0 : i32
      %dma_start3A_1069 = tpu.memref_slice %arg15[%dma_start3A_1057, %dma_start3A_1066, %dma_start3A_1067, %dma_start3A_1068] : memref<16x2x8x128xf32, #tpu.memory_space<vmem>> -> memref<1x2x8x128xf32, #tpu.memory_space<vmem>>
      %dma_start3A_1070 = tpu.memref_squeeze %dma_start3A_1069 : memref<1x2x8x128xf32, #tpu.memory_space<vmem>> -> memref<2x8x128xf32, #tpu.memory_space<vmem>>
      %dma_start3A_1071 = arith.constant 0 : i32
      %dma_start3A_1072 = arith.constant 0 : i32
      %dma_start3A_1073 = tpu.memref_slice %arg6[%dma_start3A_1071, %dma_start3A_1072, %multiple_of3A_1039] : memref<2x8x1000000xf32, #tpu.memory_space<hbm>> -> memref<2x8x128xf32, #tpu.memory_space<hbm>>
      tpu.enqueue_dma source(%dma_start3A_1073 : memref<2x8x128xf32, #tpu.memory_space<hbm>>) target(%dma_start3A_1070 : memref<2x8x128xf32, #tpu.memory_space<vmem>>) target_semaphore(%arg20 : memref<!tpu.dma_semaphore, #tpu.memory_space<semaphore_mem>>)
      %slice3A_1074 = vector.extract_strided_slice %gather3A_696 {offsets = [9], sizes = [1], strides = [1]} : vector<16xi32> to vector<1xi32>
      %squeeze3A_1075 = vector.extract %slice3A_1074[0] : i32 from vector<1xi32>
      %and3A_1076 = arith.andi %squeeze3A_1075, %scan3A : i32
      %multiple_of3A_1077 = tpu.assume_multiple %and3A_1076, 128 : i32
      %slice3A_1078 = vector.extract_strided_slice %gather3A_697 {offsets = [9], sizes = [1], strides = [1]} : vector<16xi32> to vector<1xi32>
      %squeeze3A_1079 = vector.extract %slice3A_1078[0] : i32 from vector<1xi32>
      %and3A_1080 = arith.andi %squeeze3A_1079, %scan3A : i32
      %multiple_of3A_1081 = tpu.assume_multiple %and3A_1080, 128 : i32
      %dma_start3A_1082 = arith.constant 9 : i32
      %dma_start3A_1083 = arith.constant 0 : i32
      %dma_start3A_1084 = arith.constant 0 : i32
      %dma_start3A_1085 = arith.constant 0 : i32
      %dma_start3A_1086 = tpu.memref_slice %arg14[%dma_start3A_1082, %dma_start3A_1083, %dma_start3A_1084, %dma_start3A_1085] : memref<16x2x8x128xf32, #tpu.memory_space<vmem>> -> memref<1x2x8x128xf32, #tpu.memory_space<vmem>>
      %dma_start3A_1087 = tpu.memref_squeeze %dma_start3A_1086 : memref<1x2x8x128xf32, #tpu.memory_space<vmem>> -> memref<2x8x128xf32, #tpu.memory_space<vmem>>
      %dma_start3A_1088 = arith.constant 0 : i32
      %dma_start3A_1089 = arith.constant 0 : i32
      %dma_start3A_1090 = tpu.memref_slice %arg5[%dma_start3A_1088, %dma_start3A_1089, %multiple_of3A_1077] : memref<2x8x1000000xf32, #tpu.memory_space<hbm>> -> memref<2x8x128xf32, #tpu.memory_space<hbm>>
      %dma_start3A_1091 = arith.constant 0 : i32
      %dma_start3A_1092 = arith.constant 0 : i32
      %dma_start3A_1093 = arith.constant 0 : i32
      %dma_start3A_1094 = tpu.memref_slice %arg14[%dma_start3A_1082, %dma_start3A_1091, %dma_start3A_1092, %dma_start3A_1093] : memref<16x2x8x128xf32, #tpu.memory_space<vmem>> -> memref<1x2x8x128xf32, #tpu.memory_space<vmem>>
      %dma_start3A_1095 = tpu.memref_squeeze %dma_start3A_1094 : memref<1x2x8x128xf32, #tpu.memory_space<vmem>> -> memref<2x8x128xf32, #tpu.memory_space<vmem>>
      %dma_start3A_1096 = arith.constant 0 : i32
      %dma_start3A_1097 = arith.constant 0 : i32
      %dma_start3A_1098 = tpu.memref_slice %arg5[%dma_start3A_1096, %dma_start3A_1097, %multiple_of3A_1077] : memref<2x8x1000000xf32, #tpu.memory_space<hbm>> -> memref<2x8x128xf32, #tpu.memory_space<hbm>>
      tpu.enqueue_dma source(%dma_start3A_1098 : memref<2x8x128xf32, #tpu.memory_space<hbm>>) target(%dma_start3A_1095 : memref<2x8x128xf32, #tpu.memory_space<vmem>>) target_semaphore(%arg19 : memref<!tpu.dma_semaphore, #tpu.memory_space<semaphore_mem>>)
      %dma_start3A_1099 = arith.constant 9 : i32
      %dma_start3A_1100 = arith.constant 0 : i32
      %dma_start3A_1101 = arith.constant 0 : i32
      %dma_start3A_1102 = arith.constant 0 : i32
      %dma_start3A_1103 = tpu.memref_slice %arg15[%dma_start3A_1099, %dma_start3A_1100, %dma_start3A_1101, %dma_start3A_1102] : memref<16x2x8x128xf32, #tpu.memory_space<vmem>> -> memref<1x2x8x128xf32, #tpu.memory_space<vmem>>
      %dma_start3A_1104 = tpu.memref_squeeze %dma_start3A_1103 : memref<1x2x8x128xf32, #tpu.memory_space<vmem>> -> memref<2x8x128xf32, #tpu.memory_space<vmem>>
      %dma_start3A_1105 = arith.constant 0 : i32
      %dma_start3A_1106 = arith.constant 0 : i32
      %dma_start3A_1107 = tpu.memref_slice %arg6[%dma_start3A_1105, %dma_start3A_1106, %multiple_of3A_1081] : memref<2x8x1000000xf32, #tpu.memory_space<hbm>> -> memref<2x8x128xf32, #tpu.memory_space<hbm>>
      %dma_start3A_1108 = arith.constant 0 : i32
      %dma_start3A_1109 = arith.constant 0 : i32
      %dma_start3A_1110 = arith.constant 0 : i32
      %dma_start3A_1111 = tpu.memref_slice %arg15[%dma_start3A_1099, %dma_start3A_1108, %dma_start3A_1109, %dma_start3A_1110] : memref<16x2x8x128xf32, #tpu.memory_space<vmem>> -> memref<1x2x8x128xf32, #tpu.memory_space<vmem>>
      %dma_start3A_1112 = tpu.memref_squeeze %dma_start3A_1111 : memref<1x2x8x128xf32, #tpu.memory_space<vmem>> -> memref<2x8x128xf32, #tpu.memory_space<vmem>>
      %dma_start3A_1113 = arith.constant 0 : i32
      %dma_start3A_1114 = arith.constant 0 : i32
      %dma_start3A_1115 = tpu.memref_slice %arg6[%dma_start3A_1113, %dma_start3A_1114, %multiple_of3A_1081] : memref<2x8x1000000xf32, #tpu.memory_space<hbm>> -> memref<2x8x128xf32, #tpu.memory_space<hbm>>
      tpu.enqueue_dma source(%dma_start3A_1115 : memref<2x8x128xf32, #tpu.memory_space<hbm>>) target(%dma_start3A_1112 : memref<2x8x128xf32, #tpu.memory_space<vmem>>) target_semaphore(%arg20 : memref<!tpu.dma_semaphore, #tpu.memory_space<semaphore_mem>>)
      %slice3A_1116 = vector.extract_strided_slice %gather3A_696 {offsets = [10], sizes = [1], strides = [1]} : vector<16xi32> to vector<1xi32>
      %squeeze3A_1117 = vector.extract %slice3A_1116[0] : i32 from vector<1xi32>
      %and3A_1118 = arith.andi %squeeze3A_1117, %scan3A : i32
      %multiple_of3A_1119 = tpu.assume_multiple %and3A_1118, 128 : i32
      %slice3A_1120 = vector.extract_strided_slice %gather3A_697 {offsets = [10], sizes = [1], strides = [1]} : vector<16xi32> to vector<1xi32>
      %squeeze3A_1121 = vector.extract %slice3A_1120[0] : i32 from vector<1xi32>
      %and3A_1122 = arith.andi %squeeze3A_1121, %scan3A : i32
      %multiple_of3A_1123 = tpu.assume_multiple %and3A_1122, 128 : i32
      %dma_start3A_1124 = arith.constant 10 : i32
      %dma_start3A_1125 = arith.constant 0 : i32
      %dma_start3A_1126 = arith.constant 0 : i32
      %dma_start3A_1127 = arith.constant 0 : i32
      %dma_start3A_1128 = tpu.memref_slice %arg14[%dma_start3A_1124, %dma_start3A_1125, %dma_start3A_1126, %dma_start3A_1127] : memref<16x2x8x128xf32, #tpu.memory_space<vmem>> -> memref<1x2x8x128xf32, #tpu.memory_space<vmem>>
      %dma_start3A_1129 = tpu.memref_squeeze %dma_start3A_1128 : memref<1x2x8x128xf32, #tpu.memory_space<vmem>> -> memref<2x8x128xf32, #tpu.memory_space<vmem>>
      %dma_start3A_1130 = arith.constant 0 : i32
      %dma_start3A_1131 = arith.constant 0 : i32
      %dma_start3A_1132 = tpu.memref_slice %arg5[%dma_start3A_1130, %dma_start3A_1131, %multiple_of3A_1119] : memref<2x8x1000000xf32, #tpu.memory_space<hbm>> -> memref<2x8x128xf32, #tpu.memory_space<hbm>>
      %dma_start3A_1133 = arith.constant 0 : i32
      %dma_start3A_1134 = arith.constant 0 : i32
      %dma_start3A_1135 = arith.constant 0 : i32
      %dma_start3A_1136 = tpu.memref_slice %arg14[%dma_start3A_1124, %dma_start3A_1133, %dma_start3A_1134, %dma_start3A_1135] : memref<16x2x8x128xf32, #tpu.memory_space<vmem>> -> memref<1x2x8x128xf32, #tpu.memory_space<vmem>>
      %dma_start3A_1137 = tpu.memref_squeeze %dma_start3A_1136 : memref<1x2x8x128xf32, #tpu.memory_space<vmem>> -> memref<2x8x128xf32, #tpu.memory_space<vmem>>
      %dma_start3A_1138 = arith.constant 0 : i32
      %dma_start3A_1139 = arith.constant 0 : i32
      %dma_start3A_1140 = tpu.memref_slice %arg5[%dma_start3A_1138, %dma_start3A_1139, %multiple_of3A_1119] : memref<2x8x1000000xf32, #tpu.memory_space<hbm>> -> memref<2x8x128xf32, #tpu.memory_space<hbm>>
      tpu.enqueue_dma source(%dma_start3A_1140 : memref<2x8x128xf32, #tpu.memory_space<hbm>>) target(%dma_start3A_1137 : memref<2x8x128xf32, #tpu.memory_space<vmem>>) target_semaphore(%arg19 : memref<!tpu.dma_semaphore, #tpu.memory_space<semaphore_mem>>)
      %dma_start3A_1141 = arith.constant 10 : i32
      %dma_start3A_1142 = arith.constant 0 : i32
      %dma_start3A_1143 = arith.constant 0 : i32
      %dma_start3A_1144 = arith.constant 0 : i32
      %dma_start3A_1145 = tpu.memref_slice %arg15[%dma_start3A_1141, %dma_start3A_1142, %dma_start3A_1143, %dma_start3A_1144] : memref<16x2x8x128xf32, #tpu.memory_space<vmem>> -> memref<1x2x8x128xf32, #tpu.memory_space<vmem>>
      %dma_start3A_1146 = tpu.memref_squeeze %dma_start3A_1145 : memref<1x2x8x128xf32, #tpu.memory_space<vmem>> -> memref<2x8x128xf32, #tpu.memory_space<vmem>>
      %dma_start3A_1147 = arith.constant 0 : i32
      %dma_start3A_1148 = arith.constant 0 : i32
      %dma_start3A_1149 = tpu.memref_slice %arg6[%dma_start3A_1147, %dma_start3A_1148, %multiple_of3A_1123] : memref<2x8x1000000xf32, #tpu.memory_space<hbm>> -> memref<2x8x128xf32, #tpu.memory_space<hbm>>
      %dma_start3A_1150 = arith.constant 0 : i32
      %dma_start3A_1151 = arith.constant 0 : i32
      %dma_start3A_1152 = arith.constant 0 : i32
      %dma_start3A_1153 = tpu.memref_slice %arg15[%dma_start3A_1141, %dma_start3A_1150, %dma_start3A_1151, %dma_start3A_1152] : memref<16x2x8x128xf32, #tpu.memory_space<vmem>> -> memref<1x2x8x128xf32, #tpu.memory_space<vmem>>
      %dma_start3A_1154 = tpu.memref_squeeze %dma_start3A_1153 : memref<1x2x8x128xf32, #tpu.memory_space<vmem>> -> memref<2x8x128xf32, #tpu.memory_space<vmem>>
      %dma_start3A_1155 = arith.constant 0 : i32
      %dma_start3A_1156 = arith.constant 0 : i32
      %dma_start3A_1157 = tpu.memref_slice %arg6[%dma_start3A_1155, %dma_start3A_1156, %multiple_of3A_1123] : memref<2x8x1000000xf32, #tpu.memory_space<hbm>> -> memref<2x8x128xf32, #tpu.memory_space<hbm>>
      tpu.enqueue_dma source(%dma_start3A_1157 : memref<2x8x128xf32, #tpu.memory_space<hbm>>) target(%dma_start3A_1154 : memref<2x8x128xf32, #tpu.memory_space<vmem>>) target_semaphore(%arg20 : memref<!tpu.dma_semaphore, #tpu.memory_space<semaphore_mem>>)
      %slice3A_1158 = vector.extract_strided_slice %gather3A_696 {offsets = [11], sizes = [1], strides = [1]} : vector<16xi32> to vector<1xi32>
      %squeeze3A_1159 = vector.extract %slice3A_1158[0] : i32 from vector<1xi32>
      %and3A_1160 = arith.andi %squeeze3A_1159, %scan3A : i32
      %multiple_of3A_1161 = tpu.assume_multiple %and3A_1160, 128 : i32
      %slice3A_1162 = vector.extract_strided_slice %gather3A_697 {offsets = [11], sizes = [1], strides = [1]} : vector<16xi32> to vector<1xi32>
      %squeeze3A_1163 = vector.extract %slice3A_1162[0] : i32 from vector<1xi32>
      %and3A_1164 = arith.andi %squeeze3A_1163, %scan3A : i32
      %multiple_of3A_1165 = tpu.assume_multiple %and3A_1164, 128 : i32
      %dma_start3A_1166 = arith.constant 11 : i32
      %dma_start3A_1167 = arith.constant 0 : i32
      %dma_start3A_1168 = arith.constant 0 : i32
      %dma_start3A_1169 = arith.constant 0 : i32
      %dma_start3A_1170 = tpu.memref_slice %arg14[%dma_start3A_1166, %dma_start3A_1167, %dma_start3A_1168, %dma_start3A_1169] : memref<16x2x8x128xf32, #tpu.memory_space<vmem>> -> memref<1x2x8x128xf32, #tpu.memory_space<vmem>>
      %dma_start3A_1171 = tpu.memref_squeeze %dma_start3A_1170 : memref<1x2x8x128xf32, #tpu.memory_space<vmem>> -> memref<2x8x128xf32, #tpu.memory_space<vmem>>
      %dma_start3A_1172 = arith.constant 0 : i32
      %dma_start3A_1173 = arith.constant 0 : i32
      %dma_start3A_1174 = tpu.memref_slice %arg5[%dma_start3A_1172, %dma_start3A_1173, %multiple_of3A_1161] : memref<2x8x1000000xf32, #tpu.memory_space<hbm>> -> memref<2x8x128xf32, #tpu.memory_space<hbm>>
      %dma_start3A_1175 = arith.constant 0 : i32
      %dma_start3A_1176 = arith.constant 0 : i32
      %dma_start3A_1177 = arith.constant 0 : i32
      %dma_start3A_1178 = tpu.memref_slice %arg14[%dma_start3A_1166, %dma_start3A_1175, %dma_start3A_1176, %dma_start3A_1177] : memref<16x2x8x128xf32, #tpu.memory_space<vmem>> -> memref<1x2x8x128xf32, #tpu.memory_space<vmem>>
      %dma_start3A_1179 = tpu.memref_squeeze %dma_start3A_1178 : memref<1x2x8x128xf32, #tpu.memory_space<vmem>> -> memref<2x8x128xf32, #tpu.memory_space<vmem>>
      %dma_start3A_1180 = arith.constant 0 : i32
      %dma_start3A_1181 = arith.constant 0 : i32
      %dma_start3A_1182 = tpu.memref_slice %arg5[%dma_start3A_1180, %dma_start3A_1181, %multiple_of3A_1161] : memref<2x8x1000000xf32, #tpu.memory_space<hbm>> -> memref<2x8x128xf32, #tpu.memory_space<hbm>>
      tpu.enqueue_dma source(%dma_start3A_1182 : memref<2x8x128xf32, #tpu.memory_space<hbm>>) target(%dma_start3A_1179 : memref<2x8x128xf32, #tpu.memory_space<vmem>>) target_semaphore(%arg19 : memref<!tpu.dma_semaphore, #tpu.memory_space<semaphore_mem>>)
      %dma_start3A_1183 = arith.constant 11 : i32
      %dma_start3A_1184 = arith.constant 0 : i32
      %dma_start3A_1185 = arith.constant 0 : i32
      %dma_start3A_1186 = arith.constant 0 : i32
      %dma_start3A_1187 = tpu.memref_slice %arg15[%dma_start3A_1183, %dma_start3A_1184, %dma_start3A_1185, %dma_start3A_1186] : memref<16x2x8x128xf32, #tpu.memory_space<vmem>> -> memref<1x2x8x128xf32, #tpu.memory_space<vmem>>
      %dma_start3A_1188 = tpu.memref_squeeze %dma_start3A_1187 : memref<1x2x8x128xf32, #tpu.memory_space<vmem>> -> memref<2x8x128xf32, #tpu.memory_space<vmem>>
      %dma_start3A_1189 = arith.constant 0 : i32
      %dma_start3A_1190 = arith.constant 0 : i32
      %dma_start3A_1191 = tpu.memref_slice %arg6[%dma_start3A_1189, %dma_start3A_1190, %multiple_of3A_1165] : memref<2x8x1000000xf32, #tpu.memory_space<hbm>> -> memref<2x8x128xf32, #tpu.memory_space<hbm>>
      %dma_start3A_1192 = arith.constant 0 : i32
      %dma_start3A_1193 = arith.constant 0 : i32
      %dma_start3A_1194 = arith.constant 0 : i32
      %dma_start3A_1195 = tpu.memref_slice %arg15[%dma_start3A_1183, %dma_start3A_1192, %dma_start3A_1193, %dma_start3A_1194] : memref<16x2x8x128xf32, #tpu.memory_space<vmem>> -> memref<1x2x8x128xf32, #tpu.memory_space<vmem>>
      %dma_start3A_1196 = tpu.memref_squeeze %dma_start3A_1195 : memref<1x2x8x128xf32, #tpu.memory_space<vmem>> -> memref<2x8x128xf32, #tpu.memory_space<vmem>>
      %dma_start3A_1197 = arith.constant 0 : i32
      %dma_start3A_1198 = arith.constant 0 : i32
      %dma_start3A_1199 = tpu.memref_slice %arg6[%dma_start3A_1197, %dma_start3A_1198, %multiple_of3A_1165] : memref<2x8x1000000xf32, #tpu.memory_space<hbm>> -> memref<2x8x128xf32, #tpu.memory_space<hbm>>
      tpu.enqueue_dma source(%dma_start3A_1199 : memref<2x8x128xf32, #tpu.memory_space<hbm>>) target(%dma_start3A_1196 : memref<2x8x128xf32, #tpu.memory_space<vmem>>) target_semaphore(%arg20 : memref<!tpu.dma_semaphore, #tpu.memory_space<semaphore_mem>>)
      %slice3A_1200 = vector.extract_strided_slice %gather3A_696 {offsets = [12], sizes = [1], strides = [1]} : vector<16xi32> to vector<1xi32>
      %squeeze3A_1201 = vector.extract %slice3A_1200[0] : i32 from vector<1xi32>
      %and3A_1202 = arith.andi %squeeze3A_1201, %scan3A : i32
      %multiple_of3A_1203 = tpu.assume_multiple %and3A_1202, 128 : i32
      %slice3A_1204 = vector.extract_strided_slice %gather3A_697 {offsets = [12], sizes = [1], strides = [1]} : vector<16xi32> to vector<1xi32>
      %squeeze3A_1205 = vector.extract %slice3A_1204[0] : i32 from vector<1xi32>
      %and3A_1206 = arith.andi %squeeze3A_1205, %scan3A : i32
      %multiple_of3A_1207 = tpu.assume_multiple %and3A_1206, 128 : i32
      %dma_start3A_1208 = arith.constant 12 : i32
      %dma_start3A_1209 = arith.constant 0 : i32
      %dma_start3A_1210 = arith.constant 0 : i32
      %dma_start3A_1211 = arith.constant 0 : i32
      %dma_start3A_1212 = tpu.memref_slice %arg14[%dma_start3A_1208, %dma_start3A_1209, %dma_start3A_1210, %dma_start3A_1211] : memref<16x2x8x128xf32, #tpu.memory_space<vmem>> -> memref<1x2x8x128xf32, #tpu.memory_space<vmem>>
      %dma_start3A_1213 = tpu.memref_squeeze %dma_start3A_1212 : memref<1x2x8x128xf32, #tpu.memory_space<vmem>> -> memref<2x8x128xf32, #tpu.memory_space<vmem>>
      %dma_start3A_1214 = arith.constant 0 : i32
      %dma_start3A_1215 = arith.constant 0 : i32
      %dma_start3A_1216 = tpu.memref_slice %arg5[%dma_start3A_1214, %dma_start3A_1215, %multiple_of3A_1203] : memref<2x8x1000000xf32, #tpu.memory_space<hbm>> -> memref<2x8x128xf32, #tpu.memory_space<hbm>>
      %dma_start3A_1217 = arith.constant 0 : i32
      %dma_start3A_1218 = arith.constant 0 : i32
      %dma_start3A_1219 = arith.constant 0 : i32
      %dma_start3A_1220 = tpu.memref_slice %arg14[%dma_start3A_1208, %dma_start3A_1217, %dma_start3A_1218, %dma_start3A_1219] : memref<16x2x8x128xf32, #tpu.memory_space<vmem>> -> memref<1x2x8x128xf32, #tpu.memory_space<vmem>>
      %dma_start3A_1221 = tpu.memref_squeeze %dma_start3A_1220 : memref<1x2x8x128xf32, #tpu.memory_space<vmem>> -> memref<2x8x128xf32, #tpu.memory_space<vmem>>
      %dma_start3A_1222 = arith.constant 0 : i32
      %dma_start3A_1223 = arith.constant 0 : i32
      %dma_start3A_1224 = tpu.memref_slice %arg5[%dma_start3A_1222, %dma_start3A_1223, %multiple_of3A_1203] : memref<2x8x1000000xf32, #tpu.memory_space<hbm>> -> memref<2x8x128xf32, #tpu.memory_space<hbm>>
      tpu.enqueue_dma source(%dma_start3A_1224 : memref<2x8x128xf32, #tpu.memory_space<hbm>>) target(%dma_start3A_1221 : memref<2x8x128xf32, #tpu.memory_space<vmem>>) target_semaphore(%arg19 : memref<!tpu.dma_semaphore, #tpu.memory_space<semaphore_mem>>)
      %dma_start3A_1225 = arith.constant 12 : i32
      %dma_start3A_1226 = arith.constant 0 : i32
      %dma_start3A_1227 = arith.constant 0 : i32
      %dma_start3A_1228 = arith.constant 0 : i32
      %dma_start3A_1229 = tpu.memref_slice %arg15[%dma_start3A_1225, %dma_start3A_1226, %dma_start3A_1227, %dma_start3A_1228] : memref<16x2x8x128xf32, #tpu.memory_space<vmem>> -> memref<1x2x8x128xf32, #tpu.memory_space<vmem>>
      %dma_start3A_1230 = tpu.memref_squeeze %dma_start3A_1229 : memref<1x2x8x128xf32, #tpu.memory_space<vmem>> -> memref<2x8x128xf32, #tpu.memory_space<vmem>>
      %dma_start3A_1231 = arith.constant 0 : i32
      %dma_start3A_1232 = arith.constant 0 : i32
      %dma_start3A_1233 = tpu.memref_slice %arg6[%dma_start3A_1231, %dma_start3A_1232, %multiple_of3A_1207] : memref<2x8x1000000xf32, #tpu.memory_space<hbm>> -> memref<2x8x128xf32, #tpu.memory_space<hbm>>
      %dma_start3A_1234 = arith.constant 0 : i32
      %dma_start3A_1235 = arith.constant 0 : i32
      %dma_start3A_1236 = arith.constant 0 : i32
      %dma_start3A_1237 = tpu.memref_slice %arg15[%dma_start3A_1225, %dma_start3A_1234, %dma_start3A_1235, %dma_start3A_1236] : memref<16x2x8x128xf32, #tpu.memory_space<vmem>> -> memref<1x2x8x128xf32, #tpu.memory_space<vmem>>
      %dma_start3A_1238 = tpu.memref_squeeze %dma_start3A_1237 : memref<1x2x8x128xf32, #tpu.memory_space<vmem>> -> memref<2x8x128xf32, #tpu.memory_space<vmem>>
      %dma_start3A_1239 = arith.constant 0 : i32
      %dma_start3A_1240 = arith.constant 0 : i32
      %dma_start3A_1241 = tpu.memref_slice %arg6[%dma_start3A_1239, %dma_start3A_1240, %multiple_of3A_1207] : memref<2x8x1000000xf32, #tpu.memory_space<hbm>> -> memref<2x8x128xf32, #tpu.memory_space<hbm>>
      tpu.enqueue_dma source(%dma_start3A_1241 : memref<2x8x128xf32, #tpu.memory_space<hbm>>) target(%dma_start3A_1238 : memref<2x8x128xf32, #tpu.memory_space<vmem>>) target_semaphore(%arg20 : memref<!tpu.dma_semaphore, #tpu.memory_space<semaphore_mem>>)
      %slice3A_1242 = vector.extract_strided_slice %gather3A_696 {offsets = [13], sizes = [1], strides = [1]} : vector<16xi32> to vector<1xi32>
      %squeeze3A_1243 = vector.extract %slice3A_1242[0] : i32 from vector<1xi32>
      %and3A_1244 = arith.andi %squeeze3A_1243, %scan3A : i32
      %multiple_of3A_1245 = tpu.assume_multiple %and3A_1244, 128 : i32
      %slice3A_1246 = vector.extract_strided_slice %gather3A_697 {offsets = [13], sizes = [1], strides = [1]} : vector<16xi32> to vector<1xi32>
      %squeeze3A_1247 = vector.extract %slice3A_1246[0] : i32 from vector<1xi32>
      %and3A_1248 = arith.andi %squeeze3A_1247, %scan3A : i32
      %multiple_of3A_1249 = tpu.assume_multiple %and3A_1248, 128 : i32
      %dma_start3A_1250 = arith.constant 13 : i32
      %dma_start3A_1251 = arith.constant 0 : i32
      %dma_start3A_1252 = arith.constant 0 : i32
      %dma_start3A_1253 = arith.constant 0 : i32
      %dma_start3A_1254 = tpu.memref_slice %arg14[%dma_start3A_1250, %dma_start3A_1251, %dma_start3A_1252, %dma_start3A_1253] : memref<16x2x8x128xf32, #tpu.memory_space<vmem>> -> memref<1x2x8x128xf32, #tpu.memory_space<vmem>>
      %dma_start3A_1255 = tpu.memref_squeeze %dma_start3A_1254 : memref<1x2x8x128xf32, #tpu.memory_space<vmem>> -> memref<2x8x128xf32, #tpu.memory_space<vmem>>
      %dma_start3A_1256 = arith.constant 0 : i32
      %dma_start3A_1257 = arith.constant 0 : i32
      %dma_start3A_1258 = tpu.memref_slice %arg5[%dma_start3A_1256, %dma_start3A_1257, %multiple_of3A_1245] : memref<2x8x1000000xf32, #tpu.memory_space<hbm>> -> memref<2x8x128xf32, #tpu.memory_space<hbm>>
      %dma_start3A_1259 = arith.constant 0 : i32
      %dma_start3A_1260 = arith.constant 0 : i32
      %dma_start3A_1261 = arith.constant 0 : i32
      %dma_start3A_1262 = tpu.memref_slice %arg14[%dma_start3A_1250, %dma_start3A_1259, %dma_start3A_1260, %dma_start3A_1261] : memref<16x2x8x128xf32, #tpu.memory_space<vmem>> -> memref<1x2x8x128xf32, #tpu.memory_space<vmem>>
      %dma_start3A_1263 = tpu.memref_squeeze %dma_start3A_1262 : memref<1x2x8x128xf32, #tpu.memory_space<vmem>> -> memref<2x8x128xf32, #tpu.memory_space<vmem>>
      %dma_start3A_1264 = arith.constant 0 : i32
      %dma_start3A_1265 = arith.constant 0 : i32
      %dma_start3A_1266 = tpu.memref_slice %arg5[%dma_start3A_1264, %dma_start3A_1265, %multiple_of3A_1245] : memref<2x8x1000000xf32, #tpu.memory_space<hbm>> -> memref<2x8x128xf32, #tpu.memory_space<hbm>>
      tpu.enqueue_dma source(%dma_start3A_1266 : memref<2x8x128xf32, #tpu.memory_space<hbm>>) target(%dma_start3A_1263 : memref<2x8x128xf32, #tpu.memory_space<vmem>>) target_semaphore(%arg19 : memref<!tpu.dma_semaphore, #tpu.memory_space<semaphore_mem>>)
      %dma_start3A_1267 = arith.constant 13 : i32
      %dma_start3A_1268 = arith.constant 0 : i32
      %dma_start3A_1269 = arith.constant 0 : i32
      %dma_start3A_1270 = arith.constant 0 : i32
      %dma_start3A_1271 = tpu.memref_slice %arg15[%dma_start3A_1267, %dma_start3A_1268, %dma_start3A_1269, %dma_start3A_1270] : memref<16x2x8x128xf32, #tpu.memory_space<vmem>> -> memref<1x2x8x128xf32, #tpu.memory_space<vmem>>
      %dma_start3A_1272 = tpu.memref_squeeze %dma_start3A_1271 : memref<1x2x8x128xf32, #tpu.memory_space<vmem>> -> memref<2x8x128xf32, #tpu.memory_space<vmem>>
      %dma_start3A_1273 = arith.constant 0 : i32
      %dma_start3A_1274 = arith.constant 0 : i32
      %dma_start3A_1275 = tpu.memref_slice %arg6[%dma_start3A_1273, %dma_start3A_1274, %multiple_of3A_1249] : memref<2x8x1000000xf32, #tpu.memory_space<hbm>> -> memref<2x8x128xf32, #tpu.memory_space<hbm>>
      %dma_start3A_1276 = arith.constant 0 : i32
      %dma_start3A_1277 = arith.constant 0 : i32
      %dma_start3A_1278 = arith.constant 0 : i32
      %dma_start3A_1279 = tpu.memref_slice %arg15[%dma_start3A_1267, %dma_start3A_1276, %dma_start3A_1277, %dma_start3A_1278] : memref<16x2x8x128xf32, #tpu.memory_space<vmem>> -> memref<1x2x8x128xf32, #tpu.memory_space<vmem>>
      %dma_start3A_1280 = tpu.memref_squeeze %dma_start3A_1279 : memref<1x2x8x128xf32, #tpu.memory_space<vmem>> -> memref<2x8x128xf32, #tpu.memory_space<vmem>>
      %dma_start3A_1281 = arith.constant 0 : i32
      %dma_start3A_1282 = arith.constant 0 : i32
      %dma_start3A_1283 = tpu.memref_slice %arg6[%dma_start3A_1281, %dma_start3A_1282, %multiple_of3A_1249] : memref<2x8x1000000xf32, #tpu.memory_space<hbm>> -> memref<2x8x128xf32, #tpu.memory_space<hbm>>
      tpu.enqueue_dma source(%dma_start3A_1283 : memref<2x8x128xf32, #tpu.memory_space<hbm>>) target(%dma_start3A_1280 : memref<2x8x128xf32, #tpu.memory_space<vmem>>) target_semaphore(%arg20 : memref<!tpu.dma_semaphore, #tpu.memory_space<semaphore_mem>>)
      %slice3A_1284 = vector.extract_strided_slice %gather3A_696 {offsets = [14], sizes = [1], strides = [1]} : vector<16xi32> to vector<1xi32>
      %squeeze3A_1285 = vector.extract %slice3A_1284[0] : i32 from vector<1xi32>
      %and3A_1286 = arith.andi %squeeze3A_1285, %scan3A : i32
      %multiple_of3A_1287 = tpu.assume_multiple %and3A_1286, 128 : i32
      %slice3A_1288 = vector.extract_strided_slice %gather3A_697 {offsets = [14], sizes = [1], strides = [1]} : vector<16xi32> to vector<1xi32>
      %squeeze3A_1289 = vector.extract %slice3A_1288[0] : i32 from vector<1xi32>
      %and3A_1290 = arith.andi %squeeze3A_1289, %scan3A : i32
      %multiple_of3A_1291 = tpu.assume_multiple %and3A_1290, 128 : i32
      %dma_start3A_1292 = arith.constant 14 : i32
      %dma_start3A_1293 = arith.constant 0 : i32
      %dma_start3A_1294 = arith.constant 0 : i32
      %dma_start3A_1295 = arith.constant 0 : i32
      %dma_start3A_1296 = tpu.memref_slice %arg14[%dma_start3A_1292, %dma_start3A_1293, %dma_start3A_1294, %dma_start3A_1295] : memref<16x2x8x128xf32, #tpu.memory_space<vmem>> -> memref<1x2x8x128xf32, #tpu.memory_space<vmem>>
      %dma_start3A_1297 = tpu.memref_squeeze %dma_start3A_1296 : memref<1x2x8x128xf32, #tpu.memory_space<vmem>> -> memref<2x8x128xf32, #tpu.memory_space<vmem>>
      %dma_start3A_1298 = arith.constant 0 : i32
      %dma_start3A_1299 = arith.constant 0 : i32
      %dma_start3A_1300 = tpu.memref_slice %arg5[%dma_start3A_1298, %dma_start3A_1299, %multiple_of3A_1287] : memref<2x8x1000000xf32, #tpu.memory_space<hbm>> -> memref<2x8x128xf32, #tpu.memory_space<hbm>>
      %dma_start3A_1301 = arith.constant 0 : i32
      %dma_start3A_1302 = arith.constant 0 : i32
      %dma_start3A_1303 = arith.constant 0 : i32
      %dma_start3A_1304 = tpu.memref_slice %arg14[%dma_start3A_1292, %dma_start3A_1301, %dma_start3A_1302, %dma_start3A_1303] : memref<16x2x8x128xf32, #tpu.memory_space<vmem>> -> memref<1x2x8x128xf32, #tpu.memory_space<vmem>>
      %dma_start3A_1305 = tpu.memref_squeeze %dma_start3A_1304 : memref<1x2x8x128xf32, #tpu.memory_space<vmem>> -> memref<2x8x128xf32, #tpu.memory_space<vmem>>
      %dma_start3A_1306 = arith.constant 0 : i32
      %dma_start3A_1307 = arith.constant 0 : i32
      %dma_start3A_1308 = tpu.memref_slice %arg5[%dma_start3A_1306, %dma_start3A_1307, %multiple_of3A_1287] : memref<2x8x1000000xf32, #tpu.memory_space<hbm>> -> memref<2x8x128xf32, #tpu.memory_space<hbm>>
      tpu.enqueue_dma source(%dma_start3A_1308 : memref<2x8x128xf32, #tpu.memory_space<hbm>>) target(%dma_start3A_1305 : memref<2x8x128xf32, #tpu.memory_space<vmem>>) target_semaphore(%arg19 : memref<!tpu.dma_semaphore, #tpu.memory_space<semaphore_mem>>)
      %dma_start3A_1309 = arith.constant 14 : i32
      %dma_start3A_1310 = arith.constant 0 : i32
      %dma_start3A_1311 = arith.constant 0 : i32
      %dma_start3A_1312 = arith.constant 0 : i32
      %dma_start3A_1313 = tpu.memref_slice %arg15[%dma_start3A_1309, %dma_start3A_1310, %dma_start3A_1311, %dma_start3A_1312] : memref<16x2x8x128xf32, #tpu.memory_space<vmem>> -> memref<1x2x8x128xf32, #tpu.memory_space<vmem>>
      %dma_start3A_1314 = tpu.memref_squeeze %dma_start3A_1313 : memref<1x2x8x128xf32, #tpu.memory_space<vmem>> -> memref<2x8x128xf32, #tpu.memory_space<vmem>>
      %dma_start3A_1315 = arith.constant 0 : i32
      %dma_start3A_1316 = arith.constant 0 : i32
      %dma_start3A_1317 = tpu.memref_slice %arg6[%dma_start3A_1315, %dma_start3A_1316, %multiple_of3A_1291] : memref<2x8x1000000xf32, #tpu.memory_space<hbm>> -> memref<2x8x128xf32, #tpu.memory_space<hbm>>
      %dma_start3A_1318 = arith.constant 0 : i32
      %dma_start3A_1319 = arith.constant 0 : i32
      %dma_start3A_1320 = arith.constant 0 : i32
      %dma_start3A_1321 = tpu.memref_slice %arg15[%dma_start3A_1309, %dma_start3A_1318, %dma_start3A_1319, %dma_start3A_1320] : memref<16x2x8x128xf32, #tpu.memory_space<vmem>> -> memref<1x2x8x128xf32, #tpu.memory_space<vmem>>
      %dma_start3A_1322 = tpu.memref_squeeze %dma_start3A_1321 : memref<1x2x8x128xf32, #tpu.memory_space<vmem>> -> memref<2x8x128xf32, #tpu.memory_space<vmem>>
      %dma_start3A_1323 = arith.constant 0 : i32
      %dma_start3A_1324 = arith.constant 0 : i32
      %dma_start3A_1325 = tpu.memref_slice %arg6[%dma_start3A_1323, %dma_start3A_1324, %multiple_of3A_1291] : memref<2x8x1000000xf32, #tpu.memory_space<hbm>> -> memref<2x8x128xf32, #tpu.memory_space<hbm>>
      tpu.enqueue_dma source(%dma_start3A_1325 : memref<2x8x128xf32, #tpu.memory_space<hbm>>) target(%dma_start3A_1322 : memref<2x8x128xf32, #tpu.memory_space<vmem>>) target_semaphore(%arg20 : memref<!tpu.dma_semaphore, #tpu.memory_space<semaphore_mem>>)
      %slice3A_1326 = vector.extract_strided_slice %gather3A_696 {offsets = [15], sizes = [1], strides = [1]} : vector<16xi32> to vector<1xi32>
      %squeeze3A_1327 = vector.extract %slice3A_1326[0] : i32 from vector<1xi32>
      %and3A_1328 = arith.andi %squeeze3A_1327, %scan3A : i32
      %multiple_of3A_1329 = tpu.assume_multiple %and3A_1328, 128 : i32
      %slice3A_1330 = vector.extract_strided_slice %gather3A_697 {offsets = [15], sizes = [1], strides = [1]} : vector<16xi32> to vector<1xi32>
      %squeeze3A_1331 = vector.extract %slice3A_1330[0] : i32 from vector<1xi32>
      %and3A_1332 = arith.andi %squeeze3A_1331, %scan3A : i32
      %multiple_of3A_1333 = tpu.assume_multiple %and3A_1332, 128 : i32
      %dma_start3A_1334 = arith.constant 15 : i32
      %dma_start3A_1335 = arith.constant 0 : i32
      %dma_start3A_1336 = arith.constant 0 : i32
      %dma_start3A_1337 = arith.constant 0 : i32
      %dma_start3A_1338 = tpu.memref_slice %arg14[%dma_start3A_1334, %dma_start3A_1335, %dma_start3A_1336, %dma_start3A_1337] : memref<16x2x8x128xf32, #tpu.memory_space<vmem>> -> memref<1x2x8x128xf32, #tpu.memory_space<vmem>>
      %dma_start3A_1339 = tpu.memref_squeeze %dma_start3A_1338 : memref<1x2x8x128xf32, #tpu.memory_space<vmem>> -> memref<2x8x128xf32, #tpu.memory_space<vmem>>
      %dma_start3A_1340 = arith.constant 0 : i32
      %dma_start3A_1341 = arith.constant 0 : i32
      %dma_start3A_1342 = tpu.memref_slice %arg5[%dma_start3A_1340, %dma_start3A_1341, %multiple_of3A_1329] : memref<2x8x1000000xf32, #tpu.memory_space<hbm>> -> memref<2x8x128xf32, #tpu.memory_space<hbm>>
      %dma_start3A_1343 = arith.constant 0 : i32
      %dma_start3A_1344 = arith.constant 0 : i32
      %dma_start3A_1345 = arith.constant 0 : i32
      %dma_start3A_1346 = tpu.memref_slice %arg14[%dma_start3A_1334, %dma_start3A_1343, %dma_start3A_1344, %dma_start3A_1345] : memref<16x2x8x128xf32, #tpu.memory_space<vmem>> -> memref<1x2x8x128xf32, #tpu.memory_space<vmem>>
      %dma_start3A_1347 = tpu.memref_squeeze %dma_start3A_1346 : memref<1x2x8x128xf32, #tpu.memory_space<vmem>> -> memref<2x8x128xf32, #tpu.memory_space<vmem>>
      %dma_start3A_1348 = arith.constant 0 : i32
      %dma_start3A_1349 = arith.constant 0 : i32
      %dma_start3A_1350 = tpu.memref_slice %arg5[%dma_start3A_1348, %dma_start3A_1349, %multiple_of3A_1329] : memref<2x8x1000000xf32, #tpu.memory_space<hbm>> -> memref<2x8x128xf32, #tpu.memory_space<hbm>>
      tpu.enqueue_dma source(%dma_start3A_1350 : memref<2x8x128xf32, #tpu.memory_space<hbm>>) target(%dma_start3A_1347 : memref<2x8x128xf32, #tpu.memory_space<vmem>>) target_semaphore(%arg19 : memref<!tpu.dma_semaphore, #tpu.memory_space<semaphore_mem>>)
      %dma_start3A_1351 = arith.constant 15 : i32
      %dma_start3A_1352 = arith.constant 0 : i32
      %dma_start3A_1353 = arith.constant 0 : i32
      %dma_start3A_1354 = arith.constant 0 : i32
      %dma_start3A_1355 = tpu.memref_slice %arg15[%dma_start3A_1351, %dma_start3A_1352, %dma_start3A_1353, %dma_start3A_1354] : memref<16x2x8x128xf32, #tpu.memory_space<vmem>> -> memref<1x2x8x128xf32, #tpu.memory_space<vmem>>
      %dma_start3A_1356 = tpu.memref_squeeze %dma_start3A_1355 : memref<1x2x8x128xf32, #tpu.memory_space<vmem>> -> memref<2x8x128xf32, #tpu.memory_space<vmem>>
      %dma_start3A_1357 = arith.constant 0 : i32
      %dma_start3A_1358 = arith.constant 0 : i32
      %dma_start3A_1359 = tpu.memref_slice %arg6[%dma_start3A_1357, %dma_start3A_1358, %multiple_of3A_1333] : memref<2x8x1000000xf32, #tpu.memory_space<hbm>> -> memref<2x8x128xf32, #tpu.memory_space<hbm>>
      %dma_start3A_1360 = arith.constant 0 : i32
      %dma_start3A_1361 = arith.constant 0 : i32
      %dma_start3A_1362 = arith.constant 0 : i32
      %dma_start3A_1363 = tpu.memref_slice %arg15[%dma_start3A_1351, %dma_start3A_1360, %dma_start3A_1361, %dma_start3A_1362] : memref<16x2x8x128xf32, #tpu.memory_space<vmem>> -> memref<1x2x8x128xf32, #tpu.memory_space<vmem>>
      %dma_start3A_1364 = tpu.memref_squeeze %dma_start3A_1363 : memref<1x2x8x128xf32, #tpu.memory_space<vmem>> -> memref<2x8x128xf32, #tpu.memory_space<vmem>>
      %dma_start3A_1365 = arith.constant 0 : i32
      %dma_start3A_1366 = arith.constant 0 : i32
      %dma_start3A_1367 = tpu.memref_slice %arg6[%dma_start3A_1365, %dma_start3A_1366, %multiple_of3A_1333] : memref<2x8x1000000xf32, #tpu.memory_space<hbm>> -> memref<2x8x128xf32, #tpu.memory_space<hbm>>
      tpu.enqueue_dma source(%dma_start3A_1367 : memref<2x8x128xf32, #tpu.memory_space<hbm>>) target(%dma_start3A_1364 : memref<2x8x128xf32, #tpu.memory_space<vmem>>) target_semaphore(%arg20 : memref<!tpu.dma_semaphore, #tpu.memory_space<semaphore_mem>>)
      %dma_wait3A_1368 = arith.constant 0 : i32
      %dma_wait3A_1369 = arith.constant 0 : i32
      %dma_wait3A_1370 = arith.constant 0 : i32
      %dma_wait3A_1371 = arith.constant 0 : i32
      %dma_wait3A_1372 = tpu.memref_slice %arg14[%dma_wait3A_1368, %dma_wait3A_1369, %dma_wait3A_1370, %dma_wait3A_1371] : memref<16x2x8x128xf32, #tpu.memory_space<vmem>> -> memref<1x2x8x128xf32, #tpu.memory_space<vmem>>
      %dma_wait3A_1373 = tpu.memref_squeeze %dma_wait3A_1372 : memref<1x2x8x128xf32, #tpu.memory_space<vmem>> -> memref<2x8x128xf32, #tpu.memory_space<vmem>>
      %dma_wait3A_1374 = arith.constant 0 : i32
      %dma_wait3A_1375 = arith.constant 0 : i32
      %dma_wait3A_1376 = tpu.memref_slice %arg5[%dma_wait3A_1374, %dma_wait3A_1375, %multiple_of3A] : memref<2x8x1000000xf32, #tpu.memory_space<hbm>> -> memref<2x8x128xf32, #tpu.memory_space<hbm>>
      %dma_wait3A_1377 = arith.constant 0 : i32
      %dma_wait3A_1378 = arith.constant 0 : i32
      %dma_wait3A_1379 = arith.constant 0 : i32
      %dma_wait3A_1380 = tpu.memref_slice %arg14[%dma_wait3A_1368, %dma_wait3A_1377, %dma_wait3A_1378, %dma_wait3A_1379] : memref<16x2x8x128xf32, #tpu.memory_space<vmem>> -> memref<1x2x8x128xf32, #tpu.memory_space<vmem>>
      %dma_wait3A_1381 = tpu.memref_squeeze %dma_wait3A_1380 : memref<1x2x8x128xf32, #tpu.memory_space<vmem>> -> memref<2x8x128xf32, #tpu.memory_space<vmem>>
      %dma_wait3A_1382 = arith.constant 0 : i32
      %dma_wait3A_1383 = arith.constant 0 : i32
      %dma_wait3A_1384 = tpu.memref_slice %arg5[%dma_wait3A_1382, %dma_wait3A_1383, %multiple_of3A] : memref<2x8x1000000xf32, #tpu.memory_space<hbm>> -> memref<2x8x128xf32, #tpu.memory_space<hbm>>
      tpu.wait_dma2 semaphore(%arg19 : memref<!tpu.dma_semaphore, #tpu.memory_space<semaphore_mem>>) src(%dma_wait3A_1384 : memref<2x8x128xf32, #tpu.memory_space<hbm>>) dst(%dma_wait3A_1381 : memref<2x8x128xf32, #tpu.memory_space<vmem>>)
      %dma_wait3A_1385 = arith.constant 1 : i32
      %dma_wait3A_1386 = arith.constant 0 : i32
      %dma_wait3A_1387 = arith.constant 0 : i32
      %dma_wait3A_1388 = arith.constant 0 : i32
      %dma_wait3A_1389 = tpu.memref_slice %arg14[%dma_wait3A_1385, %dma_wait3A_1386, %dma_wait3A_1387, %dma_wait3A_1388] : memref<16x2x8x128xf32, #tpu.memory_space<vmem>> -> memref<1x2x8x128xf32, #tpu.memory_space<vmem>>
      %dma_wait3A_1390 = tpu.memref_squeeze %dma_wait3A_1389 : memref<1x2x8x128xf32, #tpu.memory_space<vmem>> -> memref<2x8x128xf32, #tpu.memory_space<vmem>>
      %dma_wait3A_1391 = arith.constant 0 : i32
      %dma_wait3A_1392 = arith.constant 0 : i32
      %dma_wait3A_1393 = tpu.memref_slice %arg5[%dma_wait3A_1391, %dma_wait3A_1392, %multiple_of3A_741] : memref<2x8x1000000xf32, #tpu.memory_space<hbm>> -> memref<2x8x128xf32, #tpu.memory_space<hbm>>
      %dma_wait3A_1394 = arith.constant 0 : i32
      %dma_wait3A_1395 = arith.constant 0 : i32
      %dma_wait3A_1396 = arith.constant 0 : i32
      %dma_wait3A_1397 = tpu.memref_slice %arg14[%dma_wait3A_1385, %dma_wait3A_1394, %dma_wait3A_1395, %dma_wait3A_1396] : memref<16x2x8x128xf32, #tpu.memory_space<vmem>> -> memref<1x2x8x128xf32, #tpu.memory_space<vmem>>
      %dma_wait3A_1398 = tpu.memref_squeeze %dma_wait3A_1397 : memref<1x2x8x128xf32, #tpu.memory_space<vmem>> -> memref<2x8x128xf32, #tpu.memory_space<vmem>>
      %dma_wait3A_1399 = arith.constant 0 : i32
      %dma_wait3A_1400 = arith.constant 0 : i32
      %dma_wait3A_1401 = tpu.memref_slice %arg5[%dma_wait3A_1399, %dma_wait3A_1400, %multiple_of3A_741] : memref<2x8x1000000xf32, #tpu.memory_space<hbm>> -> memref<2x8x128xf32, #tpu.memory_space<hbm>>
      tpu.wait_dma2 semaphore(%arg19 : memref<!tpu.dma_semaphore, #tpu.memory_space<semaphore_mem>>) src(%dma_wait3A_1401 : memref<2x8x128xf32, #tpu.memory_space<hbm>>) dst(%dma_wait3A_1398 : memref<2x8x128xf32, #tpu.memory_space<vmem>>)
      %dma_wait3A_1402 = arith.constant 2 : i32
      %dma_wait3A_1403 = arith.constant 0 : i32
      %dma_wait3A_1404 = arith.constant 0 : i32
      %dma_wait3A_1405 = arith.constant 0 : i32
      %dma_wait3A_1406 = tpu.memref_slice %arg14[%dma_wait3A_1402, %dma_wait3A_1403, %dma_wait3A_1404, %dma_wait3A_1405] : memref<16x2x8x128xf32, #tpu.memory_space<vmem>> -> memref<1x2x8x128xf32, #tpu.memory_space<vmem>>
      %dma_wait3A_1407 = tpu.memref_squeeze %dma_wait3A_1406 : memref<1x2x8x128xf32, #tpu.memory_space<vmem>> -> memref<2x8x128xf32, #tpu.memory_space<vmem>>
      %dma_wait3A_1408 = arith.constant 0 : i32
      %dma_wait3A_1409 = arith.constant 0 : i32
      %dma_wait3A_1410 = tpu.memref_slice %arg5[%dma_wait3A_1408, %dma_wait3A_1409, %multiple_of3A_783] : memref<2x8x1000000xf32, #tpu.memory_space<hbm>> -> memref<2x8x128xf32, #tpu.memory_space<hbm>>
      %dma_wait3A_1411 = arith.constant 0 : i32
      %dma_wait3A_1412 = arith.constant 0 : i32
      %dma_wait3A_1413 = arith.constant 0 : i32
      %dma_wait3A_1414 = tpu.memref_slice %arg14[%dma_wait3A_1402, %dma_wait3A_1411, %dma_wait3A_1412, %dma_wait3A_1413] : memref<16x2x8x128xf32, #tpu.memory_space<vmem>> -> memref<1x2x8x128xf32, #tpu.memory_space<vmem>>
      %dma_wait3A_1415 = tpu.memref_squeeze %dma_wait3A_1414 : memref<1x2x8x128xf32, #tpu.memory_space<vmem>> -> memref<2x8x128xf32, #tpu.memory_space<vmem>>
      %dma_wait3A_1416 = arith.constant 0 : i32
      %dma_wait3A_1417 = arith.constant 0 : i32
      %dma_wait3A_1418 = tpu.memref_slice %arg5[%dma_wait3A_1416, %dma_wait3A_1417, %multiple_of3A_783] : memref<2x8x1000000xf32, #tpu.memory_space<hbm>> -> memref<2x8x128xf32, #tpu.memory_space<hbm>>
      tpu.wait_dma2 semaphore(%arg19 : memref<!tpu.dma_semaphore, #tpu.memory_space<semaphore_mem>>) src(%dma_wait3A_1418 : memref<2x8x128xf32, #tpu.memory_space<hbm>>) dst(%dma_wait3A_1415 : memref<2x8x128xf32, #tpu.memory_space<vmem>>)
      %dma_wait3A_1419 = arith.constant 3 : i32
      %dma_wait3A_1420 = arith.constant 0 : i32
      %dma_wait3A_1421 = arith.constant 0 : i32
      %dma_wait3A_1422 = arith.constant 0 : i32
      %dma_wait3A_1423 = tpu.memref_slice %arg14[%dma_wait3A_1419, %dma_wait3A_1420, %dma_wait3A_1421, %dma_wait3A_1422] : memref<16x2x8x128xf32, #tpu.memory_space<vmem>> -> memref<1x2x8x128xf32, #tpu.memory_space<vmem>>
      %dma_wait3A_1424 = tpu.memref_squeeze %dma_wait3A_1423 : memref<1x2x8x128xf32, #tpu.memory_space<vmem>> -> memref<2x8x128xf32, #tpu.memory_space<vmem>>
      %dma_wait3A_1425 = arith.constant 0 : i32
      %dma_wait3A_1426 = arith.constant 0 : i32
      %dma_wait3A_1427 = tpu.memref_slice %arg5[%dma_wait3A_1425, %dma_wait3A_1426, %multiple_of3A_825] : memref<2x8x1000000xf32, #tpu.memory_space<hbm>> -> memref<2x8x128xf32, #tpu.memory_space<hbm>>
      %dma_wait3A_1428 = arith.constant 0 : i32
      %dma_wait3A_1429 = arith.constant 0 : i32
      %dma_wait3A_1430 = arith.constant 0 : i32
      %dma_wait3A_1431 = tpu.memref_slice %arg14[%dma_wait3A_1419, %dma_wait3A_1428, %dma_wait3A_1429, %dma_wait3A_1430] : memref<16x2x8x128xf32, #tpu.memory_space<vmem>> -> memref<1x2x8x128xf32, #tpu.memory_space<vmem>>
      %dma_wait3A_1432 = tpu.memref_squeeze %dma_wait3A_1431 : memref<1x2x8x128xf32, #tpu.memory_space<vmem>> -> memref<2x8x128xf32, #tpu.memory_space<vmem>>
      %dma_wait3A_1433 = arith.constant 0 : i32
      %dma_wait3A_1434 = arith.constant 0 : i32
      %dma_wait3A_1435 = tpu.memref_slice %arg5[%dma_wait3A_1433, %dma_wait3A_1434, %multiple_of3A_825] : memref<2x8x1000000xf32, #tpu.memory_space<hbm>> -> memref<2x8x128xf32, #tpu.memory_space<hbm>>
      tpu.wait_dma2 semaphore(%arg19 : memref<!tpu.dma_semaphore, #tpu.memory_space<semaphore_mem>>) src(%dma_wait3A_1435 : memref<2x8x128xf32, #tpu.memory_space<hbm>>) dst(%dma_wait3A_1432 : memref<2x8x128xf32, #tpu.memory_space<vmem>>)
      %dma_wait3A_1436 = arith.constant 4 : i32
      %dma_wait3A_1437 = arith.constant 0 : i32
      %dma_wait3A_1438 = arith.constant 0 : i32
      %dma_wait3A_1439 = arith.constant 0 : i32
      %dma_wait3A_1440 = tpu.memref_slice %arg14[%dma_wait3A_1436, %dma_wait3A_1437, %dma_wait3A_1438, %dma_wait3A_1439] : memref<16x2x8x128xf32, #tpu.memory_space<vmem>> -> memref<1x2x8x128xf32, #tpu.memory_space<vmem>>
      %dma_wait3A_1441 = tpu.memref_squeeze %dma_wait3A_1440 : memref<1x2x8x128xf32, #tpu.memory_space<vmem>> -> memref<2x8x128xf32, #tpu.memory_space<vmem>>
      %dma_wait3A_1442 = arith.constant 0 : i32
      %dma_wait3A_1443 = arith.constant 0 : i32
      %dma_wait3A_1444 = tpu.memref_slice %arg5[%dma_wait3A_1442, %dma_wait3A_1443, %multiple_of3A_867] : memref<2x8x1000000xf32, #tpu.memory_space<hbm>> -> memref<2x8x128xf32, #tpu.memory_space<hbm>>
      %dma_wait3A_1445 = arith.constant 0 : i32
      %dma_wait3A_1446 = arith.constant 0 : i32
      %dma_wait3A_1447 = arith.constant 0 : i32
      %dma_wait3A_1448 = tpu.memref_slice %arg14[%dma_wait3A_1436, %dma_wait3A_1445, %dma_wait3A_1446, %dma_wait3A_1447] : memref<16x2x8x128xf32, #tpu.memory_space<vmem>> -> memref<1x2x8x128xf32, #tpu.memory_space<vmem>>
      %dma_wait3A_1449 = tpu.memref_squeeze %dma_wait3A_1448 : memref<1x2x8x128xf32, #tpu.memory_space<vmem>> -> memref<2x8x128xf32, #tpu.memory_space<vmem>>
      %dma_wait3A_1450 = arith.constant 0 : i32
      %dma_wait3A_1451 = arith.constant 0 : i32
      %dma_wait3A_1452 = tpu.memref_slice %arg5[%dma_wait3A_1450, %dma_wait3A_1451, %multiple_of3A_867] : memref<2x8x1000000xf32, #tpu.memory_space<hbm>> -> memref<2x8x128xf32, #tpu.memory_space<hbm>>
      tpu.wait_dma2 semaphore(%arg19 : memref<!tpu.dma_semaphore, #tpu.memory_space<semaphore_mem>>) src(%dma_wait3A_1452 : memref<2x8x128xf32, #tpu.memory_space<hbm>>) dst(%dma_wait3A_1449 : memref<2x8x128xf32, #tpu.memory_space<vmem>>)
      %dma_wait3A_1453 = arith.constant 5 : i32
      %dma_wait3A_1454 = arith.constant 0 : i32
      %dma_wait3A_1455 = arith.constant 0 : i32
      %dma_wait3A_1456 = arith.constant 0 : i32
      %dma_wait3A_1457 = tpu.memref_slice %arg14[%dma_wait3A_1453, %dma_wait3A_1454, %dma_wait3A_1455, %dma_wait3A_1456] : memref<16x2x8x128xf32, #tpu.memory_space<vmem>> -> memref<1x2x8x128xf32, #tpu.memory_space<vmem>>
      %dma_wait3A_1458 = tpu.memref_squeeze %dma_wait3A_1457 : memref<1x2x8x128xf32, #tpu.memory_space<vmem>> -> memref<2x8x128xf32, #tpu.memory_space<vmem>>
      %dma_wait3A_1459 = arith.constant 0 : i32
      %dma_wait3A_1460 = arith.constant 0 : i32
      %dma_wait3A_1461 = tpu.memref_slice %arg5[%dma_wait3A_1459, %dma_wait3A_1460, %multiple_of3A_909] : memref<2x8x1000000xf32, #tpu.memory_space<hbm>> -> memref<2x8x128xf32, #tpu.memory_space<hbm>>
      %dma_wait3A_1462 = arith.constant 0 : i32
      %dma_wait3A_1463 = arith.constant 0 : i32
      %dma_wait3A_1464 = arith.constant 0 : i32
      %dma_wait3A_1465 = tpu.memref_slice %arg14[%dma_wait3A_1453, %dma_wait3A_1462, %dma_wait3A_1463, %dma_wait3A_1464] : memref<16x2x8x128xf32, #tpu.memory_space<vmem>> -> memref<1x2x8x128xf32, #tpu.memory_space<vmem>>
      %dma_wait3A_1466 = tpu.memref_squeeze %dma_wait3A_1465 : memref<1x2x8x128xf32, #tpu.memory_space<vmem>> -> memref<2x8x128xf32, #tpu.memory_space<vmem>>
      %dma_wait3A_1467 = arith.constant 0 : i32
      %dma_wait3A_1468 = arith.constant 0 : i32
      %dma_wait3A_1469 = tpu.memref_slice %arg5[%dma_wait3A_1467, %dma_wait3A_1468, %multiple_of3A_909] : memref<2x8x1000000xf32, #tpu.memory_space<hbm>> -> memref<2x8x128xf32, #tpu.memory_space<hbm>>
      tpu.wait_dma2 semaphore(%arg19 : memref<!tpu.dma_semaphore, #tpu.memory_space<semaphore_mem>>) src(%dma_wait3A_1469 : memref<2x8x128xf32, #tpu.memory_space<hbm>>) dst(%dma_wait3A_1466 : memref<2x8x128xf32, #tpu.memory_space<vmem>>)
      %dma_wait3A_1470 = arith.constant 6 : i32
      %dma_wait3A_1471 = arith.constant 0 : i32
      %dma_wait3A_1472 = arith.constant 0 : i32
      %dma_wait3A_1473 = arith.constant 0 : i32
      %dma_wait3A_1474 = tpu.memref_slice %arg14[%dma_wait3A_1470, %dma_wait3A_1471, %dma_wait3A_1472, %dma_wait3A_1473] : memref<16x2x8x128xf32, #tpu.memory_space<vmem>> -> memref<1x2x8x128xf32, #tpu.memory_space<vmem>>
      %dma_wait3A_1475 = tpu.memref_squeeze %dma_wait3A_1474 : memref<1x2x8x128xf32, #tpu.memory_space<vmem>> -> memref<2x8x128xf32, #tpu.memory_space<vmem>>
      %dma_wait3A_1476 = arith.constant 0 : i32
      %dma_wait3A_1477 = arith.constant 0 : i32
      %dma_wait3A_1478 = tpu.memref_slice %arg5[%dma_wait3A_1476, %dma_wait3A_1477, %multiple_of3A_951] : memref<2x8x1000000xf32, #tpu.memory_space<hbm>> -> memref<2x8x128xf32, #tpu.memory_space<hbm>>
      %dma_wait3A_1479 = arith.constant 0 : i32
      %dma_wait3A_1480 = arith.constant 0 : i32
      %dma_wait3A_1481 = arith.constant 0 : i32
      %dma_wait3A_1482 = tpu.memref_slice %arg14[%dma_wait3A_1470, %dma_wait3A_1479, %dma_wait3A_1480, %dma_wait3A_1481] : memref<16x2x8x128xf32, #tpu.memory_space<vmem>> -> memref<1x2x8x128xf32, #tpu.memory_space<vmem>>
      %dma_wait3A_1483 = tpu.memref_squeeze %dma_wait3A_1482 : memref<1x2x8x128xf32, #tpu.memory_space<vmem>> -> memref<2x8x128xf32, #tpu.memory_space<vmem>>
      %dma_wait3A_1484 = arith.constant 0 : i32
      %dma_wait3A_1485 = arith.constant 0 : i32
      %dma_wait3A_1486 = tpu.memref_slice %arg5[%dma_wait3A_1484, %dma_wait3A_1485, %multiple_of3A_951] : memref<2x8x1000000xf32, #tpu.memory_space<hbm>> -> memref<2x8x128xf32, #tpu.memory_space<hbm>>
      tpu.wait_dma2 semaphore(%arg19 : memref<!tpu.dma_semaphore, #tpu.memory_space<semaphore_mem>>) src(%dma_wait3A_1486 : memref<2x8x128xf32, #tpu.memory_space<hbm>>) dst(%dma_wait3A_1483 : memref<2x8x128xf32, #tpu.memory_space<vmem>>)
      %dma_wait3A_1487 = arith.constant 7 : i32
      %dma_wait3A_1488 = arith.constant 0 : i32
      %dma_wait3A_1489 = arith.constant 0 : i32
      %dma_wait3A_1490 = arith.constant 0 : i32
      %dma_wait3A_1491 = tpu.memref_slice %arg14[%dma_wait3A_1487, %dma_wait3A_1488, %dma_wait3A_1489, %dma_wait3A_1490] : memref<16x2x8x128xf32, #tpu.memory_space<vmem>> -> memref<1x2x8x128xf32, #tpu.memory_space<vmem>>
      %dma_wait3A_1492 = tpu.memref_squeeze %dma_wait3A_1491 : memref<1x2x8x128xf32, #tpu.memory_space<vmem>> -> memref<2x8x128xf32, #tpu.memory_space<vmem>>
      %dma_wait3A_1493 = arith.constant 0 : i32
      %dma_wait3A_1494 = arith.constant 0 : i32
      %dma_wait3A_1495 = tpu.memref_slice %arg5[%dma_wait3A_1493, %dma_wait3A_1494, %multiple_of3A_993] : memref<2x8x1000000xf32, #tpu.memory_space<hbm>> -> memref<2x8x128xf32, #tpu.memory_space<hbm>>
      %dma_wait3A_1496 = arith.constant 0 : i32
      %dma_wait3A_1497 = arith.constant 0 : i32
      %dma_wait3A_1498 = arith.constant 0 : i32
      %dma_wait3A_1499 = tpu.memref_slice %arg14[%dma_wait3A_1487, %dma_wait3A_1496, %dma_wait3A_1497, %dma_wait3A_1498] : memref<16x2x8x128xf32, #tpu.memory_space<vmem>> -> memref<1x2x8x128xf32, #tpu.memory_space<vmem>>
      %dma_wait3A_1500 = tpu.memref_squeeze %dma_wait3A_1499 : memref<1x2x8x128xf32, #tpu.memory_space<vmem>> -> memref<2x8x128xf32, #tpu.memory_space<vmem>>
      %dma_wait3A_1501 = arith.constant 0 : i32
      %dma_wait3A_1502 = arith.constant 0 : i32
      %dma_wait3A_1503 = tpu.memref_slice %arg5[%dma_wait3A_1501, %dma_wait3A_1502, %multiple_of3A_993] : memref<2x8x1000000xf32, #tpu.memory_space<hbm>> -> memref<2x8x128xf32, #tpu.memory_space<hbm>>
      tpu.wait_dma2 semaphore(%arg19 : memref<!tpu.dma_semaphore, #tpu.memory_space<semaphore_mem>>) src(%dma_wait3A_1503 : memref<2x8x128xf32, #tpu.memory_space<hbm>>) dst(%dma_wait3A_1500 : memref<2x8x128xf32, #tpu.memory_space<vmem>>)
      %dma_wait3A_1504 = arith.constant 8 : i32
      %dma_wait3A_1505 = arith.constant 0 : i32
      %dma_wait3A_1506 = arith.constant 0 : i32
      %dma_wait3A_1507 = arith.constant 0 : i32
      %dma_wait3A_1508 = tpu.memref_slice %arg14[%dma_wait3A_1504, %dma_wait3A_1505, %dma_wait3A_1506, %dma_wait3A_1507] : memref<16x2x8x128xf32, #tpu.memory_space<vmem>> -> memref<1x2x8x128xf32, #tpu.memory_space<vmem>>
      %dma_wait3A_1509 = tpu.memref_squeeze %dma_wait3A_1508 : memref<1x2x8x128xf32, #tpu.memory_space<vmem>> -> memref<2x8x128xf32, #tpu.memory_space<vmem>>
      %dma_wait3A_1510 = arith.constant 0 : i32
      %dma_wait3A_1511 = arith.constant 0 : i32
      %dma_wait3A_1512 = tpu.memref_slice %arg5[%dma_wait3A_1510, %dma_wait3A_1511, %multiple_of3A_1035] : memref<2x8x1000000xf32, #tpu.memory_space<hbm>> -> memref<2x8x128xf32, #tpu.memory_space<hbm>>
      %dma_wait3A_1513 = arith.constant 0 : i32
      %dma_wait3A_1514 = arith.constant 0 : i32
      %dma_wait3A_1515 = arith.constant 0 : i32
      %dma_wait3A_1516 = tpu.memref_slice %arg14[%dma_wait3A_1504, %dma_wait3A_1513, %dma_wait3A_1514, %dma_wait3A_1515] : memref<16x2x8x128xf32, #tpu.memory_space<vmem>> -> memref<1x2x8x128xf32, #tpu.memory_space<vmem>>
      %dma_wait3A_1517 = tpu.memref_squeeze %dma_wait3A_1516 : memref<1x2x8x128xf32, #tpu.memory_space<vmem>> -> memref<2x8x128xf32, #tpu.memory_space<vmem>>
      %dma_wait3A_1518 = arith.constant 0 : i32
      %dma_wait3A_1519 = arith.constant 0 : i32
      %dma_wait3A_1520 = tpu.memref_slice %arg5[%dma_wait3A_1518, %dma_wait3A_1519, %multiple_of3A_1035] : memref<2x8x1000000xf32, #tpu.memory_space<hbm>> -> memref<2x8x128xf32, #tpu.memory_space<hbm>>
      tpu.wait_dma2 semaphore(%arg19 : memref<!tpu.dma_semaphore, #tpu.memory_space<semaphore_mem>>) src(%dma_wait3A_1520 : memref<2x8x128xf32, #tpu.memory_space<hbm>>) dst(%dma_wait3A_1517 : memref<2x8x128xf32, #tpu.memory_space<vmem>>)
      %dma_wait3A_1521 = arith.constant 9 : i32
      %dma_wait3A_1522 = arith.constant 0 : i32
      %dma_wait3A_1523 = arith.constant 0 : i32
      %dma_wait3A_1524 = arith.constant 0 : i32
      %dma_wait3A_1525 = tpu.memref_slice %arg14[%dma_wait3A_1521, %dma_wait3A_1522, %dma_wait3A_1523, %dma_wait3A_1524] : memref<16x2x8x128xf32, #tpu.memory_space<vmem>> -> memref<1x2x8x128xf32, #tpu.memory_space<vmem>>
      %dma_wait3A_1526 = tpu.memref_squeeze %dma_wait3A_1525 : memref<1x2x8x128xf32, #tpu.memory_space<vmem>> -> memref<2x8x128xf32, #tpu.memory_space<vmem>>
      %dma_wait3A_1527 = arith.constant 0 : i32
      %dma_wait3A_1528 = arith.constant 0 : i32
      %dma_wait3A_1529 = tpu.memref_slice %arg5[%dma_wait3A_1527, %dma_wait3A_1528, %multiple_of3A_1077] : memref<2x8x1000000xf32, #tpu.memory_space<hbm>> -> memref<2x8x128xf32, #tpu.memory_space<hbm>>
      %dma_wait3A_1530 = arith.constant 0 : i32
      %dma_wait3A_1531 = arith.constant 0 : i32
      %dma_wait3A_1532 = arith.constant 0 : i32
      %dma_wait3A_1533 = tpu.memref_slice %arg14[%dma_wait3A_1521, %dma_wait3A_1530, %dma_wait3A_1531, %dma_wait3A_1532] : memref<16x2x8x128xf32, #tpu.memory_space<vmem>> -> memref<1x2x8x128xf32, #tpu.memory_space<vmem>>
      %dma_wait3A_1534 = tpu.memref_squeeze %dma_wait3A_1533 : memref<1x2x8x128xf32, #tpu.memory_space<vmem>> -> memref<2x8x128xf32, #tpu.memory_space<vmem>>
      %dma_wait3A_1535 = arith.constant 0 : i32
      %dma_wait3A_1536 = arith.constant 0 : i32
      %dma_wait3A_1537 = tpu.memref_slice %arg5[%dma_wait3A_1535, %dma_wait3A_1536, %multiple_of3A_1077] : memref<2x8x1000000xf32, #tpu.memory_space<hbm>> -> memref<2x8x128xf32, #tpu.memory_space<hbm>>
      tpu.wait_dma2 semaphore(%arg19 : memref<!tpu.dma_semaphore, #tpu.memory_space<semaphore_mem>>) src(%dma_wait3A_1537 : memref<2x8x128xf32, #tpu.memory_space<hbm>>) dst(%dma_wait3A_1534 : memref<2x8x128xf32, #tpu.memory_space<vmem>>)
      %dma_wait3A_1538 = arith.constant 10 : i32
      %dma_wait3A_1539 = arith.constant 0 : i32
      %dma_wait3A_1540 = arith.constant 0 : i32
      %dma_wait3A_1541 = arith.constant 0 : i32
      %dma_wait3A_1542 = tpu.memref_slice %arg14[%dma_wait3A_1538, %dma_wait3A_1539, %dma_wait3A_1540, %dma_wait3A_1541] : memref<16x2x8x128xf32, #tpu.memory_space<vmem>> -> memref<1x2x8x128xf32, #tpu.memory_space<vmem>>
      %dma_wait3A_1543 = tpu.memref_squeeze %dma_wait3A_1542 : memref<1x2x8x128xf32, #tpu.memory_space<vmem>> -> memref<2x8x128xf32, #tpu.memory_space<vmem>>
      %dma_wait3A_1544 = arith.constant 0 : i32
      %dma_wait3A_1545 = arith.constant 0 : i32
      %dma_wait3A_1546 = tpu.memref_slice %arg5[%dma_wait3A_1544, %dma_wait3A_1545, %multiple_of3A_1119] : memref<2x8x1000000xf32, #tpu.memory_space<hbm>> -> memref<2x8x128xf32, #tpu.memory_space<hbm>>
      %dma_wait3A_1547 = arith.constant 0 : i32
      %dma_wait3A_1548 = arith.constant 0 : i32
      %dma_wait3A_1549 = arith.constant 0 : i32
      %dma_wait3A_1550 = tpu.memref_slice %arg14[%dma_wait3A_1538, %dma_wait3A_1547, %dma_wait3A_1548, %dma_wait3A_1549] : memref<16x2x8x128xf32, #tpu.memory_space<vmem>> -> memref<1x2x8x128xf32, #tpu.memory_space<vmem>>
      %dma_wait3A_1551 = tpu.memref_squeeze %dma_wait3A_1550 : memref<1x2x8x128xf32, #tpu.memory_space<vmem>> -> memref<2x8x128xf32, #tpu.memory_space<vmem>>
      %dma_wait3A_1552 = arith.constant 0 : i32
      %dma_wait3A_1553 = arith.constant 0 : i32
      %dma_wait3A_1554 = tpu.memref_slice %arg5[%dma_wait3A_1552, %dma_wait3A_1553, %multiple_of3A_1119] : memref<2x8x1000000xf32, #tpu.memory_space<hbm>> -> memref<2x8x128xf32, #tpu.memory_space<hbm>>
      tpu.wait_dma2 semaphore(%arg19 : memref<!tpu.dma_semaphore, #tpu.memory_space<semaphore_mem>>) src(%dma_wait3A_1554 : memref<2x8x128xf32, #tpu.memory_space<hbm>>) dst(%dma_wait3A_1551 : memref<2x8x128xf32, #tpu.memory_space<vmem>>)
      %dma_wait3A_1555 = arith.constant 11 : i32
      %dma_wait3A_1556 = arith.constant 0 : i32
      %dma_wait3A_1557 = arith.constant 0 : i32
      %dma_wait3A_1558 = arith.constant 0 : i32
      %dma_wait3A_1559 = tpu.memref_slice %arg14[%dma_wait3A_1555, %dma_wait3A_1556, %dma_wait3A_1557, %dma_wait3A_1558] : memref<16x2x8x128xf32, #tpu.memory_space<vmem>> -> memref<1x2x8x128xf32, #tpu.memory_space<vmem>>
      %dma_wait3A_1560 = tpu.memref_squeeze %dma_wait3A_1559 : memref<1x2x8x128xf32, #tpu.memory_space<vmem>> -> memref<2x8x128xf32, #tpu.memory_space<vmem>>
      %dma_wait3A_1561 = arith.constant 0 : i32
      %dma_wait3A_1562 = arith.constant 0 : i32
      %dma_wait3A_1563 = tpu.memref_slice %arg5[%dma_wait3A_1561, %dma_wait3A_1562, %multiple_of3A_1161] : memref<2x8x1000000xf32, #tpu.memory_space<hbm>> -> memref<2x8x128xf32, #tpu.memory_space<hbm>>
      %dma_wait3A_1564 = arith.constant 0 : i32
      %dma_wait3A_1565 = arith.constant 0 : i32
      %dma_wait3A_1566 = arith.constant 0 : i32
      %dma_wait3A_1567 = tpu.memref_slice %arg14[%dma_wait3A_1555, %dma_wait3A_1564, %dma_wait3A_1565, %dma_wait3A_1566] : memref<16x2x8x128xf32, #tpu.memory_space<vmem>> -> memref<1x2x8x128xf32, #tpu.memory_space<vmem>>
      %dma_wait3A_1568 = tpu.memref_squeeze %dma_wait3A_1567 : memref<1x2x8x128xf32, #tpu.memory_space<vmem>> -> memref<2x8x128xf32, #tpu.memory_space<vmem>>
      %dma_wait3A_1569 = arith.constant 0 : i32
      %dma_wait3A_1570 = arith.constant 0 : i32
      %dma_wait3A_1571 = tpu.memref_slice %arg5[%dma_wait3A_1569, %dma_wait3A_1570, %multiple_of3A_1161] : memref<2x8x1000000xf32, #tpu.memory_space<hbm>> -> memref<2x8x128xf32, #tpu.memory_space<hbm>>
      tpu.wait_dma2 semaphore(%arg19 : memref<!tpu.dma_semaphore, #tpu.memory_space<semaphore_mem>>) src(%dma_wait3A_1571 : memref<2x8x128xf32, #tpu.memory_space<hbm>>) dst(%dma_wait3A_1568 : memref<2x8x128xf32, #tpu.memory_space<vmem>>)
      %dma_wait3A_1572 = arith.constant 12 : i32
      %dma_wait3A_1573 = arith.constant 0 : i32
      %dma_wait3A_1574 = arith.constant 0 : i32
      %dma_wait3A_1575 = arith.constant 0 : i32
      %dma_wait3A_1576 = tpu.memref_slice %arg14[%dma_wait3A_1572, %dma_wait3A_1573, %dma_wait3A_1574, %dma_wait3A_1575] : memref<16x2x8x128xf32, #tpu.memory_space<vmem>> -> memref<1x2x8x128xf32, #tpu.memory_space<vmem>>
      %dma_wait3A_1577 = tpu.memref_squeeze %dma_wait3A_1576 : memref<1x2x8x128xf32, #tpu.memory_space<vmem>> -> memref<2x8x128xf32, #tpu.memory_space<vmem>>
      %dma_wait3A_1578 = arith.constant 0 : i32
      %dma_wait3A_1579 = arith.constant 0 : i32
      %dma_wait3A_1580 = tpu.memref_slice %arg5[%dma_wait3A_1578, %dma_wait3A_1579, %multiple_of3A_1203] : memref<2x8x1000000xf32, #tpu.memory_space<hbm>> -> memref<2x8x128xf32, #tpu.memory_space<hbm>>
      %dma_wait3A_1581 = arith.constant 0 : i32
      %dma_wait3A_1582 = arith.constant 0 : i32
      %dma_wait3A_1583 = arith.constant 0 : i32
      %dma_wait3A_1584 = tpu.memref_slice %arg14[%dma_wait3A_1572, %dma_wait3A_1581, %dma_wait3A_1582, %dma_wait3A_1583] : memref<16x2x8x128xf32, #tpu.memory_space<vmem>> -> memref<1x2x8x128xf32, #tpu.memory_space<vmem>>
      %dma_wait3A_1585 = tpu.memref_squeeze %dma_wait3A_1584 : memref<1x2x8x128xf32, #tpu.memory_space<vmem>> -> memref<2x8x128xf32, #tpu.memory_space<vmem>>
      %dma_wait3A_1586 = arith.constant 0 : i32
      %dma_wait3A_1587 = arith.constant 0 : i32
      %dma_wait3A_1588 = tpu.memref_slice %arg5[%dma_wait3A_1586, %dma_wait3A_1587, %multiple_of3A_1203] : memref<2x8x1000000xf32, #tpu.memory_space<hbm>> -> memref<2x8x128xf32, #tpu.memory_space<hbm>>
      tpu.wait_dma2 semaphore(%arg19 : memref<!tpu.dma_semaphore, #tpu.memory_space<semaphore_mem>>) src(%dma_wait3A_1588 : memref<2x8x128xf32, #tpu.memory_space<hbm>>) dst(%dma_wait3A_1585 : memref<2x8x128xf32, #tpu.memory_space<vmem>>)
      %dma_wait3A_1589 = arith.constant 13 : i32
      %dma_wait3A_1590 = arith.constant 0 : i32
      %dma_wait3A_1591 = arith.constant 0 : i32
      %dma_wait3A_1592 = arith.constant 0 : i32
      %dma_wait3A_1593 = tpu.memref_slice %arg14[%dma_wait3A_1589, %dma_wait3A_1590, %dma_wait3A_1591, %dma_wait3A_1592] : memref<16x2x8x128xf32, #tpu.memory_space<vmem>> -> memref<1x2x8x128xf32, #tpu.memory_space<vmem>>
      %dma_wait3A_1594 = tpu.memref_squeeze %dma_wait3A_1593 : memref<1x2x8x128xf32, #tpu.memory_space<vmem>> -> memref<2x8x128xf32, #tpu.memory_space<vmem>>
      %dma_wait3A_1595 = arith.constant 0 : i32
      %dma_wait3A_1596 = arith.constant 0 : i32
      %dma_wait3A_1597 = tpu.memref_slice %arg5[%dma_wait3A_1595, %dma_wait3A_1596, %multiple_of3A_1245] : memref<2x8x1000000xf32, #tpu.memory_space<hbm>> -> memref<2x8x128xf32, #tpu.memory_space<hbm>>
      %dma_wait3A_1598 = arith.constant 0 : i32
      %dma_wait3A_1599 = arith.constant 0 : i32
      %dma_wait3A_1600 = arith.constant 0 : i32
      %dma_wait3A_1601 = tpu.memref_slice %arg14[%dma_wait3A_1589, %dma_wait3A_1598, %dma_wait3A_1599, %dma_wait3A_1600] : memref<16x2x8x128xf32, #tpu.memory_space<vmem>> -> memref<1x2x8x128xf32, #tpu.memory_space<vmem>>
      %dma_wait3A_1602 = tpu.memref_squeeze %dma_wait3A_1601 : memref<1x2x8x128xf32, #tpu.memory_space<vmem>> -> memref<2x8x128xf32, #tpu.memory_space<vmem>>
      %dma_wait3A_1603 = arith.constant 0 : i32
      %dma_wait3A_1604 = arith.constant 0 : i32
      %dma_wait3A_1605 = tpu.memref_slice %arg5[%dma_wait3A_1603, %dma_wait3A_1604, %multiple_of3A_1245] : memref<2x8x1000000xf32, #tpu.memory_space<hbm>> -> memref<2x8x128xf32, #tpu.memory_space<hbm>>
      tpu.wait_dma2 semaphore(%arg19 : memref<!tpu.dma_semaphore, #tpu.memory_space<semaphore_mem>>) src(%dma_wait3A_1605 : memref<2x8x128xf32, #tpu.memory_space<hbm>>) dst(%dma_wait3A_1602 : memref<2x8x128xf32, #tpu.memory_space<vmem>>)
      %dma_wait3A_1606 = arith.constant 14 : i32
      %dma_wait3A_1607 = arith.constant 0 : i32
      %dma_wait3A_1608 = arith.constant 0 : i32
      %dma_wait3A_1609 = arith.constant 0 : i32
      %dma_wait3A_1610 = tpu.memref_slice %arg14[%dma_wait3A_1606, %dma_wait3A_1607, %dma_wait3A_1608, %dma_wait3A_1609] : memref<16x2x8x128xf32, #tpu.memory_space<vmem>> -> memref<1x2x8x128xf32, #tpu.memory_space<vmem>>
      %dma_wait3A_1611 = tpu.memref_squeeze %dma_wait3A_1610 : memref<1x2x8x128xf32, #tpu.memory_space<vmem>> -> memref<2x8x128xf32, #tpu.memory_space<vmem>>
      %dma_wait3A_1612 = arith.constant 0 : i32
      %dma_wait3A_1613 = arith.constant 0 : i32
      %dma_wait3A_1614 = tpu.memref_slice %arg5[%dma_wait3A_1612, %dma_wait3A_1613, %multiple_of3A_1287] : memref<2x8x1000000xf32, #tpu.memory_space<hbm>> -> memref<2x8x128xf32, #tpu.memory_space<hbm>>
      %dma_wait3A_1615 = arith.constant 0 : i32
      %dma_wait3A_1616 = arith.constant 0 : i32
      %dma_wait3A_1617 = arith.constant 0 : i32
      %dma_wait3A_1618 = tpu.memref_slice %arg14[%dma_wait3A_1606, %dma_wait3A_1615, %dma_wait3A_1616, %dma_wait3A_1617] : memref<16x2x8x128xf32, #tpu.memory_space<vmem>> -> memref<1x2x8x128xf32, #tpu.memory_space<vmem>>
      %dma_wait3A_1619 = tpu.memref_squeeze %dma_wait3A_1618 : memref<1x2x8x128xf32, #tpu.memory_space<vmem>> -> memref<2x8x128xf32, #tpu.memory_space<vmem>>
      %dma_wait3A_1620 = arith.constant 0 : i32
      %dma_wait3A_1621 = arith.constant 0 : i32
      %dma_wait3A_1622 = tpu.memref_slice %arg5[%dma_wait3A_1620, %dma_wait3A_1621, %multiple_of3A_1287] : memref<2x8x1000000xf32, #tpu.memory_space<hbm>> -> memref<2x8x128xf32, #tpu.memory_space<hbm>>
      tpu.wait_dma2 semaphore(%arg19 : memref<!tpu.dma_semaphore, #tpu.memory_space<semaphore_mem>>) src(%dma_wait3A_1622 : memref<2x8x128xf32, #tpu.memory_space<hbm>>) dst(%dma_wait3A_1619 : memref<2x8x128xf32, #tpu.memory_space<vmem>>)
      %dma_wait3A_1623 = arith.constant 15 : i32
      %dma_wait3A_1624 = arith.constant 0 : i32
      %dma_wait3A_1625 = arith.constant 0 : i32
      %dma_wait3A_1626 = arith.constant 0 : i32
      %dma_wait3A_1627 = tpu.memref_slice %arg14[%dma_wait3A_1623, %dma_wait3A_1624, %dma_wait3A_1625, %dma_wait3A_1626] : memref<16x2x8x128xf32, #tpu.memory_space<vmem>> -> memref<1x2x8x128xf32, #tpu.memory_space<vmem>>
      %dma_wait3A_1628 = tpu.memref_squeeze %dma_wait3A_1627 : memref<1x2x8x128xf32, #tpu.memory_space<vmem>> -> memref<2x8x128xf32, #tpu.memory_space<vmem>>
      %dma_wait3A_1629 = arith.constant 0 : i32
      %dma_wait3A_1630 = arith.constant 0 : i32
      %dma_wait3A_1631 = tpu.memref_slice %arg5[%dma_wait3A_1629, %dma_wait3A_1630, %multiple_of3A_1329] : memref<2x8x1000000xf32, #tpu.memory_space<hbm>> -> memref<2x8x128xf32, #tpu.memory_space<hbm>>
      %dma_wait3A_1632 = arith.constant 0 : i32
      %dma_wait3A_1633 = arith.constant 0 : i32
      %dma_wait3A_1634 = arith.constant 0 : i32
      %dma_wait3A_1635 = tpu.memref_slice %arg14[%dma_wait3A_1623, %dma_wait3A_1632, %dma_wait3A_1633, %dma_wait3A_1634] : memref<16x2x8x128xf32, #tpu.memory_space<vmem>> -> memref<1x2x8x128xf32, #tpu.memory_space<vmem>>
      %dma_wait3A_1636 = tpu.memref_squeeze %dma_wait3A_1635 : memref<1x2x8x128xf32, #tpu.memory_space<vmem>> -> memref<2x8x128xf32, #tpu.memory_space<vmem>>
      %dma_wait3A_1637 = arith.constant 0 : i32
      %dma_wait3A_1638 = arith.constant 0 : i32
      %dma_wait3A_1639 = tpu.memref_slice %arg5[%dma_wait3A_1637, %dma_wait3A_1638, %multiple_of3A_1329] : memref<2x8x1000000xf32, #tpu.memory_space<hbm>> -> memref<2x8x128xf32, #tpu.memory_space<hbm>>
      tpu.wait_dma2 semaphore(%arg19 : memref<!tpu.dma_semaphore, #tpu.memory_space<semaphore_mem>>) src(%dma_wait3A_1639 : memref<2x8x128xf32, #tpu.memory_space<hbm>>) dst(%dma_wait3A_1636 : memref<2x8x128xf32, #tpu.memory_space<vmem>>)
      %dma_wait3A_1640 = arith.constant 0 : i32
      %dma_wait3A_1641 = arith.constant 0 : i32
      %dma_wait3A_1642 = arith.constant 0 : i32
      %dma_wait3A_1643 = arith.constant 0 : i32
      %dma_wait3A_1644 = tpu.memref_slice %arg15[%dma_wait3A_1640, %dma_wait3A_1641, %dma_wait3A_1642, %dma_wait3A_1643] : memref<16x2x8x128xf32, #tpu.memory_space<vmem>> -> memref<1x2x8x128xf32, #tpu.memory_space<vmem>>
      %dma_wait3A_1645 = tpu.memref_squeeze %dma_wait3A_1644 : memref<1x2x8x128xf32, #tpu.memory_space<vmem>> -> memref<2x8x128xf32, #tpu.memory_space<vmem>>
      %dma_wait3A_1646 = arith.constant 0 : i32
      %dma_wait3A_1647 = arith.constant 0 : i32
      %dma_wait3A_1648 = tpu.memref_slice %arg6[%dma_wait3A_1646, %dma_wait3A_1647, %multiple_of3A_703] : memref<2x8x1000000xf32, #tpu.memory_space<hbm>> -> memref<2x8x128xf32, #tpu.memory_space<hbm>>
      %dma_wait3A_1649 = arith.constant 0 : i32
      %dma_wait3A_1650 = arith.constant 0 : i32
      %dma_wait3A_1651 = arith.constant 0 : i32
      %dma_wait3A_1652 = tpu.memref_slice %arg15[%dma_wait3A_1640, %dma_wait3A_1649, %dma_wait3A_1650, %dma_wait3A_1651] : memref<16x2x8x128xf32, #tpu.memory_space<vmem>> -> memref<1x2x8x128xf32, #tpu.memory_space<vmem>>
      %dma_wait3A_1653 = tpu.memref_squeeze %dma_wait3A_1652 : memref<1x2x8x128xf32, #tpu.memory_space<vmem>> -> memref<2x8x128xf32, #tpu.memory_space<vmem>>
      %dma_wait3A_1654 = arith.constant 0 : i32
      %dma_wait3A_1655 = arith.constant 0 : i32
      %dma_wait3A_1656 = tpu.memref_slice %arg6[%dma_wait3A_1654, %dma_wait3A_1655, %multiple_of3A_703] : memref<2x8x1000000xf32, #tpu.memory_space<hbm>> -> memref<2x8x128xf32, #tpu.memory_space<hbm>>
      tpu.wait_dma2 semaphore(%arg20 : memref<!tpu.dma_semaphore, #tpu.memory_space<semaphore_mem>>) src(%dma_wait3A_1656 : memref<2x8x128xf32, #tpu.memory_space<hbm>>) dst(%dma_wait3A_1653 : memref<2x8x128xf32, #tpu.memory_space<vmem>>)
      %dma_wait3A_1657 = arith.constant 1 : i32
      %dma_wait3A_1658 = arith.constant 0 : i32
      %dma_wait3A_1659 = arith.constant 0 : i32
      %dma_wait3A_1660 = arith.constant 0 : i32
      %dma_wait3A_1661 = tpu.memref_slice %arg15[%dma_wait3A_1657, %dma_wait3A_1658, %dma_wait3A_1659, %dma_wait3A_1660] : memref<16x2x8x128xf32, #tpu.memory_space<vmem>> -> memref<1x2x8x128xf32, #tpu.memory_space<vmem>>
      %dma_wait3A_1662 = tpu.memref_squeeze %dma_wait3A_1661 : memref<1x2x8x128xf32, #tpu.memory_space<vmem>> -> memref<2x8x128xf32, #tpu.memory_space<vmem>>
      %dma_wait3A_1663 = arith.constant 0 : i32
      %dma_wait3A_1664 = arith.constant 0 : i32
      %dma_wait3A_1665 = tpu.memref_slice %arg6[%dma_wait3A_1663, %dma_wait3A_1664, %multiple_of3A_745] : memref<2x8x1000000xf32, #tpu.memory_space<hbm>> -> memref<2x8x128xf32, #tpu.memory_space<hbm>>
      %dma_wait3A_1666 = arith.constant 0 : i32
      %dma_wait3A_1667 = arith.constant 0 : i32
      %dma_wait3A_1668 = arith.constant 0 : i32
      %dma_wait3A_1669 = tpu.memref_slice %arg15[%dma_wait3A_1657, %dma_wait3A_1666, %dma_wait3A_1667, %dma_wait3A_1668] : memref<16x2x8x128xf32, #tpu.memory_space<vmem>> -> memref<1x2x8x128xf32, #tpu.memory_space<vmem>>
      %dma_wait3A_1670 = tpu.memref_squeeze %dma_wait3A_1669 : memref<1x2x8x128xf32, #tpu.memory_space<vmem>> -> memref<2x8x128xf32, #tpu.memory_space<vmem>>
      %dma_wait3A_1671 = arith.constant 0 : i32
      %dma_wait3A_1672 = arith.constant 0 : i32
      %dma_wait3A_1673 = tpu.memref_slice %arg6[%dma_wait3A_1671, %dma_wait3A_1672, %multiple_of3A_745] : memref<2x8x1000000xf32, #tpu.memory_space<hbm>> -> memref<2x8x128xf32, #tpu.memory_space<hbm>>
      tpu.wait_dma2 semaphore(%arg20 : memref<!tpu.dma_semaphore, #tpu.memory_space<semaphore_mem>>) src(%dma_wait3A_1673 : memref<2x8x128xf32, #tpu.memory_space<hbm>>) dst(%dma_wait3A_1670 : memref<2x8x128xf32, #tpu.memory_space<vmem>>)
      %dma_wait3A_1674 = arith.constant 2 : i32
      %dma_wait3A_1675 = arith.constant 0 : i32
      %dma_wait3A_1676 = arith.constant 0 : i32
      %dma_wait3A_1677 = arith.constant 0 : i32
      %dma_wait3A_1678 = tpu.memref_slice %arg15[%dma_wait3A_1674, %dma_wait3A_1675, %dma_wait3A_1676, %dma_wait3A_1677] : memref<16x2x8x128xf32, #tpu.memory_space<vmem>> -> memref<1x2x8x128xf32, #tpu.memory_space<vmem>>
      %dma_wait3A_1679 = tpu.memref_squeeze %dma_wait3A_1678 : memref<1x2x8x128xf32, #tpu.memory_space<vmem>> -> memref<2x8x128xf32, #tpu.memory_space<vmem>>
      %dma_wait3A_1680 = arith.constant 0 : i32
      %dma_wait3A_1681 = arith.constant 0 : i32
      %dma_wait3A_1682 = tpu.memref_slice %arg6[%dma_wait3A_1680, %dma_wait3A_1681, %multiple_of3A_787] : memref<2x8x1000000xf32, #tpu.memory_space<hbm>> -> memref<2x8x128xf32, #tpu.memory_space<hbm>>
      %dma_wait3A_1683 = arith.constant 0 : i32
      %dma_wait3A_1684 = arith.constant 0 : i32
      %dma_wait3A_1685 = arith.constant 0 : i32
      %dma_wait3A_1686 = tpu.memref_slice %arg15[%dma_wait3A_1674, %dma_wait3A_1683, %dma_wait3A_1684, %dma_wait3A_1685] : memref<16x2x8x128xf32, #tpu.memory_space<vmem>> -> memref<1x2x8x128xf32, #tpu.memory_space<vmem>>
      %dma_wait3A_1687 = tpu.memref_squeeze %dma_wait3A_1686 : memref<1x2x8x128xf32, #tpu.memory_space<vmem>> -> memref<2x8x128xf32, #tpu.memory_space<vmem>>
      %dma_wait3A_1688 = arith.constant 0 : i32
      %dma_wait3A_1689 = arith.constant 0 : i32
      %dma_wait3A_1690 = tpu.memref_slice %arg6[%dma_wait3A_1688, %dma_wait3A_1689, %multiple_of3A_787] : memref<2x8x1000000xf32, #tpu.memory_space<hbm>> -> memref<2x8x128xf32, #tpu.memory_space<hbm>>
      tpu.wait_dma2 semaphore(%arg20 : memref<!tpu.dma_semaphore, #tpu.memory_space<semaphore_mem>>) src(%dma_wait3A_1690 : memref<2x8x128xf32, #tpu.memory_space<hbm>>) dst(%dma_wait3A_1687 : memref<2x8x128xf32, #tpu.memory_space<vmem>>)
      %dma_wait3A_1691 = arith.constant 3 : i32
      %dma_wait3A_1692 = arith.constant 0 : i32
      %dma_wait3A_1693 = arith.constant 0 : i32
      %dma_wait3A_1694 = arith.constant 0 : i32
      %dma_wait3A_1695 = tpu.memref_slice %arg15[%dma_wait3A_1691, %dma_wait3A_1692, %dma_wait3A_1693, %dma_wait3A_1694] : memref<16x2x8x128xf32, #tpu.memory_space<vmem>> -> memref<1x2x8x128xf32, #tpu.memory_space<vmem>>
      %dma_wait3A_1696 = tpu.memref_squeeze %dma_wait3A_1695 : memref<1x2x8x128xf32, #tpu.memory_space<vmem>> -> memref<2x8x128xf32, #tpu.memory_space<vmem>>
      %dma_wait3A_1697 = arith.constant 0 : i32
      %dma_wait3A_1698 = arith.constant 0 : i32
      %dma_wait3A_1699 = tpu.memref_slice %arg6[%dma_wait3A_1697, %dma_wait3A_1698, %multiple_of3A_829] : memref<2x8x1000000xf32, #tpu.memory_space<hbm>> -> memref<2x8x128xf32, #tpu.memory_space<hbm>>
      %dma_wait3A_1700 = arith.constant 0 : i32
      %dma_wait3A_1701 = arith.constant 0 : i32
      %dma_wait3A_1702 = arith.constant 0 : i32
      %dma_wait3A_1703 = tpu.memref_slice %arg15[%dma_wait3A_1691, %dma_wait3A_1700, %dma_wait3A_1701, %dma_wait3A_1702] : memref<16x2x8x128xf32, #tpu.memory_space<vmem>> -> memref<1x2x8x128xf32, #tpu.memory_space<vmem>>
      %dma_wait3A_1704 = tpu.memref_squeeze %dma_wait3A_1703 : memref<1x2x8x128xf32, #tpu.memory_space<vmem>> -> memref<2x8x128xf32, #tpu.memory_space<vmem>>
      %dma_wait3A_1705 = arith.constant 0 : i32
      %dma_wait3A_1706 = arith.constant 0 : i32
      %dma_wait3A_1707 = tpu.memref_slice %arg6[%dma_wait3A_1705, %dma_wait3A_1706, %multiple_of3A_829] : memref<2x8x1000000xf32, #tpu.memory_space<hbm>> -> memref<2x8x128xf32, #tpu.memory_space<hbm>>
      tpu.wait_dma2 semaphore(%arg20 : memref<!tpu.dma_semaphore, #tpu.memory_space<semaphore_mem>>) src(%dma_wait3A_1707 : memref<2x8x128xf32, #tpu.memory_space<hbm>>) dst(%dma_wait3A_1704 : memref<2x8x128xf32, #tpu.memory_space<vmem>>)
      %dma_wait3A_1708 = arith.constant 4 : i32
      %dma_wait3A_1709 = arith.constant 0 : i32
      %dma_wait3A_1710 = arith.constant 0 : i32
      %dma_wait3A_1711 = arith.constant 0 : i32
      %dma_wait3A_1712 = tpu.memref_slice %arg15[%dma_wait3A_1708, %dma_wait3A_1709, %dma_wait3A_1710, %dma_wait3A_1711] : memref<16x2x8x128xf32, #tpu.memory_space<vmem>> -> memref<1x2x8x128xf32, #tpu.memory_space<vmem>>
      %dma_wait3A_1713 = tpu.memref_squeeze %dma_wait3A_1712 : memref<1x2x8x128xf32, #tpu.memory_space<vmem>> -> memref<2x8x128xf32, #tpu.memory_space<vmem>>
      %dma_wait3A_1714 = arith.constant 0 : i32
      %dma_wait3A_1715 = arith.constant 0 : i32
      %dma_wait3A_1716 = tpu.memref_slice %arg6[%dma_wait3A_1714, %dma_wait3A_1715, %multiple_of3A_871] : memref<2x8x1000000xf32, #tpu.memory_space<hbm>> -> memref<2x8x128xf32, #tpu.memory_space<hbm>>
      %dma_wait3A_1717 = arith.constant 0 : i32
      %dma_wait3A_1718 = arith.constant 0 : i32
      %dma_wait3A_1719 = arith.constant 0 : i32
      %dma_wait3A_1720 = tpu.memref_slice %arg15[%dma_wait3A_1708, %dma_wait3A_1717, %dma_wait3A_1718, %dma_wait3A_1719] : memref<16x2x8x128xf32, #tpu.memory_space<vmem>> -> memref<1x2x8x128xf32, #tpu.memory_space<vmem>>
      %dma_wait3A_1721 = tpu.memref_squeeze %dma_wait3A_1720 : memref<1x2x8x128xf32, #tpu.memory_space<vmem>> -> memref<2x8x128xf32, #tpu.memory_space<vmem>>
      %dma_wait3A_1722 = arith.constant 0 : i32
      %dma_wait3A_1723 = arith.constant 0 : i32
      %dma_wait3A_1724 = tpu.memref_slice %arg6[%dma_wait3A_1722, %dma_wait3A_1723, %multiple_of3A_871] : memref<2x8x1000000xf32, #tpu.memory_space<hbm>> -> memref<2x8x128xf32, #tpu.memory_space<hbm>>
      tpu.wait_dma2 semaphore(%arg20 : memref<!tpu.dma_semaphore, #tpu.memory_space<semaphore_mem>>) src(%dma_wait3A_1724 : memref<2x8x128xf32, #tpu.memory_space<hbm>>) dst(%dma_wait3A_1721 : memref<2x8x128xf32, #tpu.memory_space<vmem>>)
      %dma_wait3A_1725 = arith.constant 5 : i32
      %dma_wait3A_1726 = arith.constant 0 : i32
      %dma_wait3A_1727 = arith.constant 0 : i32
      %dma_wait3A_1728 = arith.constant 0 : i32
      %dma_wait3A_1729 = tpu.memref_slice %arg15[%dma_wait3A_1725, %dma_wait3A_1726, %dma_wait3A_1727, %dma_wait3A_1728] : memref<16x2x8x128xf32, #tpu.memory_space<vmem>> -> memref<1x2x8x128xf32, #tpu.memory_space<vmem>>
      %dma_wait3A_1730 = tpu.memref_squeeze %dma_wait3A_1729 : memref<1x2x8x128xf32, #tpu.memory_space<vmem>> -> memref<2x8x128xf32, #tpu.memory_space<vmem>>
      %dma_wait3A_1731 = arith.constant 0 : i32
      %dma_wait3A_1732 = arith.constant 0 : i32
      %dma_wait3A_1733 = tpu.memref_slice %arg6[%dma_wait3A_1731, %dma_wait3A_1732, %multiple_of3A_913] : memref<2x8x1000000xf32, #tpu.memory_space<hbm>> -> memref<2x8x128xf32, #tpu.memory_space<hbm>>
      %dma_wait3A_1734 = arith.constant 0 : i32
      %dma_wait3A_1735 = arith.constant 0 : i32
      %dma_wait3A_1736 = arith.constant 0 : i32
      %dma_wait3A_1737 = tpu.memref_slice %arg15[%dma_wait3A_1725, %dma_wait3A_1734, %dma_wait3A_1735, %dma_wait3A_1736] : memref<16x2x8x128xf32, #tpu.memory_space<vmem>> -> memref<1x2x8x128xf32, #tpu.memory_space<vmem>>
      %dma_wait3A_1738 = tpu.memref_squeeze %dma_wait3A_1737 : memref<1x2x8x128xf32, #tpu.memory_space<vmem>> -> memref<2x8x128xf32, #tpu.memory_space<vmem>>
      %dma_wait3A_1739 = arith.constant 0 : i32
      %dma_wait3A_1740 = arith.constant 0 : i32
      %dma_wait3A_1741 = tpu.memref_slice %arg6[%dma_wait3A_1739, %dma_wait3A_1740, %multiple_of3A_913] : memref<2x8x1000000xf32, #tpu.memory_space<hbm>> -> memref<2x8x128xf32, #tpu.memory_space<hbm>>
      tpu.wait_dma2 semaphore(%arg20 : memref<!tpu.dma_semaphore, #tpu.memory_space<semaphore_mem>>) src(%dma_wait3A_1741 : memref<2x8x128xf32, #tpu.memory_space<hbm>>) dst(%dma_wait3A_1738 : memref<2x8x128xf32, #tpu.memory_space<vmem>>)
      %dma_wait3A_1742 = arith.constant 6 : i32
      %dma_wait3A_1743 = arith.constant 0 : i32
      %dma_wait3A_1744 = arith.constant 0 : i32
      %dma_wait3A_1745 = arith.constant 0 : i32
      %dma_wait3A_1746 = tpu.memref_slice %arg15[%dma_wait3A_1742, %dma_wait3A_1743, %dma_wait3A_1744, %dma_wait3A_1745] : memref<16x2x8x128xf32, #tpu.memory_space<vmem>> -> memref<1x2x8x128xf32, #tpu.memory_space<vmem>>
      %dma_wait3A_1747 = tpu.memref_squeeze %dma_wait3A_1746 : memref<1x2x8x128xf32, #tpu.memory_space<vmem>> -> memref<2x8x128xf32, #tpu.memory_space<vmem>>
      %dma_wait3A_1748 = arith.constant 0 : i32
      %dma_wait3A_1749 = arith.constant 0 : i32
      %dma_wait3A_1750 = tpu.memref_slice %arg6[%dma_wait3A_1748, %dma_wait3A_1749, %multiple_of3A_955] : memref<2x8x1000000xf32, #tpu.memory_space<hbm>> -> memref<2x8x128xf32, #tpu.memory_space<hbm>>
      %dma_wait3A_1751 = arith.constant 0 : i32
      %dma_wait3A_1752 = arith.constant 0 : i32
      %dma_wait3A_1753 = arith.constant 0 : i32
      %dma_wait3A_1754 = tpu.memref_slice %arg15[%dma_wait3A_1742, %dma_wait3A_1751, %dma_wait3A_1752, %dma_wait3A_1753] : memref<16x2x8x128xf32, #tpu.memory_space<vmem>> -> memref<1x2x8x128xf32, #tpu.memory_space<vmem>>
      %dma_wait3A_1755 = tpu.memref_squeeze %dma_wait3A_1754 : memref<1x2x8x128xf32, #tpu.memory_space<vmem>> -> memref<2x8x128xf32, #tpu.memory_space<vmem>>
      %dma_wait3A_1756 = arith.constant 0 : i32
      %dma_wait3A_1757 = arith.constant 0 : i32
      %dma_wait3A_1758 = tpu.memref_slice %arg6[%dma_wait3A_1756, %dma_wait3A_1757, %multiple_of3A_955] : memref<2x8x1000000xf32, #tpu.memory_space<hbm>> -> memref<2x8x128xf32, #tpu.memory_space<hbm>>
      tpu.wait_dma2 semaphore(%arg20 : memref<!tpu.dma_semaphore, #tpu.memory_space<semaphore_mem>>) src(%dma_wait3A_1758 : memref<2x8x128xf32, #tpu.memory_space<hbm>>) dst(%dma_wait3A_1755 : memref<2x8x128xf32, #tpu.memory_space<vmem>>)
      %dma_wait3A_1759 = arith.constant 7 : i32
      %dma_wait3A_1760 = arith.constant 0 : i32
      %dma_wait3A_1761 = arith.constant 0 : i32
      %dma_wait3A_1762 = arith.constant 0 : i32
      %dma_wait3A_1763 = tpu.memref_slice %arg15[%dma_wait3A_1759, %dma_wait3A_1760, %dma_wait3A_1761, %dma_wait3A_1762] : memref<16x2x8x128xf32, #tpu.memory_space<vmem>> -> memref<1x2x8x128xf32, #tpu.memory_space<vmem>>
      %dma_wait3A_1764 = tpu.memref_squeeze %dma_wait3A_1763 : memref<1x2x8x128xf32, #tpu.memory_space<vmem>> -> memref<2x8x128xf32, #tpu.memory_space<vmem>>
      %dma_wait3A_1765 = arith.constant 0 : i32
      %dma_wait3A_1766 = arith.constant 0 : i32
      %dma_wait3A_1767 = tpu.memref_slice %arg6[%dma_wait3A_1765, %dma_wait3A_1766, %multiple_of3A_997] : memref<2x8x1000000xf32, #tpu.memory_space<hbm>> -> memref<2x8x128xf32, #tpu.memory_space<hbm>>
      %dma_wait3A_1768 = arith.constant 0 : i32
      %dma_wait3A_1769 = arith.constant 0 : i32
      %dma_wait3A_1770 = arith.constant 0 : i32
      %dma_wait3A_1771 = tpu.memref_slice %arg15[%dma_wait3A_1759, %dma_wait3A_1768, %dma_wait3A_1769, %dma_wait3A_1770] : memref<16x2x8x128xf32, #tpu.memory_space<vmem>> -> memref<1x2x8x128xf32, #tpu.memory_space<vmem>>
      %dma_wait3A_1772 = tpu.memref_squeeze %dma_wait3A_1771 : memref<1x2x8x128xf32, #tpu.memory_space<vmem>> -> memref<2x8x128xf32, #tpu.memory_space<vmem>>
      %dma_wait3A_1773 = arith.constant 0 : i32
      %dma_wait3A_1774 = arith.constant 0 : i32
      %dma_wait3A_1775 = tpu.memref_slice %arg6[%dma_wait3A_1773, %dma_wait3A_1774, %multiple_of3A_997] : memref<2x8x1000000xf32, #tpu.memory_space<hbm>> -> memref<2x8x128xf32, #tpu.memory_space<hbm>>
      tpu.wait_dma2 semaphore(%arg20 : memref<!tpu.dma_semaphore, #tpu.memory_space<semaphore_mem>>) src(%dma_wait3A_1775 : memref<2x8x128xf32, #tpu.memory_space<hbm>>) dst(%dma_wait3A_1772 : memref<2x8x128xf32, #tpu.memory_space<vmem>>)
      %dma_wait3A_1776 = arith.constant 8 : i32
      %dma_wait3A_1777 = arith.constant 0 : i32
      %dma_wait3A_1778 = arith.constant 0 : i32
      %dma_wait3A_1779 = arith.constant 0 : i32
      %dma_wait3A_1780 = tpu.memref_slice %arg15[%dma_wait3A_1776, %dma_wait3A_1777, %dma_wait3A_1778, %dma_wait3A_1779] : memref<16x2x8x128xf32, #tpu.memory_space<vmem>> -> memref<1x2x8x128xf32, #tpu.memory_space<vmem>>
      %dma_wait3A_1781 = tpu.memref_squeeze %dma_wait3A_1780 : memref<1x2x8x128xf32, #tpu.memory_space<vmem>> -> memref<2x8x128xf32, #tpu.memory_space<vmem>>
      %dma_wait3A_1782 = arith.constant 0 : i32
      %dma_wait3A_1783 = arith.constant 0 : i32
      %dma_wait3A_1784 = tpu.memref_slice %arg6[%dma_wait3A_1782, %dma_wait3A_1783, %multiple_of3A_1039] : memref<2x8x1000000xf32, #tpu.memory_space<hbm>> -> memref<2x8x128xf32, #tpu.memory_space<hbm>>
      %dma_wait3A_1785 = arith.constant 0 : i32
      %dma_wait3A_1786 = arith.constant 0 : i32
      %dma_wait3A_1787 = arith.constant 0 : i32
      %dma_wait3A_1788 = tpu.memref_slice %arg15[%dma_wait3A_1776, %dma_wait3A_1785, %dma_wait3A_1786, %dma_wait3A_1787] : memref<16x2x8x128xf32, #tpu.memory_space<vmem>> -> memref<1x2x8x128xf32, #tpu.memory_space<vmem>>
      %dma_wait3A_1789 = tpu.memref_squeeze %dma_wait3A_1788 : memref<1x2x8x128xf32, #tpu.memory_space<vmem>> -> memref<2x8x128xf32, #tpu.memory_space<vmem>>
      %dma_wait3A_1790 = arith.constant 0 : i32
      %dma_wait3A_1791 = arith.constant 0 : i32
      %dma_wait3A_1792 = tpu.memref_slice %arg6[%dma_wait3A_1790, %dma_wait3A_1791, %multiple_of3A_1039] : memref<2x8x1000000xf32, #tpu.memory_space<hbm>> -> memref<2x8x128xf32, #tpu.memory_space<hbm>>
      tpu.wait_dma2 semaphore(%arg20 : memref<!tpu.dma_semaphore, #tpu.memory_space<semaphore_mem>>) src(%dma_wait3A_1792 : memref<2x8x128xf32, #tpu.memory_space<hbm>>) dst(%dma_wait3A_1789 : memref<2x8x128xf32, #tpu.memory_space<vmem>>)
      %dma_wait3A_1793 = arith.constant 9 : i32
      %dma_wait3A_1794 = arith.constant 0 : i32
      %dma_wait3A_1795 = arith.constant 0 : i32
      %dma_wait3A_1796 = arith.constant 0 : i32
      %dma_wait3A_1797 = tpu.memref_slice %arg15[%dma_wait3A_1793, %dma_wait3A_1794, %dma_wait3A_1795, %dma_wait3A_1796] : memref<16x2x8x128xf32, #tpu.memory_space<vmem>> -> memref<1x2x8x128xf32, #tpu.memory_space<vmem>>
      %dma_wait3A_1798 = tpu.memref_squeeze %dma_wait3A_1797 : memref<1x2x8x128xf32, #tpu.memory_space<vmem>> -> memref<2x8x128xf32, #tpu.memory_space<vmem>>
      %dma_wait3A_1799 = arith.constant 0 : i32
      %dma_wait3A_1800 = arith.constant 0 : i32
      %dma_wait3A_1801 = tpu.memref_slice %arg6[%dma_wait3A_1799, %dma_wait3A_1800, %multiple_of3A_1081] : memref<2x8x1000000xf32, #tpu.memory_space<hbm>> -> memref<2x8x128xf32, #tpu.memory_space<hbm>>
      %dma_wait3A_1802 = arith.constant 0 : i32
      %dma_wait3A_1803 = arith.constant 0 : i32
      %dma_wait3A_1804 = arith.constant 0 : i32
      %dma_wait3A_1805 = tpu.memref_slice %arg15[%dma_wait3A_1793, %dma_wait3A_1802, %dma_wait3A_1803, %dma_wait3A_1804] : memref<16x2x8x128xf32, #tpu.memory_space<vmem>> -> memref<1x2x8x128xf32, #tpu.memory_space<vmem>>
      %dma_wait3A_1806 = tpu.memref_squeeze %dma_wait3A_1805 : memref<1x2x8x128xf32, #tpu.memory_space<vmem>> -> memref<2x8x128xf32, #tpu.memory_space<vmem>>
      %dma_wait3A_1807 = arith.constant 0 : i32
      %dma_wait3A_1808 = arith.constant 0 : i32
      %dma_wait3A_1809 = tpu.memref_slice %arg6[%dma_wait3A_1807, %dma_wait3A_1808, %multiple_of3A_1081] : memref<2x8x1000000xf32, #tpu.memory_space<hbm>> -> memref<2x8x128xf32, #tpu.memory_space<hbm>>
      tpu.wait_dma2 semaphore(%arg20 : memref<!tpu.dma_semaphore, #tpu.memory_space<semaphore_mem>>) src(%dma_wait3A_1809 : memref<2x8x128xf32, #tpu.memory_space<hbm>>) dst(%dma_wait3A_1806 : memref<2x8x128xf32, #tpu.memory_space<vmem>>)
      %dma_wait3A_1810 = arith.constant 10 : i32
      %dma_wait3A_1811 = arith.constant 0 : i32
      %dma_wait3A_1812 = arith.constant 0 : i32
      %dma_wait3A_1813 = arith.constant 0 : i32
      %dma_wait3A_1814 = tpu.memref_slice %arg15[%dma_wait3A_1810, %dma_wait3A_1811, %dma_wait3A_1812, %dma_wait3A_1813] : memref<16x2x8x128xf32, #tpu.memory_space<vmem>> -> memref<1x2x8x128xf32, #tpu.memory_space<vmem>>
      %dma_wait3A_1815 = tpu.memref_squeeze %dma_wait3A_1814 : memref<1x2x8x128xf32, #tpu.memory_space<vmem>> -> memref<2x8x128xf32, #tpu.memory_space<vmem>>
      %dma_wait3A_1816 = arith.constant 0 : i32
      %dma_wait3A_1817 = arith.constant 0 : i32
      %dma_wait3A_1818 = tpu.memref_slice %arg6[%dma_wait3A_1816, %dma_wait3A_1817, %multiple_of3A_1123] : memref<2x8x1000000xf32, #tpu.memory_space<hbm>> -> memref<2x8x128xf32, #tpu.memory_space<hbm>>
      %dma_wait3A_1819 = arith.constant 0 : i32
      %dma_wait3A_1820 = arith.constant 0 : i32
      %dma_wait3A_1821 = arith.constant 0 : i32
      %dma_wait3A_1822 = tpu.memref_slice %arg15[%dma_wait3A_1810, %dma_wait3A_1819, %dma_wait3A_1820, %dma_wait3A_1821] : memref<16x2x8x128xf32, #tpu.memory_space<vmem>> -> memref<1x2x8x128xf32, #tpu.memory_space<vmem>>
      %dma_wait3A_1823 = tpu.memref_squeeze %dma_wait3A_1822 : memref<1x2x8x128xf32, #tpu.memory_space<vmem>> -> memref<2x8x128xf32, #tpu.memory_space<vmem>>
      %dma_wait3A_1824 = arith.constant 0 : i32
      %dma_wait3A_1825 = arith.constant 0 : i32
      %dma_wait3A_1826 = tpu.memref_slice %arg6[%dma_wait3A_1824, %dma_wait3A_1825, %multiple_of3A_1123] : memref<2x8x1000000xf32, #tpu.memory_space<hbm>> -> memref<2x8x128xf32, #tpu.memory_space<hbm>>
      tpu.wait_dma2 semaphore(%arg20 : memref<!tpu.dma_semaphore, #tpu.memory_space<semaphore_mem>>) src(%dma_wait3A_1826 : memref<2x8x128xf32, #tpu.memory_space<hbm>>) dst(%dma_wait3A_1823 : memref<2x8x128xf32, #tpu.memory_space<vmem>>)
      %dma_wait3A_1827 = arith.constant 11 : i32
      %dma_wait3A_1828 = arith.constant 0 : i32
      %dma_wait3A_1829 = arith.constant 0 : i32
      %dma_wait3A_1830 = arith.constant 0 : i32
      %dma_wait3A_1831 = tpu.memref_slice %arg15[%dma_wait3A_1827, %dma_wait3A_1828, %dma_wait3A_1829, %dma_wait3A_1830] : memref<16x2x8x128xf32, #tpu.memory_space<vmem>> -> memref<1x2x8x128xf32, #tpu.memory_space<vmem>>
      %dma_wait3A_1832 = tpu.memref_squeeze %dma_wait3A_1831 : memref<1x2x8x128xf32, #tpu.memory_space<vmem>> -> memref<2x8x128xf32, #tpu.memory_space<vmem>>
      %dma_wait3A_1833 = arith.constant 0 : i32
      %dma_wait3A_1834 = arith.constant 0 : i32
      %dma_wait3A_1835 = tpu.memref_slice %arg6[%dma_wait3A_1833, %dma_wait3A_1834, %multiple_of3A_1165] : memref<2x8x1000000xf32, #tpu.memory_space<hbm>> -> memref<2x8x128xf32, #tpu.memory_space<hbm>>
      %dma_wait3A_1836 = arith.constant 0 : i32
      %dma_wait3A_1837 = arith.constant 0 : i32
      %dma_wait3A_1838 = arith.constant 0 : i32
      %dma_wait3A_1839 = tpu.memref_slice %arg15[%dma_wait3A_1827, %dma_wait3A_1836, %dma_wait3A_1837, %dma_wait3A_1838] : memref<16x2x8x128xf32, #tpu.memory_space<vmem>> -> memref<1x2x8x128xf32, #tpu.memory_space<vmem>>
      %dma_wait3A_1840 = tpu.memref_squeeze %dma_wait3A_1839 : memref<1x2x8x128xf32, #tpu.memory_space<vmem>> -> memref<2x8x128xf32, #tpu.memory_space<vmem>>
      %dma_wait3A_1841 = arith.constant 0 : i32
      %dma_wait3A_1842 = arith.constant 0 : i32
      %dma_wait3A_1843 = tpu.memref_slice %arg6[%dma_wait3A_1841, %dma_wait3A_1842, %multiple_of3A_1165] : memref<2x8x1000000xf32, #tpu.memory_space<hbm>> -> memref<2x8x128xf32, #tpu.memory_space<hbm>>
      tpu.wait_dma2 semaphore(%arg20 : memref<!tpu.dma_semaphore, #tpu.memory_space<semaphore_mem>>) src(%dma_wait3A_1843 : memref<2x8x128xf32, #tpu.memory_space<hbm>>) dst(%dma_wait3A_1840 : memref<2x8x128xf32, #tpu.memory_space<vmem>>)
      %dma_wait3A_1844 = arith.constant 12 : i32
      %dma_wait3A_1845 = arith.constant 0 : i32
      %dma_wait3A_1846 = arith.constant 0 : i32
      %dma_wait3A_1847 = arith.constant 0 : i32
      %dma_wait3A_1848 = tpu.memref_slice %arg15[%dma_wait3A_1844, %dma_wait3A_1845, %dma_wait3A_1846, %dma_wait3A_1847] : memref<16x2x8x128xf32, #tpu.memory_space<vmem>> -> memref<1x2x8x128xf32, #tpu.memory_space<vmem>>
      %dma_wait3A_1849 = tpu.memref_squeeze %dma_wait3A_1848 : memref<1x2x8x128xf32, #tpu.memory_space<vmem>> -> memref<2x8x128xf32, #tpu.memory_space<vmem>>
      %dma_wait3A_1850 = arith.constant 0 : i32
      %dma_wait3A_1851 = arith.constant 0 : i32
      %dma_wait3A_1852 = tpu.memref_slice %arg6[%dma_wait3A_1850, %dma_wait3A_1851, %multiple_of3A_1207] : memref<2x8x1000000xf32, #tpu.memory_space<hbm>> -> memref<2x8x128xf32, #tpu.memory_space<hbm>>
      %dma_wait3A_1853 = arith.constant 0 : i32
      %dma_wait3A_1854 = arith.constant 0 : i32
      %dma_wait3A_1855 = arith.constant 0 : i32
      %dma_wait3A_1856 = tpu.memref_slice %arg15[%dma_wait3A_1844, %dma_wait3A_1853, %dma_wait3A_1854, %dma_wait3A_1855] : memref<16x2x8x128xf32, #tpu.memory_space<vmem>> -> memref<1x2x8x128xf32, #tpu.memory_space<vmem>>
      %dma_wait3A_1857 = tpu.memref_squeeze %dma_wait3A_1856 : memref<1x2x8x128xf32, #tpu.memory_space<vmem>> -> memref<2x8x128xf32, #tpu.memory_space<vmem>>
      %dma_wait3A_1858 = arith.constant 0 : i32
      %dma_wait3A_1859 = arith.constant 0 : i32
      %dma_wait3A_1860 = tpu.memref_slice %arg6[%dma_wait3A_1858, %dma_wait3A_1859, %multiple_of3A_1207] : memref<2x8x1000000xf32, #tpu.memory_space<hbm>> -> memref<2x8x128xf32, #tpu.memory_space<hbm>>
      tpu.wait_dma2 semaphore(%arg20 : memref<!tpu.dma_semaphore, #tpu.memory_space<semaphore_mem>>) src(%dma_wait3A_1860 : memref<2x8x128xf32, #tpu.memory_space<hbm>>) dst(%dma_wait3A_1857 : memref<2x8x128xf32, #tpu.memory_space<vmem>>)
      %dma_wait3A_1861 = arith.constant 13 : i32
      %dma_wait3A_1862 = arith.constant 0 : i32
      %dma_wait3A_1863 = arith.constant 0 : i32
      %dma_wait3A_1864 = arith.constant 0 : i32
      %dma_wait3A_1865 = tpu.memref_slice %arg15[%dma_wait3A_1861, %dma_wait3A_1862, %dma_wait3A_1863, %dma_wait3A_1864] : memref<16x2x8x128xf32, #tpu.memory_space<vmem>> -> memref<1x2x8x128xf32, #tpu.memory_space<vmem>>
      %dma_wait3A_1866 = tpu.memref_squeeze %dma_wait3A_1865 : memref<1x2x8x128xf32, #tpu.memory_space<vmem>> -> memref<2x8x128xf32, #tpu.memory_space<vmem>>
      %dma_wait3A_1867 = arith.constant 0 : i32
      %dma_wait3A_1868 = arith.constant 0 : i32
      %dma_wait3A_1869 = tpu.memref_slice %arg6[%dma_wait3A_1867, %dma_wait3A_1868, %multiple_of3A_1249] : memref<2x8x1000000xf32, #tpu.memory_space<hbm>> -> memref<2x8x128xf32, #tpu.memory_space<hbm>>
      %dma_wait3A_1870 = arith.constant 0 : i32
      %dma_wait3A_1871 = arith.constant 0 : i32
      %dma_wait3A_1872 = arith.constant 0 : i32
      %dma_wait3A_1873 = tpu.memref_slice %arg15[%dma_wait3A_1861, %dma_wait3A_1870, %dma_wait3A_1871, %dma_wait3A_1872] : memref<16x2x8x128xf32, #tpu.memory_space<vmem>> -> memref<1x2x8x128xf32, #tpu.memory_space<vmem>>
      %dma_wait3A_1874 = tpu.memref_squeeze %dma_wait3A_1873 : memref<1x2x8x128xf32, #tpu.memory_space<vmem>> -> memref<2x8x128xf32, #tpu.memory_space<vmem>>
      %dma_wait3A_1875 = arith.constant 0 : i32
      %dma_wait3A_1876 = arith.constant 0 : i32
      %dma_wait3A_1877 = tpu.memref_slice %arg6[%dma_wait3A_1875, %dma_wait3A_1876, %multiple_of3A_1249] : memref<2x8x1000000xf32, #tpu.memory_space<hbm>> -> memref<2x8x128xf32, #tpu.memory_space<hbm>>
      tpu.wait_dma2 semaphore(%arg20 : memref<!tpu.dma_semaphore, #tpu.memory_space<semaphore_mem>>) src(%dma_wait3A_1877 : memref<2x8x128xf32, #tpu.memory_space<hbm>>) dst(%dma_wait3A_1874 : memref<2x8x128xf32, #tpu.memory_space<vmem>>)
      %dma_wait3A_1878 = arith.constant 14 : i32
      %dma_wait3A_1879 = arith.constant 0 : i32
      %dma_wait3A_1880 = arith.constant 0 : i32
      %dma_wait3A_1881 = arith.constant 0 : i32
      %dma_wait3A_1882 = tpu.memref_slice %arg15[%dma_wait3A_1878, %dma_wait3A_1879, %dma_wait3A_1880, %dma_wait3A_1881] : memref<16x2x8x128xf32, #tpu.memory_space<vmem>> -> memref<1x2x8x128xf32, #tpu.memory_space<vmem>>
      %dma_wait3A_1883 = tpu.memref_squeeze %dma_wait3A_1882 : memref<1x2x8x128xf32, #tpu.memory_space<vmem>> -> memref<2x8x128xf32, #tpu.memory_space<vmem>>
      %dma_wait3A_1884 = arith.constant 0 : i32
      %dma_wait3A_1885 = arith.constant 0 : i32
      %dma_wait3A_1886 = tpu.memref_slice %arg6[%dma_wait3A_1884, %dma_wait3A_1885, %multiple_of3A_1291] : memref<2x8x1000000xf32, #tpu.memory_space<hbm>> -> memref<2x8x128xf32, #tpu.memory_space<hbm>>
      %dma_wait3A_1887 = arith.constant 0 : i32
      %dma_wait3A_1888 = arith.constant 0 : i32
      %dma_wait3A_1889 = arith.constant 0 : i32
      %dma_wait3A_1890 = tpu.memref_slice %arg15[%dma_wait3A_1878, %dma_wait3A_1887, %dma_wait3A_1888, %dma_wait3A_1889] : memref<16x2x8x128xf32, #tpu.memory_space<vmem>> -> memref<1x2x8x128xf32, #tpu.memory_space<vmem>>
      %dma_wait3A_1891 = tpu.memref_squeeze %dma_wait3A_1890 : memref<1x2x8x128xf32, #tpu.memory_space<vmem>> -> memref<2x8x128xf32, #tpu.memory_space<vmem>>
      %dma_wait3A_1892 = arith.constant 0 : i32
      %dma_wait3A_1893 = arith.constant 0 : i32
      %dma_wait3A_1894 = tpu.memref_slice %arg6[%dma_wait3A_1892, %dma_wait3A_1893, %multiple_of3A_1291] : memref<2x8x1000000xf32, #tpu.memory_space<hbm>> -> memref<2x8x128xf32, #tpu.memory_space<hbm>>
      tpu.wait_dma2 semaphore(%arg20 : memref<!tpu.dma_semaphore, #tpu.memory_space<semaphore_mem>>) src(%dma_wait3A_1894 : memref<2x8x128xf32, #tpu.memory_space<hbm>>) dst(%dma_wait3A_1891 : memref<2x8x128xf32, #tpu.memory_space<vmem>>)
      %dma_wait3A_1895 = arith.constant 15 : i32
      %dma_wait3A_1896 = arith.constant 0 : i32
      %dma_wait3A_1897 = arith.constant 0 : i32
      %dma_wait3A_1898 = arith.constant 0 : i32
      %dma_wait3A_1899 = tpu.memref_slice %arg15[%dma_wait3A_1895, %dma_wait3A_1896, %dma_wait3A_1897, %dma_wait3A_1898] : memref<16x2x8x128xf32, #tpu.memory_space<vmem>> -> memref<1x2x8x128xf32, #tpu.memory_space<vmem>>
      %dma_wait3A_1900 = tpu.memref_squeeze %dma_wait3A_1899 : memref<1x2x8x128xf32, #tpu.memory_space<vmem>> -> memref<2x8x128xf32, #tpu.memory_space<vmem>>
      %dma_wait3A_1901 = arith.constant 0 : i32
      %dma_wait3A_1902 = arith.constant 0 : i32
      %dma_wait3A_1903 = tpu.memref_slice %arg6[%dma_wait3A_1901, %dma_wait3A_1902, %multiple_of3A_1333] : memref<2x8x1000000xf32, #tpu.memory_space<hbm>> -> memref<2x8x128xf32, #tpu.memory_space<hbm>>
      %dma_wait3A_1904 = arith.constant 0 : i32
      %dma_wait3A_1905 = arith.constant 0 : i32
      %dma_wait3A_1906 = arith.constant 0 : i32
      %dma_wait3A_1907 = tpu.memref_slice %arg15[%dma_wait3A_1895, %dma_wait3A_1904, %dma_wait3A_1905, %dma_wait3A_1906] : memref<16x2x8x128xf32, #tpu.memory_space<vmem>> -> memref<1x2x8x128xf32, #tpu.memory_space<vmem>>
      %dma_wait3A_1908 = tpu.memref_squeeze %dma_wait3A_1907 : memref<1x2x8x128xf32, #tpu.memory_space<vmem>> -> memref<2x8x128xf32, #tpu.memory_space<vmem>>
      %dma_wait3A_1909 = arith.constant 0 : i32
      %dma_wait3A_1910 = arith.constant 0 : i32
      %dma_wait3A_1911 = tpu.memref_slice %arg6[%dma_wait3A_1909, %dma_wait3A_1910, %multiple_of3A_1333] : memref<2x8x1000000xf32, #tpu.memory_space<hbm>> -> memref<2x8x128xf32, #tpu.memory_space<hbm>>
      tpu.wait_dma2 semaphore(%arg20 : memref<!tpu.dma_semaphore, #tpu.memory_space<semaphore_mem>>) src(%dma_wait3A_1911 : memref<2x8x128xf32, #tpu.memory_space<hbm>>) dst(%dma_wait3A_1908 : memref<2x8x128xf32, #tpu.memory_space<vmem>>)
      %broadcast_in_dim3A_1912 = arith.constant 0.000000e+00 : f32
      %broadcast_in_dim3A_1913 = vector.broadcast %broadcast_in_dim3A_1912 : f32 to vector<16xf32>
      %broadcast_in_dim3A_1914 = arith.constant 0 : i32
      %broadcast_in_dim3A_1915 = vector.broadcast %broadcast_in_dim3A_1914 : i32 to vector<16xi32>
      %broadcast_in_dim3A_1916 = arith.constant 0 : i32
      %broadcast_in_dim3A_1917 = vector.broadcast %broadcast_in_dim3A_1916 : i32 to vector<16xi32>
      %gather3A_1918 = tpu.vector_load_idx %arg14[%iota3A, %broadcast_in_dim3A_1915, %broadcast_in_dim3A_1917, %and3A] : memref<16x2x8x128xf32, #tpu.memory_space<vmem>>[vector<16xi32>, vector<16xi32>, vector<16xi32>, vector<16xi32>], vector<16xf32>,
      %gather3A_1919 = tpu.vector_load_idx %arg15[%iota3A, %broadcast_in_dim3A_1915, %broadcast_in_dim3A_1917, %and3A_698] : memref<16x2x8x128xf32, #tpu.memory_space<vmem>>[vector<16xi32>, vector<16xi32>, vector<16xi32>, vector<16xi32>], vector<16xf32>,
      %mul3A_1920 = arith.mulf %gather3A_1918, %gather3A_1919 : vector<16xf32>
      %add3A_1921 = arith.addf %broadcast_in_dim3A_1913, %mul3A_1920 : vector<16xf32>
      %broadcast_in_dim3A_1922 = arith.constant 0 : i32
      %broadcast_in_dim3A_1923 = vector.broadcast %broadcast_in_dim3A_1922 : i32 to vector<16xi32>
      %broadcast_in_dim3A_1924 = arith.constant 1 : i32
      %broadcast_in_dim3A_1925 = vector.broadcast %broadcast_in_dim3A_1924 : i32 to vector<16xi32>
      %gather3A_1926 = tpu.vector_load_idx %arg14[%iota3A, %broadcast_in_dim3A_1923, %broadcast_in_dim3A_1925, %and3A] : memref<16x2x8x128xf32, #tpu.memory_space<vmem>>[vector<16xi32>, vector<16xi32>, vector<16xi32>, vector<16xi32>], vector<16xf32>,
      %gather3A_1927 = tpu.vector_load_idx %arg15[%iota3A, %broadcast_in_dim3A_1923, %broadcast_in_dim3A_1925, %and3A_698] : memref<16x2x8x128xf32, #tpu.memory_space<vmem>>[vector<16xi32>, vector<16xi32>, vector<16xi32>, vector<16xi32>], vector<16xf32>,
      %mul3A_1928 = arith.mulf %gather3A_1926, %gather3A_1927 : vector<16xf32>
      %add3A_1929 = arith.addf %add3A_1921, %mul3A_1928 : vector<16xf32>
      %broadcast_in_dim3A_1930 = arith.constant 0 : i32
      %broadcast_in_dim3A_1931 = vector.broadcast %broadcast_in_dim3A_1930 : i32 to vector<16xi32>
      %broadcast_in_dim3A_1932 = arith.constant 2 : i32
      %broadcast_in_dim3A_1933 = vector.broadcast %broadcast_in_dim3A_1932 : i32 to vector<16xi32>
      %gather3A_1934 = tpu.vector_load_idx %arg14[%iota3A, %broadcast_in_dim3A_1931, %broadcast_in_dim3A_1933, %and3A] : memref<16x2x8x128xf32, #tpu.memory_space<vmem>>[vector<16xi32>, vector<16xi32>, vector<16xi32>, vector<16xi32>], vector<16xf32>,
      %gather3A_1935 = tpu.vector_load_idx %arg15[%iota3A, %broadcast_in_dim3A_1931, %broadcast_in_dim3A_1933, %and3A_698] : memref<16x2x8x128xf32, #tpu.memory_space<vmem>>[vector<16xi32>, vector<16xi32>, vector<16xi32>, vector<16xi32>], vector<16xf32>,
      %mul3A_1936 = arith.mulf %gather3A_1934, %gather3A_1935 : vector<16xf32>
      %add3A_1937 = arith.addf %add3A_1929, %mul3A_1936 : vector<16xf32>
      %broadcast_in_dim3A_1938 = arith.constant 0 : i32
      %broadcast_in_dim3A_1939 = vector.broadcast %broadcast_in_dim3A_1938 : i32 to vector<16xi32>
      %broadcast_in_dim3A_1940 = arith.constant 3 : i32
      %broadcast_in_dim3A_1941 = vector.broadcast %broadcast_in_dim3A_1940 : i32 to vector<16xi32>
      %gather3A_1942 = tpu.vector_load_idx %arg14[%iota3A, %broadcast_in_dim3A_1939, %broadcast_in_dim3A_1941, %and3A] : memref<16x2x8x128xf32, #tpu.memory_space<vmem>>[vector<16xi32>, vector<16xi32>, vector<16xi32>, vector<16xi32>], vector<16xf32>,
      %gather3A_1943 = tpu.vector_load_idx %arg15[%iota3A, %broadcast_in_dim3A_1939, %broadcast_in_dim3A_1941, %and3A_698] : memref<16x2x8x128xf32, #tpu.memory_space<vmem>>[vector<16xi32>, vector<16xi32>, vector<16xi32>, vector<16xi32>], vector<16xf32>,
      %mul3A_1944 = arith.mulf %gather3A_1942, %gather3A_1943 : vector<16xf32>
      %add3A_1945 = arith.addf %add3A_1937, %mul3A_1944 : vector<16xf32>
      %broadcast_in_dim3A_1946 = arith.constant 0 : i32
      %broadcast_in_dim3A_1947 = vector.broadcast %broadcast_in_dim3A_1946 : i32 to vector<16xi32>
      %broadcast_in_dim3A_1948 = arith.constant 4 : i32
      %broadcast_in_dim3A_1949 = vector.broadcast %broadcast_in_dim3A_1948 : i32 to vector<16xi32>
      %gather3A_1950 = tpu.vector_load_idx %arg14[%iota3A, %broadcast_in_dim3A_1947, %broadcast_in_dim3A_1949, %and3A] : memref<16x2x8x128xf32, #tpu.memory_space<vmem>>[vector<16xi32>, vector<16xi32>, vector<16xi32>, vector<16xi32>], vector<16xf32>,
      %gather3A_1951 = tpu.vector_load_idx %arg15[%iota3A, %broadcast_in_dim3A_1947, %broadcast_in_dim3A_1949, %and3A_698] : memref<16x2x8x128xf32, #tpu.memory_space<vmem>>[vector<16xi32>, vector<16xi32>, vector<16xi32>, vector<16xi32>], vector<16xf32>,
      %mul3A_1952 = arith.mulf %gather3A_1950, %gather3A_1951 : vector<16xf32>
      %add3A_1953 = arith.addf %add3A_1945, %mul3A_1952 : vector<16xf32>
      %broadcast_in_dim3A_1954 = arith.constant 0 : i32
      %broadcast_in_dim3A_1955 = vector.broadcast %broadcast_in_dim3A_1954 : i32 to vector<16xi32>
      %broadcast_in_dim3A_1956 = arith.constant 5 : i32
      %broadcast_in_dim3A_1957 = vector.broadcast %broadcast_in_dim3A_1956 : i32 to vector<16xi32>
      %gather3A_1958 = tpu.vector_load_idx %arg14[%iota3A, %broadcast_in_dim3A_1955, %broadcast_in_dim3A_1957, %and3A] : memref<16x2x8x128xf32, #tpu.memory_space<vmem>>[vector<16xi32>, vector<16xi32>, vector<16xi32>, vector<16xi32>], vector<16xf32>,
      %gather3A_1959 = tpu.vector_load_idx %arg15[%iota3A, %broadcast_in_dim3A_1955, %broadcast_in_dim3A_1957, %and3A_698] : memref<16x2x8x128xf32, #tpu.memory_space<vmem>>[vector<16xi32>, vector<16xi32>, vector<16xi32>, vector<16xi32>], vector<16xf32>,
      %mul3A_1960 = arith.mulf %gather3A_1958, %gather3A_1959 : vector<16xf32>
      %add3A_1961 = arith.addf %add3A_1953, %mul3A_1960 : vector<16xf32>
      %broadcast_in_dim3A_1962 = arith.constant 0 : i32
      %broadcast_in_dim3A_1963 = vector.broadcast %broadcast_in_dim3A_1962 : i32 to vector<16xi32>
      %broadcast_in_dim3A_1964 = arith.constant 6 : i32
      %broadcast_in_dim3A_1965 = vector.broadcast %broadcast_in_dim3A_1964 : i32 to vector<16xi32>
      %gather3A_1966 = tpu.vector_load_idx %arg14[%iota3A, %broadcast_in_dim3A_1963, %broadcast_in_dim3A_1965, %and3A] : memref<16x2x8x128xf32, #tpu.memory_space<vmem>>[vector<16xi32>, vector<16xi32>, vector<16xi32>, vector<16xi32>], vector<16xf32>,
      %gather3A_1967 = tpu.vector_load_idx %arg15[%iota3A, %broadcast_in_dim3A_1963, %broadcast_in_dim3A_1965, %and3A_698] : memref<16x2x8x128xf32, #tpu.memory_space<vmem>>[vector<16xi32>, vector<16xi32>, vector<16xi32>, vector<16xi32>], vector<16xf32>,
      %mul3A_1968 = arith.mulf %gather3A_1966, %gather3A_1967 : vector<16xf32>
      %add3A_1969 = arith.addf %add3A_1961, %mul3A_1968 : vector<16xf32>
      %broadcast_in_dim3A_1970 = arith.constant 0 : i32
      %broadcast_in_dim3A_1971 = vector.broadcast %broadcast_in_dim3A_1970 : i32 to vector<16xi32>
      %broadcast_in_dim3A_1972 = arith.constant 7 : i32
      %broadcast_in_dim3A_1973 = vector.broadcast %broadcast_in_dim3A_1972 : i32 to vector<16xi32>
      %gather3A_1974 = tpu.vector_load_idx %arg14[%iota3A, %broadcast_in_dim3A_1971, %broadcast_in_dim3A_1973, %and3A] : memref<16x2x8x128xf32, #tpu.memory_space<vmem>>[vector<16xi32>, vector<16xi32>, vector<16xi32>, vector<16xi32>], vector<16xf32>,
      %gather3A_1975 = tpu.vector_load_idx %arg15[%iota3A, %broadcast_in_dim3A_1971, %broadcast_in_dim3A_1973, %and3A_698] : memref<16x2x8x128xf32, #tpu.memory_space<vmem>>[vector<16xi32>, vector<16xi32>, vector<16xi32>, vector<16xi32>], vector<16xf32>,
      %mul3A_1976 = arith.mulf %gather3A_1974, %gather3A_1975 : vector<16xf32>
      %add3A_1977 = arith.addf %add3A_1969, %mul3A_1976 : vector<16xf32>
      %broadcast_in_dim3A_1978 = arith.constant 1 : i32
      %broadcast_in_dim3A_1979 = vector.broadcast %broadcast_in_dim3A_1978 : i32 to vector<16xi32>
      %broadcast_in_dim3A_1980 = arith.constant 0 : i32
      %broadcast_in_dim3A_1981 = vector.broadcast %broadcast_in_dim3A_1980 : i32 to vector<16xi32>
      %gather3A_1982 = tpu.vector_load_idx %arg14[%iota3A, %broadcast_in_dim3A_1979, %broadcast_in_dim3A_1981, %and3A] : memref<16x2x8x128xf32, #tpu.memory_space<vmem>>[vector<16xi32>, vector<16xi32>, vector<16xi32>, vector<16xi32>], vector<16xf32>,
      %gather3A_1983 = tpu.vector_load_idx %arg15[%iota3A, %broadcast_in_dim3A_1979, %broadcast_in_dim3A_1981, %and3A_698] : memref<16x2x8x128xf32, #tpu.memory_space<vmem>>[vector<16xi32>, vector<16xi32>, vector<16xi32>, vector<16xi32>], vector<16xf32>,
      %mul3A_1984 = arith.mulf %gather3A_1982, %gather3A_1983 : vector<16xf32>
      %add3A_1985 = arith.addf %add3A_1977, %mul3A_1984 : vector<16xf32>
      %broadcast_in_dim3A_1986 = arith.constant 1 : i32
      %broadcast_in_dim3A_1987 = vector.broadcast %broadcast_in_dim3A_1986 : i32 to vector<16xi32>
      %broadcast_in_dim3A_1988 = arith.constant 1 : i32
      %broadcast_in_dim3A_1989 = vector.broadcast %broadcast_in_dim3A_1988 : i32 to vector<16xi32>
      %gather3A_1990 = tpu.vector_load_idx %arg14[%iota3A, %broadcast_in_dim3A_1987, %broadcast_in_dim3A_1989, %and3A] : memref<16x2x8x128xf32, #tpu.memory_space<vmem>>[vector<16xi32>, vector<16xi32>, vector<16xi32>, vector<16xi32>], vector<16xf32>,
      %gather3A_1991 = tpu.vector_load_idx %arg15[%iota3A, %broadcast_in_dim3A_1987, %broadcast_in_dim3A_1989, %and3A_698] : memref<16x2x8x128xf32, #tpu.memory_space<vmem>>[vector<16xi32>, vector<16xi32>, vector<16xi32>, vector<16xi32>], vector<16xf32>,
      %mul3A_1992 = arith.mulf %gather3A_1990, %gather3A_1991 : vector<16xf32>
      %add3A_1993 = arith.addf %add3A_1985, %mul3A_1992 : vector<16xf32>
      %broadcast_in_dim3A_1994 = arith.constant 1 : i32
      %broadcast_in_dim3A_1995 = vector.broadcast %broadcast_in_dim3A_1994 : i32 to vector<16xi32>
      %broadcast_in_dim3A_1996 = arith.constant 2 : i32
      %broadcast_in_dim3A_1997 = vector.broadcast %broadcast_in_dim3A_1996 : i32 to vector<16xi32>
      %gather3A_1998 = tpu.vector_load_idx %arg14[%iota3A, %broadcast_in_dim3A_1995, %broadcast_in_dim3A_1997, %and3A] : memref<16x2x8x128xf32, #tpu.memory_space<vmem>>[vector<16xi32>, vector<16xi32>, vector<16xi32>, vector<16xi32>], vector<16xf32>,
      %gather3A_1999 = tpu.vector_load_idx %arg15[%iota3A, %broadcast_in_dim3A_1995, %broadcast_in_dim3A_1997, %and3A_698] : memref<16x2x8x128xf32, #tpu.memory_space<vmem>>[vector<16xi32>, vector<16xi32>, vector<16xi32>, vector<16xi32>], vector<16xf32>,
      %mul3A_2000 = arith.mulf %gather3A_1998, %gather3A_1999 : vector<16xf32>
      %add3A_2001 = arith.addf %add3A_1993, %mul3A_2000 : vector<16xf32>
      %broadcast_in_dim3A_2002 = arith.constant 1 : i32
      %broadcast_in_dim3A_2003 = vector.broadcast %broadcast_in_dim3A_2002 : i32 to vector<16xi32>
      %broadcast_in_dim3A_2004 = arith.constant 3 : i32
      %broadcast_in_dim3A_2005 = vector.broadcast %broadcast_in_dim3A_2004 : i32 to vector<16xi32>
      %gather3A_2006 = tpu.vector_load_idx %arg14[%iota3A, %broadcast_in_dim3A_2003, %broadcast_in_dim3A_2005, %and3A] : memref<16x2x8x128xf32, #tpu.memory_space<vmem>>[vector<16xi32>, vector<16xi32>, vector<16xi32>, vector<16xi32>], vector<16xf32>,
      %gather3A_2007 = tpu.vector_load_idx %arg15[%iota3A, %broadcast_in_dim3A_2003, %broadcast_in_dim3A_2005, %and3A_698] : memref<16x2x8x128xf32, #tpu.memory_space<vmem>>[vector<16xi32>, vector<16xi32>, vector<16xi32>, vector<16xi32>], vector<16xf32>,
      %mul3A_2008 = arith.mulf %gather3A_2006, %gather3A_2007 : vector<16xf32>
      %add3A_2009 = arith.addf %add3A_2001, %mul3A_2008 : vector<16xf32>
      %broadcast_in_dim3A_2010 = arith.constant 1 : i32
      %broadcast_in_dim3A_2011 = vector.broadcast %broadcast_in_dim3A_2010 : i32 to vector<16xi32>
      %broadcast_in_dim3A_2012 = arith.constant 4 : i32
      %broadcast_in_dim3A_2013 = vector.broadcast %broadcast_in_dim3A_2012 : i32 to vector<16xi32>
      %gather3A_2014 = tpu.vector_load_idx %arg14[%iota3A, %broadcast_in_dim3A_2011, %broadcast_in_dim3A_2013, %and3A] : memref<16x2x8x128xf32, #tpu.memory_space<vmem>>[vector<16xi32>, vector<16xi32>, vector<16xi32>, vector<16xi32>], vector<16xf32>,
      %gather3A_2015 = tpu.vector_load_idx %arg15[%iota3A, %broadcast_in_dim3A_2011, %broadcast_in_dim3A_2013, %and3A_698] : memref<16x2x8x128xf32, #tpu.memory_space<vmem>>[vector<16xi32>, vector<16xi32>, vector<16xi32>, vector<16xi32>], vector<16xf32>,
      %mul3A_2016 = arith.mulf %gather3A_2014, %gather3A_2015 : vector<16xf32>
      %add3A_2017 = arith.addf %add3A_2009, %mul3A_2016 : vector<16xf32>
      %broadcast_in_dim3A_2018 = arith.constant 1 : i32
      %broadcast_in_dim3A_2019 = vector.broadcast %broadcast_in_dim3A_2018 : i32 to vector<16xi32>
      %broadcast_in_dim3A_2020 = arith.constant 5 : i32
      %broadcast_in_dim3A_2021 = vector.broadcast %broadcast_in_dim3A_2020 : i32 to vector<16xi32>
      %gather3A_2022 = tpu.vector_load_idx %arg14[%iota3A, %broadcast_in_dim3A_2019, %broadcast_in_dim3A_2021, %and3A] : memref<16x2x8x128xf32, #tpu.memory_space<vmem>>[vector<16xi32>, vector<16xi32>, vector<16xi32>, vector<16xi32>], vector<16xf32>,
      %gather3A_2023 = tpu.vector_load_idx %arg15[%iota3A, %broadcast_in_dim3A_2019, %broadcast_in_dim3A_2021, %and3A_698] : memref<16x2x8x128xf32, #tpu.memory_space<vmem>>[vector<16xi32>, vector<16xi32>, vector<16xi32>, vector<16xi32>], vector<16xf32>,
      %mul3A_2024 = arith.mulf %gather3A_2022, %gather3A_2023 : vector<16xf32>
      %add3A_2025 = arith.addf %add3A_2017, %mul3A_2024 : vector<16xf32>
      %broadcast_in_dim3A_2026 = arith.constant 1 : i32
      %broadcast_in_dim3A_2027 = vector.broadcast %broadcast_in_dim3A_2026 : i32 to vector<16xi32>
      %broadcast_in_dim3A_2028 = arith.constant 6 : i32
      %broadcast_in_dim3A_2029 = vector.broadcast %broadcast_in_dim3A_2028 : i32 to vector<16xi32>
      %gather3A_2030 = tpu.vector_load_idx %arg14[%iota3A, %broadcast_in_dim3A_2027, %broadcast_in_dim3A_2029, %and3A] : memref<16x2x8x128xf32, #tpu.memory_space<vmem>>[vector<16xi32>, vector<16xi32>, vector<16xi32>, vector<16xi32>], vector<16xf32>,
      %gather3A_2031 = tpu.vector_load_idx %arg15[%iota3A, %broadcast_in_dim3A_2027, %broadcast_in_dim3A_2029, %and3A_698] : memref<16x2x8x128xf32, #tpu.memory_space<vmem>>[vector<16xi32>, vector<16xi32>, vector<16xi32>, vector<16xi32>], vector<16xf32>,
      %mul3A_2032 = arith.mulf %gather3A_2030, %gather3A_2031 : vector<16xf32>
      %add3A_2033 = arith.addf %add3A_2025, %mul3A_2032 : vector<16xf32>
      %broadcast_in_dim3A_2034 = arith.constant 1 : i32
      %broadcast_in_dim3A_2035 = vector.broadcast %broadcast_in_dim3A_2034 : i32 to vector<16xi32>
      %broadcast_in_dim3A_2036 = arith.constant 7 : i32
      %broadcast_in_dim3A_2037 = vector.broadcast %broadcast_in_dim3A_2036 : i32 to vector<16xi32>
      %gather3A_2038 = tpu.vector_load_idx %arg14[%iota3A, %broadcast_in_dim3A_2035, %broadcast_in_dim3A_2037, %and3A] : memref<16x2x8x128xf32, #tpu.memory_space<vmem>>[vector<16xi32>, vector<16xi32>, vector<16xi32>, vector<16xi32>], vector<16xf32>,
      %gather3A_2039 = tpu.vector_load_idx %arg15[%iota3A, %broadcast_in_dim3A_2035, %broadcast_in_dim3A_2037, %and3A_698] : memref<16x2x8x128xf32, #tpu.memory_space<vmem>>[vector<16xi32>, vector<16xi32>, vector<16xi32>, vector<16xi32>], vector<16xf32>,
      %mul3A_2040 = arith.mulf %gather3A_2038, %gather3A_2039 : vector<16xf32>
      %add3A_2041 = arith.addf %add3A_2033, %mul3A_2040 : vector<16xf32>
      %add3A_2042 = arith.constant 0 : i32
      %add3A_2043 = vector.broadcast %add3A_2042 : i32 to vector<16xi32>
      %add3A_2044 = arith.addi %add3A_695, %add3A_2043 : vector<16xi32>
      %gather3A_2045 = tpu.vector_load_idx %arg12[%add3A_2044] : memref<13312xf32, #tpu.memory_space<vmem>>[vector<16xi32>], vector<16xf32>,
      %slice3A_2046 = vector.extract_strided_slice %gather3A {offsets = [0], sizes = [1], strides = [1]} : vector<16xf32> to vector<1xf32>
      %squeeze3A_2047 = vector.extract %slice3A_2046[0] : f32 from vector<1xf32>
      %mul3A_2048 = vector.broadcast %squeeze3A_2047 : f32 to vector<16xf32>
      %mul3A_2049 = arith.mulf %gather3A_2045, %mul3A_2048 : vector<16xf32>
      %add3A_2050 = arith.addf %gather3A_684, %mul3A_2049 : vector<16xf32>
      %add3A_2051 = arith.constant 512 : i32
      %add3A_2052 = vector.broadcast %add3A_2051 : i32 to vector<16xi32>
      %add3A_2053 = arith.addi %add3A_695, %add3A_2052 : vector<16xi32>
      %gather3A_2054 = tpu.vector_load_idx %arg12[%add3A_2053] : memref<13312xf32, #tpu.memory_space<vmem>>[vector<16xi32>], vector<16xf32>,
      %slice3A_2055 = vector.extract_strided_slice %gather3A {offsets = [1], sizes = [1], strides = [1]} : vector<16xf32> to vector<1xf32>
      %squeeze3A_2056 = vector.extract %slice3A_2055[0] : f32 from vector<1xf32>
      %mul3A_2057 = vector.broadcast %squeeze3A_2056 : f32 to vector<16xf32>
      %mul3A_2058 = arith.mulf %gather3A_2054, %mul3A_2057 : vector<16xf32>
      %add3A_2059 = arith.addf %add3A_2050, %mul3A_2058 : vector<16xf32>
      %add3A_2060 = arith.constant 1024 : i32
      %add3A_2061 = vector.broadcast %add3A_2060 : i32 to vector<16xi32>
      %add3A_2062 = arith.addi %add3A_695, %add3A_2061 : vector<16xi32>
      %gather3A_2063 = tpu.vector_load_idx %arg12[%add3A_2062] : memref<13312xf32, #tpu.memory_space<vmem>>[vector<16xi32>], vector<16xf32>,
      %slice3A_2064 = vector.extract_strided_slice %gather3A {offsets = [2], sizes = [1], strides = [1]} : vector<16xf32> to vector<1xf32>
      %squeeze3A_2065 = vector.extract %slice3A_2064[0] : f32 from vector<1xf32>
      %mul3A_2066 = vector.broadcast %squeeze3A_2065 : f32 to vector<16xf32>
      %mul3A_2067 = arith.mulf %gather3A_2063, %mul3A_2066 : vector<16xf32>
      %add3A_2068 = arith.addf %add3A_2059, %mul3A_2067 : vector<16xf32>
      %add3A_2069 = arith.constant 1536 : i32
      %add3A_2070 = vector.broadcast %add3A_2069 : i32 to vector<16xi32>
      %add3A_2071 = arith.addi %add3A_695, %add3A_2070 : vector<16xi32>
      %gather3A_2072 = tpu.vector_load_idx %arg12[%add3A_2071] : memref<13312xf32, #tpu.memory_space<vmem>>[vector<16xi32>], vector<16xf32>,
      %slice3A_2073 = vector.extract_strided_slice %gather3A {offsets = [3], sizes = [1], strides = [1]} : vector<16xf32> to vector<1xf32>
      %squeeze3A_2074 = vector.extract %slice3A_2073[0] : f32 from vector<1xf32>
      %mul3A_2075 = vector.broadcast %squeeze3A_2074 : f32 to vector<16xf32>
      %mul3A_2076 = arith.mulf %gather3A_2072, %mul3A_2075 : vector<16xf32>
      %add3A_2077 = arith.addf %add3A_2068, %mul3A_2076 : vector<16xf32>
      %add3A_2078 = arith.constant 2048 : i32
      %add3A_2079 = vector.broadcast %add3A_2078 : i32 to vector<16xi32>
      %add3A_2080 = arith.addi %add3A_695, %add3A_2079 : vector<16xi32>
      %gather3A_2081 = tpu.vector_load_idx %arg12[%add3A_2080] : memref<13312xf32, #tpu.memory_space<vmem>>[vector<16xi32>], vector<16xf32>,
      %slice3A_2082 = vector.extract_strided_slice %gather3A {offsets = [4], sizes = [1], strides = [1]} : vector<16xf32> to vector<1xf32>
      %squeeze3A_2083 = vector.extract %slice3A_2082[0] : f32 from vector<1xf32>
      %mul3A_2084 = vector.broadcast %squeeze3A_2083 : f32 to vector<16xf32>
      %mul3A_2085 = arith.mulf %gather3A_2081, %mul3A_2084 : vector<16xf32>
      %add3A_2086 = arith.addf %add3A_2077, %mul3A_2085 : vector<16xf32>
      %add3A_2087 = arith.constant 2560 : i32
      %add3A_2088 = vector.broadcast %add3A_2087 : i32 to vector<16xi32>
      %add3A_2089 = arith.addi %add3A_695, %add3A_2088 : vector<16xi32>
      %gather3A_2090 = tpu.vector_load_idx %arg12[%add3A_2089] : memref<13312xf32, #tpu.memory_space<vmem>>[vector<16xi32>], vector<16xf32>,
      %slice3A_2091 = vector.extract_strided_slice %gather3A {offsets = [5], sizes = [1], strides = [1]} : vector<16xf32> to vector<1xf32>
      %squeeze3A_2092 = vector.extract %slice3A_2091[0] : f32 from vector<1xf32>
      %mul3A_2093 = vector.broadcast %squeeze3A_2092 : f32 to vector<16xf32>
      %mul3A_2094 = arith.mulf %gather3A_2090, %mul3A_2093 : vector<16xf32>
      %add3A_2095 = arith.addf %add3A_2086, %mul3A_2094 : vector<16xf32>
      %add3A_2096 = arith.constant 3072 : i32
      %add3A_2097 = vector.broadcast %add3A_2096 : i32 to vector<16xi32>
      %add3A_2098 = arith.addi %add3A_695, %add3A_2097 : vector<16xi32>
      %gather3A_2099 = tpu.vector_load_idx %arg12[%add3A_2098] : memref<13312xf32, #tpu.memory_space<vmem>>[vector<16xi32>], vector<16xf32>,
      %slice3A_2100 = vector.extract_strided_slice %gather3A {offsets = [6], sizes = [1], strides = [1]} : vector<16xf32> to vector<1xf32>
      %squeeze3A_2101 = vector.extract %slice3A_2100[0] : f32 from vector<1xf32>
      %mul3A_2102 = vector.broadcast %squeeze3A_2101 : f32 to vector<16xf32>
      %mul3A_2103 = arith.mulf %gather3A_2099, %mul3A_2102 : vector<16xf32>
      %add3A_2104 = arith.addf %add3A_2095, %mul3A_2103 : vector<16xf32>
      %add3A_2105 = arith.constant 3584 : i32
      %add3A_2106 = vector.broadcast %add3A_2105 : i32 to vector<16xi32>
      %add3A_2107 = arith.addi %add3A_695, %add3A_2106 : vector<16xi32>
      %gather3A_2108 = tpu.vector_load_idx %arg12[%add3A_2107] : memref<13312xf32, #tpu.memory_space<vmem>>[vector<16xi32>], vector<16xf32>,
      %slice3A_2109 = vector.extract_strided_slice %gather3A {offsets = [7], sizes = [1], strides = [1]} : vector<16xf32> to vector<1xf32>
      %squeeze3A_2110 = vector.extract %slice3A_2109[0] : f32 from vector<1xf32>
      %mul3A_2111 = vector.broadcast %squeeze3A_2110 : f32 to vector<16xf32>
      %mul3A_2112 = arith.mulf %gather3A_2108, %mul3A_2111 : vector<16xf32>
      %add3A_2113 = arith.addf %add3A_2104, %mul3A_2112 : vector<16xf32>
      %add3A_2114 = arith.constant 4096 : i32
      %add3A_2115 = vector.broadcast %add3A_2114 : i32 to vector<16xi32>
      %add3A_2116 = arith.addi %add3A_695, %add3A_2115 : vector<16xi32>
      %gather3A_2117 = tpu.vector_load_idx %arg12[%add3A_2116] : memref<13312xf32, #tpu.memory_space<vmem>>[vector<16xi32>], vector<16xf32>,
      %slice3A_2118 = vector.extract_strided_slice %gather3A {offsets = [8], sizes = [1], strides = [1]} : vector<16xf32> to vector<1xf32>
      %squeeze3A_2119 = vector.extract %slice3A_2118[0] : f32 from vector<1xf32>
      %mul3A_2120 = vector.broadcast %squeeze3A_2119 : f32 to vector<16xf32>
      %mul3A_2121 = arith.mulf %gather3A_2117, %mul3A_2120 : vector<16xf32>
      %add3A_2122 = arith.addf %add3A_2113, %mul3A_2121 : vector<16xf32>
      %add3A_2123 = arith.constant 4608 : i32
      %add3A_2124 = vector.broadcast %add3A_2123 : i32 to vector<16xi32>
      %add3A_2125 = arith.addi %add3A_695, %add3A_2124 : vector<16xi32>
      %gather3A_2126 = tpu.vector_load_idx %arg12[%add3A_2125] : memref<13312xf32, #tpu.memory_space<vmem>>[vector<16xi32>], vector<16xf32>,
      %slice3A_2127 = vector.extract_strided_slice %gather3A {offsets = [9], sizes = [1], strides = [1]} : vector<16xf32> to vector<1xf32>
      %squeeze3A_2128 = vector.extract %slice3A_2127[0] : f32 from vector<1xf32>
      %mul3A_2129 = vector.broadcast %squeeze3A_2128 : f32 to vector<16xf32>
      %mul3A_2130 = arith.mulf %gather3A_2126, %mul3A_2129 : vector<16xf32>
      %add3A_2131 = arith.addf %add3A_2122, %mul3A_2130 : vector<16xf32>
      %add3A_2132 = arith.constant 5120 : i32
      %add3A_2133 = vector.broadcast %add3A_2132 : i32 to vector<16xi32>
      %add3A_2134 = arith.addi %add3A_695, %add3A_2133 : vector<16xi32>
      %gather3A_2135 = tpu.vector_load_idx %arg12[%add3A_2134] : memref<13312xf32, #tpu.memory_space<vmem>>[vector<16xi32>], vector<16xf32>,
      %slice3A_2136 = vector.extract_strided_slice %gather3A {offsets = [10], sizes = [1], strides = [1]} : vector<16xf32> to vector<1xf32>
      %squeeze3A_2137 = vector.extract %slice3A_2136[0] : f32 from vector<1xf32>
      %mul3A_2138 = vector.broadcast %squeeze3A_2137 : f32 to vector<16xf32>
      %mul3A_2139 = arith.mulf %gather3A_2135, %mul3A_2138 : vector<16xf32>
      %add3A_2140 = arith.addf %add3A_2131, %mul3A_2139 : vector<16xf32>
      %add3A_2141 = arith.constant 5632 : i32
      %add3A_2142 = vector.broadcast %add3A_2141 : i32 to vector<16xi32>
      %add3A_2143 = arith.addi %add3A_695, %add3A_2142 : vector<16xi32>
      %gather3A_2144 = tpu.vector_load_idx %arg12[%add3A_2143] : memref<13312xf32, #tpu.memory_space<vmem>>[vector<16xi32>], vector<16xf32>,
      %slice3A_2145 = vector.extract_strided_slice %gather3A {offsets = [11], sizes = [1], strides = [1]} : vector<16xf32> to vector<1xf32>
      %squeeze3A_2146 = vector.extract %slice3A_2145[0] : f32 from vector<1xf32>
      %mul3A_2147 = vector.broadcast %squeeze3A_2146 : f32 to vector<16xf32>
      %mul3A_2148 = arith.mulf %gather3A_2144, %mul3A_2147 : vector<16xf32>
      %add3A_2149 = arith.addf %add3A_2140, %mul3A_2148 : vector<16xf32>
      %add3A_2150 = arith.constant 6144 : i32
      %add3A_2151 = vector.broadcast %add3A_2150 : i32 to vector<16xi32>
      %add3A_2152 = arith.addi %add3A_695, %add3A_2151 : vector<16xi32>
      %gather3A_2153 = tpu.vector_load_idx %arg12[%add3A_2152] : memref<13312xf32, #tpu.memory_space<vmem>>[vector<16xi32>], vector<16xf32>,
      %slice3A_2154 = vector.extract_strided_slice %gather3A {offsets = [12], sizes = [1], strides = [1]} : vector<16xf32> to vector<1xf32>
      %squeeze3A_2155 = vector.extract %slice3A_2154[0] : f32 from vector<1xf32>
      %mul3A_2156 = vector.broadcast %squeeze3A_2155 : f32 to vector<16xf32>
      %mul3A_2157 = arith.mulf %gather3A_2153, %mul3A_2156 : vector<16xf32>
      %add3A_2158 = arith.addf %add3A_2149, %mul3A_2157 : vector<16xf32>
      %add3A_2159 = arith.constant 6656 : i32
      %add3A_2160 = vector.broadcast %add3A_2159 : i32 to vector<16xi32>
      %add3A_2161 = arith.addi %add3A_695, %add3A_2160 : vector<16xi32>
      %gather3A_2162 = tpu.vector_load_idx %arg12[%add3A_2161] : memref<13312xf32, #tpu.memory_space<vmem>>[vector<16xi32>], vector<16xf32>,
      %slice3A_2163 = vector.extract_strided_slice %gather3A {offsets = [13], sizes = [1], strides = [1]} : vector<16xf32> to vector<1xf32>
      %squeeze3A_2164 = vector.extract %slice3A_2163[0] : f32 from vector<1xf32>
      %mul3A_2165 = vector.broadcast %squeeze3A_2164 : f32 to vector<16xf32>
      %mul3A_2166 = arith.mulf %gather3A_2162, %mul3A_2165 : vector<16xf32>
      %add3A_2167 = arith.addf %add3A_2158, %mul3A_2166 : vector<16xf32>
      %add3A_2168 = arith.constant 7168 : i32
      %add3A_2169 = vector.broadcast %add3A_2168 : i32 to vector<16xi32>
      %add3A_2170 = arith.addi %add3A_695, %add3A_2169 : vector<16xi32>
      %gather3A_2171 = tpu.vector_load_idx %arg12[%add3A_2170] : memref<13312xf32, #tpu.memory_space<vmem>>[vector<16xi32>], vector<16xf32>,
      %slice3A_2172 = vector.extract_strided_slice %gather3A {offsets = [14], sizes = [1], strides = [1]} : vector<16xf32> to vector<1xf32>
      %squeeze3A_2173 = vector.extract %slice3A_2172[0] : f32 from vector<1xf32>
      %mul3A_2174 = vector.broadcast %squeeze3A_2173 : f32 to vector<16xf32>
      %mul3A_2175 = arith.mulf %gather3A_2171, %mul3A_2174 : vector<16xf32>
      %add3A_2176 = arith.addf %add3A_2167, %mul3A_2175 : vector<16xf32>
      %add3A_2177 = arith.constant 7680 : i32
      %add3A_2178 = vector.broadcast %add3A_2177 : i32 to vector<16xi32>
      %add3A_2179 = arith.addi %add3A_695, %add3A_2178 : vector<16xi32>
      %gather3A_2180 = tpu.vector_load_idx %arg12[%add3A_2179] : memref<13312xf32, #tpu.memory_space<vmem>>[vector<16xi32>], vector<16xf32>,
      %slice3A_2181 = vector.extract_strided_slice %gather3A {offsets = [15], sizes = [1], strides = [1]} : vector<16xf32> to vector<1xf32>
      %squeeze3A_2182 = vector.extract %slice3A_2181[0] : f32 from vector<1xf32>
      %mul3A_2183 = vector.broadcast %squeeze3A_2182 : f32 to vector<16xf32>
      %mul3A_2184 = arith.mulf %gather3A_2180, %mul3A_2183 : vector<16xf32>
      %add3A_2185 = arith.addf %add3A_2176, %mul3A_2184 : vector<16xf32>
      %add3A_2186 = arith.constant 8192 : i32
      %add3A_2187 = vector.broadcast %add3A_2186 : i32 to vector<16xi32>
      %add3A_2188 = arith.addi %add3A_695, %add3A_2187 : vector<16xi32>
      %gather3A_2189 = tpu.vector_load_idx %arg12[%add3A_2188] : memref<13312xf32, #tpu.memory_space<vmem>>[vector<16xi32>], vector<16xf32>,
      %slice3A_2190 = vector.extract_strided_slice %gather3A_680 {offsets = [0], sizes = [1], strides = [1]} : vector<16xf32> to vector<1xf32>
      %squeeze3A_2191 = vector.extract %slice3A_2190[0] : f32 from vector<1xf32>
      %mul3A_2192 = vector.broadcast %squeeze3A_2191 : f32 to vector<16xf32>
      %mul3A_2193 = arith.mulf %gather3A_2189, %mul3A_2192 : vector<16xf32>
      %add3A_2194 = arith.addf %add3A_2185, %mul3A_2193 : vector<16xf32>
      %add3A_2195 = arith.constant 8704 : i32
      %add3A_2196 = vector.broadcast %add3A_2195 : i32 to vector<16xi32>
      %add3A_2197 = arith.addi %add3A_695, %add3A_2196 : vector<16xi32>
      %gather3A_2198 = tpu.vector_load_idx %arg12[%add3A_2197] : memref<13312xf32, #tpu.memory_space<vmem>>[vector<16xi32>], vector<16xf32>,
      %slice3A_2199 = vector.extract_strided_slice %gather3A_680 {offsets = [1], sizes = [1], strides = [1]} : vector<16xf32> to vector<1xf32>
      %squeeze3A_2200 = vector.extract %slice3A_2199[0] : f32 from vector<1xf32>
      %mul3A_2201 = vector.broadcast %squeeze3A_2200 : f32 to vector<16xf32>
      %mul3A_2202 = arith.mulf %gather3A_2198, %mul3A_2201 : vector<16xf32>
      %add3A_2203 = arith.addf %add3A_2194, %mul3A_2202 : vector<16xf32>
      %add3A_2204 = arith.constant 9216 : i32
      %add3A_2205 = vector.broadcast %add3A_2204 : i32 to vector<16xi32>
      %add3A_2206 = arith.addi %add3A_695, %add3A_2205 : vector<16xi32>
      %gather3A_2207 = tpu.vector_load_idx %arg12[%add3A_2206] : memref<13312xf32, #tpu.memory_space<vmem>>[vector<16xi32>], vector<16xf32>,
      %slice3A_2208 = vector.extract_strided_slice %gather3A_680 {offsets = [2], sizes = [1], strides = [1]} : vector<16xf32> to vector<1xf32>
      %squeeze3A_2209 = vector.extract %slice3A_2208[0] : f32 from vector<1xf32>
      %mul3A_2210 = vector.broadcast %squeeze3A_2209 : f32 to vector<16xf32>
      %mul3A_2211 = arith.mulf %gather3A_2207, %mul3A_2210 : vector<16xf32>
      %add3A_2212 = arith.addf %add3A_2203, %mul3A_2211 : vector<16xf32>
      %add3A_2213 = arith.constant 9728 : i32
      %add3A_2214 = vector.broadcast %add3A_2213 : i32 to vector<16xi32>
      %add3A_2215 = arith.addi %add3A_695, %add3A_2214 : vector<16xi32>
      %gather3A_2216 = tpu.vector_load_idx %arg12[%add3A_2215] : memref<13312xf32, #tpu.memory_space<vmem>>[vector<16xi32>], vector<16xf32>,
      %slice3A_2217 = vector.extract_strided_slice %gather3A_680 {offsets = [3], sizes = [1], strides = [1]} : vector<16xf32> to vector<1xf32>
      %squeeze3A_2218 = vector.extract %slice3A_2217[0] : f32 from vector<1xf32>
      %mul3A_2219 = vector.broadcast %squeeze3A_2218 : f32 to vector<16xf32>
      %mul3A_2220 = arith.mulf %gather3A_2216, %mul3A_2219 : vector<16xf32>
      %add3A_2221 = arith.addf %add3A_2212, %mul3A_2220 : vector<16xf32>
      %add3A_2222 = arith.constant 10240 : i32
      %add3A_2223 = vector.broadcast %add3A_2222 : i32 to vector<16xi32>
      %add3A_2224 = arith.addi %add3A_695, %add3A_2223 : vector<16xi32>
      %gather3A_2225 = tpu.vector_load_idx %arg12[%add3A_2224] : memref<13312xf32, #tpu.memory_space<vmem>>[vector<16xi32>], vector<16xf32>,
      %slice3A_2226 = vector.extract_strided_slice %gather3A_680 {offsets = [4], sizes = [1], strides = [1]} : vector<16xf32> to vector<1xf32>
      %squeeze3A_2227 = vector.extract %slice3A_2226[0] : f32 from vector<1xf32>
      %mul3A_2228 = vector.broadcast %squeeze3A_2227 : f32 to vector<16xf32>
      %mul3A_2229 = arith.mulf %gather3A_2225, %mul3A_2228 : vector<16xf32>
      %add3A_2230 = arith.addf %add3A_2221, %mul3A_2229 : vector<16xf32>
      %add3A_2231 = arith.constant 10752 : i32
      %add3A_2232 = vector.broadcast %add3A_2231 : i32 to vector<16xi32>
      %add3A_2233 = arith.addi %add3A_695, %add3A_2232 : vector<16xi32>
      %gather3A_2234 = tpu.vector_load_idx %arg12[%add3A_2233] : memref<13312xf32, #tpu.memory_space<vmem>>[vector<16xi32>], vector<16xf32>,
      %slice3A_2235 = vector.extract_strided_slice %gather3A_680 {offsets = [5], sizes = [1], strides = [1]} : vector<16xf32> to vector<1xf32>
      %squeeze3A_2236 = vector.extract %slice3A_2235[0] : f32 from vector<1xf32>
      %mul3A_2237 = vector.broadcast %squeeze3A_2236 : f32 to vector<16xf32>
      %mul3A_2238 = arith.mulf %gather3A_2234, %mul3A_2237 : vector<16xf32>
      %add3A_2239 = arith.addf %add3A_2230, %mul3A_2238 : vector<16xf32>
      %add3A_2240 = arith.constant 11264 : i32
      %add3A_2241 = vector.broadcast %add3A_2240 : i32 to vector<16xi32>
      %add3A_2242 = arith.addi %add3A_695, %add3A_2241 : vector<16xi32>
      %gather3A_2243 = tpu.vector_load_idx %arg12[%add3A_2242] : memref<13312xf32, #tpu.memory_space<vmem>>[vector<16xi32>], vector<16xf32>,
      %slice3A_2244 = vector.extract_strided_slice %gather3A_680 {offsets = [6], sizes = [1], strides = [1]} : vector<16xf32> to vector<1xf32>
      %squeeze3A_2245 = vector.extract %slice3A_2244[0] : f32 from vector<1xf32>
      %mul3A_2246 = vector.broadcast %squeeze3A_2245 : f32 to vector<16xf32>
      %mul3A_2247 = arith.mulf %gather3A_2243, %mul3A_2246 : vector<16xf32>
      %add3A_2248 = arith.addf %add3A_2239, %mul3A_2247 : vector<16xf32>
      %add3A_2249 = arith.constant 11776 : i32
      %add3A_2250 = vector.broadcast %add3A_2249 : i32 to vector<16xi32>
      %add3A_2251 = arith.addi %add3A_695, %add3A_2250 : vector<16xi32>
      %gather3A_2252 = tpu.vector_load_idx %arg12[%add3A_2251] : memref<13312xf32, #tpu.memory_space<vmem>>[vector<16xi32>], vector<16xf32>,
      %slice3A_2253 = vector.extract_strided_slice %gather3A_680 {offsets = [7], sizes = [1], strides = [1]} : vector<16xf32> to vector<1xf32>
      %squeeze3A_2254 = vector.extract %slice3A_2253[0] : f32 from vector<1xf32>
      %mul3A_2255 = vector.broadcast %squeeze3A_2254 : f32 to vector<16xf32>
      %mul3A_2256 = arith.mulf %gather3A_2252, %mul3A_2255 : vector<16xf32>
      %add3A_2257 = arith.addf %add3A_2248, %mul3A_2256 : vector<16xf32>
      %add3A_2258 = arith.constant 12288 : i32
      %add3A_2259 = vector.broadcast %add3A_2258 : i32 to vector<16xi32>
      %add3A_2260 = arith.addi %add3A_695, %add3A_2259 : vector<16xi32>
      %gather3A_2261 = tpu.vector_load_idx %arg12[%add3A_2260] : memref<13312xf32, #tpu.memory_space<vmem>>[vector<16xi32>], vector<16xf32>,
      %slice3A_2262 = vector.extract_strided_slice %gather3A_680 {offsets = [8], sizes = [1], strides = [1]} : vector<16xf32> to vector<1xf32>
      %squeeze3A_2263 = vector.extract %slice3A_2262[0] : f32 from vector<1xf32>
      %mul3A_2264 = vector.broadcast %squeeze3A_2263 : f32 to vector<16xf32>
      %mul3A_2265 = arith.mulf %gather3A_2261, %mul3A_2264 : vector<16xf32>
      %add3A_2266 = arith.addf %add3A_2257, %mul3A_2265 : vector<16xf32>
      %add3A_2267 = arith.constant 12800 : i32
      %add3A_2268 = vector.broadcast %add3A_2267 : i32 to vector<16xi32>
      %add3A_2269 = arith.addi %add3A_695, %add3A_2268 : vector<16xi32>
      %gather3A_2270 = tpu.vector_load_idx %arg12[%add3A_2269] : memref<13312xf32, #tpu.memory_space<vmem>>[vector<16xi32>], vector<16xf32>,
      %slice3A_2271 = vector.extract_strided_slice %gather3A_680 {offsets = [9], sizes = [1], strides = [1]} : vector<16xf32> to vector<1xf32>
      %squeeze3A_2272 = vector.extract %slice3A_2271[0] : f32 from vector<1xf32>
      %mul3A_2273 = vector.broadcast %squeeze3A_2272 : f32 to vector<16xf32>
      %mul3A_2274 = arith.mulf %gather3A_2270, %mul3A_2273 : vector<16xf32>
      %add3A_2275 = arith.addf %add3A_2266, %mul3A_2274 : vector<16xf32>
      %exp3A = math.exp %add3A_2275 : vector<16xf32>
      %max3A = arith.constant 9.99999974E-6 : f32
      %max3A_2276 = vector.broadcast %max3A : f32 to vector<16xf32>
      %max3A_2277 = arith.maximumf %exp3A, %max3A_2276 : vector<16xf32>
      %min3A = arith.constant 3.000000e+00 : f32
      %min3A_2278 = vector.broadcast %min3A : f32 to vector<16xf32>
      %min3A_2279 = arith.minimumf %max3A_2277, %min3A_2278 : vector<16xf32>
      tpu.vector_store_idx %arg16[%add3A_695], %add3A_2041 : memref<512xf32, #tpu.memory_space<vmem>>[vector<16xi32>], vector<16xf32>,
      tpu.vector_store_idx %arg17[%add3A_695], %min3A_2279 : memref<512xf32, #tpu.memory_space<vmem>>[vector<16xi32>], vector<16xf32>,
    }
    %scan3A_690 = arith.constant 32 : i32
    "tpu.region"() ({
      %run_scoped3A = tpu.sem_alloc : memref<!tpu.dma_semaphore, #tpu.memory_space<semaphore_mem>>
      %dma_start3A_691 = tpu.memref_slice %arg8[%mul3A_2] : memref<16384xf32, #tpu.memory_space<hbm>> -> memref<512xf32, #tpu.memory_space<hbm>>
      %dma_start3A_692 = tpu.memref_slice %arg8[%mul3A_2] : memref<16384xf32, #tpu.memory_space<hbm>> -> memref<512xf32, #tpu.memory_space<hbm>>
      tpu.enqueue_dma source(%arg16 : memref<512xf32, #tpu.memory_space<vmem>>) target(%dma_start3A_692 : memref<512xf32, #tpu.memory_space<hbm>>) target_semaphore(%run_scoped3A : memref<!tpu.dma_semaphore, #tpu.memory_space<semaphore_mem>>)
      %dma_wait3A_693 = tpu.memref_slice %arg8[%mul3A_2] : memref<16384xf32, #tpu.memory_space<hbm>> -> memref<512xf32, #tpu.memory_space<hbm>>
      %dma_wait3A_694 = tpu.memref_slice %arg8[%mul3A_2] : memref<16384xf32, #tpu.memory_space<hbm>> -> memref<512xf32, #tpu.memory_space<hbm>>
      tpu.wait_dma2 semaphore(%run_scoped3A : memref<!tpu.dma_semaphore, #tpu.memory_space<semaphore_mem>>) src(%arg16 : memref<512xf32, #tpu.memory_space<vmem>>) dst(%dma_wait3A_694 : memref<512xf32, #tpu.memory_space<hbm>>)
      tpu.yield
    }) : () -> ()
    "tpu.region"() ({
      %run_scoped3A = tpu.sem_alloc : memref<!tpu.dma_semaphore, #tpu.memory_space<semaphore_mem>>
      %dma_start3A_691 = tpu.memref_slice %arg9[%mul3A_2] : memref<16384xf32, #tpu.memory_space<hbm>> -> memref<512xf32, #tpu.memory_space<hbm>>
      %dma_start3A_692 = tpu.memref_slice %arg9[%mul3A_2] : memref<16384xf32, #tpu.memory_space<hbm>> -> memref<512xf32, #tpu.memory_space<hbm>>
      tpu.enqueue_dma source(%arg17 : memref<512xf32, #tpu.memory_space<vmem>>) target(%dma_start3A_692 : memref<512xf32, #tpu.memory_space<hbm>>) target_semaphore(%run_scoped3A : memref<!tpu.dma_semaphore, #tpu.memory_space<semaphore_mem>>)
      %dma_wait3A_693 = tpu.memref_slice %arg9[%mul3A_2] : memref<16384xf32, #tpu.memory_space<hbm>> -> memref<512xf32, #tpu.memory_space<hbm>>
      %dma_wait3A_694 = tpu.memref_slice %arg9[%mul3A_2] : memref<16384xf32, #tpu.memory_space<hbm>> -> memref<512xf32, #tpu.memory_space<hbm>>
      tpu.wait_dma2 semaphore(%run_scoped3A : memref<!tpu.dma_semaphore, #tpu.memory_space<semaphore_mem>>) src(%arg17 : memref<512xf32, #tpu.memory_space<vmem>>) dst(%dma_wait3A_694 : memref<512xf32, #tpu.memory_space<hbm>>)
      tpu.yield
    }) : () -> ()
    return
  }
}

</mosaic_0001>

<sc_bundles>
// kernel: kernel.3.cloned.1.call-start
scs
__scs_entry_jumppad:
0x0: {  	(pc) =	sbr.rel $0x88, $3  }
0x1: {  	(tag) =	ssettag $0x0;
	lr =	simm.s32 $0x1  }
0x2: {  	[smem:$0x3F9B] =	sst lr;
	_ =	strace $0xD0000000  }
0x3: {  	_ = 	snop  }
0x4: {  	_ = 	snop  }
0x5: {  	_ = 	snop  }
0x6: {  	_ = 	snop  }
0x7: {  	_ = 	snop  }
__scs_overlays_trampoline_lowered:
0x8: {  	[smem:$0x3FAA] =	sst s0  }
0x9: {  	[smem:$0x3FAB] =	sst s1  }
0xa: {  	[smem:$0x3FAC] =	sst s2  }
0xb: {  	[smem:$0x3FAD] =	sst s3  }
0xc: {  	[smem:$0x3FAE] =	sst s4  }
0xd: {  	[smem:$0x3FAF] =	sst s5  }
0xe: {  	[smem:$0x3FB0] =	sst s6  }
0xf: {  	[smem:$0x3FB1] =	sst s7  }
0x10: {  	[smem:$0x3FB2] =	sst s8  }
0x11: {  	[smem:$0x3FB3] =	sst s9;
	s0 =	simm.s32 @!p0 $0x0  }
0x12: {  	s1 =	sld [smem:$0x3F99];
	s0 =	simm.s32 @p0 $0x1  }
0x13: {  	[smem:$0x3FB4] =	sst s0;
	s0 =	simm.s32 @!p1 $0x0  }
0x14: {  	s2 =	sld [smem:$0x3F98];
	s0 =	simm.s32 @p1 $0x1  }
0x15: {  	[smem:$0x3FB5] =	sst s0;
	s0 =	simm.s32 @!p2 $0x0  }
0x16: {  	s3 =	sld [smem:$0x3FDB];
	s0 =	simm.s32 @p2 $0x1  }
0x17: {  	s4 =	simm.s32 $0x1BF5;
	[smem:$0x3FB7] =	sst s0  }
0x18: {  	s0 =	sld [smem:$0x3F9A];
	_ =	swait.ge [sflag:s4], $0x0  }
0x19: {  	s7 =	sld [smem:$0x3F9B]  }
0x1a: {  	s8 =	sadd.s32 $0xFFFFE003, lr  }
0x1b: {  	s9 =	sadd.s32 $0xFFFFFEF7, lr;
	s5 =	simm.s32 $0xFFFFFFFF;
	p2 =	slt.u32 s8, $0xFFFFF086  }
0x1c: {  	p1 =	slt.u32 s9, $0xF7A;
	s5 =	simm.s32 @!p2 $0x0  }
0x1d: {  	s5 =	simm.s32 @p1 $0x1;
	p0 =	seq.s32 s7, s2  }
0x1e: {  	s7 =	smul.u32 @!p0 $0xF7A, s2;
	p2 =	seq.s32 @!p0 s5, $0x0  }
0x1f: {  	s9 =	smul.u32 $0xF7A, s1;
	s8 =	simm.s32 @!p0 $0x1BF5;
	p2 =	por !p2, p0  }
0x20: {  	[sflag:s8] =	ssyncset.s32 @!p0 $0xFFFFF086;
	s6 =	sadd.s32 @!p0 s3, s7;
	s7 =	simm.s32 @!p0 $0x108  }
0x21: {  	s3 =	sadd.s32 s3, s9;
	s6 =	sadd.s32 @!p0 $0x88, s6;
	s7 =	simm.s32 @p2 $0x1082  }
0x22: {  	[simem:s7], [sflag:s8] =	dma.local @!p0 [hbm:s6], $0xF7A  }
0x23: {  	s9 =	sor.u32 $0xD0000000, s2;
	s6 =	simm.s32 $0x108;
	_ =	swait.ge @!p0 [sflag:s8], $0x0  }
0x24: {  	s3 =	sadd.s32 $0x88, s3;
	s6 =	simm.s32 @!p1 $0x1082;
	[sflag:s4] =	ssyncset.s32 $0xFFFFF086  }
0x25: {  	[simem:s6], [sflag:s4] =	dma.local [hbm:s3], $0xF7A  }
0x26: {  	[smem:$0x3F9B] =	sst s1;
	(tag) =	ssettag s2;
	_ =	strace s9  }
0x27: {  	s1 =	sld [smem:$0x3FAB]  }
0x28: {  	s2 =	sld [smem:$0x3FAC]  }
0x29: {  	s4 =	sld [smem:$0x3FAE]  }
0x2a: {  	p0 =	seq.s32 s5, $0x0;
	s5 =	sld [smem:$0x3FAF]  }
0x2b: {  	s6 =	sld [smem:$0x3FB0]  }
0x2c: {  	s7 =	sld [smem:$0x3FB1]  }
0x2d: {  	s3 =	simm.s32 $0x108;
	s8 =	sld [smem:$0x3FB2]  }
0x2e: {  	s3 =	simm.s32 @!p0 $0x1082;
	s9 =	sld [smem:$0x3FB3]  }
0x2f: {  	lr =	sadd.s32 s0, s3;
	s0 =	sld [smem:$0x3FAA]  }
0x30: {  	s3 =	sld [smem:$0x3FAD]  }
0x31: {  	[smem:$0x3FB6] =	sst s10  }
0x32: {  	s10 =	sld [smem:$0x3FB4];
	_ =	sdelay $0x3  }
0x33: {  	p0 =	seq.s32 s10, $0x1;
	s10 =	sld [smem:$0x3FB6];
	_ =	sdelay $0x3  }
0x34: {  	[smem:$0x3FB6] =	sst s10  }
0x35: {  	s10 =	sld [smem:$0x3FB5];
	_ =	sdelay $0x3  }
0x36: {  	p1 =	seq.s32 s10, $0x1;
	s10 =	sld [smem:$0x3FB6];
	_ =	sdelay $0x3  }
0x37: {  	[smem:$0x3FB6] =	sst s10  }
0x38: {  	s10 =	sld [smem:$0x3FB7]  }
0x39: {  	_ = 	snop;
	(pc) =	sbr.ind lr, $3  }
0x3a: {  	_ = 	snop  }
0x3b: {  	_ = 	snop  }
0x3c: {  	p2 =	seq.s32 s10, $0x1;
	s10 =	sld [smem:$0x3FB6]  }
0x3d: {  	_ =	shalt  }
0x3e: {  	_ =	shalt  }
0x3f: {  	_ =	shalt  }
0x40: {  	_ =	shalt  }
0x41: {  	_ =	shalt  }
0x42: {  	_ =	shalt  }
0x43: {  	_ =	shalt  }
0x44: {  	_ =	shalt  }
0x45: {  	_ =	shalt  }
0x46: {  	_ =	shalt  }
0x47: {  	_ =	shalt  }
0x48: {  	_ =	shalt  }
0x49: {  	_ =	shalt  }
0x4a: {  	_ =	shalt  }
0x4b: {  	_ =	shalt  }
0x4c: {  	_ =	shalt  }
0x4d: {  	_ =	shalt  }
0x4e: {  	_ =	shalt  }
0x4f: {  	_ =	shalt  }
0x50: {  	_ =	shalt  }
0x51: {  	_ =	shalt  }
0x52: {  	_ =	shalt  }
0x53: {  	_ =	shalt  }
0x54: {  	_ =	shalt  }
0x55: {  	_ =	shalt  }
0x56: {  	_ =	shalt  }
0x57: {  	_ =	shalt  }
0x58: {  	_ =	shalt  }
0x59: {  	_ =	shalt  }
0x5a: {  	_ =	shalt  }
0x5b: {  	_ =	shalt  }
0x5c: {  	_ =	shalt  }
0x5d: {  	_ =	shalt  }
0x5e: {  	_ =	shalt  }
0x5f: {  	_ =	shalt  }
0x60: {  	_ =	shalt  }
0x61: {  	_ =	shalt  }
0x62: {  	_ =	shalt  }
0x63: {  	_ =	shalt  }
0x64: {  	_ =	shalt  }
0x65: {  	_ =	shalt  }
0x66: {  	_ =	shalt  }
0x67: {  	_ =	shalt  }
0x68: {  	_ =	shalt  }
0x69: {  	_ =	shalt  }
0x6a: {  	_ =	shalt  }
0x6b: {  	_ =	shalt  }
0x6c: {  	_ =	shalt  }
0x6d: {  	_ =	shalt  }
0x6e: {  	_ =	shalt  }
0x6f: {  	_ =	shalt  }
0x70: {  	_ =	shalt  }
0x71: {  	_ =	shalt  }
0x72: {  	_ =	shalt  }
0x73: {  	_ =	shalt  }
0x74: {  	_ =	shalt  }
0x75: {  	_ =	shalt  }
0x76: {  	_ =	shalt  }
0x77: {  	_ =	shalt  }
0x78: {  	_ =	shalt  }
0x79: {  	_ =	shalt  }
0x7a: {  	_ =	shalt  }
0x7b: {  	_ =	shalt  }
0x7c: {  	_ =	shalt  }
0x7d: {  	_ =	shalt  }
0x7e: {  	_ =	shalt  }
0x7f: {  	_ =	shalt  }
0x80: {  	_ =	shalt  }
0x81: {  	_ =	shalt  }
0x82: {  	_ =	shalt  }
0x83: {  	_ =	shalt  }
0x84: {  	_ =	shalt  }
0x85: {  	_ =	shalt  }
0x86: {  	_ =	shalt  }
0x87: {  	_ =	shalt  }
.Lfunc_end0:
.L_simem_size_0:
called_computation_lowered:
.L_overlay_start_0:
0x88: {  	s2 =	sld [smem:$0x3FD9]  }
0x89: {  	s3 =	sld [smem:$0x3FFE];
	_ =	sdelay $0x1  }
0x8a: {  	s1 =	srdreg.scid  }
0x8b: {  	s0 =	sand.u32 $0x1, s1  }
0x8c: {  	s14 =	sshll.u32 s0, $0xA;
	s2 =	sadd.s32 s3, s2  }
0x8d: {  	s2 =	sadd.s32 s2, s14  }
0x8e: {  	[smem:$0x3FC2] =	sst s2  }
0x8f: {  	_ = 	snop  }
0x90: {  	s2 =	sld [smem:$0x3FD0]  }
0x91: {  	s15 =	sld [smem:$0x3FC8]  }
0x92: {  	s4 =	sld [smem:$0x3FC7]  }
0x93: {  	s6 =	simm.s32 $0xA;
	s7 =	simm.s32 $0x10;
	s5 =	sld [smem:$0x3FC6]  }
0x94: {  	[smem:s7], [sflag:s6] =	dma.local [hbm:s2], $0x1  }
0x95: {  	_ =	swait.eq [sflag:s6], $0x1  }
0x96: {  	[sflag:s6] =	ssyncset.done $0x0  }
0x97: {  	s16 =	sld [smem:$0x10];
	[sflag:s6] =	ssyncadd.s32 $0xFFFFFFFF  }
0x98: {  	s17 =	sld [smem:$0x11];
	(tm) =	ssettm $0x1  }
0x99: {  	s18 =	sld [smem:$0x3FFB];
	_ =	sdelay $0x3  }
0x9a: {  	_ =	strace s18  }
0x9b: {  	s7 =	sld [smem:$0x3FFC];
	_ =	sdelay $0x3  }
0x9c: {  	_ =	strace s7  }
0x9d: {  	s7 =	sld [smem:$0x3FFD];
	_ =	sdelay $0x3  }
0x9e: {  	_ =	strace s7  }
0x9f: {  	_ =	strace $0x8FFFFFFF  }
0xa0: {  	s19 =	sld [smem:$0x3FDB];
	_ =	sdelay $0x1  }
0xa1: {  	s8 =	simm.s32 $_scs_section_size  }
0xa2: {  	s9 =	simm.s32 $_size__tile_overlayer_lowered;
	s10 =	simm.s32 $_tile_overlayer_lowered  }
0xa3: {  	s22 =	simm.s32 $0x1BFF;
	s21 =	sshll.u32 s10, $0x1;
	s7 =	sadd.s32 s8, s19  }
0xa4: {  	s11 =	simm.s32 $0x0;
	s20 =	sshll.u32 s9, $0x1;
	s9 =	sadd.s32 s21, s7  }
0xa5: {  	[timem:s11], [sflag:s22] =	dma.local [hbm:s9], s20  }
0xa6: {  	_ =	swait.ge [sflag:s22], s20  }
0xa7: {  	s8 =	ssub.s32 $0x0, s20;
	[sflag:s22] =	ssyncset.done $0x0  }
0xa8: {  	[sflag:s22] =	ssyncadd.s32 s8;
	_ =	sdelay $0x1  }
0xa9: {  	s23 =	simm.s32 $0x1B8B  }
0xaa: {  	_ =	swait.ge [sflag:s23], $0x1  }
0xab: {  	[sflag:s23] =	ssyncset.done $0x0  }
0xac: {  	s25 =	simm.s32 $0x1B8E;
	s24 =	sld [smem:$0x3FFE];
	[sflag:s23] =	ssyncadd.s32 $0xFFFFFFFF  }
0xad: {  	s26 =	simm.s32 $execute0_lowered;
	[smem:$0x3FD2] =	sst s25  }
0xae: {  	s9 =	sshll.u32 s26, $0x1;
	_ =	strace $0x80000046;
	[dreg:$0x1] =	wrdreg $0xFFFFFFFF  }
0xaf: {  	s28 =	simm.s32 $_size_execute0_lowered;
	s7 =	sadd.s32 s7, s9;
	[dreg:$0x0] =	wrdreg $0x0  }
0xb0: {  	s9 =	sshll.u32 s28, $0x1;
	[dreg:$0x2] =	wrdreg s7  }
0xb1: {  	[dreg:$0x3] =	wrdreg s9  }
0xb2: {  	[dreg:$0x4] =	wrdreg $0xC0  }
0xb3: {  	_ =	task [dreg:s11], $0x5FFFF  }
0xb4: {  	[dreg:$0x1] =	wrdreg $0xFFFFFFFF  }
0xb5: {  	[dreg:$0x0] =	wrdreg $0x60  }
0xb6: {  	[dreg:$0x2] =	wrdreg s24  }
0xb7: {  	[dreg:$0x3] =	wrdreg s15  }
0xb8: {  	[dreg:$0x4] =	wrdreg s4  }
0xb9: {  	[dreg:$0x5] =	wrdreg s5  }
0xba: {  	[dreg:$0x6] =	wrdreg s16  }
0xbb: {  	[dreg:$0x7] =	wrdreg s17  }
0xbc: {  	[dreg:$0x8] =	wrdreg $0x9  }
0xbd: {  	_ =	task.clear_ibuf [dreg:s11], $0x9FFFF;
	_ =	strace $0x90000046  }
0xbe: {  	s29 =	simm.s32 $0x9;
	_ =	strace $0x80000048  }
0xbf: {  	_ =	swait.ge [sflag:s29], $0x1  }
0xc0: {  	[sflag:s29] =	ssyncadd.s32 $0xFFFFFFFF  }
0xc1: {  	_ =	strace $0x90000048  }
0xc2: {  	_ =	sfence  }
0xc3: {  	s30 =	sld [smem:$0x0];
	_ =	sdelay $0x2  }
0xc4: {  	s31 =	sshll.u32 s1, $0xD;
	s1 =	sshrl.u32 s1, $0x2  }
0xc5: {  	s3 =	sand.u32 $0x4000, s31;
	s1 =	sadd.s32 s1, s30  }
0xc6: {  	s0 =	sor.u32 s3, s0;
	s1 =	sshll.u32 s1, $0x11  }
0xc7: {  	s0 =	sor.u32 s1, s0  }
0xc8: {  	s0 =	sadd.s32 $0x8F2B, s0  }
0xc9: {  	[sflag:s0] =	ssyncadd.remote.s32 $0x1  }
0xca: {  	_ =	sfence.sel $0xFFFF  }
0xcb: {  	[dreg:$0x0] =	wrdreg $0xFFFFFFFF;
	(pc) =	sbr.abs _section_cstart, $3  }
0xcc: {  	[dreg:$0x1] =	wrdreg $0xFFFFFFFF  }
0xcd: {  	_ =	task.clear_ibuf [dreg:s11], $0x2FFFF;
	_ =	strace $0x9FFFFFFF  }
0xce: {  	(tm) =	ssettm $0x7FFFFFFF  }
0xcf: {  	_ =	shalt  }
tec
execute0_lowered:
.L_overlay_start_1:
0x0: {  	(tag) =	ssettag $0x1  }
0x1: {  	s6 =	rddreg [dreg:$0x0]  }
0x2: {  	s8 =	rddreg [dreg:$0x1]  }
0x3: {  	s1 =	rddreg [dreg:$0x2]  }
0x4: {  	s2 =	rddreg [dreg:$0x3]  }
0x5: {  	s4 =	rddreg [dreg:$0x4]  }
0x6: {  	s0 =	rddreg [dreg:$0x5];
	s3 =	simm.s32 $0x0  }
0x7: {  	s5 =	simm.s32 $0x4080;
	[smem:$0x7FF] =	sst s3  }
0x8: {  	s11 =	simm.s32 $0xC080;
	_ =	strace $0x80000047;
	[dreg:$0x7] =	wrdreg s5  }
0x9: {  	s12 =	simm.s32 $0x4880;
	[dreg:$0x8] =	wrdreg s11  }
0xa: {  	s13 =	simm.s32 $0xC880;
	[dreg:$0x9] =	wrdreg s12  }
0xb: {  	s15 =	simm.s32 $0x5080;
	[dreg:$0xa] =	wrdreg s13  }
0xc: {  	s17 =	simm.s32 $0xD080;
	[dreg:$0xb] =	wrdreg s15  }
0xd: {  	s18 =	simm.s32 $0x5880;
	[dreg:$0xc] =	wrdreg s17  }
0xe: {  	s19 =	simm.s32 $0x6080;
	[dreg:$0xd] =	wrdreg s18  }
0xf: {  	s20 =	simm.s32 $0xE080;
	[dreg:$0xf] =	wrdreg s19  }
0x10: {  	s21 =	simm.s32 $0x6880;
	[dreg:$0x10] =	wrdreg s20  }
0x11: {  	s23 =	simm.s32 $0xE880;
	[dreg:$0x11] =	wrdreg s21  }
0x12: {  	s24 =	simm.s32 $0x7080;
	[dreg:$0x12] =	wrdreg s23  }
0x13: {  	s25 =	simm.s32 $0xF080;
	[dreg:$0x13] =	wrdreg s24  }
0x14: {  	s26 =	simm.s32 $0x7880;
	[dreg:$0x14] =	wrdreg s25  }
0x15: {  	s11 =	simm.s32 $0xD880;
	[dreg:$0x15] =	wrdreg s26  }
0x16: {  	s7 =	srdreg.scid;
	s12 =	simm.s32 $0xF880;
	[dreg:$0xe] =	wrdreg s11  }
0x17: {  	s10 =	stileid.u32;
	s18 =	simm.s32 $0x8880;
	[dreg:$0x16] =	wrdreg s12  }
0x18: {  	s9 =	sand.u32 $0x1, s7;
	s20 =	simm.s32 $0x10880;
	[dreg:$0x19] =	wrdreg s18  }
0x19: {  	s14 =	sshll.u32 s10, $0xA;
	s24 =	simm.s32 $0x11080;
	[dreg:$0x1a] =	wrdreg s20  }
0x1a: {  	s16 =	sshll.u32 s9, $0x9;
	s26 =	simm.s32 $0x9880;
	[dreg:$0x1c] =	wrdreg s24  }
0x1b: {  	s10 =	sor.u32 s16, s14;
	s14 =	simm.s32 $0x8080;
	[dreg:$0x1d] =	wrdreg s26  }
0x1c: {  	s16 =	simm.s32 $0x10080;
	[dreg:$0x17] =	wrdreg s14  }
0x1d: {  	s12 =	simm.s32 $0x11880;
	[dreg:$0x18] =	wrdreg s16  }
0x1e: {  	s9 =	ssub.s32 $0x2, s9;
	s18 =	simm.s32 $0xA880;
	[dreg:$0x1e] =	wrdreg s12  }
0x1f: {  	s22 =	sshrl.u32 s9, $0x1;
	s20 =	simm.s32 $0xB080;
	[smem:$0x7F4] =	sst s18  }
0x20: {  	s9 =	ssub.s32 s9, s22;
	s22 =	simm.s32 $0x9080;
	[smem:$0x7F8] =	sst s20  }
0x21: {  	s14 =	simm.s32 $0xA080;
	[dreg:$0x1b] =	wrdreg s22  }
0x22: {  	s7 =	sshrl.u32 s10, $0x3;
	s16 =	simm.s32 $0x12080;
	[dreg:$0x1f] =	wrdreg s14  }
0x23: {  	s5 =	sadd.s32 s7, s6;
	s6 =	sadd.s32 $0x1800, s6;
	[smem:$0x7F2] =	sst s16  }
0x24: {  	s4 =	sadd.s32 s4, s7;
	[smem:$0x7E4] =	sst s6  }
0x25: {  	s0 =	sadd.s32 s0, s7;
	[smem:$0x7F3] =	sst s4  }
0x26: {  	s22 =	simm.s32 $0x13080;
	[smem:$0x7F5] =	sst s0  }
0x27: {  	s6 =	sadd.s32 s8, s10;
	[smem:$0x7F9] =	sst s22;
	s24 =	sadd.s32 $0x800, s5  }
0x28: {  	s10 =	sadd.s32 $0x10, s6;
	[smem:$0x7FB] =	sst s24  }
0x29: {  	s11 =	sadd.s32 $0x20, s6;
	[smem:$0x7E5] =	sst s10  }
0x2a: {  	s12 =	simm.s32 $0x4;
	s13 =	sadd.s32 $0x30, s6;
	[smem:$0x7E6] =	sst s11  }
0x2b: {  	s18 =	simm.s32 $0xB880;
	s15 =	sadd.s32 $0x40, s6;
	[smem:$0x7E7] =	sst s13  }
0x2c: {  	s20 =	simm.s32 $0x3;
	s17 =	sadd.s32 $0x50, s6;
	[smem:$0x7E8] =	sst s15  }
0x2d: {  	s14 =	simm.s32 $0x3800;
	s19 =	sadd.s32 $0x60, s6;
	[smem:$0x7E9] =	sst s17  }
0x2e: {  	s16 =	simm.s32 $0x7A1400;
	s21 =	sadd.s32 $0x70, s6;
	[smem:$0x7EA] =	sst s19  }
0x2f: {  	v0 =	vlaneseq.u32;
	s22 =	simm.s32 $0x13A80;
	s23 =	sadd.s32 $0x4000, s6;
	[smem:$0x7EB] =	sst s21  }
0x30: {  	v1 =	vmul.u32 $0x800, v0;
	s25 =	sadd.s32 $0x4010, s6;
	s26 =	sadd.s32 $0x4070, s6;
	[smem:$0x7EC] =	sst s23  }
0x31: {  	v2 =	vor.u32 $0x10, v0;
	v41 =	vor.u32 $0x200, v0;
	v42 =	vor.u32 $0x400, v0;
	s28 =	sadd.s32 $0x8000, s6;
	s29 =	sadd.s32 $0x8010, s6;
	[smem:$0x7ED] =	sst s25  }
0x32: {  	v43 =	vor.u32 $0x600, v0;
	v44 =	vor.u32 $0x800, v0;
	v45 =	vor.u32 $0xA00, v0;
	s30 =	sadd.s32 $0x8020, s6;
	s11 =	sadd.s32 $0x4020, s6;
	[smem:$0x7FD] =	sst s26  }
0x33: {  	v46 =	vor.u32 $0xC00, v0;
	v47 =	vor.u32 $0xE00, v0;
	v48 =	vor.u32 $0x1000, v0;
	s31 =	sadd.s32 $0x8030, s6;
	s13 =	sadd.s32 $0x4030, s6;
	[smem:$0x7EE] =	sst s11  }
0x34: {  	v49 =	vor.u32 $0x1200, v0;
	v50 =	vor.u32 $0x1400, v0;
	v51 =	vor.u32 $0x1600, v0;
	s0 =	sadd.s32 $0x8040, s6;
	s15 =	sadd.s32 $0x4040, s6;
	[smem:$0x7EF] =	sst s13  }
0x35: {  	v52 =	vor.u32 $0x1800, v0;
	v53 =	vor.u32 $0x1A00, v0;
	v54 =	vor.u32 $0x1C00, v0;
	s4 =	sadd.s32 $0x8050, s6;
	s17 =	sadd.s32 $0x4050, s6;
	[smem:$0x7F0] =	sst s15  }
0x36: {  	v55 =	vor.u32 $0x1E00, v0;
	v56 =	vor.u32 $0x2000, v0;
	v57 =	vor.u32 $0x2200, v0;
	s7 =	sadd.s32 $0x8070, s6;
	s19 =	simm.s32 $0x12880;
	[smem:$0x7F1] =	sst s17  }
0x37: {  	v58 =	vor.u32 $0x2400, v0;
	[tilespmem:$0x1FFE0] =	vst v2;
	v2 =	vor.u32 $0x20, v0;
	s8 =	sadd.s32 $0xC000, s6;
	s21 =	sadd.s32 $0x4060, s6;
	[smem:$0x7F6] =	sst s19  }
0x38: {  	v4 =	vor.u32 $0x80, v1;
	v5 =	vor.u32 $0x100, v1;
	v6 =	vor.u32 $0x180, v1;
	s23 =	sadd.s32 $0x1000, s5;
	s25 =	smax.u32 s9, $0x1;
	[smem:$0x7F7] =	sst s21  }
0x39: {  	v7 =	vor.u32 $0x200, v1;
	v8 =	vor.u32 $0x280, v1;
	v9 =	vor.u32 $0x300, v1;
	s5 =	sadd.s32 $0x8060, s6;
	s9 =	sadd.s32 $0xC010, s6;
	[smem:$0x7FA] =	sst s23  }
0x3a: {  	v10 =	vor.u32 $0x380, v1;
	v11 =	vor.u32 $0x400, v1;
	v12 =	vor.u32 $0x480, v1;
	s10 =	simm.s32 $0x80;
	[smem:$0x7FC] =	sst s25;
	s11 =	simm.s32 $0x400  }
0x3b: {  	v13 =	vor.u32 $0x500, v1;
	v14 =	vor.u32 $0x580, v1;
	v15 =	vor.u32 $0x600, v1;
	s13 =	simm.s32 $0x200;
	s15 =	simm.s32 $0x1;
	s17 =	simm.s32 $0x3880  }
0x3c: {  	[tilespmem:$0x1FFF0] =	vst v2;
	v16 =	vor.u32 $0x680, v1;
	v17 =	vor.u32 $0x700, v1;
	v18 =	vor.u32 $0x780, v1;
	s19 =	simm.s32 $0x2;
	s21 =	simm.s32 $0x13880;
	s23 =	simm.s32 $0x0  }
.LBB2_1:
0x3d: {  	s24 =	sld [smem:$0x7E5]  }
0x3e: {  	[tilespmem:s11], [sflag:$0x1] =	stream.strided.gather [hbm4b:s6+s10], $0x200, s11, s10, $0x38;
	[tilespmem:$0x13C80] =	vst v63  }
0x3f: {  	s25 =	simm.s32 $0x600  }
0x40: {  	[tilespmem:s25], [sflag:$0x1] =	stream.strided.gather [hbm4b:s24+s10], $0x200, s11, s10, $0x38;
	[tilespmem:$0x13C80] =	vst v63  }
0x41: {  	s25 =	sld [smem:$0x7E6];
	_ =	sdelay $0x1  }
0x42: {  	s26 =	simm.s32 $0x800  }
0x43: {  	[tilespmem:s26], [sflag:$0x1] =	stream.strided.gather [hbm4b:s25+s10], $0x200, s11, s10, $0x38;
	[tilespmem:$0x13C80] =	vst v63  }
0x44: {  	s25 =	sld [smem:$0x7E7];
	_ =	sdelay $0x1  }
0x45: {  	s26 =	simm.s32 $0xA00  }
0x46: {  	[tilespmem:s26], [sflag:$0x1] =	stream.strided.gather [hbm4b:s25+s10], $0x200, s11, s10, $0x38;
	[tilespmem:$0x13C80] =	vst v63  }
0x47: {  	s25 =	sld [smem:$0x7E8];
	_ =	sdelay $0x1  }
0x48: {  	s26 =	simm.s32 $0xC00  }
0x49: {  	[tilespmem:s26], [sflag:$0x1] =	stream.strided.gather [hbm4b:s25+s10], $0x200, s11, s10, $0x38;
	[tilespmem:$0x13C80] =	vst v63  }
0x4a: {  	s25 =	sld [smem:$0x7E9];
	_ =	sdelay $0x1  }
0x4b: {  	s26 =	simm.s32 $0xE00  }
0x4c: {  	[tilespmem:s26], [sflag:$0x1] =	stream.strided.gather [hbm4b:s25+s10], $0x200, s11, s10, $0x38;
	[tilespmem:$0x13C80] =	vst v63  }
0x4d: {  	s25 =	sld [smem:$0x7EA];
	_ =	sdelay $0x1  }
0x4e: {  	s26 =	simm.s32 $0x1000  }
0x4f: {  	[tilespmem:s26], [sflag:$0x1] =	stream.strided.gather [hbm4b:s25+s10], $0x200, s11, s10, $0x38;
	[tilespmem:$0x13C80] =	vst v63  }
0x50: {  	s25 =	sld [smem:$0x7EB];
	_ =	sdelay $0x1  }
0x51: {  	s26 =	simm.s32 $0x1200  }
0x52: {  	[tilespmem:s26], [sflag:$0x1] =	stream.strided.gather [hbm4b:s25+s10], $0x200, s11, s10, $0x38;
	[tilespmem:$0x13C80] =	vst v63  }
0x53: {  	s25 =	sld [smem:$0x7EC];
	_ =	sdelay $0x1  }
0x54: {  	s26 =	simm.s32 $0x1400  }
0x55: {  	[tilespmem:s26], [sflag:$0x1] =	stream.strided.gather [hbm4b:s25+s10], $0x200, s11, s10, $0x38;
	[tilespmem:$0x13C80] =	vst v63  }
0x56: {  	s25 =	sld [smem:$0x7ED];
	_ =	sdelay $0x1  }
0x57: {  	s26 =	simm.s32 $0x1600  }
0x58: {  	[tilespmem:s26], [sflag:$0x1] =	stream.strided.gather [hbm4b:s25+s10], $0x200, s11, s10, $0x38;
	[tilespmem:$0x13C80] =	vst v63  }
0x59: {  	s25 =	sld [smem:$0x7EE];
	_ =	sdelay $0x1  }
0x5a: {  	s26 =	simm.s32 $0x1800  }
0x5b: {  	[tilespmem:s26], [sflag:$0x1] =	stream.strided.gather [hbm4b:s25+s10], $0x200, s11, s10, $0x38;
	[tilespmem:$0x13C80] =	vst v63  }
0x5c: {  	s25 =	sld [smem:$0x7EF];
	_ =	sdelay $0x1  }
0x5d: {  	s26 =	simm.s32 $0x1A00  }
0x5e: {  	[tilespmem:s26], [sflag:$0x1] =	stream.strided.gather [hbm4b:s25+s10], $0x200, s11, s10, $0x38;
	[tilespmem:$0x13C80] =	vst v63  }
0x5f: {  	s25 =	sld [smem:$0x7F0];
	_ =	sdelay $0x1  }
0x60: {  	s26 =	simm.s32 $0x1C00  }
0x61: {  	[tilespmem:s26], [sflag:$0x1] =	stream.strided.gather [hbm4b:s25+s10], $0x200, s11, s10, $0x38;
	[tilespmem:$0x13C80] =	vst v63  }
0x62: {  	s25 =	sld [smem:$0x7F1];
	_ =	sdelay $0x1  }
0x63: {  	s26 =	simm.s32 $0x1E00  }
0x64: {  	[tilespmem:s26], [sflag:$0x1] =	stream.strided.gather [hbm4b:s25+s10], $0x200, s11, s10, $0x38;
	[tilespmem:$0x13C80] =	vst v63  }
0x65: {  	s25 =	sld [smem:$0x7F7];
	_ =	sdelay $0x1  }
0x66: {  	s26 =	simm.s32 $0x2000  }
0x67: {  	[tilespmem:s26], [sflag:$0x1] =	stream.strided.gather [hbm4b:s25+s10], $0x200, s11, s10, $0x38;
	[tilespmem:$0x13C80] =	vst v63  }
0x68: {  	s25 =	sld [smem:$0x7FD];
	_ =	sdelay $0x1  }
0x69: {  	s26 =	simm.s32 $0x2200  }
0x6a: {  	[tilespmem:s26], [sflag:$0x1] =	stream.strided.gather [hbm4b:s25+s10], $0x200, s11, s10, $0x38;
	[tilespmem:$0x13C80] =	vst v63  }
0x6b: {  	s26 =	simm.s32 $0x2400  }
0x6c: {  	[tilespmem:s26], [sflag:$0x1] =	stream.strided.gather [hbm4b:s28+s10], $0x200, s11, s10, $0x38;
	[tilespmem:$0x13C80] =	vst v63  }
0x6d: {  	s25 =	simm.s32 $0x2600  }
0x6e: {  	[tilespmem:s25], [sflag:$0x1] =	stream.strided.gather [hbm4b:s29+s10], $0x200, s11, s10, $0x38;
	[tilespmem:$0x13C80] =	vst v63  }
0x6f: {  	s26 =	simm.s32 $0x2800  }
0x70: {  	[tilespmem:s26], [sflag:$0x1] =	stream.strided.gather [hbm4b:s30+s10], $0x200, s11, s10, $0x38;
	[tilespmem:$0x13C80] =	vst v63  }
0x71: {  	s25 =	simm.s32 $0x2A00  }
0x72: {  	[tilespmem:s25], [sflag:$0x1] =	stream.strided.gather [hbm4b:s31+s10], $0x200, s11, s10, $0x38;
	[tilespmem:$0x13C80] =	vst v63  }
0x73: {  	s26 =	simm.s32 $0x2C00  }
0x74: {  	[tilespmem:s26], [sflag:$0x1] =	stream.strided.gather [hbm4b:s0+s10], $0x200, s11, s10, $0x38;
	[tilespmem:$0x13C80] =	vst v63  }
0x75: {  	s25 =	simm.s32 $0x2E00  }
0x76: {  	[tilespmem:s25], [sflag:$0x1] =	stream.strided.gather [hbm4b:s4+s10], $0x200, s11, s10, $0x38;
	[tilespmem:$0x13C80] =	vst v63  }
0x77: {  	s26 =	simm.s32 $0x3000  }
0x78: {  	[tilespmem:s26], [sflag:$0x1] =	stream.strided.gather [hbm4b:s5+s10], $0x200, s11, s10, $0x38;
	[tilespmem:$0x13C80] =	vst v63  }
0x79: {  	s25 =	simm.s32 $0x3200  }
0x7a: {  	[tilespmem:s25], [sflag:$0x1] =	stream.strided.gather [hbm4b:s7+s10], $0x200, s11, s10, $0x38;
	[tilespmem:$0x13C80] =	vst v63  }
0x7b: {  	s26 =	simm.s32 $0x3400  }
0x7c: {  	[tilespmem:s26], [sflag:$0x1] =	stream.strided.gather [hbm4b:s8+s10], $0x200, s11, s10, $0x38;
	[tilespmem:$0x13C80] =	vst v63  }
0x7d: {  	s25 =	simm.s32 $0x3600;
	s26 =	sld [smem:$0x7FA]  }
0x7e: {  	[tilespmem:s25], [sflag:$0x1] =	stream.strided.gather [hbm4b:s9+s10], $0x200, s11, s10, $0x38;
	[tilespmem:$0x13C80] =	vst v63  }
0x7f: {  	_ = 	snop  }
0x80: {  	[tilespmem:s3], [sflag:$0x4] =	stream.linear.gather [hbm4b:s26+s3], $0x200, $0x38;
	[tilespmem:$0x13C80] =	vst v63  }
0x81: {  	_ =	swait.ge [sflag:s12], $0x200  }
0x82: {  	s25 =	sld [smem:$0x7FB]  }
0x83: {  	[sflag:s12] =	ssyncset.done $0x0  }
0x84: {  	[sflag:s12] =	ssyncadd.s32 $0xFFFFFE00  }
0x85: {  	[tilespmem:s13], [sflag:$0x4] =	stream.linear.gather [hbm4b:s25+s3], $0x200, $0x38;
	[tilespmem:$0x13C80] =	vst v63  }
0x86: {  	_ =	swait.ge [sflag:s12], $0x200  }
0x87: {  	s26 =	sld [smem:$0x7E4]  }
0x88: {  	[sflag:s12] =	ssyncset.done $0x0  }
0x89: {  	[sflag:s12] =	ssyncadd.s32 $0xFFFFFE00  }
0x8a: {  	[tilespmem:s14], [sflag:$0x4] =	stream.linear.gather [hbm4b:s26+s3], $0x80, $0x38;
	[tilespmem:$0x13C80] =	vst v63  }
0x8b: {  	_ =	swait.ge [sflag:s12], $0x80  }
0x8c: {  	[sflag:s12] =	ssyncset.done $0x0  }
0x8d: {  	[sflag:s12] =	ssyncadd.s32 $0xFFFFFF80  }
0x8e: {  	_ =	swait.ge [sflag:s15], $0x200  }
0x8f: {  	[sflag:s15] =	ssyncset.done $0x0  }
0x90: {  	[sflag:s15] =	ssyncadd.s32 $0xFFFFFE00  }
0x91: {  	_ =	swait.ge [sflag:s15], $0x200  }
0x92: {  	[sflag:s15] =	ssyncset.done $0x0  }
0x93: {  	[sflag:s15] =	ssyncadd.s32 $0xFFFFFE00  }
0x94: {  	_ =	swait.ge [sflag:s15], $0x200  }
0x95: {  	[sflag:s15] =	ssyncset.done $0x0  }
0x96: {  	[sflag:s15] =	ssyncadd.s32 $0xFFFFFE00  }
0x97: {  	_ =	swait.ge [sflag:s15], $0x200  }
0x98: {  	[sflag:s15] =	ssyncset.done $0x0  }
0x99: {  	[sflag:s15] =	ssyncadd.s32 $0xFFFFFE00  }
0x9a: {  	_ =	swait.ge [sflag:s15], $0x200  }
0x9b: {  	[sflag:s15] =	ssyncset.done $0x0  }
0x9c: {  	[sflag:s15] =	ssyncadd.s32 $0xFFFFFE00  }
0x9d: {  	_ =	swait.ge [sflag:s15], $0x200  }
0x9e: {  	[sflag:s15] =	ssyncset.done $0x0  }
0x9f: {  	[sflag:s15] =	ssyncadd.s32 $0xFFFFFE00  }
0xa0: {  	_ =	swait.ge [sflag:s15], $0x200  }
0xa1: {  	[sflag:s15] =	ssyncset.done $0x0  }
0xa2: {  	[sflag:s15] =	ssyncadd.s32 $0xFFFFFE00  }
0xa3: {  	_ =	swait.ge [sflag:s15], $0x200  }
0xa4: {  	[sflag:s15] =	ssyncset.done $0x0  }
0xa5: {  	[sflag:s15] =	ssyncadd.s32 $0xFFFFFE00  }
0xa6: {  	_ =	swait.ge [sflag:s15], $0x200  }
0xa7: {  	[sflag:s15] =	ssyncset.done $0x0  }
0xa8: {  	[sflag:s15] =	ssyncadd.s32 $0xFFFFFE00  }
0xa9: {  	_ =	swait.ge [sflag:s15], $0x200  }
0xaa: {  	[sflag:s15] =	ssyncset.done $0x0  }
0xab: {  	[sflag:s15] =	ssyncadd.s32 $0xFFFFFE00  }
0xac: {  	_ =	swait.ge [sflag:s15], $0x200  }
0xad: {  	[sflag:s15] =	ssyncset.done $0x0  }
0xae: {  	[sflag:s15] =	ssyncadd.s32 $0xFFFFFE00  }
0xaf: {  	_ =	swait.ge [sflag:s15], $0x200  }
0xb0: {  	[sflag:s15] =	ssyncset.done $0x0  }
0xb1: {  	[sflag:s15] =	ssyncadd.s32 $0xFFFFFE00  }
0xb2: {  	_ =	swait.ge [sflag:s15], $0x200  }
0xb3: {  	[sflag:s15] =	ssyncset.done $0x0  }
0xb4: {  	[sflag:s15] =	ssyncadd.s32 $0xFFFFFE00  }
0xb5: {  	_ =	swait.ge [sflag:s15], $0x200  }
0xb6: {  	[sflag:s15] =	ssyncset.done $0x0  }
0xb7: {  	[sflag:s15] =	ssyncadd.s32 $0xFFFFFE00  }
0xb8: {  	_ =	swait.ge [sflag:s15], $0x200  }
0xb9: {  	[sflag:s15] =	ssyncset.done $0x0  }
0xba: {  	[sflag:s15] =	ssyncadd.s32 $0xFFFFFE00  }
0xbb: {  	_ =	swait.ge [sflag:s15], $0x200  }
0xbc: {  	[sflag:s15] =	ssyncset.done $0x0  }
0xbd: {  	[sflag:s15] =	ssyncadd.s32 $0xFFFFFE00  }
0xbe: {  	_ =	swait.ge [sflag:s15], $0x200  }
0xbf: {  	[sflag:s15] =	ssyncset.done $0x0  }
0xc0: {  	[sflag:s15] =	ssyncadd.s32 $0xFFFFFE00  }
0xc1: {  	_ =	swait.ge [sflag:s15], $0x200  }
0xc2: {  	[sflag:s15] =	ssyncset.done $0x0  }
0xc3: {  	[sflag:s15] =	ssyncadd.s32 $0xFFFFFE00  }
0xc4: {  	_ =	swait.ge [sflag:s15], $0x200  }
0xc5: {  	[sflag:s15] =	ssyncset.done $0x0  }
0xc6: {  	[sflag:s15] =	ssyncadd.s32 $0xFFFFFE00  }
0xc7: {  	_ =	swait.ge [sflag:s15], $0x200  }
0xc8: {  	[sflag:s15] =	ssyncset.done $0x0  }
0xc9: {  	[sflag:s15] =	ssyncadd.s32 $0xFFFFFE00  }
0xca: {  	_ =	swait.ge [sflag:s15], $0x200  }
0xcb: {  	[sflag:s15] =	ssyncset.done $0x0  }
0xcc: {  	[sflag:s15] =	ssyncadd.s32 $0xFFFFFE00  }
0xcd: {  	_ =	swait.ge [sflag:s15], $0x200  }
0xce: {  	[sflag:s15] =	ssyncset.done $0x0  }
0xcf: {  	[sflag:s15] =	ssyncadd.s32 $0xFFFFFE00  }
0xd0: {  	_ =	swait.ge [sflag:s15], $0x200  }
0xd1: {  	[sflag:s15] =	ssyncset.done $0x0  }
0xd2: {  	[sflag:s15] =	ssyncadd.s32 $0xFFFFFE00  }
0xd3: {  	_ =	swait.ge [sflag:s15], $0x200  }
0xd4: {  	[sflag:s15] =	ssyncset.done $0x0  }
0xd5: {  	[sflag:s15] =	ssyncadd.s32 $0xFFFFFE00  }
0xd6: {  	_ =	swait.ge [sflag:s15], $0x200  }
0xd7: {  	[sflag:s15] =	ssyncset.done $0x0  }
0xd8: {  	[sflag:s15] =	ssyncadd.s32 $0xFFFFFE00  }
0xd9: {  	_ =	swait.ge [sflag:s15], $0x200  }
0xda: {  	[sflag:s15] =	ssyncset.done $0x0  }
0xdb: {  	[sflag:s15] =	ssyncadd.s32 $0xFFFFFE00  }
0xdc: {  	v2 =	vld.idx.msk [tilespmem:v0+s14+$0x0], $0xffff;
	_ =	sdelay $0x4  }
0xdd: {  	v3 =	vbroadcast v2, $0x0;
	_ =	sdelay $0x1  }
0xde: {  	[tilespmem:$0x1FE80] =	vst v3;
	v3 =	vbroadcast v2, $0x1;
	_ =	sdelay $0x1  }
0xdf: {  	[tilespmem:$0x1FE90] =	vst v3;
	v3 =	vbroadcast v2, $0x2;
	_ =	sdelay $0x1  }
0xe0: {  	[tilespmem:$0x1FEA0] =	vst v3;
	v3 =	vbroadcast v2, $0x3  }
0xe1: {  	v19 =	vbroadcast v2, $0x6  }
0xe2: {  	[tilespmem:$0x1FEB0] =	vst v3;
	v3 =	vbroadcast v2, $0x4  }
0xe3: {  	[tilespmem:$0x1FEE0] =	vst v19;
	v19 =	vbroadcast v2, $0x7  }
0xe4: {  	[tilespmem:$0x1FEC0] =	vst v3;
	v3 =	vbroadcast v2, $0x5  }
0xe5: {  	[tilespmem:$0x1FEF0] =	vst v19;
	v19 =	vbroadcast v2, $0x8  }
0xe6: {  	[tilespmem:$0x1FED0] =	vst v3;
	v3 =	vld [tilespmem:$0x1FFE0]  }
0xe7: {  	[tilespmem:$0x1FF00] =	vst v19;
	v19 =	vbroadcast v2, $0x9;
	_ =	sdelay $0x1  }
0xe8: {  	[tilespmem:$0x1FF10] =	vst v19;
	v19 =	vbroadcast v2, $0xA;
	_ =	sdelay $0x1  }
0xe9: {  	[tilespmem:$0x1FF20] =	vst v19;
	v19 =	vbroadcast v2, $0xB;
	_ =	sdelay $0x1  }
0xea: {  	[tilespmem:$0x1FF30] =	vst v19;
	v19 =	vbroadcast v2, $0xC  }
0xeb: {  	v3 =	vld.idx.msk [tilespmem:v3+s14+$0x0], $0xffff  }
0xec: {  	[tilespmem:$0x1FF40] =	vst v19;
	v19 =	vbroadcast v2, $0xD;
	_ =	sdelay $0x1  }
0xed: {  	[tilespmem:$0x1FF50] =	vst v19;
	v19 =	vbroadcast v2, $0xE;
	v2 =	vbroadcast v2, $0xF;
	_ =	sdelay $0x1  }
0xee: {  	[tilespmem:$0x1FF70] =	vst v2;
	v2 =	vbroadcast v3, $0x0;
	_ =	sdelay $0x1  }
0xef: {  	[tilespmem:$0x1FF80] =	vst v2;
	v2 =	vbroadcast v3, $0x1;
	_ =	sdelay $0x1  }
0xf0: {  	[tilespmem:$0x1FF90] =	vst v2;
	v2 =	vbroadcast v3, $0x2;
	_ =	sdelay $0x1  }
0xf1: {  	[tilespmem:$0x1FFA0] =	vst v2;
	v2 =	vbroadcast v3, $0x3;
	_ =	sdelay $0x1  }
0xf2: {  	[tilespmem:$0x1FFB0] =	vst v2;
	v2 =	vbroadcast v3, $0x4;
	_ =	sdelay $0x1  }
0xf3: {  	[tilespmem:$0x1FFC0] =	vst v2;
	v2 =	vbroadcast v3, $0x5;
	_ =	sdelay $0x1  }
0xf4: {  	[tilespmem:$0x1FFD0] =	vst v2;
	v2 =	vld [tilespmem:$0x1FFF0];
	_ =	sdelay $0x6  }
0xf5: {  	v59 =	vbroadcast v3, $0x6;
	v60 =	vbroadcast v3, $0x7  }
0xf6: {  	s24 =	simm.s32 $0x0;
	[tilespmem:$0x1FF60] =	vst v19;
	v62 =	vbroadcast v3, $0x8;
	v63 =	vbroadcast v3, $0x9;
	v61 =	vld.idx.msk [tilespmem:v2+s14+$0x0], $0xffff  }
.LBB2_2:
0xf7: {  	v2 =	vor.u32 s24, v0;
	_ =	sdelay $0x4  }
0xf8: {  	v19 =	vld.idx.msk [tilespmem:v2+s3+$0x0], $0xffff;
	_ =	sdelay $0x1  }
0xf9: {  	v3 =	vld.idx.msk [tilespmem:v2+s13+$0x0], $0xffff;
	_ =	sdelay $0x2  }
0xfa: {  	(v2sf) =	vpush v19, $0x0;
	_ =	sdelay $0x1  }
0xfb: {  	(v2sf) =	vpush v3, $0x0;
	_ =	sdelay $0x4  }
0xfc: {  	(v2sf) =	vpush v19, $0x1;
	_ =	sdelay $0x3  }
0xfd: {  	(v2sf) =	vpush v3, $0x1;
	_ =	sdelay $0x3  }
0xfe: {  	s25 =	spop (v2sf);
	(v2sf) =	vpush v19, $0x2  }
0xff: {  	s25 =	sand.u32 $0xFFFFF80, s25  }
0x100: {  	s26 =	spop (v2sf);
	s25 =	sadd.s32 s1, s25  }
0x101: {  	[tilespmem:s17], [sflag:$0x2] =	stream.strided.gather [hbm4b:s25+s11], $0x800, s16, s11, $0x38;
	[tilespmem:$0x13C80] =	vst v63  }
0x102: {  	(v2sf) =	vpush v3, $0x2;
	s25 =	sand.u32 $0xFFFFF80, s26  }
0x103: {  	s25 =	sadd.s32 s2, s25  }
0x104: {  	[tilespmem:s18], [sflag:$0x3] =	stream.strided.gather [hbm4b:s25+s11], $0x800, s16, s11, $0x38;
	[tilespmem:$0x13C80] =	vst v63  }
0x105: {  	s25 =	spop (v2sf)  }
0x106: {  	(v2sf) =	vpush v19, $0x3;
	s25 =	sand.u32 $0xFFFFF80, s25  }
0x107: {  	s26 =	rddreg [dreg:$0x7];
	s25 =	sadd.s32 s1, s25  }
0x108: {  	[tilespmem:s26], [sflag:$0x2] =	stream.strided.gather [hbm4b:s25+s11], $0x800, s16, s11, $0x38;
	[tilespmem:$0x13C80] =	vst v63  }
0x109: {  	s25 =	spop (v2sf)  }
0x10a: {  	(v2sf) =	vpush v3, $0x3;
	s25 =	sand.u32 $0xFFFFF80, s25  }
0x10b: {  	s26 =	rddreg [dreg:$0x8];
	s25 =	sadd.s32 s2, s25  }
0x10c: {  	[tilespmem:s26], [sflag:$0x3] =	stream.strided.gather [hbm4b:s25+s11], $0x800, s16, s11, $0x38;
	[tilespmem:$0x13C80] =	vst v63  }
0x10d: {  	s25 =	spop (v2sf)  }
0x10e: {  	(v2sf) =	vpush v19, $0x4;
	s25 =	sand.u32 $0xFFFFF80, s25  }
0x10f: {  	s26 =	rddreg [dreg:$0x9];
	s25 =	sadd.s32 s1, s25  }
0x110: {  	[tilespmem:s26], [sflag:$0x2] =	stream.strided.gather [hbm4b:s25+s11], $0x800, s16, s11, $0x38;
	[tilespmem:$0x13C80] =	vst v63  }
0x111: {  	s25 =	spop (v2sf)  }
0x112: {  	(v2sf) =	vpush v3, $0x4;
	s25 =	sand.u32 $0xFFFFF80, s25  }
0x113: {  	s26 =	rddreg [dreg:$0xa];
	s25 =	sadd.s32 s2, s25  }
0x114: {  	[tilespmem:s26], [sflag:$0x3] =	stream.strided.gather [hbm4b:s25+s11], $0x800, s16, s11, $0x38;
	[tilespmem:$0x13C80] =	vst v63  }
0x115: {  	s25 =	spop (v2sf)  }
0x116: {  	(v2sf) =	vpush v19, $0x5;
	s25 =	sand.u32 $0xFFFFF80, s25  }
0x117: {  	s26 =	rddreg [dreg:$0xb];
	s25 =	sadd.s32 s1, s25  }
0x118: {  	[tilespmem:s26], [sflag:$0x2] =	stream.strided.gather [hbm4b:s25+s11], $0x800, s16, s11, $0x38;
	[tilespmem:$0x13C80] =	vst v63  }
0x119: {  	s25 =	spop (v2sf)  }
0x11a: {  	(v2sf) =	vpush v3, $0x5;
	s25 =	sand.u32 $0xFFFFF80, s25  }
0x11b: {  	s26 =	rddreg [dreg:$0xc];
	s25 =	sadd.s32 s2, s25  }
0x11c: {  	[tilespmem:s26], [sflag:$0x3] =	stream.strided.gather [hbm4b:s25+s11], $0x800, s16, s11, $0x38;
	[tilespmem:$0x13C80] =	vst v63  }
0x11d: {  	s25 =	spop (v2sf)  }
0x11e: {  	(v2sf) =	vpush v19, $0x6;
	s25 =	sand.u32 $0xFFFFF80, s25  }
0x11f: {  	s26 =	rddreg [dreg:$0xd];
	s25 =	sadd.s32 s1, s25  }
0x120: {  	[tilespmem:s26], [sflag:$0x2] =	stream.strided.gather [hbm4b:s25+s11], $0x800, s16, s11, $0x38;
	[tilespmem:$0x13C80] =	vst v63  }
0x121: {  	s25 =	spop (v2sf)  }
0x122: {  	(v2sf) =	vpush v3, $0x6;
	s25 =	sand.u32 $0xFFFFF80, s25  }
0x123: {  	s26 =	rddreg [dreg:$0xe];
	s25 =	sadd.s32 s2, s25  }
0x124: {  	[tilespmem:s26], [sflag:$0x3] =	stream.strided.gather [hbm4b:s25+s11], $0x800, s16, s11, $0x38;
	[tilespmem:$0x13C80] =	vst v63  }
0x125: {  	s25 =	spop (v2sf)  }
0x126: {  	(v2sf) =	vpush v19, $0x7;
	s25 =	sand.u32 $0xFFFFF80, s25  }
0x127: {  	s26 =	rddreg [dreg:$0xf];
	s25 =	sadd.s32 s1, s25  }
0x128: {  	[tilespmem:s26], [sflag:$0x2] =	stream.strided.gather [hbm4b:s25+s11], $0x800, s16, s11, $0x38;
	[tilespmem:$0x13C80] =	vst v63  }
0x129: {  	s25 =	spop (v2sf)  }
0x12a: {  	(v2sf) =	vpush v3, $0x7;
	s25 =	sand.u32 $0xFFFFF80, s25  }
0x12b: {  	s26 =	rddreg [dreg:$0x10];
	s25 =	sadd.s32 s2, s25  }
0x12c: {  	[tilespmem:s26], [sflag:$0x3] =	stream.strided.gather [hbm4b:s25+s11], $0x800, s16, s11, $0x38;
	[tilespmem:$0x13C80] =	vst v63  }
0x12d: {  	s25 =	spop (v2sf)  }
0x12e: {  	(v2sf) =	vpush v19, $0x8;
	s25 =	sand.u32 $0xFFFFF80, s25  }
0x12f: {  	s26 =	rddreg [dreg:$0x11];
	s25 =	sadd.s32 s1, s25  }
0x130: {  	[tilespmem:s26], [sflag:$0x2] =	stream.strided.gather [hbm4b:s25+s11], $0x800, s16, s11, $0x38;
	[tilespmem:$0x13C80] =	vst v63  }
0x131: {  	s25 =	spop (v2sf)  }
0x132: {  	(v2sf) =	vpush v3, $0x8;
	s25 =	sand.u32 $0xFFFFF80, s25  }
0x133: {  	s26 =	rddreg [dreg:$0x12];
	s25 =	sadd.s32 s2, s25  }
0x134: {  	[tilespmem:s26], [sflag:$0x3] =	stream.strided.gather [hbm4b:s25+s11], $0x800, s16, s11, $0x38;
	[tilespmem:$0x13C80] =	vst v63  }
0x135: {  	s25 =	spop (v2sf)  }
0x136: {  	(v2sf) =	vpush v19, $0x9;
	s25 =	sand.u32 $0xFFFFF80, s25  }
0x137: {  	s26 =	rddreg [dreg:$0x13];
	s25 =	sadd.s32 s1, s25  }
0x138: {  	[tilespmem:s26], [sflag:$0x2] =	stream.strided.gather [hbm4b:s25+s11], $0x800, s16, s11, $0x38;
	[tilespmem:$0x13C80] =	vst v63  }
0x139: {  	s25 =	spop (v2sf)  }
0x13a: {  	(v2sf) =	vpush v3, $0x9;
	s25 =	sand.u32 $0xFFFFF80, s25  }
0x13b: {  	s26 =	rddreg [dreg:$0x14];
	s25 =	sadd.s32 s2, s25  }
0x13c: {  	[tilespmem:s26], [sflag:$0x3] =	stream.strided.gather [hbm4b:s25+s11], $0x800, s16, s11, $0x38;
	[tilespmem:$0x13C80] =	vst v63  }
0x13d: {  	s25 =	spop (v2sf)  }
0x13e: {  	(v2sf) =	vpush v19, $0xA;
	s25 =	sand.u32 $0xFFFFF80, s25  }
0x13f: {  	s26 =	rddreg [dreg:$0x15];
	s25 =	sadd.s32 s1, s25  }
0x140: {  	[tilespmem:s26], [sflag:$0x2] =	stream.strided.gather [hbm4b:s25+s11], $0x800, s16, s11, $0x38;
	[tilespmem:$0x13C80] =	vst v63  }
0x141: {  	s25 =	spop (v2sf)  }
0x142: {  	(v2sf) =	vpush v3, $0xA;
	s25 =	sand.u32 $0xFFFFF80, s25  }
0x143: {  	s26 =	rddreg [dreg:$0x16];
	s25 =	sadd.s32 s2, s25  }
0x144: {  	[tilespmem:s26], [sflag:$0x3] =	stream.strided.gather [hbm4b:s25+s11], $0x800, s16, s11, $0x38;
	[tilespmem:$0x13C80] =	vst v63  }
0x145: {  	s25 =	spop (v2sf)  }
0x146: {  	(v2sf) =	vpush v19, $0xB;
	s25 =	sand.u32 $0xFFFFF80, s25  }
0x147: {  	s26 =	rddreg [dreg:$0x17];
	s25 =	sadd.s32 s1, s25  }
0x148: {  	[tilespmem:s26], [sflag:$0x2] =	stream.strided.gather [hbm4b:s25+s11], $0x800, s16, s11, $0x38;
	[tilespmem:$0x13C80] =	vst v63  }
0x149: {  	s25 =	spop (v2sf)  }
0x14a: {  	(v2sf) =	vpush v3, $0xB;
	s25 =	sand.u32 $0xFFFFF80, s25  }
0x14b: {  	s26 =	rddreg [dreg:$0x18];
	s25 =	sadd.s32 s2, s25  }
0x14c: {  	[tilespmem:s26], [sflag:$0x3] =	stream.strided.gather [hbm4b:s25+s11], $0x800, s16, s11, $0x38;
	[tilespmem:$0x13C80] =	vst v63  }
0x14d: {  	s25 =	spop (v2sf)  }
0x14e: {  	(v2sf) =	vpush v19, $0xC;
	s25 =	sand.u32 $0xFFFFF80, s25  }
0x14f: {  	s26 =	rddreg [dreg:$0x19];
	s25 =	sadd.s32 s1, s25  }
0x150: {  	[tilespmem:s26], [sflag:$0x2] =	stream.strided.gather [hbm4b:s25+s11], $0x800, s16, s11, $0x38;
	[tilespmem:$0x13C80] =	vst v63  }
0x151: {  	s25 =	spop (v2sf)  }
0x152: {  	(v2sf) =	vpush v3, $0xC;
	s25 =	sand.u32 $0xFFFFF80, s25  }
0x153: {  	s26 =	rddreg [dreg:$0x1a];
	s25 =	sadd.s32 s2, s25  }
0x154: {  	[tilespmem:s26], [sflag:$0x3] =	stream.strided.gather [hbm4b:s25+s11], $0x800, s16, s11, $0x38;
	[tilespmem:$0x13C80] =	vst v63  }
0x155: {  	s25 =	spop (v2sf)  }
0x156: {  	(v2sf) =	vpush v19, $0xD;
	s25 =	sand.u32 $0xFFFFF80, s25  }
0x157: {  	s26 =	rddreg [dreg:$0x1b];
	s25 =	sadd.s32 s1, s25  }
0x158: {  	[tilespmem:s26], [sflag:$0x2] =	stream.strided.gather [hbm4b:s25+s11], $0x800, s16, s11, $0x38;
	[tilespmem:$0x13C80] =	vst v63  }
0x159: {  	s25 =	spop (v2sf)  }
0x15a: {  	(v2sf) =	vpush v3, $0xD;
	s25 =	sand.u32 $0xFFFFF80, s25  }
0x15b: {  	s26 =	rddreg [dreg:$0x1c];
	s25 =	sadd.s32 s2, s25  }
0x15c: {  	[tilespmem:s26], [sflag:$0x3] =	stream.strided.gather [hbm4b:s25+s11], $0x800, s16, s11, $0x38;
	[tilespmem:$0x13C80] =	vst v63  }
0x15d: {  	s25 =	spop (v2sf)  }
0x15e: {  	(v2sf) =	vpush v19, $0xE;
	s25 =	sand.u32 $0xFFFFF80, s25  }
0x15f: {  	s26 =	rddreg [dreg:$0x1d];
	s25 =	sadd.s32 s1, s25  }
0x160: {  	[tilespmem:s26], [sflag:$0x2] =	stream.strided.gather [hbm4b:s25+s11], $0x800, s16, s11, $0x38;
	[tilespmem:$0x13C80] =	vst v63  }
0x161: {  	s25 =	spop (v2sf)  }
0x162: {  	(v2sf) =	vpush v3, $0xE;
	s25 =	sand.u32 $0xFFFFF80, s25  }
0x163: {  	s26 =	rddreg [dreg:$0x1e];
	s25 =	sadd.s32 s2, s25  }
0x164: {  	[tilespmem:s26], [sflag:$0x3] =	stream.strided.gather [hbm4b:s25+s11], $0x800, s16, s11, $0x38;
	[tilespmem:$0x13C80] =	vst v63  }
0x165: {  	s25 =	spop (v2sf)  }
0x166: {  	(v2sf) =	vpush v19, $0xF;
	s25 =	sand.u32 $0xFFFFF80, s25  }
0x167: {  	s26 =	rddreg [dreg:$0x1f];
	s25 =	sadd.s32 s1, s25  }
0x168: {  	[tilespmem:s26], [sflag:$0x2] =	stream.strided.gather [hbm4b:s25+s11], $0x800, s16, s11, $0x38;
	[tilespmem:$0x13C80] =	vst v63  }
0x169: {  	s25 =	spop (v2sf);
	s26 =	sld [smem:$0x7F2]  }
0x16a: {  	(v2sf) =	vpush v3, $0xF;
	s25 =	sand.u32 $0xFFFFF80, s25  }
0x16b: {  	s25 =	sadd.s32 s2, s25  }
0x16c: {  	[tilespmem:s26], [sflag:$0x3] =	stream.strided.gather [hbm4b:s25+s11], $0x800, s16, s11, $0x38;
	[tilespmem:$0x13C80] =	vst v63  }
0x16d: {  	s26 =	sld [smem:$0x7F4];
	s25 =	spop (v2sf)  }
0x16e: {  	s25 =	sand.u32 $0xFFFFF80, s25  }
0x16f: {  	s25 =	sadd.s32 s1, s25  }
0x170: {  	[tilespmem:s26], [sflag:$0x2] =	stream.strided.gather [hbm4b:s25+s11], $0x800, s16, s11, $0x38;
	[tilespmem:$0x13C80] =	vst v63  }
0x171: {  	s25 =	spop (v2sf);
	s26 =	sld [smem:$0x7F6]  }
0x172: {  	s25 =	sand.u32 $0xFFFFF80, s25  }
0x173: {  	s25 =	sadd.s32 s2, s25  }
0x174: {  	[tilespmem:s26], [sflag:$0x3] =	stream.strided.gather [hbm4b:s25+s11], $0x800, s16, s11, $0x38;
	[tilespmem:$0x13C80] =	vst v63  }
0x175: {  	s25 =	spop (v2sf);
	s26 =	sld [smem:$0x7F8]  }
0x176: {  	s25 =	sand.u32 $0xFFFFF80, s25  }
0x177: {  	s25 =	sadd.s32 s1, s25  }
0x178: {  	[tilespmem:s26], [sflag:$0x2] =	stream.strided.gather [hbm4b:s25+s11], $0x800, s16, s11, $0x38;
	[tilespmem:$0x13C80] =	vst v63  }
0x179: {  	s25 =	spop (v2sf);
	s26 =	sld [smem:$0x7F9]  }
0x17a: {  	s25 =	sand.u32 $0xFFFFF80, s25  }
0x17b: {  	s25 =	sadd.s32 s2, s25  }
0x17c: {  	[tilespmem:s26], [sflag:$0x3] =	stream.strided.gather [hbm4b:s25+s11], $0x800, s16, s11, $0x38;
	[tilespmem:$0x13C80] =	vst v63  }
0x17d: {  	_ =	swait.ge [sflag:s19], $0x800  }
0x17e: {  	[sflag:s19] =	ssyncset.done $0x0  }
0x17f: {  	[sflag:s19] =	ssyncadd.s32 $0xFFFFF800  }
0x180: {  	_ =	swait.ge [sflag:s19], $0x800  }
0x181: {  	[sflag:s19] =	ssyncset.done $0x0  }
0x182: {  	[sflag:s19] =	ssyncadd.s32 $0xFFFFF800  }
0x183: {  	_ =	swait.ge [sflag:s19], $0x800  }
0x184: {  	[sflag:s19] =	ssyncset.done $0x0  }
0x185: {  	[sflag:s19] =	ssyncadd.s32 $0xFFFFF800  }
0x186: {  	_ =	swait.ge [sflag:s19], $0x800  }
0x187: {  	[sflag:s19] =	ssyncset.done $0x0  }
0x188: {  	[sflag:s19] =	ssyncadd.s32 $0xFFFFF800  }
0x189: {  	_ =	swait.ge [sflag:s19], $0x800  }
0x18a: {  	[sflag:s19] =	ssyncset.done $0x0  }
0x18b: {  	[sflag:s19] =	ssyncadd.s32 $0xFFFFF800  }
0x18c: {  	_ =	swait.ge [sflag:s19], $0x800  }
0x18d: {  	[sflag:s19] =	ssyncset.done $0x0  }
0x18e: {  	[sflag:s19] =	ssyncadd.s32 $0xFFFFF800  }
0x18f: {  	_ =	swait.ge [sflag:s19], $0x800  }
0x190: {  	[sflag:s19] =	ssyncset.done $0x0  }
0x191: {  	[sflag:s19] =	ssyncadd.s32 $0xFFFFF800  }
0x192: {  	_ =	swait.ge [sflag:s19], $0x800  }
0x193: {  	[sflag:s19] =	ssyncset.done $0x0  }
0x194: {  	[sflag:s19] =	ssyncadd.s32 $0xFFFFF800  }
0x195: {  	_ =	swait.ge [sflag:s19], $0x800  }
0x196: {  	[sflag:s19] =	ssyncset.done $0x0  }
0x197: {  	[sflag:s19] =	ssyncadd.s32 $0xFFFFF800  }
0x198: {  	_ =	swait.ge [sflag:s19], $0x800  }
0x199: {  	[sflag:s19] =	ssyncset.done $0x0  }
0x19a: {  	[sflag:s19] =	ssyncadd.s32 $0xFFFFF800  }
0x19b: {  	_ =	swait.ge [sflag:s19], $0x800  }
0x19c: {  	[sflag:s19] =	ssyncset.done $0x0  }
0x19d: {  	[sflag:s19] =	ssyncadd.s32 $0xFFFFF800  }
0x19e: {  	_ =	swait.ge [sflag:s19], $0x800  }
0x19f: {  	[sflag:s19] =	ssyncset.done $0x0  }
0x1a0: {  	[sflag:s19] =	ssyncadd.s32 $0xFFFFF800  }
0x1a1: {  	_ =	swait.ge [sflag:s19], $0x800  }
0x1a2: {  	[sflag:s19] =	ssyncset.done $0x0  }
0x1a3: {  	[sflag:s19] =	ssyncadd.s32 $0xFFFFF800  }
0x1a4: {  	_ =	swait.ge [sflag:s19], $0x800  }
0x1a5: {  	[sflag:s19] =	ssyncset.done $0x0  }
0x1a6: {  	[sflag:s19] =	ssyncadd.s32 $0xFFFFF800  }
0x1a7: {  	_ =	swait.ge [sflag:s19], $0x800  }
0x1a8: {  	[sflag:s19] =	ssyncset.done $0x0  }
0x1a9: {  	[sflag:s19] =	ssyncadd.s32 $0xFFFFF800  }
0x1aa: {  	_ =	swait.ge [sflag:s19], $0x800  }
0x1ab: {  	[sflag:s19] =	ssyncset.done $0x0  }
0x1ac: {  	[sflag:s19] =	ssyncadd.s32 $0xFFFFF800  }
0x1ad: {  	_ =	swait.ge [sflag:s20], $0x800  }
0x1ae: {  	[sflag:s20] =	ssyncset.done $0x0  }
0x1af: {  	[sflag:s20] =	ssyncadd.s32 $0xFFFFF800  }
0x1b0: {  	_ =	swait.ge [sflag:s20], $0x800  }
0x1b1: {  	[sflag:s20] =	ssyncset.done $0x0  }
0x1b2: {  	[sflag:s20] =	ssyncadd.s32 $0xFFFFF800  }
0x1b3: {  	_ =	swait.ge [sflag:s20], $0x800  }
0x1b4: {  	[sflag:s20] =	ssyncset.done $0x0  }
0x1b5: {  	[sflag:s20] =	ssyncadd.s32 $0xFFFFF800  }
0x1b6: {  	_ =	swait.ge [sflag:s20], $0x800  }
0x1b7: {  	[sflag:s20] =	ssyncset.done $0x0  }
0x1b8: {  	[sflag:s20] =	ssyncadd.s32 $0xFFFFF800  }
0x1b9: {  	_ =	swait.ge [sflag:s20], $0x800  }
0x1ba: {  	[sflag:s20] =	ssyncset.done $0x0  }
0x1bb: {  	[sflag:s20] =	ssyncadd.s32 $0xFFFFF800  }
0x1bc: {  	_ =	swait.ge [sflag:s20], $0x800  }
0x1bd: {  	[sflag:s20] =	ssyncset.done $0x0  }
0x1be: {  	[sflag:s20] =	ssyncadd.s32 $0xFFFFF800  }
0x1bf: {  	_ =	swait.ge [sflag:s20], $0x800  }
0x1c0: {  	[sflag:s20] =	ssyncset.done $0x0  }
0x1c1: {  	[sflag:s20] =	ssyncadd.s32 $0xFFFFF800  }
0x1c2: {  	_ =	swait.ge [sflag:s20], $0x800  }
0x1c3: {  	[sflag:s20] =	ssyncset.done $0x0  }
0x1c4: {  	[sflag:s20] =	ssyncadd.s32 $0xFFFFF800  }
0x1c5: {  	_ =	swait.ge [sflag:s20], $0x800  }
0x1c6: {  	[sflag:s20] =	ssyncset.done $0x0  }
0x1c7: {  	[sflag:s20] =	ssyncadd.s32 $0xFFFFF800  }
0x1c8: {  	_ =	swait.ge [sflag:s20], $0x800  }
0x1c9: {  	[sflag:s20] =	ssyncset.done $0x0  }
0x1ca: {  	[sflag:s20] =	ssyncadd.s32 $0xFFFFF800  }
0x1cb: {  	_ =	swait.ge [sflag:s20], $0x800  }
0x1cc: {  	[sflag:s20] =	ssyncset.done $0x0  }
0x1cd: {  	[sflag:s20] =	ssyncadd.s32 $0xFFFFF800  }
0x1ce: {  	_ =	swait.ge [sflag:s20], $0x800  }
0x1cf: {  	[sflag:s20] =	ssyncset.done $0x0  }
0x1d0: {  	[sflag:s20] =	ssyncadd.s32 $0xFFFFF800  }
0x1d1: {  	_ =	swait.ge [sflag:s20], $0x800  }
0x1d2: {  	[sflag:s20] =	ssyncset.done $0x0  }
0x1d3: {  	[sflag:s20] =	ssyncadd.s32 $0xFFFFF800  }
0x1d4: {  	_ =	swait.ge [sflag:s20], $0x800  }
0x1d5: {  	[sflag:s20] =	ssyncset.done $0x0  }
0x1d6: {  	[sflag:s20] =	ssyncadd.s32 $0xFFFFF800  }
0x1d7: {  	_ =	swait.ge [sflag:s20], $0x800  }
0x1d8: {  	[sflag:s20] =	ssyncset.done $0x0  }
0x1d9: {  	[sflag:s20] =	ssyncadd.s32 $0xFFFFF800  }
0x1da: {  	v20 =	vor.u32 s24, v41;
	_ =	swait.ge [sflag:s20], $0x800  }
0x1db: {  	[sflag:s20] =	ssyncset.done $0x0  }
0x1dc: {  	v21 =	vor.u32 s24, v42;
	v27 =	vld [tilespmem:$0x1FE80];
	[sflag:s20] =	ssyncadd.s32 $0xFFFFF800  }
0x1dd: {  	v22 =	vld.idx.msk [tilespmem:v2+s11+$0x0], $0xffff  }
0x1de: {  	v23 =	vor.u32 s24, v43;
	v31 =	vld [tilespmem:$0x1FE90]  }
0x1df: {  	v20 =	vld.idx.msk [tilespmem:v20+s11+$0x0], $0xffff  }
0x1e0: {  	v24 =	vor.u32 s24, v44;
	v33 =	vld [tilespmem:$0x1FEA0]  }
0x1e1: {  	v21 =	vld.idx.msk [tilespmem:v21+s11+$0x0], $0xffff  }
0x1e2: {  	v25 =	vor.u32 s24, v45;
	v35 =	vld [tilespmem:$0x1FEB0];
	v22 =	vmul.f32 v22, v27  }
0x1e3: {  	v26 =	vor.u32 s24, v46;
	v23 =	vld.idx.msk [tilespmem:v23+s11+$0x0], $0xffff  }
0x1e4: {  	v37 =	vld [tilespmem:$0x1FEC0];
	v20 =	vmul.f32 v20, v31;
	v22 =	vadd.f32 v22, v61  }
0x1e5: {  	v34 =	vor.u32 s24, v47;
	v24 =	vld.idx.msk [tilespmem:v24+s11+$0x0], $0xffff  }
0x1e6: {  	v39 =	vld [tilespmem:$0x1FED0];
	v21 =	vmul.f32 v21, v33;
	v20 =	vadd.f32 v20, v22  }
0x1e7: {  	v38 =	vor.u32 s24, v49;
	v25 =	vld.idx.msk [tilespmem:v25+s11+$0x0], $0xffff  }
0x1e8: {  	v36 =	vor.u32 s24, v48;
	v26 =	vld.idx.msk [tilespmem:v26+s11+$0x0], $0xffff;
	v20 =	vadd.f32 v21, v20;
	v21 =	vmul.f32 v23, v35  }
0x1e9: {  	v35 =	vld [tilespmem:$0x1FEE0]  }
0x1ea: {  	v40 =	vor.u32 s24, v50;
	v22 =	vld.idx.msk [tilespmem:v34+s11+$0x0], $0xffff;
	v20 =	vadd.f32 v21, v20;
	v21 =	vmul.f32 v24, v37  }
0x1eb: {  	v37 =	vld [tilespmem:$0x1FEF0]  }
0x1ec: {  	v24 =	vld.idx.msk [tilespmem:v38+s11+$0x0], $0xffff;
	v38 =	vor.u32 s24, v52;
	v20 =	vadd.f32 v21, v20;
	v21 =	vmul.f32 v25, v39  }
0x1ed: {  	v23 =	vld.idx.msk [tilespmem:v36+s11+$0x0], $0xffff  }
0x1ee: {  	v36 =	vor.u32 s24, v51;
	v39 =	vld [tilespmem:$0x1FF00];
	v20 =	vadd.f32 v21, v20;
	v21 =	vmul.f32 v26, v35  }
0x1ef: {  	v25 =	vld.idx.msk [tilespmem:v40+s11+$0x0], $0xffff  }
0x1f0: {  	v40 =	vor.u32 s24, v53;
	v20 =	vadd.f32 v21, v20;
	v21 =	vmul.f32 v22, v37;
	v37 =	vld [tilespmem:$0x1FF10]  }
0x1f1: {  	v22 =	vld.idx.msk [tilespmem:v38+s11+$0x0], $0xffff  }
0x1f2: {  	v38 =	vld [tilespmem:$0x1FF20]  }
0x1f3: {  	v26 =	vld.idx.msk [tilespmem:v36+s11+$0x0], $0xffff;
	v20 =	vadd.f32 v21, v20;
	v21 =	vmul.f32 v23, v39  }
0x1f4: {  	v39 =	vld [tilespmem:$0x1FF30]  }
0x1f5: {  	v23 =	vld.idx.msk [tilespmem:v40+s11+$0x0], $0xffff;
	v40 =	vor.u32 s24, v56;
	v20 =	vadd.f32 v21, v20;
	v21 =	vmul.f32 v24, v37;
	_ =	sdelay $0x1  }
0x1f6: {  	v24 =	vor.u32 s24, v54;
	v20 =	vadd.f32 v21, v20;
	v21 =	vmul.f32 v25, v38  }
0x1f7: {  	v38 =	vld [tilespmem:$0x1FF40]  }
0x1f8: {  	v20 =	vadd.f32 v21, v20;
	v21 =	vmul.f32 v26, v39;
	v39 =	vld [tilespmem:$0x1FF50]  }
0x1f9: {  	v26 =	vld.idx.msk [tilespmem:v40+s11+$0x0], $0xffff  }
0x1fa: {  	v40 =	vld [tilespmem:$0x1FF60]  }
0x1fb: {  	v24 =	vld.idx.msk [tilespmem:v24+s11+$0x0], $0xffff  }
0x1fc: {  	v25 =	vor.u32 s24, v55;
	v20 =	vadd.f32 v21, v20;
	v21 =	vmul.f32 v22, v38;
	_ =	sdelay $0x1  }
0x1fd: {  	v20 =	vadd.f32 v21, v20;
	v21 =	vmul.f32 v23, v39;
	_ =	sdelay $0x1  }
0x1fe: {  	v20 =	vadd.f32 v21, v20;
	v21 =	vmul.f32 v24, v40  }
0x1ff: {  	v25 =	vld.idx.msk [tilespmem:v25+s11+$0x0], $0xffff  }
0x200: {  	v20 =	vadd.f32 v21, v20;
	v21 =	vld [tilespmem:$0x1FF70];
	_ =	sdelay $0x4  }
0x201: {  	v21 =	vmul.f32 v25, v21;
	_ =	sdelay $0x1  }
0x202: {  	v20 =	vadd.f32 v21, v20;
	v21 =	vld [tilespmem:$0x1FF80]  }
0x203: {  	v22 =	vor.u32 s24, v57;
	_ =	sdelay $0x1  }
0x204: {  	v3 =	vand.u32 $0x7F, v3  }
0x205: {  	v19 =	vand.u32 $0x7F, v19;
	v28 =	vor.u32 v1, v3  }
0x206: {  	v29 =	vor.u32 v4, v19;
	v21 =	vmul.f32 v26, v21  }
0x207: {  	v32 =	vor.u32 v1, v19;
	v22 =	vld.idx.msk [tilespmem:v22+s11+$0x0], $0xffff  }
0x208: {  	v30 =	vor.u32 v4, v3;
	v20 =	vadd.f32 v21, v20;
	v21 =	vld [tilespmem:$0x1FF90]  }
0x209: {  	v23 =	vor.u32 s24, v58  }
0x20a: {  	v28 =	vld.idx.msk [tilespmem:v28+s18+$0x0], $0xffff  }
0x20b: {  	v29 =	vld.idx.msk [tilespmem:v29+s17+$0x0], $0xffff  }
0x20c: {  	v27 =	vld.idx.msk [tilespmem:v32+s17+$0x0], $0xffff  }
0x20d: {  	v30 =	vld.idx.msk [tilespmem:v30+s18+$0x0], $0xffff;
	v31 =	vor.u32 v5, v19;
	v21 =	vmul.f32 v22, v21  }
0x20e: {  	v32 =	vor.u32 v5, v3;
	v23 =	vld.idx.msk [tilespmem:v23+s11+$0x0], $0xffff  }
0x20f: {  	v33 =	vor.u32 v6, v19;
	v39 =	vor.u32 $0x2600, v0;
	v20 =	vadd.f32 v21, v20;
	v21 =	vld [tilespmem:$0x1FFA0]  }
0x210: {  	v24 =	vor.u32 s24, v39  }
0x211: {  	v27 =	vmul.f32 v28, v27  }
0x212: {  	v29 =	vmul.f32 v30, v29;
	v30 =	vor.u32 v10, v19;
	v31 =	vld.idx.msk [tilespmem:v31+s17+$0x0], $0xffff  }
0x213: {  	v34 =	vor.u32 v6, v3;
	v32 =	vld.idx.msk [tilespmem:v32+s18+$0x0], $0xffff;
	v27 =	vadd.f32 $0.0e+00, v27  }
0x214: {  	v33 =	vld.idx.msk [tilespmem:v33+s17+$0x0], $0xffff;
	v28 =	vor.u32 v9, v19;
	v21 =	vmul.f32 v23, v21  }
0x215: {  	v27 =	vadd.f32 v29, v27;
	v29 =	vor.u32 v10, v3;
	v24 =	vld.idx.msk [tilespmem:v24+s11+$0x0], $0xffff  }
0x216: {  	v35 =	vor.u32 v7, v19;
	v40 =	vor.u32 $0x2800, v0;
	v20 =	vadd.f32 v21, v20;
	v21 =	vld [tilespmem:$0x1FFB0]  }
0x217: {  	v30 =	vld.idx.msk [tilespmem:v30+s17+$0x0], $0xffff;
	v25 =	vor.u32 s24, v40  }
0x218: {  	v34 =	vld.idx.msk [tilespmem:v34+s18+$0x0], $0xffff;
	v31 =	vmul.f32 v32, v31;
	v32 =	vor.u32 v11, v19  }
0x219: {  	v28 =	vld.idx.msk [tilespmem:v28+s17+$0x0], $0xffff  }
0x21a: {  	v36 =	vor.u32 v7, v3;
	v29 =	vld.idx.msk [tilespmem:v29+s18+$0x0], $0xffff  }
0x21b: {  	v35 =	vld.idx.msk [tilespmem:v35+s17+$0x0], $0xffff;
	v37 =	vor.u32 v8, v19;
	v21 =	vmul.f32 v24, v21  }
0x21c: {  	v38 =	vor.u32 v8, v3;
	v40 =	vor.u32 $0x2A00, v0;
	v25 =	vld.idx.msk [tilespmem:v25+s11+$0x0], $0xffff  }
0x21d: {  	v26 =	vor.u32 s24, v40;
	v20 =	vadd.f32 v21, v20;
	v21 =	vld.idx.msk [tilespmem:v32+s17+$0x0], $0xffff  }
0x21e: {  	v32 =	vld [tilespmem:$0x1FFC0]  }
0x21f: {  	v36 =	vld.idx.msk [tilespmem:v36+s18+$0x0], $0xffff;
	v39 =	vor.u32 v9, v3;
	v40 =	vor.u32 $0x2C00, v0  }
0x220: {  	v27 =	vadd.f32 v31, v27;
	v37 =	vld.idx.msk [tilespmem:v37+s17+$0x0], $0xffff;
	v22 =	vor.u32 s24, v40;
	v40 =	vor.u32 $0x2E00, v0  }
0x221: {  	v31 =	vor.u32 v11, v3;
	v38 =	vld.idx.msk [tilespmem:v38+s18+$0x0], $0xffff;
	v23 =	vor.u32 s24, v40;
	v40 =	vor.u32 $0x3000, v0  }
0x222: {  	v33 =	vmul.f32 v34, v33;
	v26 =	vld.idx.msk [tilespmem:v26+s11+$0x0], $0xffff;
	v24 =	vor.u32 s24, v40;
	v40 =	vor.u32 $0x3200, v0  }
0x223: {  	v34 =	vor.u32 v12, v19;
	v25 =	vmul.f32 v25, v32;
	v32 =	vor.u32 s24, v40;
	v40 =	vld [tilespmem:$0x1FFD0]  }
0x224: {  	v39 =	vld.idx.msk [tilespmem:v39+s18+$0x0], $0xffff  }
0x225: {  	v27 =	vadd.f32 v33, v27;
	v33 =	vmul.f32 v36, v35;
	v35 =	vor.u32 v12, v3;
	v22 =	vld.idx.msk [tilespmem:v22+s11+$0x0], $0xffff  }
0x226: {  	v23 =	vld.idx.msk [tilespmem:v23+s11+$0x0], $0xffff  }
0x227: {  	v31 =	vld.idx.msk [tilespmem:v31+s18+$0x0], $0xffff;
	v36 =	vor.u32 v13, v3  }
0x228: {  	v34 =	vld.idx.msk [tilespmem:v34+s17+$0x0], $0xffff;
	v20 =	vadd.f32 v25, v20;
	v25 =	vor.u32 v13, v19;
	v26 =	vmul.f32 v26, v40  }
0x229: {  	v27 =	vadd.f32 v33, v27;
	v24 =	vld.idx.msk [tilespmem:v24+s11+$0x0], $0xffff;
	v40 =	vmul.f32 v38, v37;
	v38 =	vor.u32 v14, v19  }
0x22a: {  	v35 =	vld.idx.msk [tilespmem:v35+s18+$0x0], $0xffff;
	v28 =	vmul.f32 v39, v28;
	v22 =	vmul.f32 v22, v59;
	v20 =	vadd.f32 v26, v20  }
0x22b: {  	v23 =	vmul.f32 v23, v60;
	v32 =	vld.idx.msk [tilespmem:v32+s11+$0x0], $0xffff;
	v27 =	vadd.f32 v40, v27;
	v40 =	vor.u32 v14, v3  }
0x22c: {  	v37 =	vmul.f32 v29, v30;
	v29 =	vor.u32 v15, v3;
	v30 =	vld.idx.msk [tilespmem:v36+s18+$0x0], $0xffff;
	v20 =	vadd.f32 v22, v20  }
0x22d: {  	v25 =	vld.idx.msk [tilespmem:v25+s17+$0x0], $0xffff;
	v22 =	vor.u32 v15, v19;
	v27 =	vadd.f32 v28, v27  }
0x22e: {  	v24 =	vmul.f32 v24, v62;
	v26 =	vld.idx.msk [tilespmem:v38+s17+$0x0], $0xffff;
	v38 =	vor.u32 v16, v3;
	v20 =	vadd.f32 v23, v20  }
0x22f: {  	v21 =	vmul.f32 v31, v21;
	v23 =	vor.u32 v16, v19;
	v27 =	vadd.f32 v37, v27  }
0x230: {  	v32 =	vmul.f32 v32, v63;
	v39 =	vld.idx.msk [tilespmem:v40+s18+$0x0], $0xffff;
	v40 =	vor.u32 v17, v19;
	v20 =	vadd.f32 v24, v20  }
0x231: {  	v36 =	vmul.f32 v35, v34;
	v29 =	vld.idx.msk [tilespmem:v29+s18+$0x0], $0xffff;
	v37 =	vor.u32 v17, v3;
	v21 =	vadd.f32 v21, v27  }
0x232: {  	v3 =	vor.u32 v18, v3;
	v22 =	vld.idx.msk [tilespmem:v22+s17+$0x0], $0xffff;
	v20 =	vadd.f32 v32, v20  }
0x233: {  	v19 =	vor.u32 v18, v19;
	v25 =	vmul.f32 v30, v25;
	v21 =	vadd.f32 v36, v21;
	v38 =	vld.idx.msk [tilespmem:v38+s18+$0x0], $0xffff  }
0x234: {  	v23 =	vld.idx.msk [tilespmem:v23+s17+$0x0], $0xffff;
	v20 =	vmul.f32 $1.442695020e+00, v20  }
0x235: {  	v21 =	vadd.f32 v25, v21;
	v39 =	vmul.f32 v39, v26;
	v24 =	vld.idx.msk [tilespmem:v40+s17+$0x0], $0xffff  }
0x236: {  	(erf) = vpow2.f32 v20;
	v20 =	vld.idx.msk [tilespmem:v37+s18+$0x0], $0xffff  }
0x237: {  	v3 =	vld.idx.msk [tilespmem:v3+s18+$0x0], $0xffff;
	v21 =	vadd.f32 v39, v21;
	v22 =	vmul.f32 v29, v22  }
0x238: {  	v19 =	vld.idx.msk [tilespmem:v19+s17+$0x0], $0xffff  }
0x239: {  	v21 =	vadd.f32 v22, v21;
	v40 =	vmul.f32 v38, v23;
	_ =	sdelay $0x1  }
0x23a: {  	v21 =	vadd.f32 v40, v21;
	v20 =	vmul.f32 v20, v24;
	_ =	sdelay $0x1  }
0x23b: {  	p0 =	sne.s32 s24, $0x1F0;
	v3 =	vmul.f32 v3, v19;
	v20 =	vadd.f32 v20, v21  }
.Ltmp0:
0x23c: {  	_ = 	snop;
	(pc) =	sbr.rel @p0 .LBB2_2-.Ltmp0, $4  }
0x23d: {  	v3 =	vadd.f32 v3, v20;
	v19 =	vpop (erf)  }
0x23e: {  	v19 =	vmax.f32 v19, $9.999999740e-06  }
0x23f: {  	[tilespmem:v2+s21+$0x0] =	vst.idx.msk $0xffff, v3;
	v3 =	vmin.f32 v19, $3.000000000e+00  }
0x240: {  	s24 =	sadd.s32 $0x10, s24;
	[tilespmem:v2+s22+$0x0] =	vst.idx.msk $0xffff, v3  }
0x241: {  	s24 =	sld [smem:$0x7F3];
	_ =	sdelay $0x2  }
0x242: {  	[hbm4b:s24+s3] =	stream.linear.scatter [tilespmem:s21], [sflag:$0x4], $0x200, $0x38;
	[tilespmem:$0x13C80] =	vst v63  }
0x243: {  	_ =	swait.ge [sflag:s12], $0x200  }
0x244: {  	s25 =	sld [smem:$0x7F5]  }
0x245: {  	[sflag:s12] =	ssyncset.done $0x0  }
0x246: {  	[sflag:s12] =	ssyncadd.s32 $0xFFFFFE00  }
0x247: {  	[hbm4b:s25+s3] =	stream.linear.scatter [tilespmem:s22], [sflag:$0x4], $0x200, $0x38;
	[tilespmem:$0x13C80] =	vst v63  }
0x248: {  	_ =	swait.ge [sflag:s12], $0x200  }
0x249: {  	s26 =	sld [smem:$0x7FC];
	_ =	sdelay $0x1  }
0x24a: {  	s23 =	sadd.s32 $0x1, s23  }
0x24b: {  	p0 =	sne.s32 s23, s26  }
.Ltmp1:
0x24c: {  	_ = 	snop;
	(pc) =	sbr.rel @p0 .LBB2_1-.Ltmp1, $3  }
0x24d: {  	_ =	sdelay $0x1  }
0x24e: {  	[sflag:s12] =	ssyncset.done $0x0  }
0x24f: {  	[sflag:s12] =	ssyncadd.s32 $0xFFFFFE00  }
0x250: {  	_ =	sfence.sel $0x180000  }
0x251: {  	[bflag:$0x0] =	sbarrier.arrive $0xFFFF  }
0x252: {  	_ =	strace $0x90000047  }
0x253: {  	s0 =	stileid.u32;
	[bflag:$0x2] =	sbarrier.arrive $0xFFFF  }
0x254: {  	p0 =	sne.s32 s0, $0x0;
	s0 =	rddreg [dreg:$0x6]  }
0x255: {  	s0 =	sadd.s32 @!p0 $0x100000, s0  }
0x256: {  	[sflag:s0] =	ssyncadd.tile.s32 @!p0 $0x1;
	_ =	shalt  }
.Lfunc_end2:
_tile_overlayer_lowered:
.L_overlay_start_2:
0x257: {  	(tag) =	ssettag $0x2  }
0x258: {  	s0 =	rddreg [dreg:$0x0];
	s2 =	stileid.u32  }
0x259: {  	s1 =	rddreg [dreg:$0x1];
	p0 =	sne.s32 s2, $0x0  }
0x25a: {  	s3 =	rddreg [dreg:$0x2];
	[bflag:$0x3] =	sbarrier.arrive $0xFFFF;
	s2 =	simm.s32 @!p0 $0x1C04  }
0x25b: {  	[timem:s3], [sflag:s2] =	dma.local @!p0 [hbm:s0], s1  }
0x25c: {  	s0 =	simm.s32 @!p0 $0x4  }
0x25d: {  	_ =	swait.ge @!p0 [sflag:s0], s1  }
0x25e: {  	s1 =	ssub.s32 @!p0 $0x0, s1;
	[sflag:s0] =	ssyncset.done @!p0 $0x0  }
0x25f: {  	[sflag:s0] =	ssyncadd.s32 @!p0 s1  }
0x260: {  	[bflag:$0x3] =	sbarrier.arrive $0xFFFF  }
0x261: {  	_ =	shalt  }

</sc_bundles>
